<compile_context>
chip_gen: v7x
topology: tpu7x:2x2x1
jax: 0.10.2.dev20260603
libtpu: 0.0.44.dev20260713+nightly
codegen_flags: <defaults>
</compile_context>

<pallas_src>
import jax
import jax.numpy as jnp
from jax import lax
from jax.experimental import pallas as pl
from jax.experimental.pallas import tpu as pltpu
from jax.experimental.pallas import tpu_sc as plsc

NC = 2
NS = 16
NW = NC * NS
B, S, D = 1024, 20, 2048
V = 100000
NGRAM = 3
T = S - NGRAM + 1
IPT = B // NW
L = 16
KB = D // 128
SUBS = 128 // L
PPI = S * KB
G = 4
PPG = PPI // G


def _tree_sum(terms):
    while len(terms) > 1:
        nxt = [terms[i] + terms[i + 1] for i in range(0, len(terms) - 1, 2)]
        if len(terms) % 2:
            nxt.append(terms[-1])
        terms = nxt
    return terms[0]


def _encoder_body(x_hbm, w_hbm, out_hbm, idx_v, pidx, rows0, rows1,
                  out0, out1, oidx0, oidx1, gsem0, gsem1, osem0, osem1):
    wid = lax.axis_index("s") * NC + lax.axis_index("c")
    base = wid * IPT
    pltpu.sync_copy(x_hbm.at[pl.ds(base, IPT)], idx_v)

    iota = lax.iota(jnp.int32, L)
    ones = jnp.full((L,), 1.0, jnp.float32)

    def build_pidx(i, carry):
        for lo in (0, S - L):
            rvec = idx_v[i, pl.ds(lo, L)]
            bvec = ((rvec >> 3) << 7) | (rvec & 7)
            pos0 = i * PPI + (lo + iota) * KB
            for k in range(KB):
                plsc.store_scatter(pidx, [pos0 + k], bvec + 8 * k)
        return carry

    lax.fori_loop(0, IPT, build_pidx, 0)

    def start_gathers(i, rows_v, sem):
        for g in range(G):
            pltpu.async_copy(
                w_hbm.at[pidx.at[pl.ds(i * PPI + g * PPG, PPG)]],
                rows_v.at[pl.ds(g * PPG, PPG)], sem)

    def wait_gathers(rows_v, sem):
        for g in range(G):
            pltpu.make_async_copy(
                w_hbm.at[pidx.at[pl.ds(g * PPG, PPG)]],
                rows_v.at[pl.ds(g * PPG, PPG)], sem).wait()

    def compute(rows_v, out_v):
        @plsc.parallel_loop(0, KB, unroll=1)
        def kblk_body(kblk):
            kprev = (kblk + KB - 1) & (KB - 1)
            sel2 = jnp.where(iota < 2, kprev, kblk)
            sel1 = jnp.where(iota < 1, kprev, kblk)
            la2 = (iota - 2) & 127
            la1 = (iota - 1) & 127
            accs = [None] * 4
            for t in range(T):
                a = plsc.load_gather(rows_v, [t * KB + sel2, la2])
                b = plsc.load_gather(rows_v, [(t + 1) * KB + sel1, la1])
                c = rows_v[(t + 2) * KB + kblk, pl.ds(0, L)]
                term = a * b * c
                s = t & 3
                accs[s] = term if accs[s] is None else accs[s] + term
            res = _tree_sum(accs)
            out_v[kblk, pl.ds(0, L)] = jnp.where(res > 0, ones, -ones)

            @plsc.parallel_loop(1, SUBS, unroll=2)
            def sub_body(sub):
                o = sub * L
                accs = [None] * 4
                for t in range(T):
                    a = rows_v[t * KB + kblk, pl.ds(o - 2, L)]
                    b = rows_v[(t + 1) * KB + kblk, pl.ds(o - 1, L)]
                    c = rows_v[(t + 2) * KB + kblk, pl.ds(o, L)]
                    term = a * b * c
                    s = t & 3
                    accs[s] = term if accs[s] is None else accs[s] + term
                res = _tree_sum(accs)
                out_v[kblk, pl.ds(o, L)] = jnp.where(res > 0, ones, -ones)

    def set_oidx(i, oidx_v):
        bb = base + i
        head = ((bb >> 3) << 7) | (bb & 7)
        oidx_v[...] = jnp.full((L,), head, jnp.int32) + 8 * iota

    def out_scatter(out_v, oidx_v, sem):
        pltpu.async_copy(out_v, out_hbm.at[oidx_v], sem)

    def out_wait(out_v, oidx_v, sem):
        pltpu.make_async_copy(out_v, out_hbm.at[oidx_v], sem).wait()

    start_gathers(0, rows0, gsem0)

    def pair_body(j, carry):
        i0 = 2 * j
        start_gathers(i0 + 1, rows1, gsem1)
        wait_gathers(rows0, gsem0)

        @pl.when(j > 0)
        def _():
            out_wait(out0, oidx0, osem0)

        compute(rows0, out0)
        set_oidx(i0, oidx0)
        out_scatter(out0, oidx0, osem0)

        @pl.when(j < IPT // 2 - 1)
        def _():
            start_gathers(i0 + 2, rows0, gsem0)

        wait_gathers(rows1, gsem1)

        @pl.when(j > 0)
        def _():
            out_wait(out1, oidx1, osem1)

        compute(rows1, out1)
        set_oidx(i0 + 1, oidx1)
        out_scatter(out1, oidx1, osem1)
        return carry

    lax.fori_loop(0, IPT // 2, pair_body, 0)
    out_wait(out0, oidx0, osem0)
    out_wait(out1, oidx1, osem1)


def kernel(x, W):
    w_view = jnp.transpose(
        W.reshape(V // 8, 8, KB, 128), (0, 2, 1, 3)
    ).reshape(V * KB, 128)
    f = pl.kernel(
        _encoder_body,
        out_type=jax.ShapeDtypeStruct((B * KB, 128), jnp.float32),
        mesh=plsc.VectorSubcoreMesh(core_axis_name="c", subcore_axis_name="s"),
        scratch_types=[
            pltpu.VMEM((IPT, S), jnp.int32),
            pltpu.VMEM((IPT * PPI,), jnp.int32),
            pltpu.VMEM((PPI, 128), jnp.float32),
            pltpu.VMEM((PPI, 128), jnp.float32),
            pltpu.VMEM((KB, 128), jnp.float32),
            pltpu.VMEM((KB, 128), jnp.float32),
            pltpu.VMEM((L,), jnp.int32),
            pltpu.VMEM((L,), jnp.int32),
            pltpu.SemaphoreType.DMA,
            pltpu.SemaphoreType.DMA,
            pltpu.SemaphoreType.DMA,
            pltpu.SemaphoreType.DMA,
        ],
        compiler_params=pltpu.CompilerParams(
            use_tc_tiling_on_sc=False, needs_layout_passes=False
        ),
    )
    o_view = f(x, w_view)
    return jnp.transpose(
        o_view.reshape(B // 8, KB, 8, 128), (0, 2, 1, 3)
    ).reshape(B, D)

# --- scband reference (transcript-rebuilt; emitter-appended) ---
"""Pipeline reference for scband-encoder-33681133535830 (READ-ONLY COPY).

The authoritative reference and input builder live on the scoring server;
editing this copy changes nothing except your own understanding.
"""

import jax, jax.numpy as jnp
import numpy as np

PADDING_IDX = 0
VOCAB = 100000
DIM = 2048
BATCH = 1024
SEQ = 20


def setup_inputs(seed: int = 0) -> dict:
    key = jax.random.key(seed)
    k1, k2 = jax.random.split(key)
    x = jax.random.randint(k1, (BATCH, SEQ), 0, VOCAB, dtype=jnp.int64) if jax.config.jax_enable_x64 else jax.random.randint(k1, (BATCH, SEQ), 0, VOCAB, dtype=jnp.int32)
    # torchhd.embeddings.Random: random bipolar {-1,+1} hypervectors, padding row zeroed
    W = jnp.where(jax.random.bernoulli(k2, 0.5, (VOCAB, DIM)), 1.0, -1.0).astype(jnp.float32)
    W = W.at[PADDING_IDX].set(0.0)
    return {"x": x, "W": W}


def _permute(t, shifts):
    # torchhd.permute: cyclic roll along the hypervector (last) dimension
    return jnp.roll(t, shifts, axis=-1)


def _ngrams(symbols, n=3):
    # torchhd.ngrams: bind (elementwise multiply in MAP) of n consecutive
    # permuted hypervectors, then multiset (sum) over the sequence dim.
    n_gram = _permute(symbols[..., : -(n - 1), :], n - 1)
    for i in range(1, n):
        stop = None if i == (n - 1) else i - (n - 1)
        sample = _permute(symbols[..., i:stop, :], n - i - 1)
        n_gram = n_gram * sample
    return jnp.sum(n_gram, axis=-2)


def reference(x, W):
    symbols = jnp.take(W, x, axis=0)            # [B, S, D] embedding gather
    sample_hv = _ngrams(symbols, n=3)           # [B, D]
    return jnp.where(sample_hv > 0, 1.0, -1.0)  # torchhd.hard_quantize

if __name__ == "__main__":
    import jax
    _d = setup_inputs()
    print(jax.jit(kernel)(*tuple(_d.values())))

</pallas_src>

<mosaic_0001>
#map = affine_map<(d0, d1) -> (0, 0)>
module attributes {stable_mosaic.version = 14 : i64} {
  func.func @_encoder_body(%arg0: i32, %arg1: i32, %arg2: memref<1024x20xi32, #tpu.memory_space<hbm>>, %arg3: memref<1600000x128xf32, #tpu.memory_space<hbm>>, %arg4: memref<16384x128xf32, #tpu.memory_space<hbm>>, %arg5: memref<32x20xi32, #tpu.memory_space<vmem>>, %arg6: memref<10240xi32, #tpu.memory_space<vmem>>, %arg7: memref<320x128xf32, #tpu.memory_space<vmem>>, %arg8: memref<320x128xf32, #tpu.memory_space<vmem>>, %arg9: memref<16x128xf32, #tpu.memory_space<vmem>>, %arg10: memref<16x128xf32, #tpu.memory_space<vmem>>, %arg11: memref<16xi32, #tpu.memory_space<vmem>>, %arg12: memref<16xi32, #tpu.memory_space<vmem>>, %arg13: memref<!tpu.dma_semaphore, #tpu.memory_space<semaphore_mem>>, %arg14: memref<!tpu.dma_semaphore, #tpu.memory_space<semaphore_mem>>, %arg15: memref<!tpu.dma_semaphore, #tpu.memory_space<semaphore_mem>>, %arg16: memref<!tpu.dma_semaphore, #tpu.memory_space<semaphore_mem>>) attributes {dimension_semantics = [#tpu.dimension_semantics<core_parallel>, #tpu.dimension_semantics<subcore_parallel>], iteration_bounds = array<i64: 2, 16>, scalar_prefetch = 0 : i64, scratch_operands = 12 : i64, tpu.core_type = #tpu.core_type<sc_vector_subcore>, window_params = [{transform_indices = #map}, {transform_indices = #map}, {transform_indices = #map}]} {
    %mul3A = arith.constant 2 : i32
    %mul3A_0 = arith.muli %arg1, %mul3A : i32
    %add3A = arith.addi %mul3A_0, %arg0 : i32
    %mul3A_1 = arith.constant 32 : i32
    %mul3A_2 = arith.muli %add3A, %mul3A_1 : i32
    "tpu.region"() ({
      %run_scoped3A = tpu.sem_alloc : memref<!tpu.dma_semaphore, #tpu.memory_space<semaphore_mem>>
      %dma_start3A_51 = arith.constant 0 : i32
      %dma_start3A_52 = tpu.memref_slice %arg2[%mul3A_2, %dma_start3A_51] : memref<1024x20xi32, #tpu.memory_space<hbm>> -> memref<32x20xi32, #tpu.memory_space<hbm>>
      %dma_start3A_53 = arith.constant 0 : i32
      %dma_start3A_54 = tpu.memref_slice %arg2[%mul3A_2, %dma_start3A_53] : memref<1024x20xi32, #tpu.memory_space<hbm>> -> memref<32x20xi32, #tpu.memory_space<hbm>>
      tpu.enqueue_dma source(%dma_start3A_54 : memref<32x20xi32, #tpu.memory_space<hbm>>) target(%arg5 : memref<32x20xi32, #tpu.memory_space<vmem>>) target_semaphore(%run_scoped3A : memref<!tpu.dma_semaphore, #tpu.memory_space<semaphore_mem>>)
      %dma_wait3A_55 = arith.constant 0 : i32
      %dma_wait3A_56 = tpu.memref_slice %arg2[%mul3A_2, %dma_wait3A_55] : memref<1024x20xi32, #tpu.memory_space<hbm>> -> memref<32x20xi32, #tpu.memory_space<hbm>>
      %dma_wait3A_57 = arith.constant 0 : i32
      %dma_wait3A_58 = tpu.memref_slice %arg2[%mul3A_2, %dma_wait3A_57] : memref<1024x20xi32, #tpu.memory_space<hbm>> -> memref<32x20xi32, #tpu.memory_space<hbm>>
      tpu.wait_dma2 semaphore(%run_scoped3A : memref<!tpu.dma_semaphore, #tpu.memory_space<semaphore_mem>>) src(%dma_wait3A_58 : memref<32x20xi32, #tpu.memory_space<hbm>>) dst(%arg5 : memref<32x20xi32, #tpu.memory_space<vmem>>)
      tpu.yield
    }) : () -> ()
    %iota3A = tpu.iota {dimensions = array<i32: 0>} : vector<16xi32>
    %broadcast_in_dim3A = arith.constant 1.000000e+00 : f32
    %broadcast_in_dim3A_3 = vector.broadcast %broadcast_in_dim3A : f32 to vector<16xf32>
    %scan3A = arith.constant 0 : i32
    %scan3A_4 = arith.constant 0 : i32
    %scan3A_5 = arith.constant 32 : i32
    %scan3A_6 = arith.addi %scan3A_4, %scan3A_5 : i32
    %scan3A_7 = arith.constant 1 : i32
    scf.for %scan3A_51 = %scan3A_4 to %scan3A_6 step %scan3A_7  : i32 {
      %get3A = arith.index_cast %scan3A_51 : i32 to index
      %get3A_52 = arith.constant 0 : index
      %get3A_53 = tpu.vector_load %arg5[%get3A, %get3A_52] {strides = array<i32>} : memref<32x20xi32, #tpu.memory_space<vmem>>, vector<16xi32>,
      %shift_right_arithmetic3A = arith.constant 3 : i32
      %shift_right_arithmetic3A_54 = vector.broadcast %shift_right_arithmetic3A : i32 to vector<16xi32>
      %shift_right_arithmetic3A_55 = arith.shrsi %get3A_53, %shift_right_arithmetic3A_54 : vector<16xi32>
      %shift_left3A = arith.constant 7 : i32
      %shift_left3A_56 = vector.broadcast %shift_left3A : i32 to vector<16xi32>
      %shift_left3A_57 = arith.shli %shift_right_arithmetic3A_55, %shift_left3A_56 : vector<16xi32>
      %and3A = arith.constant 7 : i32
      %and3A_58 = vector.broadcast %and3A : i32 to vector<16xi32>
      %and3A_59 = arith.andi %get3A_53, %and3A_58 : vector<16xi32>
      %or3A = arith.ori %shift_left3A_57, %and3A_59 : vector<16xi32>
      %mul3A_60 = arith.constant 320 : i32
      %mul3A_61 = arith.muli %scan3A_51, %mul3A_60 : i32
      %add3A_62 = arith.constant 0 : i32
      %add3A_63 = vector.broadcast %add3A_62 : i32 to vector<16xi32>
      %add3A_64 = arith.addi %add3A_63, %iota3A : vector<16xi32>
      %mul3A_65 = arith.constant 16 : i32
      %mul3A_66 = vector.broadcast %mul3A_65 : i32 to vector<16xi32>
      %mul3A_67 = arith.muli %add3A_64, %mul3A_66 : vector<16xi32>
      %add3A_68 = vector.broadcast %mul3A_61 : i32 to vector<16xi32>
      %add3A_69 = arith.addi %add3A_68, %mul3A_67 : vector<16xi32>
      %add3A_70 = arith.constant 0 : i32
      %add3A_71 = vector.broadcast %add3A_70 : i32 to vector<16xi32>
      %add3A_72 = arith.addi %add3A_69, %add3A_71 : vector<16xi32>
      %add3A_73 = arith.constant 0 : i32
      %add3A_74 = vector.broadcast %add3A_73 : i32 to vector<16xi32>
      %add3A_75 = arith.addi %or3A, %add3A_74 : vector<16xi32>
      tpu.vector_store_idx %arg6[%add3A_72], %add3A_75 : memref<10240xi32, #tpu.memory_space<vmem>>[vector<16xi32>], vector<16xi32>,
      %add3A_76 = arith.constant 1 : i32
      %add3A_77 = vector.broadcast %add3A_76 : i32 to vector<16xi32>
      %add3A_78 = arith.addi %add3A_69, %add3A_77 : vector<16xi32>
      %add3A_79 = arith.constant 8 : i32
      %add3A_80 = vector.broadcast %add3A_79 : i32 to vector<16xi32>
      %add3A_81 = arith.addi %or3A, %add3A_80 : vector<16xi32>
      tpu.vector_store_idx %arg6[%add3A_78], %add3A_81 : memref<10240xi32, #tpu.memory_space<vmem>>[vector<16xi32>], vector<16xi32>,
      %add3A_82 = arith.constant 2 : i32
      %add3A_83 = vector.broadcast %add3A_82 : i32 to vector<16xi32>
      %add3A_84 = arith.addi %add3A_69, %add3A_83 : vector<16xi32>
      %add3A_85 = arith.constant 16 : i32
      %add3A_86 = vector.broadcast %add3A_85 : i32 to vector<16xi32>
      %add3A_87 = arith.addi %or3A, %add3A_86 : vector<16xi32>
      tpu.vector_store_idx %arg6[%add3A_84], %add3A_87 : memref<10240xi32, #tpu.memory_space<vmem>>[vector<16xi32>], vector<16xi32>,
      %add3A_88 = arith.constant 3 : i32
      %add3A_89 = vector.broadcast %add3A_88 : i32 to vector<16xi32>
      %add3A_90 = arith.addi %add3A_69, %add3A_89 : vector<16xi32>
      %add3A_91 = arith.constant 24 : i32
      %add3A_92 = vector.broadcast %add3A_91 : i32 to vector<16xi32>
      %add3A_93 = arith.addi %or3A, %add3A_92 : vector<16xi32>
      tpu.vector_store_idx %arg6[%add3A_90], %add3A_93 : memref<10240xi32, #tpu.memory_space<vmem>>[vector<16xi32>], vector<16xi32>,
      %add3A_94 = arith.constant 4 : i32
      %add3A_95 = vector.broadcast %add3A_94 : i32 to vector<16xi32>
      %add3A_96 = arith.addi %add3A_69, %add3A_95 : vector<16xi32>
      %add3A_97 = arith.constant 32 : i32
      %add3A_98 = vector.broadcast %add3A_97 : i32 to vector<16xi32>
      %add3A_99 = arith.addi %or3A, %add3A_98 : vector<16xi32>
      tpu.vector_store_idx %arg6[%add3A_96], %add3A_99 : memref<10240xi32, #tpu.memory_space<vmem>>[vector<16xi32>], vector<16xi32>,
      %add3A_100 = arith.constant 5 : i32
      %add3A_101 = vector.broadcast %add3A_100 : i32 to vector<16xi32>
      %add3A_102 = arith.addi %add3A_69, %add3A_101 : vector<16xi32>
      %add3A_103 = arith.constant 40 : i32
      %add3A_104 = vector.broadcast %add3A_103 : i32 to vector<16xi32>
      %add3A_105 = arith.addi %or3A, %add3A_104 : vector<16xi32>
      tpu.vector_store_idx %arg6[%add3A_102], %add3A_105 : memref<10240xi32, #tpu.memory_space<vmem>>[vector<16xi32>], vector<16xi32>,
      %add3A_106 = arith.constant 6 : i32
      %add3A_107 = vector.broadcast %add3A_106 : i32 to vector<16xi32>
      %add3A_108 = arith.addi %add3A_69, %add3A_107 : vector<16xi32>
      %add3A_109 = arith.constant 48 : i32
      %add3A_110 = vector.broadcast %add3A_109 : i32 to vector<16xi32>
      %add3A_111 = arith.addi %or3A, %add3A_110 : vector<16xi32>
      tpu.vector_store_idx %arg6[%add3A_108], %add3A_111 : memref<10240xi32, #tpu.memory_space<vmem>>[vector<16xi32>], vector<16xi32>,
      %add3A_112 = arith.constant 7 : i32
      %add3A_113 = vector.broadcast %add3A_112 : i32 to vector<16xi32>
      %add3A_114 = arith.addi %add3A_69, %add3A_113 : vector<16xi32>
      %add3A_115 = arith.constant 56 : i32
      %add3A_116 = vector.broadcast %add3A_115 : i32 to vector<16xi32>
      %add3A_117 = arith.addi %or3A, %add3A_116 : vector<16xi32>
      tpu.vector_store_idx %arg6[%add3A_114], %add3A_117 : memref<10240xi32, #tpu.memory_space<vmem>>[vector<16xi32>], vector<16xi32>,
      %add3A_118 = arith.constant 8 : i32
      %add3A_119 = vector.broadcast %add3A_118 : i32 to vector<16xi32>
      %add3A_120 = arith.addi %add3A_69, %add3A_119 : vector<16xi32>
      %add3A_121 = arith.constant 64 : i32
      %add3A_122 = vector.broadcast %add3A_121 : i32 to vector<16xi32>
      %add3A_123 = arith.addi %or3A, %add3A_122 : vector<16xi32>
      tpu.vector_store_idx %arg6[%add3A_120], %add3A_123 : memref<10240xi32, #tpu.memory_space<vmem>>[vector<16xi32>], vector<16xi32>,
      %add3A_124 = arith.constant 9 : i32
      %add3A_125 = vector.broadcast %add3A_124 : i32 to vector<16xi32>
      %add3A_126 = arith.addi %add3A_69, %add3A_125 : vector<16xi32>
      %add3A_127 = arith.constant 72 : i32
      %add3A_128 = vector.broadcast %add3A_127 : i32 to vector<16xi32>
      %add3A_129 = arith.addi %or3A, %add3A_128 : vector<16xi32>
      tpu.vector_store_idx %arg6[%add3A_126], %add3A_129 : memref<10240xi32, #tpu.memory_space<vmem>>[vector<16xi32>], vector<16xi32>,
      %add3A_130 = arith.constant 10 : i32
      %add3A_131 = vector.broadcast %add3A_130 : i32 to vector<16xi32>
      %add3A_132 = arith.addi %add3A_69, %add3A_131 : vector<16xi32>
      %add3A_133 = arith.constant 80 : i32
      %add3A_134 = vector.broadcast %add3A_133 : i32 to vector<16xi32>
      %add3A_135 = arith.addi %or3A, %add3A_134 : vector<16xi32>
      tpu.vector_store_idx %arg6[%add3A_132], %add3A_135 : memref<10240xi32, #tpu.memory_space<vmem>>[vector<16xi32>], vector<16xi32>,
      %add3A_136 = arith.constant 11 : i32
      %add3A_137 = vector.broadcast %add3A_136 : i32 to vector<16xi32>
      %add3A_138 = arith.addi %add3A_69, %add3A_137 : vector<16xi32>
      %add3A_139 = arith.constant 88 : i32
      %add3A_140 = vector.broadcast %add3A_139 : i32 to vector<16xi32>
      %add3A_141 = arith.addi %or3A, %add3A_140 : vector<16xi32>
      tpu.vector_store_idx %arg6[%add3A_138], %add3A_141 : memref<10240xi32, #tpu.memory_space<vmem>>[vector<16xi32>], vector<16xi32>,
      %add3A_142 = arith.constant 12 : i32
      %add3A_143 = vector.broadcast %add3A_142 : i32 to vector<16xi32>
      %add3A_144 = arith.addi %add3A_69, %add3A_143 : vector<16xi32>
      %add3A_145 = arith.constant 96 : i32
      %add3A_146 = vector.broadcast %add3A_145 : i32 to vector<16xi32>
      %add3A_147 = arith.addi %or3A, %add3A_146 : vector<16xi32>
      tpu.vector_store_idx %arg6[%add3A_144], %add3A_147 : memref<10240xi32, #tpu.memory_space<vmem>>[vector<16xi32>], vector<16xi32>,
      %add3A_148 = arith.constant 13 : i32
      %add3A_149 = vector.broadcast %add3A_148 : i32 to vector<16xi32>
      %add3A_150 = arith.addi %add3A_69, %add3A_149 : vector<16xi32>
      %add3A_151 = arith.constant 104 : i32
      %add3A_152 = vector.broadcast %add3A_151 : i32 to vector<16xi32>
      %add3A_153 = arith.addi %or3A, %add3A_152 : vector<16xi32>
      tpu.vector_store_idx %arg6[%add3A_150], %add3A_153 : memref<10240xi32, #tpu.memory_space<vmem>>[vector<16xi32>], vector<16xi32>,
      %add3A_154 = arith.constant 14 : i32
      %add3A_155 = vector.broadcast %add3A_154 : i32 to vector<16xi32>
      %add3A_156 = arith.addi %add3A_69, %add3A_155 : vector<16xi32>
      %add3A_157 = arith.constant 112 : i32
      %add3A_158 = vector.broadcast %add3A_157 : i32 to vector<16xi32>
      %add3A_159 = arith.addi %or3A, %add3A_158 : vector<16xi32>
      tpu.vector_store_idx %arg6[%add3A_156], %add3A_159 : memref<10240xi32, #tpu.memory_space<vmem>>[vector<16xi32>], vector<16xi32>,
      %add3A_160 = arith.constant 15 : i32
      %add3A_161 = vector.broadcast %add3A_160 : i32 to vector<16xi32>
      %add3A_162 = arith.addi %add3A_69, %add3A_161 : vector<16xi32>
      %add3A_163 = arith.constant 120 : i32
      %add3A_164 = vector.broadcast %add3A_163 : i32 to vector<16xi32>
      %add3A_165 = arith.addi %or3A, %add3A_164 : vector<16xi32>
      tpu.vector_store_idx %arg6[%add3A_162], %add3A_165 : memref<10240xi32, #tpu.memory_space<vmem>>[vector<16xi32>], vector<16xi32>,
      %get3A_166 = arith.index_cast %scan3A_51 : i32 to index
      %get3A_167 = arith.constant 4 : index
      %get3A_168 = tpu.vector_load %arg5[%get3A_166, %get3A_167] {strides = array<i32>} : memref<32x20xi32, #tpu.memory_space<vmem>>, vector<16xi32>,
      %shift_right_arithmetic3A_169 = arith.constant 3 : i32
      %shift_right_arithmetic3A_170 = vector.broadcast %shift_right_arithmetic3A_169 : i32 to vector<16xi32>
      %shift_right_arithmetic3A_171 = arith.shrsi %get3A_168, %shift_right_arithmetic3A_170 : vector<16xi32>
      %shift_left3A_172 = arith.constant 7 : i32
      %shift_left3A_173 = vector.broadcast %shift_left3A_172 : i32 to vector<16xi32>
      %shift_left3A_174 = arith.shli %shift_right_arithmetic3A_171, %shift_left3A_173 : vector<16xi32>
      %and3A_175 = arith.constant 7 : i32
      %and3A_176 = vector.broadcast %and3A_175 : i32 to vector<16xi32>
      %and3A_177 = arith.andi %get3A_168, %and3A_176 : vector<16xi32>
      %or3A_178 = arith.ori %shift_left3A_174, %and3A_177 : vector<16xi32>
      %mul3A_179 = arith.constant 320 : i32
      %mul3A_180 = arith.muli %scan3A_51, %mul3A_179 : i32
      %add3A_181 = arith.constant 4 : i32
      %add3A_182 = vector.broadcast %add3A_181 : i32 to vector<16xi32>
      %add3A_183 = arith.addi %add3A_182, %iota3A : vector<16xi32>
      %mul3A_184 = arith.constant 16 : i32
      %mul3A_185 = vector.broadcast %mul3A_184 : i32 to vector<16xi32>
      %mul3A_186 = arith.muli %add3A_183, %mul3A_185 : vector<16xi32>
      %add3A_187 = vector.broadcast %mul3A_180 : i32 to vector<16xi32>
      %add3A_188 = arith.addi %add3A_187, %mul3A_186 : vector<16xi32>
      %add3A_189 = arith.constant 0 : i32
      %add3A_190 = vector.broadcast %add3A_189 : i32 to vector<16xi32>
      %add3A_191 = arith.addi %add3A_188, %add3A_190 : vector<16xi32>
      %add3A_192 = arith.constant 0 : i32
      %add3A_193 = vector.broadcast %add3A_192 : i32 to vector<16xi32>
      %add3A_194 = arith.addi %or3A_178, %add3A_193 : vector<16xi32>
      tpu.vector_store_idx %arg6[%add3A_191], %add3A_194 : memref<10240xi32, #tpu.memory_space<vmem>>[vector<16xi32>], vector<16xi32>,
      %add3A_195 = arith.constant 1 : i32
      %add3A_196 = vector.broadcast %add3A_195 : i32 to vector<16xi32>
      %add3A_197 = arith.addi %add3A_188, %add3A_196 : vector<16xi32>
      %add3A_198 = arith.constant 8 : i32
      %add3A_199 = vector.broadcast %add3A_198 : i32 to vector<16xi32>
      %add3A_200 = arith.addi %or3A_178, %add3A_199 : vector<16xi32>
      tpu.vector_store_idx %arg6[%add3A_197], %add3A_200 : memref<10240xi32, #tpu.memory_space<vmem>>[vector<16xi32>], vector<16xi32>,
      %add3A_201 = arith.constant 2 : i32
      %add3A_202 = vector.broadcast %add3A_201 : i32 to vector<16xi32>
      %add3A_203 = arith.addi %add3A_188, %add3A_202 : vector<16xi32>
      %add3A_204 = arith.constant 16 : i32
      %add3A_205 = vector.broadcast %add3A_204 : i32 to vector<16xi32>
      %add3A_206 = arith.addi %or3A_178, %add3A_205 : vector<16xi32>
      tpu.vector_store_idx %arg6[%add3A_203], %add3A_206 : memref<10240xi32, #tpu.memory_space<vmem>>[vector<16xi32>], vector<16xi32>,
      %add3A_207 = arith.constant 3 : i32
      %add3A_208 = vector.broadcast %add3A_207 : i32 to vector<16xi32>
      %add3A_209 = arith.addi %add3A_188, %add3A_208 : vector<16xi32>
      %add3A_210 = arith.constant 24 : i32
      %add3A_211 = vector.broadcast %add3A_210 : i32 to vector<16xi32>
      %add3A_212 = arith.addi %or3A_178, %add3A_211 : vector<16xi32>
      tpu.vector_store_idx %arg6[%add3A_209], %add3A_212 : memref<10240xi32, #tpu.memory_space<vmem>>[vector<16xi32>], vector<16xi32>,
      %add3A_213 = arith.constant 4 : i32
      %add3A_214 = vector.broadcast %add3A_213 : i32 to vector<16xi32>
      %add3A_215 = arith.addi %add3A_188, %add3A_214 : vector<16xi32>
      %add3A_216 = arith.constant 32 : i32
      %add3A_217 = vector.broadcast %add3A_216 : i32 to vector<16xi32>
      %add3A_218 = arith.addi %or3A_178, %add3A_217 : vector<16xi32>
      tpu.vector_store_idx %arg6[%add3A_215], %add3A_218 : memref<10240xi32, #tpu.memory_space<vmem>>[vector<16xi32>], vector<16xi32>,
      %add3A_219 = arith.constant 5 : i32
      %add3A_220 = vector.broadcast %add3A_219 : i32 to vector<16xi32>
      %add3A_221 = arith.addi %add3A_188, %add3A_220 : vector<16xi32>
      %add3A_222 = arith.constant 40 : i32
      %add3A_223 = vector.broadcast %add3A_222 : i32 to vector<16xi32>
      %add3A_224 = arith.addi %or3A_178, %add3A_223 : vector<16xi32>
      tpu.vector_store_idx %arg6[%add3A_221], %add3A_224 : memref<10240xi32, #tpu.memory_space<vmem>>[vector<16xi32>], vector<16xi32>,
      %add3A_225 = arith.constant 6 : i32
      %add3A_226 = vector.broadcast %add3A_225 : i32 to vector<16xi32>
      %add3A_227 = arith.addi %add3A_188, %add3A_226 : vector<16xi32>
      %add3A_228 = arith.constant 48 : i32
      %add3A_229 = vector.broadcast %add3A_228 : i32 to vector<16xi32>
      %add3A_230 = arith.addi %or3A_178, %add3A_229 : vector<16xi32>
      tpu.vector_store_idx %arg6[%add3A_227], %add3A_230 : memref<10240xi32, #tpu.memory_space<vmem>>[vector<16xi32>], vector<16xi32>,
      %add3A_231 = arith.constant 7 : i32
      %add3A_232 = vector.broadcast %add3A_231 : i32 to vector<16xi32>
      %add3A_233 = arith.addi %add3A_188, %add3A_232 : vector<16xi32>
      %add3A_234 = arith.constant 56 : i32
      %add3A_235 = vector.broadcast %add3A_234 : i32 to vector<16xi32>
      %add3A_236 = arith.addi %or3A_178, %add3A_235 : vector<16xi32>
      tpu.vector_store_idx %arg6[%add3A_233], %add3A_236 : memref<10240xi32, #tpu.memory_space<vmem>>[vector<16xi32>], vector<16xi32>,
      %add3A_237 = arith.constant 8 : i32
      %add3A_238 = vector.broadcast %add3A_237 : i32 to vector<16xi32>
      %add3A_239 = arith.addi %add3A_188, %add3A_238 : vector<16xi32>
      %add3A_240 = arith.constant 64 : i32
      %add3A_241 = vector.broadcast %add3A_240 : i32 to vector<16xi32>
      %add3A_242 = arith.addi %or3A_178, %add3A_241 : vector<16xi32>
      tpu.vector_store_idx %arg6[%add3A_239], %add3A_242 : memref<10240xi32, #tpu.memory_space<vmem>>[vector<16xi32>], vector<16xi32>,
      %add3A_243 = arith.constant 9 : i32
      %add3A_244 = vector.broadcast %add3A_243 : i32 to vector<16xi32>
      %add3A_245 = arith.addi %add3A_188, %add3A_244 : vector<16xi32>
      %add3A_246 = arith.constant 72 : i32
      %add3A_247 = vector.broadcast %add3A_246 : i32 to vector<16xi32>
      %add3A_248 = arith.addi %or3A_178, %add3A_247 : vector<16xi32>
      tpu.vector_store_idx %arg6[%add3A_245], %add3A_248 : memref<10240xi32, #tpu.memory_space<vmem>>[vector<16xi32>], vector<16xi32>,
      %add3A_249 = arith.constant 10 : i32
      %add3A_250 = vector.broadcast %add3A_249 : i32 to vector<16xi32>
      %add3A_251 = arith.addi %add3A_188, %add3A_250 : vector<16xi32>
      %add3A_252 = arith.constant 80 : i32
      %add3A_253 = vector.broadcast %add3A_252 : i32 to vector<16xi32>
      %add3A_254 = arith.addi %or3A_178, %add3A_253 : vector<16xi32>
      tpu.vector_store_idx %arg6[%add3A_251], %add3A_254 : memref<10240xi32, #tpu.memory_space<vmem>>[vector<16xi32>], vector<16xi32>,
      %add3A_255 = arith.constant 11 : i32
      %add3A_256 = vector.broadcast %add3A_255 : i32 to vector<16xi32>
      %add3A_257 = arith.addi %add3A_188, %add3A_256 : vector<16xi32>
      %add3A_258 = arith.constant 88 : i32
      %add3A_259 = vector.broadcast %add3A_258 : i32 to vector<16xi32>
      %add3A_260 = arith.addi %or3A_178, %add3A_259 : vector<16xi32>
      tpu.vector_store_idx %arg6[%add3A_257], %add3A_260 : memref<10240xi32, #tpu.memory_space<vmem>>[vector<16xi32>], vector<16xi32>,
      %add3A_261 = arith.constant 12 : i32
      %add3A_262 = vector.broadcast %add3A_261 : i32 to vector<16xi32>
      %add3A_263 = arith.addi %add3A_188, %add3A_262 : vector<16xi32>
      %add3A_264 = arith.constant 96 : i32
      %add3A_265 = vector.broadcast %add3A_264 : i32 to vector<16xi32>
      %add3A_266 = arith.addi %or3A_178, %add3A_265 : vector<16xi32>
      tpu.vector_store_idx %arg6[%add3A_263], %add3A_266 : memref<10240xi32, #tpu.memory_space<vmem>>[vector<16xi32>], vector<16xi32>,
      %add3A_267 = arith.constant 13 : i32
      %add3A_268 = vector.broadcast %add3A_267 : i32 to vector<16xi32>
      %add3A_269 = arith.addi %add3A_188, %add3A_268 : vector<16xi32>
      %add3A_270 = arith.constant 104 : i32
      %add3A_271 = vector.broadcast %add3A_270 : i32 to vector<16xi32>
      %add3A_272 = arith.addi %or3A_178, %add3A_271 : vector<16xi32>
      tpu.vector_store_idx %arg6[%add3A_269], %add3A_272 : memref<10240xi32, #tpu.memory_space<vmem>>[vector<16xi32>], vector<16xi32>,
      %add3A_273 = arith.constant 14 : i32
      %add3A_274 = vector.broadcast %add3A_273 : i32 to vector<16xi32>
      %add3A_275 = arith.addi %add3A_188, %add3A_274 : vector<16xi32>
      %add3A_276 = arith.constant 112 : i32
      %add3A_277 = vector.broadcast %add3A_276 : i32 to vector<16xi32>
      %add3A_278 = arith.addi %or3A_178, %add3A_277 : vector<16xi32>
      tpu.vector_store_idx %arg6[%add3A_275], %add3A_278 : memref<10240xi32, #tpu.memory_space<vmem>>[vector<16xi32>], vector<16xi32>,
      %add3A_279 = arith.constant 15 : i32
      %add3A_280 = vector.broadcast %add3A_279 : i32 to vector<16xi32>
      %add3A_281 = arith.addi %add3A_188, %add3A_280 : vector<16xi32>
      %add3A_282 = arith.constant 120 : i32
      %add3A_283 = vector.broadcast %add3A_282 : i32 to vector<16xi32>
      %add3A_284 = arith.addi %or3A_178, %add3A_283 : vector<16xi32>
      tpu.vector_store_idx %arg6[%add3A_281], %add3A_284 : memref<10240xi32, #tpu.memory_space<vmem>>[vector<16xi32>], vector<16xi32>,
    }
    %scan3A_8 = arith.constant 32 : i32
    %dma_start3A = arith.constant 0 : i32
    %dma_start3A_9 = arith.constant 0 : i32
    %dma_start3A_10 = tpu.memref_slice %arg7[%dma_start3A, %dma_start3A_9] : memref<320x128xf32, #tpu.memory_space<vmem>> -> memref<80x128xf32, #tpu.memory_space<vmem>>
    %dma_start3A_11 = arith.constant 0 : i32
    %dma_start3A_12 = tpu.memref_slice %arg6[%dma_start3A_11] : memref<10240xi32, #tpu.memory_space<vmem>> -> memref<80xi32, #tpu.memory_space<vmem>>
    %dma_start3A_13 = arith.constant 0 : i32
    %dma_start3A_14 = arith.constant 0 : i32
    %dma_start3A_15 = tpu.memref_slice %arg3[%dma_start3A_13, %dma_start3A_14] : memref<1600000x128xf32, #tpu.memory_space<hbm>> -> memref<1600000x128xf32, #tpu.memory_space<hbm>>
    tpu.enqueue_indirect_dma source(%dma_start3A_15 : memref<1600000x128xf32, #tpu.memory_space<hbm>>) target(%dma_start3A_10 : memref<80x128xf32, #tpu.memory_space<vmem>>) offsets(%dma_start3A_12 : memref<80xi32, #tpu.memory_space<vmem>>) semaphore(%arg13 : memref<!tpu.dma_semaphore, #tpu.memory_space<semaphore_mem>>)
    %dma_start3A_16 = arith.constant 80 : i32
    %dma_start3A_17 = arith.constant 0 : i32
    %dma_start3A_18 = tpu.memref_slice %arg7[%dma_start3A_16, %dma_start3A_17] : memref<320x128xf32, #tpu.memory_space<vmem>> -> memref<80x128xf32, #tpu.memory_space<vmem>>
    %dma_start3A_19 = arith.constant 80 : i32
    %dma_start3A_20 = tpu.memref_slice %arg6[%dma_start3A_19] : memref<10240xi32, #tpu.memory_space<vmem>> -> memref<80xi32, #tpu.memory_space<vmem>>
    %dma_start3A_21 = arith.constant 0 : i32
    %dma_start3A_22 = arith.constant 0 : i32
    %dma_start3A_23 = tpu.memref_slice %arg3[%dma_start3A_21, %dma_start3A_22] : memref<1600000x128xf32, #tpu.memory_space<hbm>> -> memref<1600000x128xf32, #tpu.memory_space<hbm>>
    tpu.enqueue_indirect_dma source(%dma_start3A_23 : memref<1600000x128xf32, #tpu.memory_space<hbm>>) target(%dma_start3A_18 : memref<80x128xf32, #tpu.memory_space<vmem>>) offsets(%dma_start3A_20 : memref<80xi32, #tpu.memory_space<vmem>>) semaphore(%arg13 : memref<!tpu.dma_semaphore, #tpu.memory_space<semaphore_mem>>)
    %dma_start3A_24 = arith.constant 160 : i32
    %dma_start3A_25 = arith.constant 0 : i32
    %dma_start3A_26 = tpu.memref_slice %arg7[%dma_start3A_24, %dma_start3A_25] : memref<320x128xf32, #tpu.memory_space<vmem>> -> memref<80x128xf32, #tpu.memory_space<vmem>>
    %dma_start3A_27 = arith.constant 160 : i32
    %dma_start3A_28 = tpu.memref_slice %arg6[%dma_start3A_27] : memref<10240xi32, #tpu.memory_space<vmem>> -> memref<80xi32, #tpu.memory_space<vmem>>
    %dma_start3A_29 = arith.constant 0 : i32
    %dma_start3A_30 = arith.constant 0 : i32
    %dma_start3A_31 = tpu.memref_slice %arg3[%dma_start3A_29, %dma_start3A_30] : memref<1600000x128xf32, #tpu.memory_space<hbm>> -> memref<1600000x128xf32, #tpu.memory_space<hbm>>
    tpu.enqueue_indirect_dma source(%dma_start3A_31 : memref<1600000x128xf32, #tpu.memory_space<hbm>>) target(%dma_start3A_26 : memref<80x128xf32, #tpu.memory_space<vmem>>) offsets(%dma_start3A_28 : memref<80xi32, #tpu.memory_space<vmem>>) semaphore(%arg13 : memref<!tpu.dma_semaphore, #tpu.memory_space<semaphore_mem>>)
    %dma_start3A_32 = arith.constant 240 : i32
    %dma_start3A_33 = arith.constant 0 : i32
    %dma_start3A_34 = tpu.memref_slice %arg7[%dma_start3A_32, %dma_start3A_33] : memref<320x128xf32, #tpu.memory_space<vmem>> -> memref<80x128xf32, #tpu.memory_space<vmem>>
    %dma_start3A_35 = arith.constant 240 : i32
    %dma_start3A_36 = tpu.memref_slice %arg6[%dma_start3A_35] : memref<10240xi32, #tpu.memory_space<vmem>> -> memref<80xi32, #tpu.memory_space<vmem>>
    %dma_start3A_37 = arith.constant 0 : i32
    %dma_start3A_38 = arith.constant 0 : i32
    %dma_start3A_39 = tpu.memref_slice %arg3[%dma_start3A_37, %dma_start3A_38] : memref<1600000x128xf32, #tpu.memory_space<hbm>> -> memref<1600000x128xf32, #tpu.memory_space<hbm>>
    tpu.enqueue_indirect_dma source(%dma_start3A_39 : memref<1600000x128xf32, #tpu.memory_space<hbm>>) target(%dma_start3A_34 : memref<80x128xf32, #tpu.memory_space<vmem>>) offsets(%dma_start3A_36 : memref<80xi32, #tpu.memory_space<vmem>>) semaphore(%arg13 : memref<!tpu.dma_semaphore, #tpu.memory_space<semaphore_mem>>)
    %scan3A_40 = arith.constant 0 : i32
    %scan3A_41 = arith.constant 0 : i32
    %scan3A_42 = arith.constant 16 : i32
    %scan3A_43 = arith.addi %scan3A_41, %scan3A_42 : i32
    %scan3A_44 = arith.constant 1 : i32
    scf.for %scan3A_51 = %scan3A_41 to %scan3A_43 step %scan3A_44  : i32 {
      %mul3A_52 = arith.constant 2 : i32
      %mul3A_53 = arith.muli %mul3A_52, %scan3A_51 : i32
      %add3A_54 = arith.constant 1 : i32
      %add3A_55 = arith.addi %mul3A_53, %add3A_54 : i32
      %mul3A_56 = arith.constant 320 : i32
      %mul3A_57 = arith.muli %add3A_55, %mul3A_56 : i32
      %add3A_58 = arith.constant 0 : i32
      %add3A_59 = arith.addi %mul3A_57, %add3A_58 : i32
      %dma_start3A_60 = arith.constant 0 : i32
      %dma_start3A_61 = arith.constant 0 : i32
      %dma_start3A_62 = tpu.memref_slice %arg8[%dma_start3A_60, %dma_start3A_61] : memref<320x128xf32, #tpu.memory_space<vmem>> -> memref<80x128xf32, #tpu.memory_space<vmem>>
      %dma_start3A_63 = tpu.memref_slice %arg6[%add3A_59] : memref<10240xi32, #tpu.memory_space<vmem>> -> memref<80xi32, #tpu.memory_space<vmem>>
      %dma_start3A_64 = arith.constant 0 : i32
      %dma_start3A_65 = arith.constant 0 : i32
      %dma_start3A_66 = tpu.memref_slice %arg3[%dma_start3A_64, %dma_start3A_65] : memref<1600000x128xf32, #tpu.memory_space<hbm>> -> memref<1600000x128xf32, #tpu.memory_space<hbm>>
      tpu.enqueue_indirect_dma source(%dma_start3A_66 : memref<1600000x128xf32, #tpu.memory_space<hbm>>) target(%dma_start3A_62 : memref<80x128xf32, #tpu.memory_space<vmem>>) offsets(%dma_start3A_63 : memref<80xi32, #tpu.memory_space<vmem>>) semaphore(%arg14 : memref<!tpu.dma_semaphore, #tpu.memory_space<semaphore_mem>>)
      %mul3A_67 = arith.constant 320 : i32
      %mul3A_68 = arith.muli %add3A_55, %mul3A_67 : i32
      %add3A_69 = arith.constant 80 : i32
      %add3A_70 = arith.addi %mul3A_68, %add3A_69 : i32
      %dma_start3A_71 = arith.constant 80 : i32
      %dma_start3A_72 = arith.constant 0 : i32
      %dma_start3A_73 = tpu.memref_slice %arg8[%dma_start3A_71, %dma_start3A_72] : memref<320x128xf32, #tpu.memory_space<vmem>> -> memref<80x128xf32, #tpu.memory_space<vmem>>
      %dma_start3A_74 = tpu.memref_slice %arg6[%add3A_70] : memref<10240xi32, #tpu.memory_space<vmem>> -> memref<80xi32, #tpu.memory_space<vmem>>
      %dma_start3A_75 = arith.constant 0 : i32
      %dma_start3A_76 = arith.constant 0 : i32
      %dma_start3A_77 = tpu.memref_slice %arg3[%dma_start3A_75, %dma_start3A_76] : memref<1600000x128xf32, #tpu.memory_space<hbm>> -> memref<1600000x128xf32, #tpu.memory_space<hbm>>
      tpu.enqueue_indirect_dma source(%dma_start3A_77 : memref<1600000x128xf32, #tpu.memory_space<hbm>>) target(%dma_start3A_73 : memref<80x128xf32, #tpu.memory_space<vmem>>) offsets(%dma_start3A_74 : memref<80xi32, #tpu.memory_space<vmem>>) semaphore(%arg14 : memref<!tpu.dma_semaphore, #tpu.memory_space<semaphore_mem>>)
      %mul3A_78 = arith.constant 320 : i32
      %mul3A_79 = arith.muli %add3A_55, %mul3A_78 : i32
      %add3A_80 = arith.constant 160 : i32
      %add3A_81 = arith.addi %mul3A_79, %add3A_80 : i32
      %dma_start3A_82 = arith.constant 160 : i32
      %dma_start3A_83 = arith.constant 0 : i32
      %dma_start3A_84 = tpu.memref_slice %arg8[%dma_start3A_82, %dma_start3A_83] : memref<320x128xf32, #tpu.memory_space<vmem>> -> memref<80x128xf32, #tpu.memory_space<vmem>>
      %dma_start3A_85 = tpu.memref_slice %arg6[%add3A_81] : memref<10240xi32, #tpu.memory_space<vmem>> -> memref<80xi32, #tpu.memory_space<vmem>>
      %dma_start3A_86 = arith.constant 0 : i32
      %dma_start3A_87 = arith.constant 0 : i32
      %dma_start3A_88 = tpu.memref_slice %arg3[%dma_start3A_86, %dma_start3A_87] : memref<1600000x128xf32, #tpu.memory_space<hbm>> -> memref<1600000x128xf32, #tpu.memory_space<hbm>>
      tpu.enqueue_indirect_dma source(%dma_start3A_88 : memref<1600000x128xf32, #tpu.memory_space<hbm>>) target(%dma_start3A_84 : memref<80x128xf32, #tpu.memory_space<vmem>>) offsets(%dma_start3A_85 : memref<80xi32, #tpu.memory_space<vmem>>) semaphore(%arg14 : memref<!tpu.dma_semaphore, #tpu.memory_space<semaphore_mem>>)
      %mul3A_89 = arith.constant 320 : i32
      %mul3A_90 = arith.muli %add3A_55, %mul3A_89 : i32
      %add3A_91 = arith.constant 240 : i32
      %add3A_92 = arith.addi %mul3A_90, %add3A_91 : i32
      %dma_start3A_93 = arith.constant 240 : i32
      %dma_start3A_94 = arith.constant 0 : i32
      %dma_start3A_95 = tpu.memref_slice %arg8[%dma_start3A_93, %dma_start3A_94] : memref<320x128xf32, #tpu.memory_space<vmem>> -> memref<80x128xf32, #tpu.memory_space<vmem>>
      %dma_start3A_96 = tpu.memref_slice %arg6[%add3A_92] : memref<10240xi32, #tpu.memory_space<vmem>> -> memref<80xi32, #tpu.memory_space<vmem>>
      %dma_start3A_97 = arith.constant 0 : i32
      %dma_start3A_98 = arith.constant 0 : i32
      %dma_start3A_99 = tpu.memref_slice %arg3[%dma_start3A_97, %dma_start3A_98] : memref<1600000x128xf32, #tpu.memory_space<hbm>> -> memref<1600000x128xf32, #tpu.memory_space<hbm>>
      tpu.enqueue_indirect_dma source(%dma_start3A_99 : memref<1600000x128xf32, #tpu.memory_space<hbm>>) target(%dma_start3A_95 : memref<80x128xf32, #tpu.memory_space<vmem>>) offsets(%dma_start3A_96 : memref<80xi32, #tpu.memory_space<vmem>>) semaphore(%arg14 : memref<!tpu.dma_semaphore, #tpu.memory_space<semaphore_mem>>)
      %dma_wait3A_100 = arith.constant 0 : i32
      %dma_wait3A_101 = arith.constant 0 : i32
      %dma_wait3A_102 = tpu.memref_slice %arg7[%dma_wait3A_100, %dma_wait3A_101] : memref<320x128xf32, #tpu.memory_space<vmem>> -> memref<80x128xf32, #tpu.memory_space<vmem>>
      %dma_wait3A_103 = arith.constant 0 : i32
      %dma_wait3A_104 = tpu.memref_slice %arg6[%dma_wait3A_103] : memref<10240xi32, #tpu.memory_space<vmem>> -> memref<80xi32, #tpu.memory_space<vmem>>
      %dma_wait3A_105 = arith.constant 0 : i32
      %dma_wait3A_106 = arith.constant 0 : i32
      %dma_wait3A_107 = tpu.memref_slice %arg3[%dma_wait3A_105, %dma_wait3A_106] : memref<1600000x128xf32, #tpu.memory_space<hbm>> -> memref<1600000x128xf32, #tpu.memory_space<hbm>>
      tpu.wait_indirect_dma semaphore(%arg13 : memref<!tpu.dma_semaphore, #tpu.memory_space<semaphore_mem>>) src(%dma_wait3A_107 : memref<1600000x128xf32, #tpu.memory_space<hbm>>) dst(%dma_wait3A_102 : memref<80x128xf32, #tpu.memory_space<vmem>>)
      %dma_wait3A_108 = arith.constant 80 : i32
      %dma_wait3A_109 = arith.constant 0 : i32
      %dma_wait3A_110 = tpu.memref_slice %arg7[%dma_wait3A_108, %dma_wait3A_109] : memref<320x128xf32, #tpu.memory_space<vmem>> -> memref<80x128xf32, #tpu.memory_space<vmem>>
      %dma_wait3A_111 = arith.constant 80 : i32
      %dma_wait3A_112 = tpu.memref_slice %arg6[%dma_wait3A_111] : memref<10240xi32, #tpu.memory_space<vmem>> -> memref<80xi32, #tpu.memory_space<vmem>>
      %dma_wait3A_113 = arith.constant 0 : i32
      %dma_wait3A_114 = arith.constant 0 : i32
      %dma_wait3A_115 = tpu.memref_slice %arg3[%dma_wait3A_113, %dma_wait3A_114] : memref<1600000x128xf32, #tpu.memory_space<hbm>> -> memref<1600000x128xf32, #tpu.memory_space<hbm>>
      tpu.wait_indirect_dma semaphore(%arg13 : memref<!tpu.dma_semaphore, #tpu.memory_space<semaphore_mem>>) src(%dma_wait3A_115 : memref<1600000x128xf32, #tpu.memory_space<hbm>>) dst(%dma_wait3A_110 : memref<80x128xf32, #tpu.memory_space<vmem>>)
      %dma_wait3A_116 = arith.constant 160 : i32
      %dma_wait3A_117 = arith.constant 0 : i32
      %dma_wait3A_118 = tpu.memref_slice %arg7[%dma_wait3A_116, %dma_wait3A_117] : memref<320x128xf32, #tpu.memory_space<vmem>> -> memref<80x128xf32, #tpu.memory_space<vmem>>
      %dma_wait3A_119 = arith.constant 160 : i32
      %dma_wait3A_120 = tpu.memref_slice %arg6[%dma_wait3A_119] : memref<10240xi32, #tpu.memory_space<vmem>> -> memref<80xi32, #tpu.memory_space<vmem>>
      %dma_wait3A_121 = arith.constant 0 : i32
      %dma_wait3A_122 = arith.constant 0 : i32
      %dma_wait3A_123 = tpu.memref_slice %arg3[%dma_wait3A_121, %dma_wait3A_122] : memref<1600000x128xf32, #tpu.memory_space<hbm>> -> memref<1600000x128xf32, #tpu.memory_space<hbm>>
      tpu.wait_indirect_dma semaphore(%arg13 : memref<!tpu.dma_semaphore, #tpu.memory_space<semaphore_mem>>) src(%dma_wait3A_123 : memref<1600000x128xf32, #tpu.memory_space<hbm>>) dst(%dma_wait3A_118 : memref<80x128xf32, #tpu.memory_space<vmem>>)
      %dma_wait3A_124 = arith.constant 240 : i32
      %dma_wait3A_125 = arith.constant 0 : i32
      %dma_wait3A_126 = tpu.memref_slice %arg7[%dma_wait3A_124, %dma_wait3A_125] : memref<320x128xf32, #tpu.memory_space<vmem>> -> memref<80x128xf32, #tpu.memory_space<vmem>>
      %dma_wait3A_127 = arith.constant 240 : i32
      %dma_wait3A_128 = tpu.memref_slice %arg6[%dma_wait3A_127] : memref<10240xi32, #tpu.memory_space<vmem>> -> memref<80xi32, #tpu.memory_space<vmem>>
      %dma_wait3A_129 = arith.constant 0 : i32
      %dma_wait3A_130 = arith.constant 0 : i32
      %dma_wait3A_131 = tpu.memref_slice %arg3[%dma_wait3A_129, %dma_wait3A_130] : memref<1600000x128xf32, #tpu.memory_space<hbm>> -> memref<1600000x128xf32, #tpu.memory_space<hbm>>
      tpu.wait_indirect_dma semaphore(%arg13 : memref<!tpu.dma_semaphore, #tpu.memory_space<semaphore_mem>>) src(%dma_wait3A_131 : memref<1600000x128xf32, #tpu.memory_space<hbm>>) dst(%dma_wait3A_126 : memref<80x128xf32, #tpu.memory_space<vmem>>)
      %gt3A = arith.constant 0 : i32
      %gt3A_132 = arith.cmpi sgt, %scan3A_51, %gt3A : i32
      %convert_element_type3A = arith.extui %gt3A_132 : i1 to i32
      %cond3A = arith.constant 0 : i32
      %cond3A_133 = arith.cmpi ne, %convert_element_type3A, %cond3A : i32
      scf.if %cond3A_133 {
        %dma_wait3A_213 = arith.constant 0 : i32
        %dma_wait3A_214 = arith.constant 0 : i32
        %dma_wait3A_215 = tpu.memref_slice %arg4[%dma_wait3A_213, %dma_wait3A_214] : memref<16384x128xf32, #tpu.memory_space<hbm>> -> memref<16384x128xf32, #tpu.memory_space<hbm>>
        tpu.wait_indirect_dma semaphore(%arg15 : memref<!tpu.dma_semaphore, #tpu.memory_space<semaphore_mem>>) src(%arg9 : memref<16x128xf32, #tpu.memory_space<vmem>>) dst(%dma_wait3A_215 : memref<16384x128xf32, #tpu.memory_space<hbm>>)
      } else {
      }
      %parallel_loop3A = arith.constant 0 : i32
      %parallel_loop3A_134 = arith.constant 16 : i32
      %parallel_loop3A_135 = arith.constant 1 : i32
      scf.for %parallel_loop3A_213 = %parallel_loop3A to %parallel_loop3A_134 step %parallel_loop3A_135  : i32 {
        %parallel_loop3A_214 = arith.constant 16 : i32
        %parallel_loop3A_215 = arith.addi %parallel_loop3A_213, %parallel_loop3A_214 : i32
        %parallel_loop3A_216 = arith.constant 1 : i32
        %parallel_loop3A_217 = arith.subi %parallel_loop3A_215, %parallel_loop3A_216 : i32
        %parallel_loop3A_218 = arith.constant 15 : i32
        %parallel_loop3A_219 = arith.andi %parallel_loop3A_217, %parallel_loop3A_218 : i32
        %parallel_loop3A_220 = arith.constant 2 : i32
        %parallel_loop3A_221 = vector.broadcast %parallel_loop3A_220 : i32 to vector<16xi32>
        %parallel_loop3A_222 = arith.cmpi slt, %iota3A, %parallel_loop3A_221 : vector<16xi32>
        %parallel_loop3A_223 = vector.broadcast %parallel_loop3A_219 : i32 to vector<16xi32>
        %parallel_loop3A_224 = vector.broadcast %parallel_loop3A_213 : i32 to vector<16xi32>
        %parallel_loop3A_225 = arith.select %parallel_loop3A_222, %parallel_loop3A_223, %parallel_loop3A_224 : vector<16xi1>, vector<16xi32>
        %parallel_loop3A_226 = arith.constant 1 : i32
        %parallel_loop3A_227 = vector.broadcast %parallel_loop3A_226 : i32 to vector<16xi32>
        %parallel_loop3A_228 = arith.cmpi slt, %iota3A, %parallel_loop3A_227 : vector<16xi32>
        %parallel_loop3A_229 = vector.broadcast %parallel_loop3A_219 : i32 to vector<16xi32>
        %parallel_loop3A_230 = vector.broadcast %parallel_loop3A_213 : i32 to vector<16xi32>
        %parallel_loop3A_231 = arith.select %parallel_loop3A_228, %parallel_loop3A_229, %parallel_loop3A_230 : vector<16xi1>, vector<16xi32>
        %parallel_loop3A_232 = arith.constant 2 : i32
        %parallel_loop3A_233 = vector.broadcast %parallel_loop3A_232 : i32 to vector<16xi32>
        %parallel_loop3A_234 = arith.subi %iota3A, %parallel_loop3A_233 : vector<16xi32>
        %parallel_loop3A_235 = arith.constant 127 : i32
        %parallel_loop3A_236 = vector.broadcast %parallel_loop3A_235 : i32 to vector<16xi32>
        %parallel_loop3A_237 = arith.andi %parallel_loop3A_234, %parallel_loop3A_236 : vector<16xi32>
        %parallel_loop3A_238 = arith.constant 1 : i32
        %parallel_loop3A_239 = vector.broadcast %parallel_loop3A_238 : i32 to vector<16xi32>
        %parallel_loop3A_240 = arith.subi %iota3A, %parallel_loop3A_239 : vector<16xi32>
        %parallel_loop3A_241 = arith.constant 127 : i32
        %parallel_loop3A_242 = vector.broadcast %parallel_loop3A_241 : i32 to vector<16xi32>
        %parallel_loop3A_243 = arith.andi %parallel_loop3A_240, %parallel_loop3A_242 : vector<16xi32>
        %parallel_loop3A_244 = arith.constant 0 : i32
        %parallel_loop3A_245 = vector.broadcast %parallel_loop3A_244 : i32 to vector<16xi32>
        %parallel_loop3A_246 = arith.addi %parallel_loop3A_245, %parallel_loop3A_225 : vector<16xi32>
        %parallel_loop3A_247 = tpu.vector_load_idx %arg7[%parallel_loop3A_246, %parallel_loop3A_237] : memref<320x128xf32, #tpu.memory_space<vmem>>[vector<16xi32>, vector<16xi32>], vector<16xf32>,
        %parallel_loop3A_248 = arith.constant 16 : i32
        %parallel_loop3A_249 = vector.broadcast %parallel_loop3A_248 : i32 to vector<16xi32>
        %parallel_loop3A_250 = arith.addi %parallel_loop3A_249, %parallel_loop3A_231 : vector<16xi32>
        %parallel_loop3A_251 = tpu.vector_load_idx %arg7[%parallel_loop3A_250, %parallel_loop3A_243] : memref<320x128xf32, #tpu.memory_space<vmem>>[vector<16xi32>, vector<16xi32>], vector<16xf32>,
        %parallel_loop3A_252 = arith.constant 32 : i32
        %parallel_loop3A_253 = arith.addi %parallel_loop3A_252, %parallel_loop3A_213 : i32
        %parallel_loop3A_254 = arith.index_cast %parallel_loop3A_253 : i32 to index
        %parallel_loop3A_255 = arith.constant 0 : index
        %parallel_loop3A_256 = tpu.vector_load %arg7[%parallel_loop3A_254, %parallel_loop3A_255] {strides = array<i32>} : memref<320x128xf32, #tpu.memory_space<vmem>>, vector<16xf32>,
        %parallel_loop3A_257 = arith.mulf %parallel_loop3A_247, %parallel_loop3A_251 : vector<16xf32>
        %parallel_loop3A_258 = arith.mulf %parallel_loop3A_257, %parallel_loop3A_256 : vector<16xf32>
        %parallel_loop3A_259 = arith.constant 16 : i32
        %parallel_loop3A_260 = vector.broadcast %parallel_loop3A_259 : i32 to vector<16xi32>
        %parallel_loop3A_261 = arith.addi %parallel_loop3A_260, %parallel_loop3A_225 : vector<16xi32>
        %parallel_loop3A_262 = tpu.vector_load_idx %arg7[%parallel_loop3A_261, %parallel_loop3A_237] : memref<320x128xf32, #tpu.memory_space<vmem>>[vector<16xi32>, vector<16xi32>], vector<16xf32>,
        %parallel_loop3A_263 = arith.constant 32 : i32
        %parallel_loop3A_264 = vector.broadcast %parallel_loop3A_263 : i32 to vector<16xi32>
        %parallel_loop3A_265 = arith.addi %parallel_loop3A_264, %parallel_loop3A_231 : vector<16xi32>
        %parallel_loop3A_266 = tpu.vector_load_idx %arg7[%parallel_loop3A_265, %parallel_loop3A_243] : memref<320x128xf32, #tpu.memory_space<vmem>>[vector<16xi32>, vector<16xi32>], vector<16xf32>,
        %parallel_loop3A_267 = arith.constant 48 : i32
        %parallel_loop3A_268 = arith.addi %parallel_loop3A_267, %parallel_loop3A_213 : i32
        %parallel_loop3A_269 = arith.index_cast %parallel_loop3A_268 : i32 to index
        %parallel_loop3A_270 = arith.constant 0 : index
        %parallel_loop3A_271 = tpu.vector_load %arg7[%parallel_loop3A_269, %parallel_loop3A_270] {strides = array<i32>} : memref<320x128xf32, #tpu.memory_space<vmem>>, vector<16xf32>,
        %parallel_loop3A_272 = arith.mulf %parallel_loop3A_262, %parallel_loop3A_266 : vector<16xf32>
        %parallel_loop3A_273 = arith.mulf %parallel_loop3A_272, %parallel_loop3A_271 : vector<16xf32>
        %parallel_loop3A_274 = arith.constant 32 : i32
        %parallel_loop3A_275 = vector.broadcast %parallel_loop3A_274 : i32 to vector<16xi32>
        %parallel_loop3A_276 = arith.addi %parallel_loop3A_275, %parallel_loop3A_225 : vector<16xi32>
        %parallel_loop3A_277 = tpu.vector_load_idx %arg7[%parallel_loop3A_276, %parallel_loop3A_237] : memref<320x128xf32, #tpu.memory_space<vmem>>[vector<16xi32>, vector<16xi32>], vector<16xf32>,
        %parallel_loop3A_278 = arith.constant 48 : i32
        %parallel_loop3A_279 = vector.broadcast %parallel_loop3A_278 : i32 to vector<16xi32>
        %parallel_loop3A_280 = arith.addi %parallel_loop3A_279, %parallel_loop3A_231 : vector<16xi32>
        %parallel_loop3A_281 = tpu.vector_load_idx %arg7[%parallel_loop3A_280, %parallel_loop3A_243] : memref<320x128xf32, #tpu.memory_space<vmem>>[vector<16xi32>, vector<16xi32>], vector<16xf32>,
        %parallel_loop3A_282 = arith.constant 64 : i32
        %parallel_loop3A_283 = arith.addi %parallel_loop3A_282, %parallel_loop3A_213 : i32
        %parallel_loop3A_284 = arith.index_cast %parallel_loop3A_283 : i32 to index
        %parallel_loop3A_285 = arith.constant 0 : index
        %parallel_loop3A_286 = tpu.vector_load %arg7[%parallel_loop3A_284, %parallel_loop3A_285] {strides = array<i32>} : memref<320x128xf32, #tpu.memory_space<vmem>>, vector<16xf32>,
        %parallel_loop3A_287 = arith.mulf %parallel_loop3A_277, %parallel_loop3A_281 : vector<16xf32>
        %parallel_loop3A_288 = arith.mulf %parallel_loop3A_287, %parallel_loop3A_286 : vector<16xf32>
        %parallel_loop3A_289 = arith.constant 48 : i32
        %parallel_loop3A_290 = vector.broadcast %parallel_loop3A_289 : i32 to vector<16xi32>
        %parallel_loop3A_291 = arith.addi %parallel_loop3A_290, %parallel_loop3A_225 : vector<16xi32>
        %parallel_loop3A_292 = tpu.vector_load_idx %arg7[%parallel_loop3A_291, %parallel_loop3A_237] : memref<320x128xf32, #tpu.memory_space<vmem>>[vector<16xi32>, vector<16xi32>], vector<16xf32>,
        %parallel_loop3A_293 = arith.constant 64 : i32
        %parallel_loop3A_294 = vector.broadcast %parallel_loop3A_293 : i32 to vector<16xi32>
        %parallel_loop3A_295 = arith.addi %parallel_loop3A_294, %parallel_loop3A_231 : vector<16xi32>
        %parallel_loop3A_296 = tpu.vector_load_idx %arg7[%parallel_loop3A_295, %parallel_loop3A_243] : memref<320x128xf32, #tpu.memory_space<vmem>>[vector<16xi32>, vector<16xi32>], vector<16xf32>,
        %parallel_loop3A_297 = arith.constant 80 : i32
        %parallel_loop3A_298 = arith.addi %parallel_loop3A_297, %parallel_loop3A_213 : i32
        %parallel_loop3A_299 = arith.index_cast %parallel_loop3A_298 : i32 to index
        %parallel_loop3A_300 = arith.constant 0 : index
        %parallel_loop3A_301 = tpu.vector_load %arg7[%parallel_loop3A_299, %parallel_loop3A_300] {strides = array<i32>} : memref<320x128xf32, #tpu.memory_space<vmem>>, vector<16xf32>,
        %parallel_loop3A_302 = arith.mulf %parallel_loop3A_292, %parallel_loop3A_296 : vector<16xf32>
        %parallel_loop3A_303 = arith.mulf %parallel_loop3A_302, %parallel_loop3A_301 : vector<16xf32>
        %parallel_loop3A_304 = arith.constant 64 : i32
        %parallel_loop3A_305 = vector.broadcast %parallel_loop3A_304 : i32 to vector<16xi32>
        %parallel_loop3A_306 = arith.addi %parallel_loop3A_305, %parallel_loop3A_225 : vector<16xi32>
        %parallel_loop3A_307 = tpu.vector_load_idx %arg7[%parallel_loop3A_306, %parallel_loop3A_237] : memref<320x128xf32, #tpu.memory_space<vmem>>[vector<16xi32>, vector<16xi32>], vector<16xf32>,
        %parallel_loop3A_308 = arith.constant 80 : i32
        %parallel_loop3A_309 = vector.broadcast %parallel_loop3A_308 : i32 to vector<16xi32>
        %parallel_loop3A_310 = arith.addi %parallel_loop3A_309, %parallel_loop3A_231 : vector<16xi32>
        %parallel_loop3A_311 = tpu.vector_load_idx %arg7[%parallel_loop3A_310, %parallel_loop3A_243] : memref<320x128xf32, #tpu.memory_space<vmem>>[vector<16xi32>, vector<16xi32>], vector<16xf32>,
        %parallel_loop3A_312 = arith.constant 96 : i32
        %parallel_loop3A_313 = arith.addi %parallel_loop3A_312, %parallel_loop3A_213 : i32
        %parallel_loop3A_314 = arith.index_cast %parallel_loop3A_313 : i32 to index
        %parallel_loop3A_315 = arith.constant 0 : index
        %parallel_loop3A_316 = tpu.vector_load %arg7[%parallel_loop3A_314, %parallel_loop3A_315] {strides = array<i32>} : memref<320x128xf32, #tpu.memory_space<vmem>>, vector<16xf32>,
        %parallel_loop3A_317 = arith.mulf %parallel_loop3A_307, %parallel_loop3A_311 : vector<16xf32>
        %parallel_loop3A_318 = arith.mulf %parallel_loop3A_317, %parallel_loop3A_316 : vector<16xf32>
        %parallel_loop3A_319 = arith.addf %parallel_loop3A_258, %parallel_loop3A_318 : vector<16xf32>
        %parallel_loop3A_320 = arith.constant 80 : i32
        %parallel_loop3A_321 = vector.broadcast %parallel_loop3A_320 : i32 to vector<16xi32>
        %parallel_loop3A_322 = arith.addi %parallel_loop3A_321, %parallel_loop3A_225 : vector<16xi32>
        %parallel_loop3A_323 = tpu.vector_load_idx %arg7[%parallel_loop3A_322, %parallel_loop3A_237] : memref<320x128xf32, #tpu.memory_space<vmem>>[vector<16xi32>, vector<16xi32>], vector<16xf32>,
        %parallel_loop3A_324 = arith.constant 96 : i32
        %parallel_loop3A_325 = vector.broadcast %parallel_loop3A_324 : i32 to vector<16xi32>
        %parallel_loop3A_326 = arith.addi %parallel_loop3A_325, %parallel_loop3A_231 : vector<16xi32>
        %parallel_loop3A_327 = tpu.vector_load_idx %arg7[%parallel_loop3A_326, %parallel_loop3A_243] : memref<320x128xf32, #tpu.memory_space<vmem>>[vector<16xi32>, vector<16xi32>], vector<16xf32>,
        %parallel_loop3A_328 = arith.constant 112 : i32
        %parallel_loop3A_329 = arith.addi %parallel_loop3A_328, %parallel_loop3A_213 : i32
        %parallel_loop3A_330 = arith.index_cast %parallel_loop3A_329 : i32 to index
        %parallel_loop3A_331 = arith.constant 0 : index
        %parallel_loop3A_332 = tpu.vector_load %arg7[%parallel_loop3A_330, %parallel_loop3A_331] {strides = array<i32>} : memref<320x128xf32, #tpu.memory_space<vmem>>, vector<16xf32>,
        %parallel_loop3A_333 = arith.mulf %parallel_loop3A_323, %parallel_loop3A_327 : vector<16xf32>
        %parallel_loop3A_334 = arith.mulf %parallel_loop3A_333, %parallel_loop3A_332 : vector<16xf32>
        %parallel_loop3A_335 = arith.addf %parallel_loop3A_273, %parallel_loop3A_334 : vector<16xf32>
        %parallel_loop3A_336 = arith.constant 96 : i32
        %parallel_loop3A_337 = vector.broadcast %parallel_loop3A_336 : i32 to vector<16xi32>
        %parallel_loop3A_338 = arith.addi %parallel_loop3A_337, %parallel_loop3A_225 : vector<16xi32>
        %parallel_loop3A_339 = tpu.vector_load_idx %arg7[%parallel_loop3A_338, %parallel_loop3A_237] : memref<320x128xf32, #tpu.memory_space<vmem>>[vector<16xi32>, vector<16xi32>], vector<16xf32>,
        %parallel_loop3A_340 = arith.constant 112 : i32
        %parallel_loop3A_341 = vector.broadcast %parallel_loop3A_340 : i32 to vector<16xi32>
        %parallel_loop3A_342 = arith.addi %parallel_loop3A_341, %parallel_loop3A_231 : vector<16xi32>
        %parallel_loop3A_343 = tpu.vector_load_idx %arg7[%parallel_loop3A_342, %parallel_loop3A_243] : memref<320x128xf32, #tpu.memory_space<vmem>>[vector<16xi32>, vector<16xi32>], vector<16xf32>,
        %parallel_loop3A_344 = arith.constant 128 : i32
        %parallel_loop3A_345 = arith.addi %parallel_loop3A_344, %parallel_loop3A_213 : i32
        %parallel_loop3A_346 = arith.index_cast %parallel_loop3A_345 : i32 to index
        %parallel_loop3A_347 = arith.constant 0 : index
        %parallel_loop3A_348 = tpu.vector_load %arg7[%parallel_loop3A_346, %parallel_loop3A_347] {strides = array<i32>} : memref<320x128xf32, #tpu.memory_space<vmem>>, vector<16xf32>,
        %parallel_loop3A_349 = arith.mulf %parallel_loop3A_339, %parallel_loop3A_343 : vector<16xf32>
        %parallel_loop3A_350 = arith.mulf %parallel_loop3A_349, %parallel_loop3A_348 : vector<16xf32>
        %parallel_loop3A_351 = arith.addf %parallel_loop3A_288, %parallel_loop3A_350 : vector<16xf32>
        %parallel_loop3A_352 = arith.constant 112 : i32
        %parallel_loop3A_353 = vector.broadcast %parallel_loop3A_352 : i32 to vector<16xi32>
        %parallel_loop3A_354 = arith.addi %parallel_loop3A_353, %parallel_loop3A_225 : vector<16xi32>
        %parallel_loop3A_355 = tpu.vector_load_idx %arg7[%parallel_loop3A_354, %parallel_loop3A_237] : memref<320x128xf32, #tpu.memory_space<vmem>>[vector<16xi32>, vector<16xi32>], vector<16xf32>,
        %parallel_loop3A_356 = arith.constant 128 : i32
        %parallel_loop3A_357 = vector.broadcast %parallel_loop3A_356 : i32 to vector<16xi32>
        %parallel_loop3A_358 = arith.addi %parallel_loop3A_357, %parallel_loop3A_231 : vector<16xi32>
        %parallel_loop3A_359 = tpu.vector_load_idx %arg7[%parallel_loop3A_358, %parallel_loop3A_243] : memref<320x128xf32, #tpu.memory_space<vmem>>[vector<16xi32>, vector<16xi32>], vector<16xf32>,
        %parallel_loop3A_360 = arith.constant 144 : i32
        %parallel_loop3A_361 = arith.addi %parallel_loop3A_360, %parallel_loop3A_213 : i32
        %parallel_loop3A_362 = arith.index_cast %parallel_loop3A_361 : i32 to index
        %parallel_loop3A_363 = arith.constant 0 : index
        %parallel_loop3A_364 = tpu.vector_load %arg7[%parallel_loop3A_362, %parallel_loop3A_363] {strides = array<i32>} : memref<320x128xf32, #tpu.memory_space<vmem>>, vector<16xf32>,
        %parallel_loop3A_365 = arith.mulf %parallel_loop3A_355, %parallel_loop3A_359 : vector<16xf32>
        %parallel_loop3A_366 = arith.mulf %parallel_loop3A_365, %parallel_loop3A_364 : vector<16xf32>
        %parallel_loop3A_367 = arith.addf %parallel_loop3A_303, %parallel_loop3A_366 : vector<16xf32>
        %parallel_loop3A_368 = arith.constant 128 : i32
        %parallel_loop3A_369 = vector.broadcast %parallel_loop3A_368 : i32 to vector<16xi32>
        %parallel_loop3A_370 = arith.addi %parallel_loop3A_369, %parallel_loop3A_225 : vector<16xi32>
        %parallel_loop3A_371 = tpu.vector_load_idx %arg7[%parallel_loop3A_370, %parallel_loop3A_237] : memref<320x128xf32, #tpu.memory_space<vmem>>[vector<16xi32>, vector<16xi32>], vector<16xf32>,
        %parallel_loop3A_372 = arith.constant 144 : i32
        %parallel_loop3A_373 = vector.broadcast %parallel_loop3A_372 : i32 to vector<16xi32>
        %parallel_loop3A_374 = arith.addi %parallel_loop3A_373, %parallel_loop3A_231 : vector<16xi32>
        %parallel_loop3A_375 = tpu.vector_load_idx %arg7[%parallel_loop3A_374, %parallel_loop3A_243] : memref<320x128xf32, #tpu.memory_space<vmem>>[vector<16xi32>, vector<16xi32>], vector<16xf32>,
        %parallel_loop3A_376 = arith.constant 160 : i32
        %parallel_loop3A_377 = arith.addi %parallel_loop3A_376, %parallel_loop3A_213 : i32
        %parallel_loop3A_378 = arith.index_cast %parallel_loop3A_377 : i32 to index
        %parallel_loop3A_379 = arith.constant 0 : index
        %parallel_loop3A_380 = tpu.vector_load %arg7[%parallel_loop3A_378, %parallel_loop3A_379] {strides = array<i32>} : memref<320x128xf32, #tpu.memory_space<vmem>>, vector<16xf32>,
        %parallel_loop3A_381 = arith.mulf %parallel_loop3A_371, %parallel_loop3A_375 : vector<16xf32>
        %parallel_loop3A_382 = arith.mulf %parallel_loop3A_381, %parallel_loop3A_380 : vector<16xf32>
        %parallel_loop3A_383 = arith.addf %parallel_loop3A_319, %parallel_loop3A_382 : vector<16xf32>
        %parallel_loop3A_384 = arith.constant 144 : i32
        %parallel_loop3A_385 = vector.broadcast %parallel_loop3A_384 : i32 to vector<16xi32>
        %parallel_loop3A_386 = arith.addi %parallel_loop3A_385, %parallel_loop3A_225 : vector<16xi32>
        %parallel_loop3A_387 = tpu.vector_load_idx %arg7[%parallel_loop3A_386, %parallel_loop3A_237] : memref<320x128xf32, #tpu.memory_space<vmem>>[vector<16xi32>, vector<16xi32>], vector<16xf32>,
        %parallel_loop3A_388 = arith.constant 160 : i32
        %parallel_loop3A_389 = vector.broadcast %parallel_loop3A_388 : i32 to vector<16xi32>
        %parallel_loop3A_390 = arith.addi %parallel_loop3A_389, %parallel_loop3A_231 : vector<16xi32>
        %parallel_loop3A_391 = tpu.vector_load_idx %arg7[%parallel_loop3A_390, %parallel_loop3A_243] : memref<320x128xf32, #tpu.memory_space<vmem>>[vector<16xi32>, vector<16xi32>], vector<16xf32>,
        %parallel_loop3A_392 = arith.constant 176 : i32
        %parallel_loop3A_393 = arith.addi %parallel_loop3A_392, %parallel_loop3A_213 : i32
        %parallel_loop3A_394 = arith.index_cast %parallel_loop3A_393 : i32 to index
        %parallel_loop3A_395 = arith.constant 0 : index
        %parallel_loop3A_396 = tpu.vector_load %arg7[%parallel_loop3A_394, %parallel_loop3A_395] {strides = array<i32>} : memref<320x128xf32, #tpu.memory_space<vmem>>, vector<16xf32>,
        %parallel_loop3A_397 = arith.mulf %parallel_loop3A_387, %parallel_loop3A_391 : vector<16xf32>
        %parallel_loop3A_398 = arith.mulf %parallel_loop3A_397, %parallel_loop3A_396 : vector<16xf32>
        %parallel_loop3A_399 = arith.addf %parallel_loop3A_335, %parallel_loop3A_398 : vector<16xf32>
        %parallel_loop3A_400 = arith.constant 160 : i32
        %parallel_loop3A_401 = vector.broadcast %parallel_loop3A_400 : i32 to vector<16xi32>
        %parallel_loop3A_402 = arith.addi %parallel_loop3A_401, %parallel_loop3A_225 : vector<16xi32>
        %parallel_loop3A_403 = tpu.vector_load_idx %arg7[%parallel_loop3A_402, %parallel_loop3A_237] : memref<320x128xf32, #tpu.memory_space<vmem>>[vector<16xi32>, vector<16xi32>], vector<16xf32>,
        %parallel_loop3A_404 = arith.constant 176 : i32
        %parallel_loop3A_405 = vector.broadcast %parallel_loop3A_404 : i32 to vector<16xi32>
        %parallel_loop3A_406 = arith.addi %parallel_loop3A_405, %parallel_loop3A_231 : vector<16xi32>
        %parallel_loop3A_407 = tpu.vector_load_idx %arg7[%parallel_loop3A_406, %parallel_loop3A_243] : memref<320x128xf32, #tpu.memory_space<vmem>>[vector<16xi32>, vector<16xi32>], vector<16xf32>,
        %parallel_loop3A_408 = arith.constant 192 : i32
        %parallel_loop3A_409 = arith.addi %parallel_loop3A_408, %parallel_loop3A_213 : i32
        %parallel_loop3A_410 = arith.index_cast %parallel_loop3A_409 : i32 to index
        %parallel_loop3A_411 = arith.constant 0 : index
        %parallel_loop3A_412 = tpu.vector_load %arg7[%parallel_loop3A_410, %parallel_loop3A_411] {strides = array<i32>} : memref<320x128xf32, #tpu.memory_space<vmem>>, vector<16xf32>,
        %parallel_loop3A_413 = arith.mulf %parallel_loop3A_403, %parallel_loop3A_407 : vector<16xf32>
        %parallel_loop3A_414 = arith.mulf %parallel_loop3A_413, %parallel_loop3A_412 : vector<16xf32>
        %parallel_loop3A_415 = arith.addf %parallel_loop3A_351, %parallel_loop3A_414 : vector<16xf32>
        %parallel_loop3A_416 = arith.constant 176 : i32
        %parallel_loop3A_417 = vector.broadcast %parallel_loop3A_416 : i32 to vector<16xi32>
        %parallel_loop3A_418 = arith.addi %parallel_loop3A_417, %parallel_loop3A_225 : vector<16xi32>
        %parallel_loop3A_419 = tpu.vector_load_idx %arg7[%parallel_loop3A_418, %parallel_loop3A_237] : memref<320x128xf32, #tpu.memory_space<vmem>>[vector<16xi32>, vector<16xi32>], vector<16xf32>,
        %parallel_loop3A_420 = arith.constant 192 : i32
        %parallel_loop3A_421 = vector.broadcast %parallel_loop3A_420 : i32 to vector<16xi32>
        %parallel_loop3A_422 = arith.addi %parallel_loop3A_421, %parallel_loop3A_231 : vector<16xi32>
        %parallel_loop3A_423 = tpu.vector_load_idx %arg7[%parallel_loop3A_422, %parallel_loop3A_243] : memref<320x128xf32, #tpu.memory_space<vmem>>[vector<16xi32>, vector<16xi32>], vector<16xf32>,
        %parallel_loop3A_424 = arith.constant 208 : i32
        %parallel_loop3A_425 = arith.addi %parallel_loop3A_424, %parallel_loop3A_213 : i32
        %parallel_loop3A_426 = arith.index_cast %parallel_loop3A_425 : i32 to index
        %parallel_loop3A_427 = arith.constant 0 : index
        %parallel_loop3A_428 = tpu.vector_load %arg7[%parallel_loop3A_426, %parallel_loop3A_427] {strides = array<i32>} : memref<320x128xf32, #tpu.memory_space<vmem>>, vector<16xf32>,
        %parallel_loop3A_429 = arith.mulf %parallel_loop3A_419, %parallel_loop3A_423 : vector<16xf32>
        %parallel_loop3A_430 = arith.mulf %parallel_loop3A_429, %parallel_loop3A_428 : vector<16xf32>
        %parallel_loop3A_431 = arith.addf %parallel_loop3A_367, %parallel_loop3A_430 : vector<16xf32>
        %parallel_loop3A_432 = arith.constant 192 : i32
        %parallel_loop3A_433 = vector.broadcast %parallel_loop3A_432 : i32 to vector<16xi32>
        %parallel_loop3A_434 = arith.addi %parallel_loop3A_433, %parallel_loop3A_225 : vector<16xi32>
        %parallel_loop3A_435 = tpu.vector_load_idx %arg7[%parallel_loop3A_434, %parallel_loop3A_237] : memref<320x128xf32, #tpu.memory_space<vmem>>[vector<16xi32>, vector<16xi32>], vector<16xf32>,
        %parallel_loop3A_436 = arith.constant 208 : i32
        %parallel_loop3A_437 = vector.broadcast %parallel_loop3A_436 : i32 to vector<16xi32>
        %parallel_loop3A_438 = arith.addi %parallel_loop3A_437, %parallel_loop3A_231 : vector<16xi32>
        %parallel_loop3A_439 = tpu.vector_load_idx %arg7[%parallel_loop3A_438, %parallel_loop3A_243] : memref<320x128xf32, #tpu.memory_space<vmem>>[vector<16xi32>, vector<16xi32>], vector<16xf32>,
        %parallel_loop3A_440 = arith.constant 224 : i32
        %parallel_loop3A_441 = arith.addi %parallel_loop3A_440, %parallel_loop3A_213 : i32
        %parallel_loop3A_442 = arith.index_cast %parallel_loop3A_441 : i32 to index
        %parallel_loop3A_443 = arith.constant 0 : index
        %parallel_loop3A_444 = tpu.vector_load %arg7[%parallel_loop3A_442, %parallel_loop3A_443] {strides = array<i32>} : memref<320x128xf32, #tpu.memory_space<vmem>>, vector<16xf32>,
        %parallel_loop3A_445 = arith.mulf %parallel_loop3A_435, %parallel_loop3A_439 : vector<16xf32>
        %parallel_loop3A_446 = arith.mulf %parallel_loop3A_445, %parallel_loop3A_444 : vector<16xf32>
        %parallel_loop3A_447 = arith.addf %parallel_loop3A_383, %parallel_loop3A_446 : vector<16xf32>
        %parallel_loop3A_448 = arith.constant 208 : i32
        %parallel_loop3A_449 = vector.broadcast %parallel_loop3A_448 : i32 to vector<16xi32>
        %parallel_loop3A_450 = arith.addi %parallel_loop3A_449, %parallel_loop3A_225 : vector<16xi32>
        %parallel_loop3A_451 = tpu.vector_load_idx %arg7[%parallel_loop3A_450, %parallel_loop3A_237] : memref<320x128xf32, #tpu.memory_space<vmem>>[vector<16xi32>, vector<16xi32>], vector<16xf32>,
        %parallel_loop3A_452 = arith.constant 224 : i32
        %parallel_loop3A_453 = vector.broadcast %parallel_loop3A_452 : i32 to vector<16xi32>
        %parallel_loop3A_454 = arith.addi %parallel_loop3A_453, %parallel_loop3A_231 : vector<16xi32>
        %parallel_loop3A_455 = tpu.vector_load_idx %arg7[%parallel_loop3A_454, %parallel_loop3A_243] : memref<320x128xf32, #tpu.memory_space<vmem>>[vector<16xi32>, vector<16xi32>], vector<16xf32>,
        %parallel_loop3A_456 = arith.constant 240 : i32
        %parallel_loop3A_457 = arith.addi %parallel_loop3A_456, %parallel_loop3A_213 : i32
        %parallel_loop3A_458 = arith.index_cast %parallel_loop3A_457 : i32 to index
        %parallel_loop3A_459 = arith.constant 0 : index
        %parallel_loop3A_460 = tpu.vector_load %arg7[%parallel_loop3A_458, %parallel_loop3A_459] {strides = array<i32>} : memref<320x128xf32, #tpu.memory_space<vmem>>, vector<16xf32>,
        %parallel_loop3A_461 = arith.mulf %parallel_loop3A_451, %parallel_loop3A_455 : vector<16xf32>
        %parallel_loop3A_462 = arith.mulf %parallel_loop3A_461, %parallel_loop3A_460 : vector<16xf32>
        %parallel_loop3A_463 = arith.addf %parallel_loop3A_399, %parallel_loop3A_462 : vector<16xf32>
        %parallel_loop3A_464 = arith.constant 224 : i32
        %parallel_loop3A_465 = vector.broadcast %parallel_loop3A_464 : i32 to vector<16xi32>
        %parallel_loop3A_466 = arith.addi %parallel_loop3A_465, %parallel_loop3A_225 : vector<16xi32>
        %parallel_loop3A_467 = tpu.vector_load_idx %arg7[%parallel_loop3A_466, %parallel_loop3A_237] : memref<320x128xf32, #tpu.memory_space<vmem>>[vector<16xi32>, vector<16xi32>], vector<16xf32>,
        %parallel_loop3A_468 = arith.constant 240 : i32
        %parallel_loop3A_469 = vector.broadcast %parallel_loop3A_468 : i32 to vector<16xi32>
        %parallel_loop3A_470 = arith.addi %parallel_loop3A_469, %parallel_loop3A_231 : vector<16xi32>
        %parallel_loop3A_471 = tpu.vector_load_idx %arg7[%parallel_loop3A_470, %parallel_loop3A_243] : memref<320x128xf32, #tpu.memory_space<vmem>>[vector<16xi32>, vector<16xi32>], vector<16xf32>,
        %parallel_loop3A_472 = arith.constant 256 : i32
        %parallel_loop3A_473 = arith.addi %parallel_loop3A_472, %parallel_loop3A_213 : i32
        %parallel_loop3A_474 = arith.index_cast %parallel_loop3A_473 : i32 to index
        %parallel_loop3A_475 = arith.constant 0 : index
        %parallel_loop3A_476 = tpu.vector_load %arg7[%parallel_loop3A_474, %parallel_loop3A_475] {strides = array<i32>} : memref<320x128xf32, #tpu.memory_space<vmem>>, vector<16xf32>,
        %parallel_loop3A_477 = arith.mulf %parallel_loop3A_467, %parallel_loop3A_471 : vector<16xf32>
        %parallel_loop3A_478 = arith.mulf %parallel_loop3A_477, %parallel_loop3A_476 : vector<16xf32>
        %parallel_loop3A_479 = arith.addf %parallel_loop3A_415, %parallel_loop3A_478 : vector<16xf32>
        %parallel_loop3A_480 = arith.constant 240 : i32
        %parallel_loop3A_481 = vector.broadcast %parallel_loop3A_480 : i32 to vector<16xi32>
        %parallel_loop3A_482 = arith.addi %parallel_loop3A_481, %parallel_loop3A_225 : vector<16xi32>
        %parallel_loop3A_483 = tpu.vector_load_idx %arg7[%parallel_loop3A_482, %parallel_loop3A_237] : memref<320x128xf32, #tpu.memory_space<vmem>>[vector<16xi32>, vector<16xi32>], vector<16xf32>,
        %parallel_loop3A_484 = arith.constant 256 : i32
        %parallel_loop3A_485 = vector.broadcast %parallel_loop3A_484 : i32 to vector<16xi32>
        %parallel_loop3A_486 = arith.addi %parallel_loop3A_485, %parallel_loop3A_231 : vector<16xi32>
        %parallel_loop3A_487 = tpu.vector_load_idx %arg7[%parallel_loop3A_486, %parallel_loop3A_243] : memref<320x128xf32, #tpu.memory_space<vmem>>[vector<16xi32>, vector<16xi32>], vector<16xf32>,
        %parallel_loop3A_488 = arith.constant 272 : i32
        %parallel_loop3A_489 = arith.addi %parallel_loop3A_488, %parallel_loop3A_213 : i32
        %parallel_loop3A_490 = arith.index_cast %parallel_loop3A_489 : i32 to index
        %parallel_loop3A_491 = arith.constant 0 : index
        %parallel_loop3A_492 = tpu.vector_load %arg7[%parallel_loop3A_490, %parallel_loop3A_491] {strides = array<i32>} : memref<320x128xf32, #tpu.memory_space<vmem>>, vector<16xf32>,
        %parallel_loop3A_493 = arith.mulf %parallel_loop3A_483, %parallel_loop3A_487 : vector<16xf32>
        %parallel_loop3A_494 = arith.mulf %parallel_loop3A_493, %parallel_loop3A_492 : vector<16xf32>
        %parallel_loop3A_495 = arith.addf %parallel_loop3A_431, %parallel_loop3A_494 : vector<16xf32>
        %parallel_loop3A_496 = arith.constant 256 : i32
        %parallel_loop3A_497 = vector.broadcast %parallel_loop3A_496 : i32 to vector<16xi32>
        %parallel_loop3A_498 = arith.addi %parallel_loop3A_497, %parallel_loop3A_225 : vector<16xi32>
        %parallel_loop3A_499 = tpu.vector_load_idx %arg7[%parallel_loop3A_498, %parallel_loop3A_237] : memref<320x128xf32, #tpu.memory_space<vmem>>[vector<16xi32>, vector<16xi32>], vector<16xf32>,
        %parallel_loop3A_500 = arith.constant 272 : i32
        %parallel_loop3A_501 = vector.broadcast %parallel_loop3A_500 : i32 to vector<16xi32>
        %parallel_loop3A_502 = arith.addi %parallel_loop3A_501, %parallel_loop3A_231 : vector<16xi32>
        %parallel_loop3A_503 = tpu.vector_load_idx %arg7[%parallel_loop3A_502, %parallel_loop3A_243] : memref<320x128xf32, #tpu.memory_space<vmem>>[vector<16xi32>, vector<16xi32>], vector<16xf32>,
        %parallel_loop3A_504 = arith.constant 288 : i32
        %parallel_loop3A_505 = arith.addi %parallel_loop3A_504, %parallel_loop3A_213 : i32
        %parallel_loop3A_506 = arith.index_cast %parallel_loop3A_505 : i32 to index
        %parallel_loop3A_507 = arith.constant 0 : index
        %parallel_loop3A_508 = tpu.vector_load %arg7[%parallel_loop3A_506, %parallel_loop3A_507] {strides = array<i32>} : memref<320x128xf32, #tpu.memory_space<vmem>>, vector<16xf32>,
        %parallel_loop3A_509 = arith.mulf %parallel_loop3A_499, %parallel_loop3A_503 : vector<16xf32>
        %parallel_loop3A_510 = arith.mulf %parallel_loop3A_509, %parallel_loop3A_508 : vector<16xf32>
        %parallel_loop3A_511 = arith.addf %parallel_loop3A_447, %parallel_loop3A_510 : vector<16xf32>
        %parallel_loop3A_512 = arith.constant 272 : i32
        %parallel_loop3A_513 = vector.broadcast %parallel_loop3A_512 : i32 to vector<16xi32>
        %parallel_loop3A_514 = arith.addi %parallel_loop3A_513, %parallel_loop3A_225 : vector<16xi32>
        %parallel_loop3A_515 = tpu.vector_load_idx %arg7[%parallel_loop3A_514, %parallel_loop3A_237] : memref<320x128xf32, #tpu.memory_space<vmem>>[vector<16xi32>, vector<16xi32>], vector<16xf32>,
        %parallel_loop3A_516 = arith.constant 288 : i32
        %parallel_loop3A_517 = vector.broadcast %parallel_loop3A_516 : i32 to vector<16xi32>
        %parallel_loop3A_518 = arith.addi %parallel_loop3A_517, %parallel_loop3A_231 : vector<16xi32>
        %parallel_loop3A_519 = tpu.vector_load_idx %arg7[%parallel_loop3A_518, %parallel_loop3A_243] : memref<320x128xf32, #tpu.memory_space<vmem>>[vector<16xi32>, vector<16xi32>], vector<16xf32>,
        %parallel_loop3A_520 = arith.constant 304 : i32
        %parallel_loop3A_521 = arith.addi %parallel_loop3A_520, %parallel_loop3A_213 : i32
        %parallel_loop3A_522 = arith.index_cast %parallel_loop3A_521 : i32 to index
        %parallel_loop3A_523 = arith.constant 0 : index
        %parallel_loop3A_524 = tpu.vector_load %arg7[%parallel_loop3A_522, %parallel_loop3A_523] {strides = array<i32>} : memref<320x128xf32, #tpu.memory_space<vmem>>, vector<16xf32>,
        %parallel_loop3A_525 = arith.mulf %parallel_loop3A_515, %parallel_loop3A_519 : vector<16xf32>
        %parallel_loop3A_526 = arith.mulf %parallel_loop3A_525, %parallel_loop3A_524 : vector<16xf32>
        %parallel_loop3A_527 = arith.addf %parallel_loop3A_463, %parallel_loop3A_526 : vector<16xf32>
        %parallel_loop3A_528 = arith.addf %parallel_loop3A_511, %parallel_loop3A_527 : vector<16xf32>
        %parallel_loop3A_529 = arith.addf %parallel_loop3A_479, %parallel_loop3A_495 : vector<16xf32>
        %parallel_loop3A_530 = arith.addf %parallel_loop3A_528, %parallel_loop3A_529 : vector<16xf32>
        %parallel_loop3A_531 = arith.constant 0.000000e+00 : f32
        %parallel_loop3A_532 = vector.broadcast %parallel_loop3A_531 : f32 to vector<16xf32>
        %parallel_loop3A_533 = arith.cmpf ogt, %parallel_loop3A_530, %parallel_loop3A_532 : vector<16xf32>
        %parallel_loop3A_534 = arith.constant 0.000000e+00 : f32
        %parallel_loop3A_535 = vector.broadcast %parallel_loop3A_534 : f32 to vector<16xf32>
        %parallel_loop3A_536 = arith.subf %parallel_loop3A_535, %broadcast_in_dim3A_3 : vector<16xf32>
        %parallel_loop3A_537 = arith.select %parallel_loop3A_533, %broadcast_in_dim3A_3, %parallel_loop3A_536 : vector<16xi1>, vector<16xf32>
        %parallel_loop3A_538 = arith.index_cast %parallel_loop3A_213 : i32 to index
        %parallel_loop3A_539 = arith.constant 0 : index
        %parallel_loop3A_540 = tpu.vector_load %arg9[%parallel_loop3A_538, %parallel_loop3A_539] {strides = array<i32>} : memref<16x128xf32, #tpu.memory_space<vmem>>, vector<16xf32>,
        tpu.vector_store %arg9[%parallel_loop3A_538, %parallel_loop3A_539], %parallel_loop3A_537 {strides = array<i32>} : memref<16x128xf32, #tpu.memory_space<vmem>>, vector<16xf32>,
        %parallel_loop3A_541 = arith.constant 1 : i32
        %parallel_loop3A_542 = arith.constant 8 : i32
        %parallel_loop3A_543 = arith.constant 1 : i32
        scf.for %parallel_loop3A_544 = %parallel_loop3A_541 to %parallel_loop3A_542 step %parallel_loop3A_543  : i32 {
          %parallel_loop3A_545 = arith.constant 16 : i32
          %parallel_loop3A_546 = arith.muli %parallel_loop3A_544, %parallel_loop3A_545 : i32
          %parallel_loop3A_547 = arith.constant 0 : i32
          %parallel_loop3A_548 = arith.addi %parallel_loop3A_547, %parallel_loop3A_213 : i32
          %parallel_loop3A_549 = arith.constant 2 : i32
          %parallel_loop3A_550 = arith.subi %parallel_loop3A_546, %parallel_loop3A_549 : i32
          %parallel_loop3A_551 = arith.index_cast %parallel_loop3A_548 : i32 to index
          %parallel_loop3A_552 = arith.index_cast %parallel_loop3A_550 : i32 to index
          %parallel_loop3A_553 = tpu.vector_load %arg7[%parallel_loop3A_551, %parallel_loop3A_552] {strides = array<i32>} : memref<320x128xf32, #tpu.memory_space<vmem>>, vector<16xf32>,
          %parallel_loop3A_554 = arith.constant 16 : i32
          %parallel_loop3A_555 = arith.addi %parallel_loop3A_554, %parallel_loop3A_213 : i32
          %parallel_loop3A_556 = arith.constant 1 : i32
          %parallel_loop3A_557 = arith.subi %parallel_loop3A_546, %parallel_loop3A_556 : i32
          %parallel_loop3A_558 = arith.index_cast %parallel_loop3A_555 : i32 to index
          %parallel_loop3A_559 = arith.index_cast %parallel_loop3A_557 : i32 to index
          %parallel_loop3A_560 = tpu.vector_load %arg7[%parallel_loop3A_558, %parallel_loop3A_559] {strides = array<i32>} : memref<320x128xf32, #tpu.memory_space<vmem>>, vector<16xf32>,
          %parallel_loop3A_561 = arith.constant 32 : i32
          %parallel_loop3A_562 = arith.addi %parallel_loop3A_561, %parallel_loop3A_213 : i32
          %parallel_loop3A_563 = arith.index_cast %parallel_loop3A_562 : i32 to index
          %parallel_loop3A_564 = arith.index_cast %parallel_loop3A_546 : i32 to index
          %parallel_loop3A_565 = tpu.vector_load %arg7[%parallel_loop3A_563, %parallel_loop3A_564] {strides = array<i32>} : memref<320x128xf32, #tpu.memory_space<vmem>>, vector<16xf32>,
          %parallel_loop3A_566 = arith.mulf %parallel_loop3A_553, %parallel_loop3A_560 : vector<16xf32>
          %parallel_loop3A_567 = arith.mulf %parallel_loop3A_566, %parallel_loop3A_565 : vector<16xf32>
          %parallel_loop3A_568 = arith.constant 16 : i32
          %parallel_loop3A_569 = arith.addi %parallel_loop3A_568, %parallel_loop3A_213 : i32
          %parallel_loop3A_570 = arith.constant 2 : i32
          %parallel_loop3A_571 = arith.subi %parallel_loop3A_546, %parallel_loop3A_570 : i32
          %parallel_loop3A_572 = arith.index_cast %parallel_loop3A_569 : i32 to index
          %parallel_loop3A_573 = arith.index_cast %parallel_loop3A_571 : i32 to index
          %parallel_loop3A_574 = tpu.vector_load %arg7[%parallel_loop3A_572, %parallel_loop3A_573] {strides = array<i32>} : memref<320x128xf32, #tpu.memory_space<vmem>>, vector<16xf32>,
          %parallel_loop3A_575 = arith.constant 32 : i32
          %parallel_loop3A_576 = arith.addi %parallel_loop3A_575, %parallel_loop3A_213 : i32
          %parallel_loop3A_577 = arith.constant 1 : i32
          %parallel_loop3A_578 = arith.subi %parallel_loop3A_546, %parallel_loop3A_577 : i32
          %parallel_loop3A_579 = arith.index_cast %parallel_loop3A_576 : i32 to index
          %parallel_loop3A_580 = arith.index_cast %parallel_loop3A_578 : i32 to index
          %parallel_loop3A_581 = tpu.vector_load %arg7[%parallel_loop3A_579, %parallel_loop3A_580] {strides = array<i32>} : memref<320x128xf32, #tpu.memory_space<vmem>>, vector<16xf32>,
          %parallel_loop3A_582 = arith.constant 48 : i32
          %parallel_loop3A_583 = arith.addi %parallel_loop3A_582, %parallel_loop3A_213 : i32
          %parallel_loop3A_584 = arith.index_cast %parallel_loop3A_583 : i32 to index
          %parallel_loop3A_585 = arith.index_cast %parallel_loop3A_546 : i32 to index
          %parallel_loop3A_586 = tpu.vector_load %arg7[%parallel_loop3A_584, %parallel_loop3A_585] {strides = array<i32>} : memref<320x128xf32, #tpu.memory_space<vmem>>, vector<16xf32>,
          %parallel_loop3A_587 = arith.mulf %parallel_loop3A_574, %parallel_loop3A_581 : vector<16xf32>
          %parallel_loop3A_588 = arith.mulf %parallel_loop3A_587, %parallel_loop3A_586 : vector<16xf32>
          %parallel_loop3A_589 = arith.constant 32 : i32
          %parallel_loop3A_590 = arith.addi %parallel_loop3A_589, %parallel_loop3A_213 : i32
          %parallel_loop3A_591 = arith.constant 2 : i32
          %parallel_loop3A_592 = arith.subi %parallel_loop3A_546, %parallel_loop3A_591 : i32
          %parallel_loop3A_593 = arith.index_cast %parallel_loop3A_590 : i32 to index
          %parallel_loop3A_594 = arith.index_cast %parallel_loop3A_592 : i32 to index
          %parallel_loop3A_595 = tpu.vector_load %arg7[%parallel_loop3A_593, %parallel_loop3A_594] {strides = array<i32>} : memref<320x128xf32, #tpu.memory_space<vmem>>, vector<16xf32>,
          %parallel_loop3A_596 = arith.constant 48 : i32
          %parallel_loop3A_597 = arith.addi %parallel_loop3A_596, %parallel_loop3A_213 : i32
          %parallel_loop3A_598 = arith.constant 1 : i32
          %parallel_loop3A_599 = arith.subi %parallel_loop3A_546, %parallel_loop3A_598 : i32
          %parallel_loop3A_600 = arith.index_cast %parallel_loop3A_597 : i32 to index
          %parallel_loop3A_601 = arith.index_cast %parallel_loop3A_599 : i32 to index
          %parallel_loop3A_602 = tpu.vector_load %arg7[%parallel_loop3A_600, %parallel_loop3A_601] {strides = array<i32>} : memref<320x128xf32, #tpu.memory_space<vmem>>, vector<16xf32>,
          %parallel_loop3A_603 = arith.constant 64 : i32
          %parallel_loop3A_604 = arith.addi %parallel_loop3A_603, %parallel_loop3A_213 : i32
          %parallel_loop3A_605 = arith.index_cast %parallel_loop3A_604 : i32 to index
          %parallel_loop3A_606 = arith.index_cast %parallel_loop3A_546 : i32 to index
          %parallel_loop3A_607 = tpu.vector_load %arg7[%parallel_loop3A_605, %parallel_loop3A_606] {strides = array<i32>} : memref<320x128xf32, #tpu.memory_space<vmem>>, vector<16xf32>,
          %parallel_loop3A_608 = arith.mulf %parallel_loop3A_595, %parallel_loop3A_602 : vector<16xf32>
          %parallel_loop3A_609 = arith.mulf %parallel_loop3A_608, %parallel_loop3A_607 : vector<16xf32>
          %parallel_loop3A_610 = arith.constant 48 : i32
          %parallel_loop3A_611 = arith.addi %parallel_loop3A_610, %parallel_loop3A_213 : i32
          %parallel_loop3A_612 = arith.constant 2 : i32
          %parallel_loop3A_613 = arith.subi %parallel_loop3A_546, %parallel_loop3A_612 : i32
          %parallel_loop3A_614 = arith.index_cast %parallel_loop3A_611 : i32 to index
          %parallel_loop3A_615 = arith.index_cast %parallel_loop3A_613 : i32 to index
          %parallel_loop3A_616 = tpu.vector_load %arg7[%parallel_loop3A_614, %parallel_loop3A_615] {strides = array<i32>} : memref<320x128xf32, #tpu.memory_space<vmem>>, vector<16xf32>,
          %parallel_loop3A_617 = arith.constant 64 : i32
          %parallel_loop3A_618 = arith.addi %parallel_loop3A_617, %parallel_loop3A_213 : i32
          %parallel_loop3A_619 = arith.constant 1 : i32
          %parallel_loop3A_620 = arith.subi %parallel_loop3A_546, %parallel_loop3A_619 : i32
          %parallel_loop3A_621 = arith.index_cast %parallel_loop3A_618 : i32 to index
          %parallel_loop3A_622 = arith.index_cast %parallel_loop3A_620 : i32 to index
          %parallel_loop3A_623 = tpu.vector_load %arg7[%parallel_loop3A_621, %parallel_loop3A_622] {strides = array<i32>} : memref<320x128xf32, #tpu.memory_space<vmem>>, vector<16xf32>,
          %parallel_loop3A_624 = arith.constant 80 : i32
          %parallel_loop3A_625 = arith.addi %parallel_loop3A_624, %parallel_loop3A_213 : i32
          %parallel_loop3A_626 = arith.index_cast %parallel_loop3A_625 : i32 to index
          %parallel_loop3A_627 = arith.index_cast %parallel_loop3A_546 : i32 to index
          %parallel_loop3A_628 = tpu.vector_load %arg7[%parallel_loop3A_626, %parallel_loop3A_627] {strides = array<i32>} : memref<320x128xf32, #tpu.memory_space<vmem>>, vector<16xf32>,
          %parallel_loop3A_629 = arith.mulf %parallel_loop3A_616, %parallel_loop3A_623 : vector<16xf32>
          %parallel_loop3A_630 = arith.mulf %parallel_loop3A_629, %parallel_loop3A_628 : vector<16xf32>
          %parallel_loop3A_631 = arith.constant 64 : i32
          %parallel_loop3A_632 = arith.addi %parallel_loop3A_631, %parallel_loop3A_213 : i32
          %parallel_loop3A_633 = arith.constant 2 : i32
          %parallel_loop3A_634 = arith.subi %parallel_loop3A_546, %parallel_loop3A_633 : i32
          %parallel_loop3A_635 = arith.index_cast %parallel_loop3A_632 : i32 to index
          %parallel_loop3A_636 = arith.index_cast %parallel_loop3A_634 : i32 to index
          %parallel_loop3A_637 = tpu.vector_load %arg7[%parallel_loop3A_635, %parallel_loop3A_636] {strides = array<i32>} : memref<320x128xf32, #tpu.memory_space<vmem>>, vector<16xf32>,
          %parallel_loop3A_638 = arith.constant 80 : i32
          %parallel_loop3A_639 = arith.addi %parallel_loop3A_638, %parallel_loop3A_213 : i32
          %parallel_loop3A_640 = arith.constant 1 : i32
          %parallel_loop3A_641 = arith.subi %parallel_loop3A_546, %parallel_loop3A_640 : i32
          %parallel_loop3A_642 = arith.index_cast %parallel_loop3A_639 : i32 to index
          %parallel_loop3A_643 = arith.index_cast %parallel_loop3A_641 : i32 to index
          %parallel_loop3A_644 = tpu.vector_load %arg7[%parallel_loop3A_642, %parallel_loop3A_643] {strides = array<i32>} : memref<320x128xf32, #tpu.memory_space<vmem>>, vector<16xf32>,
          %parallel_loop3A_645 = arith.constant 96 : i32
          %parallel_loop3A_646 = arith.addi %parallel_loop3A_645, %parallel_loop3A_213 : i32
          %parallel_loop3A_647 = arith.index_cast %parallel_loop3A_646 : i32 to index
          %parallel_loop3A_648 = arith.index_cast %parallel_loop3A_546 : i32 to index
          %parallel_loop3A_649 = tpu.vector_load %arg7[%parallel_loop3A_647, %parallel_loop3A_648] {strides = array<i32>} : memref<320x128xf32, #tpu.memory_space<vmem>>, vector<16xf32>,
          %parallel_loop3A_650 = arith.mulf %parallel_loop3A_637, %parallel_loop3A_644 : vector<16xf32>
          %parallel_loop3A_651 = arith.mulf %parallel_loop3A_650, %parallel_loop3A_649 : vector<16xf32>
          %parallel_loop3A_652 = arith.addf %parallel_loop3A_567, %parallel_loop3A_651 : vector<16xf32>
          %parallel_loop3A_653 = arith.constant 80 : i32
          %parallel_loop3A_654 = arith.addi %parallel_loop3A_653, %parallel_loop3A_213 : i32
          %parallel_loop3A_655 = arith.constant 2 : i32
          %parallel_loop3A_656 = arith.subi %parallel_loop3A_546, %parallel_loop3A_655 : i32
          %parallel_loop3A_657 = arith.index_cast %parallel_loop3A_654 : i32 to index
          %parallel_loop3A_658 = arith.index_cast %parallel_loop3A_656 : i32 to index
          %parallel_loop3A_659 = tpu.vector_load %arg7[%parallel_loop3A_657, %parallel_loop3A_658] {strides = array<i32>} : memref<320x128xf32, #tpu.memory_space<vmem>>, vector<16xf32>,
          %parallel_loop3A_660 = arith.constant 96 : i32
          %parallel_loop3A_661 = arith.addi %parallel_loop3A_660, %parallel_loop3A_213 : i32
          %parallel_loop3A_662 = arith.constant 1 : i32
          %parallel_loop3A_663 = arith.subi %parallel_loop3A_546, %parallel_loop3A_662 : i32
          %parallel_loop3A_664 = arith.index_cast %parallel_loop3A_661 : i32 to index
          %parallel_loop3A_665 = arith.index_cast %parallel_loop3A_663 : i32 to index
          %parallel_loop3A_666 = tpu.vector_load %arg7[%parallel_loop3A_664, %parallel_loop3A_665] {strides = array<i32>} : memref<320x128xf32, #tpu.memory_space<vmem>>, vector<16xf32>,
          %parallel_loop3A_667 = arith.constant 112 : i32
          %parallel_loop3A_668 = arith.addi %parallel_loop3A_667, %parallel_loop3A_213 : i32
          %parallel_loop3A_669 = arith.index_cast %parallel_loop3A_668 : i32 to index
          %parallel_loop3A_670 = arith.index_cast %parallel_loop3A_546 : i32 to index
          %parallel_loop3A_671 = tpu.vector_load %arg7[%parallel_loop3A_669, %parallel_loop3A_670] {strides = array<i32>} : memref<320x128xf32, #tpu.memory_space<vmem>>, vector<16xf32>,
          %parallel_loop3A_672 = arith.mulf %parallel_loop3A_659, %parallel_loop3A_666 : vector<16xf32>
          %parallel_loop3A_673 = arith.mulf %parallel_loop3A_672, %parallel_loop3A_671 : vector<16xf32>
          %parallel_loop3A_674 = arith.addf %parallel_loop3A_588, %parallel_loop3A_673 : vector<16xf32>
          %parallel_loop3A_675 = arith.constant 96 : i32
          %parallel_loop3A_676 = arith.addi %parallel_loop3A_675, %parallel_loop3A_213 : i32
          %parallel_loop3A_677 = arith.constant 2 : i32
          %parallel_loop3A_678 = arith.subi %parallel_loop3A_546, %parallel_loop3A_677 : i32
          %parallel_loop3A_679 = arith.index_cast %parallel_loop3A_676 : i32 to index
          %parallel_loop3A_680 = arith.index_cast %parallel_loop3A_678 : i32 to index
          %parallel_loop3A_681 = tpu.vector_load %arg7[%parallel_loop3A_679, %parallel_loop3A_680] {strides = array<i32>} : memref<320x128xf32, #tpu.memory_space<vmem>>, vector<16xf32>,
          %parallel_loop3A_682 = arith.constant 112 : i32
          %parallel_loop3A_683 = arith.addi %parallel_loop3A_682, %parallel_loop3A_213 : i32
          %parallel_loop3A_684 = arith.constant 1 : i32
          %parallel_loop3A_685 = arith.subi %parallel_loop3A_546, %parallel_loop3A_684 : i32
          %parallel_loop3A_686 = arith.index_cast %parallel_loop3A_683 : i32 to index
          %parallel_loop3A_687 = arith.index_cast %parallel_loop3A_685 : i32 to index
          %parallel_loop3A_688 = tpu.vector_load %arg7[%parallel_loop3A_686, %parallel_loop3A_687] {strides = array<i32>} : memref<320x128xf32, #tpu.memory_space<vmem>>, vector<16xf32>,
          %parallel_loop3A_689 = arith.constant 128 : i32
          %parallel_loop3A_690 = arith.addi %parallel_loop3A_689, %parallel_loop3A_213 : i32
          %parallel_loop3A_691 = arith.index_cast %parallel_loop3A_690 : i32 to index
          %parallel_loop3A_692 = arith.index_cast %parallel_loop3A_546 : i32 to index
          %parallel_loop3A_693 = tpu.vector_load %arg7[%parallel_loop3A_691, %parallel_loop3A_692] {strides = array<i32>} : memref<320x128xf32, #tpu.memory_space<vmem>>, vector<16xf32>,
          %parallel_loop3A_694 = arith.mulf %parallel_loop3A_681, %parallel_loop3A_688 : vector<16xf32>
          %parallel_loop3A_695 = arith.mulf %parallel_loop3A_694, %parallel_loop3A_693 : vector<16xf32>
          %parallel_loop3A_696 = arith.addf %parallel_loop3A_609, %parallel_loop3A_695 : vector<16xf32>
          %parallel_loop3A_697 = arith.constant 112 : i32
          %parallel_loop3A_698 = arith.addi %parallel_loop3A_697, %parallel_loop3A_213 : i32
          %parallel_loop3A_699 = arith.constant 2 : i32
          %parallel_loop3A_700 = arith.subi %parallel_loop3A_546, %parallel_loop3A_699 : i32
          %parallel_loop3A_701 = arith.index_cast %parallel_loop3A_698 : i32 to index
          %parallel_loop3A_702 = arith.index_cast %parallel_loop3A_700 : i32 to index
          %parallel_loop3A_703 = tpu.vector_load %arg7[%parallel_loop3A_701, %parallel_loop3A_702] {strides = array<i32>} : memref<320x128xf32, #tpu.memory_space<vmem>>, vector<16xf32>,
          %parallel_loop3A_704 = arith.constant 128 : i32
          %parallel_loop3A_705 = arith.addi %parallel_loop3A_704, %parallel_loop3A_213 : i32
          %parallel_loop3A_706 = arith.constant 1 : i32
          %parallel_loop3A_707 = arith.subi %parallel_loop3A_546, %parallel_loop3A_706 : i32
          %parallel_loop3A_708 = arith.index_cast %parallel_loop3A_705 : i32 to index
          %parallel_loop3A_709 = arith.index_cast %parallel_loop3A_707 : i32 to index
          %parallel_loop3A_710 = tpu.vector_load %arg7[%parallel_loop3A_708, %parallel_loop3A_709] {strides = array<i32>} : memref<320x128xf32, #tpu.memory_space<vmem>>, vector<16xf32>,
          %parallel_loop3A_711 = arith.constant 144 : i32
          %parallel_loop3A_712 = arith.addi %parallel_loop3A_711, %parallel_loop3A_213 : i32
          %parallel_loop3A_713 = arith.index_cast %parallel_loop3A_712 : i32 to index
          %parallel_loop3A_714 = arith.index_cast %parallel_loop3A_546 : i32 to index
          %parallel_loop3A_715 = tpu.vector_load %arg7[%parallel_loop3A_713, %parallel_loop3A_714] {strides = array<i32>} : memref<320x128xf32, #tpu.memory_space<vmem>>, vector<16xf32>,
          %parallel_loop3A_716 = arith.mulf %parallel_loop3A_703, %parallel_loop3A_710 : vector<16xf32>
          %parallel_loop3A_717 = arith.mulf %parallel_loop3A_716, %parallel_loop3A_715 : vector<16xf32>
          %parallel_loop3A_718 = arith.addf %parallel_loop3A_630, %parallel_loop3A_717 : vector<16xf32>
          %parallel_loop3A_719 = arith.constant 128 : i32
          %parallel_loop3A_720 = arith.addi %parallel_loop3A_719, %parallel_loop3A_213 : i32
          %parallel_loop3A_721 = arith.constant 2 : i32
          %parallel_loop3A_722 = arith.subi %parallel_loop3A_546, %parallel_loop3A_721 : i32
          %parallel_loop3A_723 = arith.index_cast %parallel_loop3A_720 : i32 to index
          %parallel_loop3A_724 = arith.index_cast %parallel_loop3A_722 : i32 to index
          %parallel_loop3A_725 = tpu.vector_load %arg7[%parallel_loop3A_723, %parallel_loop3A_724] {strides = array<i32>} : memref<320x128xf32, #tpu.memory_space<vmem>>, vector<16xf32>,
          %parallel_loop3A_726 = arith.constant 144 : i32
          %parallel_loop3A_727 = arith.addi %parallel_loop3A_726, %parallel_loop3A_213 : i32
          %parallel_loop3A_728 = arith.constant 1 : i32
          %parallel_loop3A_729 = arith.subi %parallel_loop3A_546, %parallel_loop3A_728 : i32
          %parallel_loop3A_730 = arith.index_cast %parallel_loop3A_727 : i32 to index
          %parallel_loop3A_731 = arith.index_cast %parallel_loop3A_729 : i32 to index
          %parallel_loop3A_732 = tpu.vector_load %arg7[%parallel_loop3A_730, %parallel_loop3A_731] {strides = array<i32>} : memref<320x128xf32, #tpu.memory_space<vmem>>, vector<16xf32>,
          %parallel_loop3A_733 = arith.constant 160 : i32
          %parallel_loop3A_734 = arith.addi %parallel_loop3A_733, %parallel_loop3A_213 : i32
          %parallel_loop3A_735 = arith.index_cast %parallel_loop3A_734 : i32 to index
          %parallel_loop3A_736 = arith.index_cast %parallel_loop3A_546 : i32 to index
          %parallel_loop3A_737 = tpu.vector_load %arg7[%parallel_loop3A_735, %parallel_loop3A_736] {strides = array<i32>} : memref<320x128xf32, #tpu.memory_space<vmem>>, vector<16xf32>,
          %parallel_loop3A_738 = arith.mulf %parallel_loop3A_725, %parallel_loop3A_732 : vector<16xf32>
          %parallel_loop3A_739 = arith.mulf %parallel_loop3A_738, %parallel_loop3A_737 : vector<16xf32>
          %parallel_loop3A_740 = arith.addf %parallel_loop3A_652, %parallel_loop3A_739 : vector<16xf32>
          %parallel_loop3A_741 = arith.constant 144 : i32
          %parallel_loop3A_742 = arith.addi %parallel_loop3A_741, %parallel_loop3A_213 : i32
          %parallel_loop3A_743 = arith.constant 2 : i32
          %parallel_loop3A_744 = arith.subi %parallel_loop3A_546, %parallel_loop3A_743 : i32
          %parallel_loop3A_745 = arith.index_cast %parallel_loop3A_742 : i32 to index
          %parallel_loop3A_746 = arith.index_cast %parallel_loop3A_744 : i32 to index
          %parallel_loop3A_747 = tpu.vector_load %arg7[%parallel_loop3A_745, %parallel_loop3A_746] {strides = array<i32>} : memref<320x128xf32, #tpu.memory_space<vmem>>, vector<16xf32>,
          %parallel_loop3A_748 = arith.constant 160 : i32
          %parallel_loop3A_749 = arith.addi %parallel_loop3A_748, %parallel_loop3A_213 : i32
          %parallel_loop3A_750 = arith.constant 1 : i32
          %parallel_loop3A_751 = arith.subi %parallel_loop3A_546, %parallel_loop3A_750 : i32
          %parallel_loop3A_752 = arith.index_cast %parallel_loop3A_749 : i32 to index
          %parallel_loop3A_753 = arith.index_cast %parallel_loop3A_751 : i32 to index
          %parallel_loop3A_754 = tpu.vector_load %arg7[%parallel_loop3A_752, %parallel_loop3A_753] {strides = array<i32>} : memref<320x128xf32, #tpu.memory_space<vmem>>, vector<16xf32>,
          %parallel_loop3A_755 = arith.constant 176 : i32
          %parallel_loop3A_756 = arith.addi %parallel_loop3A_755, %parallel_loop3A_213 : i32
          %parallel_loop3A_757 = arith.index_cast %parallel_loop3A_756 : i32 to index
          %parallel_loop3A_758 = arith.index_cast %parallel_loop3A_546 : i32 to index
          %parallel_loop3A_759 = tpu.vector_load %arg7[%parallel_loop3A_757, %parallel_loop3A_758] {strides = array<i32>} : memref<320x128xf32, #tpu.memory_space<vmem>>, vector<16xf32>,
          %parallel_loop3A_760 = arith.mulf %parallel_loop3A_747, %parallel_loop3A_754 : vector<16xf32>
          %parallel_loop3A_761 = arith.mulf %parallel_loop3A_760, %parallel_loop3A_759 : vector<16xf32>
          %parallel_loop3A_762 = arith.addf %parallel_loop3A_674, %parallel_loop3A_761 : vector<16xf32>
          %parallel_loop3A_763 = arith.constant 160 : i32
          %parallel_loop3A_764 = arith.addi %parallel_loop3A_763, %parallel_loop3A_213 : i32
          %parallel_loop3A_765 = arith.constant 2 : i32
          %parallel_loop3A_766 = arith.subi %parallel_loop3A_546, %parallel_loop3A_765 : i32
          %parallel_loop3A_767 = arith.index_cast %parallel_loop3A_764 : i32 to index
          %parallel_loop3A_768 = arith.index_cast %parallel_loop3A_766 : i32 to index
          %parallel_loop3A_769 = tpu.vector_load %arg7[%parallel_loop3A_767, %parallel_loop3A_768] {strides = array<i32>} : memref<320x128xf32, #tpu.memory_space<vmem>>, vector<16xf32>,
          %parallel_loop3A_770 = arith.constant 176 : i32
          %parallel_loop3A_771 = arith.addi %parallel_loop3A_770, %parallel_loop3A_213 : i32
          %parallel_loop3A_772 = arith.constant 1 : i32
          %parallel_loop3A_773 = arith.subi %parallel_loop3A_546, %parallel_loop3A_772 : i32
          %parallel_loop3A_774 = arith.index_cast %parallel_loop3A_771 : i32 to index
          %parallel_loop3A_775 = arith.index_cast %parallel_loop3A_773 : i32 to index
          %parallel_loop3A_776 = tpu.vector_load %arg7[%parallel_loop3A_774, %parallel_loop3A_775] {strides = array<i32>} : memref<320x128xf32, #tpu.memory_space<vmem>>, vector<16xf32>,
          %parallel_loop3A_777 = arith.constant 192 : i32
          %parallel_loop3A_778 = arith.addi %parallel_loop3A_777, %parallel_loop3A_213 : i32
          %parallel_loop3A_779 = arith.index_cast %parallel_loop3A_778 : i32 to index
          %parallel_loop3A_780 = arith.index_cast %parallel_loop3A_546 : i32 to index
          %parallel_loop3A_781 = tpu.vector_load %arg7[%parallel_loop3A_779, %parallel_loop3A_780] {strides = array<i32>} : memref<320x128xf32, #tpu.memory_space<vmem>>, vector<16xf32>,
          %parallel_loop3A_782 = arith.mulf %parallel_loop3A_769, %parallel_loop3A_776 : vector<16xf32>
          %parallel_loop3A_783 = arith.mulf %parallel_loop3A_782, %parallel_loop3A_781 : vector<16xf32>
          %parallel_loop3A_784 = arith.addf %parallel_loop3A_696, %parallel_loop3A_783 : vector<16xf32>
          %parallel_loop3A_785 = arith.constant 176 : i32
          %parallel_loop3A_786 = arith.addi %parallel_loop3A_785, %parallel_loop3A_213 : i32
          %parallel_loop3A_787 = arith.constant 2 : i32
          %parallel_loop3A_788 = arith.subi %parallel_loop3A_546, %parallel_loop3A_787 : i32
          %parallel_loop3A_789 = arith.index_cast %parallel_loop3A_786 : i32 to index
          %parallel_loop3A_790 = arith.index_cast %parallel_loop3A_788 : i32 to index
          %parallel_loop3A_791 = tpu.vector_load %arg7[%parallel_loop3A_789, %parallel_loop3A_790] {strides = array<i32>} : memref<320x128xf32, #tpu.memory_space<vmem>>, vector<16xf32>,
          %parallel_loop3A_792 = arith.constant 192 : i32
          %parallel_loop3A_793 = arith.addi %parallel_loop3A_792, %parallel_loop3A_213 : i32
          %parallel_loop3A_794 = arith.constant 1 : i32
          %parallel_loop3A_795 = arith.subi %parallel_loop3A_546, %parallel_loop3A_794 : i32
          %parallel_loop3A_796 = arith.index_cast %parallel_loop3A_793 : i32 to index
          %parallel_loop3A_797 = arith.index_cast %parallel_loop3A_795 : i32 to index
          %parallel_loop3A_798 = tpu.vector_load %arg7[%parallel_loop3A_796, %parallel_loop3A_797] {strides = array<i32>} : memref<320x128xf32, #tpu.memory_space<vmem>>, vector<16xf32>,
          %parallel_loop3A_799 = arith.constant 208 : i32
          %parallel_loop3A_800 = arith.addi %parallel_loop3A_799, %parallel_loop3A_213 : i32
          %parallel_loop3A_801 = arith.index_cast %parallel_loop3A_800 : i32 to index
          %parallel_loop3A_802 = arith.index_cast %parallel_loop3A_546 : i32 to index
          %parallel_loop3A_803 = tpu.vector_load %arg7[%parallel_loop3A_801, %parallel_loop3A_802] {strides = array<i32>} : memref<320x128xf32, #tpu.memory_space<vmem>>, vector<16xf32>,
          %parallel_loop3A_804 = arith.mulf %parallel_loop3A_791, %parallel_loop3A_798 : vector<16xf32>
          %parallel_loop3A_805 = arith.mulf %parallel_loop3A_804, %parallel_loop3A_803 : vector<16xf32>
          %parallel_loop3A_806 = arith.addf %parallel_loop3A_718, %parallel_loop3A_805 : vector<16xf32>
          %parallel_loop3A_807 = arith.constant 192 : i32
          %parallel_loop3A_808 = arith.addi %parallel_loop3A_807, %parallel_loop3A_213 : i32
          %parallel_loop3A_809 = arith.constant 2 : i32
          %parallel_loop3A_810 = arith.subi %parallel_loop3A_546, %parallel_loop3A_809 : i32
          %parallel_loop3A_811 = arith.index_cast %parallel_loop3A_808 : i32 to index
          %parallel_loop3A_812 = arith.index_cast %parallel_loop3A_810 : i32 to index
          %parallel_loop3A_813 = tpu.vector_load %arg7[%parallel_loop3A_811, %parallel_loop3A_812] {strides = array<i32>} : memref<320x128xf32, #tpu.memory_space<vmem>>, vector<16xf32>,
          %parallel_loop3A_814 = arith.constant 208 : i32
          %parallel_loop3A_815 = arith.addi %parallel_loop3A_814, %parallel_loop3A_213 : i32
          %parallel_loop3A_816 = arith.constant 1 : i32
          %parallel_loop3A_817 = arith.subi %parallel_loop3A_546, %parallel_loop3A_816 : i32
          %parallel_loop3A_818 = arith.index_cast %parallel_loop3A_815 : i32 to index
          %parallel_loop3A_819 = arith.index_cast %parallel_loop3A_817 : i32 to index
          %parallel_loop3A_820 = tpu.vector_load %arg7[%parallel_loop3A_818, %parallel_loop3A_819] {strides = array<i32>} : memref<320x128xf32, #tpu.memory_space<vmem>>, vector<16xf32>,
          %parallel_loop3A_821 = arith.constant 224 : i32
          %parallel_loop3A_822 = arith.addi %parallel_loop3A_821, %parallel_loop3A_213 : i32
          %parallel_loop3A_823 = arith.index_cast %parallel_loop3A_822 : i32 to index
          %parallel_loop3A_824 = arith.index_cast %parallel_loop3A_546 : i32 to index
          %parallel_loop3A_825 = tpu.vector_load %arg7[%parallel_loop3A_823, %parallel_loop3A_824] {strides = array<i32>} : memref<320x128xf32, #tpu.memory_space<vmem>>, vector<16xf32>,
          %parallel_loop3A_826 = arith.mulf %parallel_loop3A_813, %parallel_loop3A_820 : vector<16xf32>
          %parallel_loop3A_827 = arith.mulf %parallel_loop3A_826, %parallel_loop3A_825 : vector<16xf32>
          %parallel_loop3A_828 = arith.addf %parallel_loop3A_740, %parallel_loop3A_827 : vector<16xf32>
          %parallel_loop3A_829 = arith.constant 208 : i32
          %parallel_loop3A_830 = arith.addi %parallel_loop3A_829, %parallel_loop3A_213 : i32
          %parallel_loop3A_831 = arith.constant 2 : i32
          %parallel_loop3A_832 = arith.subi %parallel_loop3A_546, %parallel_loop3A_831 : i32
          %parallel_loop3A_833 = arith.index_cast %parallel_loop3A_830 : i32 to index
          %parallel_loop3A_834 = arith.index_cast %parallel_loop3A_832 : i32 to index
          %parallel_loop3A_835 = tpu.vector_load %arg7[%parallel_loop3A_833, %parallel_loop3A_834] {strides = array<i32>} : memref<320x128xf32, #tpu.memory_space<vmem>>, vector<16xf32>,
          %parallel_loop3A_836 = arith.constant 224 : i32
          %parallel_loop3A_837 = arith.addi %parallel_loop3A_836, %parallel_loop3A_213 : i32
          %parallel_loop3A_838 = arith.constant 1 : i32
          %parallel_loop3A_839 = arith.subi %parallel_loop3A_546, %parallel_loop3A_838 : i32
          %parallel_loop3A_840 = arith.index_cast %parallel_loop3A_837 : i32 to index
          %parallel_loop3A_841 = arith.index_cast %parallel_loop3A_839 : i32 to index
          %parallel_loop3A_842 = tpu.vector_load %arg7[%parallel_loop3A_840, %parallel_loop3A_841] {strides = array<i32>} : memref<320x128xf32, #tpu.memory_space<vmem>>, vector<16xf32>,
          %parallel_loop3A_843 = arith.constant 240 : i32
          %parallel_loop3A_844 = arith.addi %parallel_loop3A_843, %parallel_loop3A_213 : i32
          %parallel_loop3A_845 = arith.index_cast %parallel_loop3A_844 : i32 to index
          %parallel_loop3A_846 = arith.index_cast %parallel_loop3A_546 : i32 to index
          %parallel_loop3A_847 = tpu.vector_load %arg7[%parallel_loop3A_845, %parallel_loop3A_846] {strides = array<i32>} : memref<320x128xf32, #tpu.memory_space<vmem>>, vector<16xf32>,
          %parallel_loop3A_848 = arith.mulf %parallel_loop3A_835, %parallel_loop3A_842 : vector<16xf32>
          %parallel_loop3A_849 = arith.mulf %parallel_loop3A_848, %parallel_loop3A_847 : vector<16xf32>
          %parallel_loop3A_850 = arith.addf %parallel_loop3A_762, %parallel_loop3A_849 : vector<16xf32>
          %parallel_loop3A_851 = arith.constant 224 : i32
          %parallel_loop3A_852 = arith.addi %parallel_loop3A_851, %parallel_loop3A_213 : i32
          %parallel_loop3A_853 = arith.constant 2 : i32
          %parallel_loop3A_854 = arith.subi %parallel_loop3A_546, %parallel_loop3A_853 : i32
          %parallel_loop3A_855 = arith.index_cast %parallel_loop3A_852 : i32 to index
          %parallel_loop3A_856 = arith.index_cast %parallel_loop3A_854 : i32 to index
          %parallel_loop3A_857 = tpu.vector_load %arg7[%parallel_loop3A_855, %parallel_loop3A_856] {strides = array<i32>} : memref<320x128xf32, #tpu.memory_space<vmem>>, vector<16xf32>,
          %parallel_loop3A_858 = arith.constant 240 : i32
          %parallel_loop3A_859 = arith.addi %parallel_loop3A_858, %parallel_loop3A_213 : i32
          %parallel_loop3A_860 = arith.constant 1 : i32
          %parallel_loop3A_861 = arith.subi %parallel_loop3A_546, %parallel_loop3A_860 : i32
          %parallel_loop3A_862 = arith.index_cast %parallel_loop3A_859 : i32 to index
          %parallel_loop3A_863 = arith.index_cast %parallel_loop3A_861 : i32 to index
          %parallel_loop3A_864 = tpu.vector_load %arg7[%parallel_loop3A_862, %parallel_loop3A_863] {strides = array<i32>} : memref<320x128xf32, #tpu.memory_space<vmem>>, vector<16xf32>,
          %parallel_loop3A_865 = arith.constant 256 : i32
          %parallel_loop3A_866 = arith.addi %parallel_loop3A_865, %parallel_loop3A_213 : i32
          %parallel_loop3A_867 = arith.index_cast %parallel_loop3A_866 : i32 to index
          %parallel_loop3A_868 = arith.index_cast %parallel_loop3A_546 : i32 to index
          %parallel_loop3A_869 = tpu.vector_load %arg7[%parallel_loop3A_867, %parallel_loop3A_868] {strides = array<i32>} : memref<320x128xf32, #tpu.memory_space<vmem>>, vector<16xf32>,
          %parallel_loop3A_870 = arith.mulf %parallel_loop3A_857, %parallel_loop3A_864 : vector<16xf32>
          %parallel_loop3A_871 = arith.mulf %parallel_loop3A_870, %parallel_loop3A_869 : vector<16xf32>
          %parallel_loop3A_872 = arith.addf %parallel_loop3A_784, %parallel_loop3A_871 : vector<16xf32>
          %parallel_loop3A_873 = arith.constant 240 : i32
          %parallel_loop3A_874 = arith.addi %parallel_loop3A_873, %parallel_loop3A_213 : i32
          %parallel_loop3A_875 = arith.constant 2 : i32
          %parallel_loop3A_876 = arith.subi %parallel_loop3A_546, %parallel_loop3A_875 : i32
          %parallel_loop3A_877 = arith.index_cast %parallel_loop3A_874 : i32 to index
          %parallel_loop3A_878 = arith.index_cast %parallel_loop3A_876 : i32 to index
          %parallel_loop3A_879 = tpu.vector_load %arg7[%parallel_loop3A_877, %parallel_loop3A_878] {strides = array<i32>} : memref<320x128xf32, #tpu.memory_space<vmem>>, vector<16xf32>,
          %parallel_loop3A_880 = arith.constant 256 : i32
          %parallel_loop3A_881 = arith.addi %parallel_loop3A_880, %parallel_loop3A_213 : i32
          %parallel_loop3A_882 = arith.constant 1 : i32
          %parallel_loop3A_883 = arith.subi %parallel_loop3A_546, %parallel_loop3A_882 : i32
          %parallel_loop3A_884 = arith.index_cast %parallel_loop3A_881 : i32 to index
          %parallel_loop3A_885 = arith.index_cast %parallel_loop3A_883 : i32 to index
          %parallel_loop3A_886 = tpu.vector_load %arg7[%parallel_loop3A_884, %parallel_loop3A_885] {strides = array<i32>} : memref<320x128xf32, #tpu.memory_space<vmem>>, vector<16xf32>,
          %parallel_loop3A_887 = arith.constant 272 : i32
          %parallel_loop3A_888 = arith.addi %parallel_loop3A_887, %parallel_loop3A_213 : i32
          %parallel_loop3A_889 = arith.index_cast %parallel_loop3A_888 : i32 to index
          %parallel_loop3A_890 = arith.index_cast %parallel_loop3A_546 : i32 to index
          %parallel_loop3A_891 = tpu.vector_load %arg7[%parallel_loop3A_889, %parallel_loop3A_890] {strides = array<i32>} : memref<320x128xf32, #tpu.memory_space<vmem>>, vector<16xf32>,
          %parallel_loop3A_892 = arith.mulf %parallel_loop3A_879, %parallel_loop3A_886 : vector<16xf32>
          %parallel_loop3A_893 = arith.mulf %parallel_loop3A_892, %parallel_loop3A_891 : vector<16xf32>
          %parallel_loop3A_894 = arith.addf %parallel_loop3A_806, %parallel_loop3A_893 : vector<16xf32>
          %parallel_loop3A_895 = arith.constant 256 : i32
          %parallel_loop3A_896 = arith.addi %parallel_loop3A_895, %parallel_loop3A_213 : i32
          %parallel_loop3A_897 = arith.constant 2 : i32
          %parallel_loop3A_898 = arith.subi %parallel_loop3A_546, %parallel_loop3A_897 : i32
          %parallel_loop3A_899 = arith.index_cast %parallel_loop3A_896 : i32 to index
          %parallel_loop3A_900 = arith.index_cast %parallel_loop3A_898 : i32 to index
          %parallel_loop3A_901 = tpu.vector_load %arg7[%parallel_loop3A_899, %parallel_loop3A_900] {strides = array<i32>} : memref<320x128xf32, #tpu.memory_space<vmem>>, vector<16xf32>,
          %parallel_loop3A_902 = arith.constant 272 : i32
          %parallel_loop3A_903 = arith.addi %parallel_loop3A_902, %parallel_loop3A_213 : i32
          %parallel_loop3A_904 = arith.constant 1 : i32
          %parallel_loop3A_905 = arith.subi %parallel_loop3A_546, %parallel_loop3A_904 : i32
          %parallel_loop3A_906 = arith.index_cast %parallel_loop3A_903 : i32 to index
          %parallel_loop3A_907 = arith.index_cast %parallel_loop3A_905 : i32 to index
          %parallel_loop3A_908 = tpu.vector_load %arg7[%parallel_loop3A_906, %parallel_loop3A_907] {strides = array<i32>} : memref<320x128xf32, #tpu.memory_space<vmem>>, vector<16xf32>,
          %parallel_loop3A_909 = arith.constant 288 : i32
          %parallel_loop3A_910 = arith.addi %parallel_loop3A_909, %parallel_loop3A_213 : i32
          %parallel_loop3A_911 = arith.index_cast %parallel_loop3A_910 : i32 to index
          %parallel_loop3A_912 = arith.index_cast %parallel_loop3A_546 : i32 to index
          %parallel_loop3A_913 = tpu.vector_load %arg7[%parallel_loop3A_911, %parallel_loop3A_912] {strides = array<i32>} : memref<320x128xf32, #tpu.memory_space<vmem>>, vector<16xf32>,
          %parallel_loop3A_914 = arith.mulf %parallel_loop3A_901, %parallel_loop3A_908 : vector<16xf32>
          %parallel_loop3A_915 = arith.mulf %parallel_loop3A_914, %parallel_loop3A_913 : vector<16xf32>
          %parallel_loop3A_916 = arith.addf %parallel_loop3A_828, %parallel_loop3A_915 : vector<16xf32>
          %parallel_loop3A_917 = arith.constant 272 : i32
          %parallel_loop3A_918 = arith.addi %parallel_loop3A_917, %parallel_loop3A_213 : i32
          %parallel_loop3A_919 = arith.constant 2 : i32
          %parallel_loop3A_920 = arith.subi %parallel_loop3A_546, %parallel_loop3A_919 : i32
          %parallel_loop3A_921 = arith.index_cast %parallel_loop3A_918 : i32 to index
          %parallel_loop3A_922 = arith.index_cast %parallel_loop3A_920 : i32 to index
          %parallel_loop3A_923 = tpu.vector_load %arg7[%parallel_loop3A_921, %parallel_loop3A_922] {strides = array<i32>} : memref<320x128xf32, #tpu.memory_space<vmem>>, vector<16xf32>,
          %parallel_loop3A_924 = arith.constant 288 : i32
          %parallel_loop3A_925 = arith.addi %parallel_loop3A_924, %parallel_loop3A_213 : i32
          %parallel_loop3A_926 = arith.constant 1 : i32
          %parallel_loop3A_927 = arith.subi %parallel_loop3A_546, %parallel_loop3A_926 : i32
          %parallel_loop3A_928 = arith.index_cast %parallel_loop3A_925 : i32 to index
          %parallel_loop3A_929 = arith.index_cast %parallel_loop3A_927 : i32 to index
          %parallel_loop3A_930 = tpu.vector_load %arg7[%parallel_loop3A_928, %parallel_loop3A_929] {strides = array<i32>} : memref<320x128xf32, #tpu.memory_space<vmem>>, vector<16xf32>,
          %parallel_loop3A_931 = arith.constant 304 : i32
          %parallel_loop3A_932 = arith.addi %parallel_loop3A_931, %parallel_loop3A_213 : i32
          %parallel_loop3A_933 = arith.index_cast %parallel_loop3A_932 : i32 to index
          %parallel_loop3A_934 = arith.index_cast %parallel_loop3A_546 : i32 to index
          %parallel_loop3A_935 = tpu.vector_load %arg7[%parallel_loop3A_933, %parallel_loop3A_934] {strides = array<i32>} : memref<320x128xf32, #tpu.memory_space<vmem>>, vector<16xf32>,
          %parallel_loop3A_936 = arith.mulf %parallel_loop3A_923, %parallel_loop3A_930 : vector<16xf32>
          %parallel_loop3A_937 = arith.mulf %parallel_loop3A_936, %parallel_loop3A_935 : vector<16xf32>
          %parallel_loop3A_938 = arith.addf %parallel_loop3A_850, %parallel_loop3A_937 : vector<16xf32>
          %parallel_loop3A_939 = arith.addf %parallel_loop3A_916, %parallel_loop3A_938 : vector<16xf32>
          %parallel_loop3A_940 = arith.addf %parallel_loop3A_872, %parallel_loop3A_894 : vector<16xf32>
          %parallel_loop3A_941 = arith.addf %parallel_loop3A_939, %parallel_loop3A_940 : vector<16xf32>
          %parallel_loop3A_942 = arith.constant 0.000000e+00 : f32
          %parallel_loop3A_943 = vector.broadcast %parallel_loop3A_942 : f32 to vector<16xf32>
          %parallel_loop3A_944 = arith.cmpf ogt, %parallel_loop3A_941, %parallel_loop3A_943 : vector<16xf32>
          %parallel_loop3A_945 = arith.constant 0.000000e+00 : f32
          %parallel_loop3A_946 = vector.broadcast %parallel_loop3A_945 : f32 to vector<16xf32>
          %parallel_loop3A_947 = arith.subf %parallel_loop3A_946, %broadcast_in_dim3A_3 : vector<16xf32>
          %parallel_loop3A_948 = arith.select %parallel_loop3A_944, %broadcast_in_dim3A_3, %parallel_loop3A_947 : vector<16xi1>, vector<16xf32>
          %parallel_loop3A_949 = arith.index_cast %parallel_loop3A_213 : i32 to index
          %parallel_loop3A_950 = arith.index_cast %parallel_loop3A_546 : i32 to index
          %parallel_loop3A_951 = tpu.vector_load %arg9[%parallel_loop3A_949, %parallel_loop3A_950] {strides = array<i32>} : memref<16x128xf32, #tpu.memory_space<vmem>>, vector<16xf32>,
          tpu.vector_store %arg9[%parallel_loop3A_949, %parallel_loop3A_950], %parallel_loop3A_948 {strides = array<i32>} : memref<16x128xf32, #tpu.memory_space<vmem>>, vector<16xf32>,
        } {sc.loop_unroll_factor = 2 : i64, sc.parallel_access}
      } {sc.loop_unroll_factor = 1 : i64, sc.parallel_access}
      %add3A_136 = arith.addi %mul3A_2, %mul3A_53 : i32
      %shift_right_arithmetic3A = arith.constant 3 : i32
      %shift_right_arithmetic3A_137 = arith.shrsi %add3A_136, %shift_right_arithmetic3A : i32
      %shift_left3A = arith.constant 7 : i32
      %shift_left3A_138 = arith.shli %shift_right_arithmetic3A_137, %shift_left3A : i32
      %and3A = arith.constant 7 : i32
      %and3A_139 = arith.andi %add3A_136, %and3A : i32
      %or3A = arith.ori %shift_left3A_138, %and3A_139 : i32
      %broadcast_in_dim3A_140 = vector.broadcast %or3A : i32 to vector<16xi32>
      %mul3A_141 = arith.constant 8 : i32
      %mul3A_142 = vector.broadcast %mul3A_141 : i32 to vector<16xi32>
      %mul3A_143 = arith.muli %mul3A_142, %iota3A : vector<16xi32>
      %add3A_144 = arith.addi %broadcast_in_dim3A_140, %mul3A_143 : vector<16xi32>
      %swap3A = arith.constant 0 : index
      %swap3A_145 = tpu.vector_load %arg11[%swap3A] {strides = array<i32>} : memref<16xi32, #tpu.memory_space<vmem>>, vector<16xi32>,
      tpu.vector_store %arg11[%swap3A], %add3A_144 {strides = array<i32>} : memref<16xi32, #tpu.memory_space<vmem>>, vector<16xi32>,
      %dma_start3A_146 = arith.constant 0 : i32
      %dma_start3A_147 = arith.constant 0 : i32
      %dma_start3A_148 = tpu.memref_slice %arg4[%dma_start3A_146, %dma_start3A_147] : memref<16384x128xf32, #tpu.memory_space<hbm>> -> memref<16384x128xf32, #tpu.memory_space<hbm>>
      tpu.enqueue_indirect_dma source(%arg9 : memref<16x128xf32, #tpu.memory_space<vmem>>) target(%dma_start3A_148 : memref<16384x128xf32, #tpu.memory_space<hbm>>) offsets(%arg11 : memref<16xi32, #tpu.memory_space<vmem>>) semaphore(%arg15 : memref<!tpu.dma_semaphore, #tpu.memory_space<semaphore_mem>>)
      %lt3A = arith.constant 15 : i32
      %lt3A_149 = arith.cmpi slt, %scan3A_51, %lt3A : i32
      %convert_element_type3A_150 = arith.extui %lt3A_149 : i1 to i32
      %cond3A_151 = arith.constant 0 : i32
      %cond3A_152 = arith.cmpi ne, %convert_element_type3A_150, %cond3A_151 : i32
      scf.if %cond3A_152 {
        %add3A_213 = arith.constant 2 : i32
        %add3A_214 = arith.addi %mul3A_53, %add3A_213 : i32
        %mul3A_215 = arith.constant 320 : i32
        %mul3A_216 = arith.muli %add3A_214, %mul3A_215 : i32
        %add3A_217 = arith.constant 0 : i32
        %add3A_218 = arith.addi %mul3A_216, %add3A_217 : i32
        %dma_start3A_219 = arith.constant 0 : i32
        %dma_start3A_220 = arith.constant 0 : i32
        %dma_start3A_221 = tpu.memref_slice %arg7[%dma_start3A_219, %dma_start3A_220] : memref<320x128xf32, #tpu.memory_space<vmem>> -> memref<80x128xf32, #tpu.memory_space<vmem>>
        %dma_start3A_222 = tpu.memref_slice %arg6[%add3A_218] : memref<10240xi32, #tpu.memory_space<vmem>> -> memref<80xi32, #tpu.memory_space<vmem>>
        %dma_start3A_223 = arith.constant 0 : i32
        %dma_start3A_224 = arith.constant 0 : i32
        %dma_start3A_225 = tpu.memref_slice %arg3[%dma_start3A_223, %dma_start3A_224] : memref<1600000x128xf32, #tpu.memory_space<hbm>> -> memref<1600000x128xf32, #tpu.memory_space<hbm>>
        tpu.enqueue_indirect_dma source(%dma_start3A_225 : memref<1600000x128xf32, #tpu.memory_space<hbm>>) target(%dma_start3A_221 : memref<80x128xf32, #tpu.memory_space<vmem>>) offsets(%dma_start3A_222 : memref<80xi32, #tpu.memory_space<vmem>>) semaphore(%arg13 : memref<!tpu.dma_semaphore, #tpu.memory_space<semaphore_mem>>)
        %mul3A_226 = arith.constant 320 : i32
        %mul3A_227 = arith.muli %add3A_214, %mul3A_226 : i32
        %add3A_228 = arith.constant 80 : i32
        %add3A_229 = arith.addi %mul3A_227, %add3A_228 : i32
        %dma_start3A_230 = arith.constant 80 : i32
        %dma_start3A_231 = arith.constant 0 : i32
        %dma_start3A_232 = tpu.memref_slice %arg7[%dma_start3A_230, %dma_start3A_231] : memref<320x128xf32, #tpu.memory_space<vmem>> -> memref<80x128xf32, #tpu.memory_space<vmem>>
        %dma_start3A_233 = tpu.memref_slice %arg6[%add3A_229] : memref<10240xi32, #tpu.memory_space<vmem>> -> memref<80xi32, #tpu.memory_space<vmem>>
        %dma_start3A_234 = arith.constant 0 : i32
        %dma_start3A_235 = arith.constant 0 : i32
        %dma_start3A_236 = tpu.memref_slice %arg3[%dma_start3A_234, %dma_start3A_235] : memref<1600000x128xf32, #tpu.memory_space<hbm>> -> memref<1600000x128xf32, #tpu.memory_space<hbm>>
        tpu.enqueue_indirect_dma source(%dma_start3A_236 : memref<1600000x128xf32, #tpu.memory_space<hbm>>) target(%dma_start3A_232 : memref<80x128xf32, #tpu.memory_space<vmem>>) offsets(%dma_start3A_233 : memref<80xi32, #tpu.memory_space<vmem>>) semaphore(%arg13 : memref<!tpu.dma_semaphore, #tpu.memory_space<semaphore_mem>>)
        %mul3A_237 = arith.constant 320 : i32
        %mul3A_238 = arith.muli %add3A_214, %mul3A_237 : i32
        %add3A_239 = arith.constant 160 : i32
        %add3A_240 = arith.addi %mul3A_238, %add3A_239 : i32
        %dma_start3A_241 = arith.constant 160 : i32
        %dma_start3A_242 = arith.constant 0 : i32
        %dma_start3A_243 = tpu.memref_slice %arg7[%dma_start3A_241, %dma_start3A_242] : memref<320x128xf32, #tpu.memory_space<vmem>> -> memref<80x128xf32, #tpu.memory_space<vmem>>
        %dma_start3A_244 = tpu.memref_slice %arg6[%add3A_240] : memref<10240xi32, #tpu.memory_space<vmem>> -> memref<80xi32, #tpu.memory_space<vmem>>
        %dma_start3A_245 = arith.constant 0 : i32
        %dma_start3A_246 = arith.constant 0 : i32
        %dma_start3A_247 = tpu.memref_slice %arg3[%dma_start3A_245, %dma_start3A_246] : memref<1600000x128xf32, #tpu.memory_space<hbm>> -> memref<1600000x128xf32, #tpu.memory_space<hbm>>
        tpu.enqueue_indirect_dma source(%dma_start3A_247 : memref<1600000x128xf32, #tpu.memory_space<hbm>>) target(%dma_start3A_243 : memref<80x128xf32, #tpu.memory_space<vmem>>) offsets(%dma_start3A_244 : memref<80xi32, #tpu.memory_space<vmem>>) semaphore(%arg13 : memref<!tpu.dma_semaphore, #tpu.memory_space<semaphore_mem>>)
        %mul3A_248 = arith.constant 320 : i32
        %mul3A_249 = arith.muli %add3A_214, %mul3A_248 : i32
        %add3A_250 = arith.constant 240 : i32
        %add3A_251 = arith.addi %mul3A_249, %add3A_250 : i32
        %dma_start3A_252 = arith.constant 240 : i32
        %dma_start3A_253 = arith.constant 0 : i32
        %dma_start3A_254 = tpu.memref_slice %arg7[%dma_start3A_252, %dma_start3A_253] : memref<320x128xf32, #tpu.memory_space<vmem>> -> memref<80x128xf32, #tpu.memory_space<vmem>>
        %dma_start3A_255 = tpu.memref_slice %arg6[%add3A_251] : memref<10240xi32, #tpu.memory_space<vmem>> -> memref<80xi32, #tpu.memory_space<vmem>>
        %dma_start3A_256 = arith.constant 0 : i32
        %dma_start3A_257 = arith.constant 0 : i32
        %dma_start3A_258 = tpu.memref_slice %arg3[%dma_start3A_256, %dma_start3A_257] : memref<1600000x128xf32, #tpu.memory_space<hbm>> -> memref<1600000x128xf32, #tpu.memory_space<hbm>>
        tpu.enqueue_indirect_dma source(%dma_start3A_258 : memref<1600000x128xf32, #tpu.memory_space<hbm>>) target(%dma_start3A_254 : memref<80x128xf32, #tpu.memory_space<vmem>>) offsets(%dma_start3A_255 : memref<80xi32, #tpu.memory_space<vmem>>) semaphore(%arg13 : memref<!tpu.dma_semaphore, #tpu.memory_space<semaphore_mem>>)
      } else {
      }
      %dma_wait3A_153 = arith.constant 0 : i32
      %dma_wait3A_154 = arith.constant 0 : i32
      %dma_wait3A_155 = tpu.memref_slice %arg8[%dma_wait3A_153, %dma_wait3A_154] : memref<320x128xf32, #tpu.memory_space<vmem>> -> memref<80x128xf32, #tpu.memory_space<vmem>>
      %dma_wait3A_156 = arith.constant 0 : i32
      %dma_wait3A_157 = tpu.memref_slice %arg6[%dma_wait3A_156] : memref<10240xi32, #tpu.memory_space<vmem>> -> memref<80xi32, #tpu.memory_space<vmem>>
      %dma_wait3A_158 = arith.constant 0 : i32
      %dma_wait3A_159 = arith.constant 0 : i32
      %dma_wait3A_160 = tpu.memref_slice %arg3[%dma_wait3A_158, %dma_wait3A_159] : memref<1600000x128xf32, #tpu.memory_space<hbm>> -> memref<1600000x128xf32, #tpu.memory_space<hbm>>
      tpu.wait_indirect_dma semaphore(%arg14 : memref<!tpu.dma_semaphore, #tpu.memory_space<semaphore_mem>>) src(%dma_wait3A_160 : memref<1600000x128xf32, #tpu.memory_space<hbm>>) dst(%dma_wait3A_155 : memref<80x128xf32, #tpu.memory_space<vmem>>)
      %dma_wait3A_161 = arith.constant 80 : i32
      %dma_wait3A_162 = arith.constant 0 : i32
      %dma_wait3A_163 = tpu.memref_slice %arg8[%dma_wait3A_161, %dma_wait3A_162] : memref<320x128xf32, #tpu.memory_space<vmem>> -> memref<80x128xf32, #tpu.memory_space<vmem>>
      %dma_wait3A_164 = arith.constant 80 : i32
      %dma_wait3A_165 = tpu.memref_slice %arg6[%dma_wait3A_164] : memref<10240xi32, #tpu.memory_space<vmem>> -> memref<80xi32, #tpu.memory_space<vmem>>
      %dma_wait3A_166 = arith.constant 0 : i32
      %dma_wait3A_167 = arith.constant 0 : i32
      %dma_wait3A_168 = tpu.memref_slice %arg3[%dma_wait3A_166, %dma_wait3A_167] : memref<1600000x128xf32, #tpu.memory_space<hbm>> -> memref<1600000x128xf32, #tpu.memory_space<hbm>>
      tpu.wait_indirect_dma semaphore(%arg14 : memref<!tpu.dma_semaphore, #tpu.memory_space<semaphore_mem>>) src(%dma_wait3A_168 : memref<1600000x128xf32, #tpu.memory_space<hbm>>) dst(%dma_wait3A_163 : memref<80x128xf32, #tpu.memory_space<vmem>>)
      %dma_wait3A_169 = arith.constant 160 : i32
      %dma_wait3A_170 = arith.constant 0 : i32
      %dma_wait3A_171 = tpu.memref_slice %arg8[%dma_wait3A_169, %dma_wait3A_170] : memref<320x128xf32, #tpu.memory_space<vmem>> -> memref<80x128xf32, #tpu.memory_space<vmem>>
      %dma_wait3A_172 = arith.constant 160 : i32
      %dma_wait3A_173 = tpu.memref_slice %arg6[%dma_wait3A_172] : memref<10240xi32, #tpu.memory_space<vmem>> -> memref<80xi32, #tpu.memory_space<vmem>>
      %dma_wait3A_174 = arith.constant 0 : i32
      %dma_wait3A_175 = arith.constant 0 : i32
      %dma_wait3A_176 = tpu.memref_slice %arg3[%dma_wait3A_174, %dma_wait3A_175] : memref<1600000x128xf32, #tpu.memory_space<hbm>> -> memref<1600000x128xf32, #tpu.memory_space<hbm>>
      tpu.wait_indirect_dma semaphore(%arg14 : memref<!tpu.dma_semaphore, #tpu.memory_space<semaphore_mem>>) src(%dma_wait3A_176 : memref<1600000x128xf32, #tpu.memory_space<hbm>>) dst(%dma_wait3A_171 : memref<80x128xf32, #tpu.memory_space<vmem>>)
      %dma_wait3A_177 = arith.constant 240 : i32
      %dma_wait3A_178 = arith.constant 0 : i32
      %dma_wait3A_179 = tpu.memref_slice %arg8[%dma_wait3A_177, %dma_wait3A_178] : memref<320x128xf32, #tpu.memory_space<vmem>> -> memref<80x128xf32, #tpu.memory_space<vmem>>
      %dma_wait3A_180 = arith.constant 240 : i32
      %dma_wait3A_181 = tpu.memref_slice %arg6[%dma_wait3A_180] : memref<10240xi32, #tpu.memory_space<vmem>> -> memref<80xi32, #tpu.memory_space<vmem>>
      %dma_wait3A_182 = arith.constant 0 : i32
      %dma_wait3A_183 = arith.constant 0 : i32
      %dma_wait3A_184 = tpu.memref_slice %arg3[%dma_wait3A_182, %dma_wait3A_183] : memref<1600000x128xf32, #tpu.memory_space<hbm>> -> memref<1600000x128xf32, #tpu.memory_space<hbm>>
      tpu.wait_indirect_dma semaphore(%arg14 : memref<!tpu.dma_semaphore, #tpu.memory_space<semaphore_mem>>) src(%dma_wait3A_184 : memref<1600000x128xf32, #tpu.memory_space<hbm>>) dst(%dma_wait3A_179 : memref<80x128xf32, #tpu.memory_space<vmem>>)
      %gt3A_185 = arith.constant 0 : i32
      %gt3A_186 = arith.cmpi sgt, %scan3A_51, %gt3A_185 : i32
      %convert_element_type3A_187 = arith.extui %gt3A_186 : i1 to i32
      %cond3A_188 = arith.constant 0 : i32
      %cond3A_189 = arith.cmpi ne, %convert_element_type3A_187, %cond3A_188 : i32
      scf.if %cond3A_189 {
        %dma_wait3A_213 = arith.constant 0 : i32
        %dma_wait3A_214 = arith.constant 0 : i32
        %dma_wait3A_215 = tpu.memref_slice %arg4[%dma_wait3A_213, %dma_wait3A_214] : memref<16384x128xf32, #tpu.memory_space<hbm>> -> memref<16384x128xf32, #tpu.memory_space<hbm>>
        tpu.wait_indirect_dma semaphore(%arg16 : memref<!tpu.dma_semaphore, #tpu.memory_space<semaphore_mem>>) src(%arg10 : memref<16x128xf32, #tpu.memory_space<vmem>>) dst(%dma_wait3A_215 : memref<16384x128xf32, #tpu.memory_space<hbm>>)
      } else {
      }
      %parallel_loop3A_190 = arith.constant 0 : i32
      %parallel_loop3A_191 = arith.constant 16 : i32
      %parallel_loop3A_192 = arith.constant 1 : i32
      scf.for %parallel_loop3A_213 = %parallel_loop3A_190 to %parallel_loop3A_191 step %parallel_loop3A_192  : i32 {
        %parallel_loop3A_214 = arith.constant 16 : i32
        %parallel_loop3A_215 = arith.addi %parallel_loop3A_213, %parallel_loop3A_214 : i32
        %parallel_loop3A_216 = arith.constant 1 : i32
        %parallel_loop3A_217 = arith.subi %parallel_loop3A_215, %parallel_loop3A_216 : i32
        %parallel_loop3A_218 = arith.constant 15 : i32
        %parallel_loop3A_219 = arith.andi %parallel_loop3A_217, %parallel_loop3A_218 : i32
        %parallel_loop3A_220 = arith.constant 2 : i32
        %parallel_loop3A_221 = vector.broadcast %parallel_loop3A_220 : i32 to vector<16xi32>
        %parallel_loop3A_222 = arith.cmpi slt, %iota3A, %parallel_loop3A_221 : vector<16xi32>
        %parallel_loop3A_223 = vector.broadcast %parallel_loop3A_219 : i32 to vector<16xi32>
        %parallel_loop3A_224 = vector.broadcast %parallel_loop3A_213 : i32 to vector<16xi32>
        %parallel_loop3A_225 = arith.select %parallel_loop3A_222, %parallel_loop3A_223, %parallel_loop3A_224 : vector<16xi1>, vector<16xi32>
        %parallel_loop3A_226 = arith.constant 1 : i32
        %parallel_loop3A_227 = vector.broadcast %parallel_loop3A_226 : i32 to vector<16xi32>
        %parallel_loop3A_228 = arith.cmpi slt, %iota3A, %parallel_loop3A_227 : vector<16xi32>
        %parallel_loop3A_229 = vector.broadcast %parallel_loop3A_219 : i32 to vector<16xi32>
        %parallel_loop3A_230 = vector.broadcast %parallel_loop3A_213 : i32 to vector<16xi32>
        %parallel_loop3A_231 = arith.select %parallel_loop3A_228, %parallel_loop3A_229, %parallel_loop3A_230 : vector<16xi1>, vector<16xi32>
        %parallel_loop3A_232 = arith.constant 2 : i32
        %parallel_loop3A_233 = vector.broadcast %parallel_loop3A_232 : i32 to vector<16xi32>
        %parallel_loop3A_234 = arith.subi %iota3A, %parallel_loop3A_233 : vector<16xi32>
        %parallel_loop3A_235 = arith.constant 127 : i32
        %parallel_loop3A_236 = vector.broadcast %parallel_loop3A_235 : i32 to vector<16xi32>
        %parallel_loop3A_237 = arith.andi %parallel_loop3A_234, %parallel_loop3A_236 : vector<16xi32>
        %parallel_loop3A_238 = arith.constant 1 : i32
        %parallel_loop3A_239 = vector.broadcast %parallel_loop3A_238 : i32 to vector<16xi32>
        %parallel_loop3A_240 = arith.subi %iota3A, %parallel_loop3A_239 : vector<16xi32>
        %parallel_loop3A_241 = arith.constant 127 : i32
        %parallel_loop3A_242 = vector.broadcast %parallel_loop3A_241 : i32 to vector<16xi32>
        %parallel_loop3A_243 = arith.andi %parallel_loop3A_240, %parallel_loop3A_242 : vector<16xi32>
        %parallel_loop3A_244 = arith.constant 0 : i32
        %parallel_loop3A_245 = vector.broadcast %parallel_loop3A_244 : i32 to vector<16xi32>
        %parallel_loop3A_246 = arith.addi %parallel_loop3A_245, %parallel_loop3A_225 : vector<16xi32>
        %parallel_loop3A_247 = tpu.vector_load_idx %arg8[%parallel_loop3A_246, %parallel_loop3A_237] : memref<320x128xf32, #tpu.memory_space<vmem>>[vector<16xi32>, vector<16xi32>], vector<16xf32>,
        %parallel_loop3A_248 = arith.constant 16 : i32
        %parallel_loop3A_249 = vector.broadcast %parallel_loop3A_248 : i32 to vector<16xi32>
        %parallel_loop3A_250 = arith.addi %parallel_loop3A_249, %parallel_loop3A_231 : vector<16xi32>
        %parallel_loop3A_251 = tpu.vector_load_idx %arg8[%parallel_loop3A_250, %parallel_loop3A_243] : memref<320x128xf32, #tpu.memory_space<vmem>>[vector<16xi32>, vector<16xi32>], vector<16xf32>,
        %parallel_loop3A_252 = arith.constant 32 : i32
        %parallel_loop3A_253 = arith.addi %parallel_loop3A_252, %parallel_loop3A_213 : i32
        %parallel_loop3A_254 = arith.index_cast %parallel_loop3A_253 : i32 to index
        %parallel_loop3A_255 = arith.constant 0 : index
        %parallel_loop3A_256 = tpu.vector_load %arg8[%parallel_loop3A_254, %parallel_loop3A_255] {strides = array<i32>} : memref<320x128xf32, #tpu.memory_space<vmem>>, vector<16xf32>,
        %parallel_loop3A_257 = arith.mulf %parallel_loop3A_247, %parallel_loop3A_251 : vector<16xf32>
        %parallel_loop3A_258 = arith.mulf %parallel_loop3A_257, %parallel_loop3A_256 : vector<16xf32>
        %parallel_loop3A_259 = arith.constant 16 : i32
        %parallel_loop3A_260 = vector.broadcast %parallel_loop3A_259 : i32 to vector<16xi32>
        %parallel_loop3A_261 = arith.addi %parallel_loop3A_260, %parallel_loop3A_225 : vector<16xi32>
        %parallel_loop3A_262 = tpu.vector_load_idx %arg8[%parallel_loop3A_261, %parallel_loop3A_237] : memref<320x128xf32, #tpu.memory_space<vmem>>[vector<16xi32>, vector<16xi32>], vector<16xf32>,
        %parallel_loop3A_263 = arith.constant 32 : i32
        %parallel_loop3A_264 = vector.broadcast %parallel_loop3A_263 : i32 to vector<16xi32>
        %parallel_loop3A_265 = arith.addi %parallel_loop3A_264, %parallel_loop3A_231 : vector<16xi32>
        %parallel_loop3A_266 = tpu.vector_load_idx %arg8[%parallel_loop3A_265, %parallel_loop3A_243] : memref<320x128xf32, #tpu.memory_space<vmem>>[vector<16xi32>, vector<16xi32>], vector<16xf32>,
        %parallel_loop3A_267 = arith.constant 48 : i32
        %parallel_loop3A_268 = arith.addi %parallel_loop3A_267, %parallel_loop3A_213 : i32
        %parallel_loop3A_269 = arith.index_cast %parallel_loop3A_268 : i32 to index
        %parallel_loop3A_270 = arith.constant 0 : index
        %parallel_loop3A_271 = tpu.vector_load %arg8[%parallel_loop3A_269, %parallel_loop3A_270] {strides = array<i32>} : memref<320x128xf32, #tpu.memory_space<vmem>>, vector<16xf32>,
        %parallel_loop3A_272 = arith.mulf %parallel_loop3A_262, %parallel_loop3A_266 : vector<16xf32>
        %parallel_loop3A_273 = arith.mulf %parallel_loop3A_272, %parallel_loop3A_271 : vector<16xf32>
        %parallel_loop3A_274 = arith.constant 32 : i32
        %parallel_loop3A_275 = vector.broadcast %parallel_loop3A_274 : i32 to vector<16xi32>
        %parallel_loop3A_276 = arith.addi %parallel_loop3A_275, %parallel_loop3A_225 : vector<16xi32>
        %parallel_loop3A_277 = tpu.vector_load_idx %arg8[%parallel_loop3A_276, %parallel_loop3A_237] : memref<320x128xf32, #tpu.memory_space<vmem>>[vector<16xi32>, vector<16xi32>], vector<16xf32>,
        %parallel_loop3A_278 = arith.constant 48 : i32
        %parallel_loop3A_279 = vector.broadcast %parallel_loop3A_278 : i32 to vector<16xi32>
        %parallel_loop3A_280 = arith.addi %parallel_loop3A_279, %parallel_loop3A_231 : vector<16xi32>
        %parallel_loop3A_281 = tpu.vector_load_idx %arg8[%parallel_loop3A_280, %parallel_loop3A_243] : memref<320x128xf32, #tpu.memory_space<vmem>>[vector<16xi32>, vector<16xi32>], vector<16xf32>,
        %parallel_loop3A_282 = arith.constant 64 : i32
        %parallel_loop3A_283 = arith.addi %parallel_loop3A_282, %parallel_loop3A_213 : i32
        %parallel_loop3A_284 = arith.index_cast %parallel_loop3A_283 : i32 to index
        %parallel_loop3A_285 = arith.constant 0 : index
        %parallel_loop3A_286 = tpu.vector_load %arg8[%parallel_loop3A_284, %parallel_loop3A_285] {strides = array<i32>} : memref<320x128xf32, #tpu.memory_space<vmem>>, vector<16xf32>,
        %parallel_loop3A_287 = arith.mulf %parallel_loop3A_277, %parallel_loop3A_281 : vector<16xf32>
        %parallel_loop3A_288 = arith.mulf %parallel_loop3A_287, %parallel_loop3A_286 : vector<16xf32>
        %parallel_loop3A_289 = arith.constant 48 : i32
        %parallel_loop3A_290 = vector.broadcast %parallel_loop3A_289 : i32 to vector<16xi32>
        %parallel_loop3A_291 = arith.addi %parallel_loop3A_290, %parallel_loop3A_225 : vector<16xi32>
        %parallel_loop3A_292 = tpu.vector_load_idx %arg8[%parallel_loop3A_291, %parallel_loop3A_237] : memref<320x128xf32, #tpu.memory_space<vmem>>[vector<16xi32>, vector<16xi32>], vector<16xf32>,
        %parallel_loop3A_293 = arith.constant 64 : i32
        %parallel_loop3A_294 = vector.broadcast %parallel_loop3A_293 : i32 to vector<16xi32>
        %parallel_loop3A_295 = arith.addi %parallel_loop3A_294, %parallel_loop3A_231 : vector<16xi32>
        %parallel_loop3A_296 = tpu.vector_load_idx %arg8[%parallel_loop3A_295, %parallel_loop3A_243] : memref<320x128xf32, #tpu.memory_space<vmem>>[vector<16xi32>, vector<16xi32>], vector<16xf32>,
        %parallel_loop3A_297 = arith.constant 80 : i32
        %parallel_loop3A_298 = arith.addi %parallel_loop3A_297, %parallel_loop3A_213 : i32
        %parallel_loop3A_299 = arith.index_cast %parallel_loop3A_298 : i32 to index
        %parallel_loop3A_300 = arith.constant 0 : index
        %parallel_loop3A_301 = tpu.vector_load %arg8[%parallel_loop3A_299, %parallel_loop3A_300] {strides = array<i32>} : memref<320x128xf32, #tpu.memory_space<vmem>>, vector<16xf32>,
        %parallel_loop3A_302 = arith.mulf %parallel_loop3A_292, %parallel_loop3A_296 : vector<16xf32>
        %parallel_loop3A_303 = arith.mulf %parallel_loop3A_302, %parallel_loop3A_301 : vector<16xf32>
        %parallel_loop3A_304 = arith.constant 64 : i32
        %parallel_loop3A_305 = vector.broadcast %parallel_loop3A_304 : i32 to vector<16xi32>
        %parallel_loop3A_306 = arith.addi %parallel_loop3A_305, %parallel_loop3A_225 : vector<16xi32>
        %parallel_loop3A_307 = tpu.vector_load_idx %arg8[%parallel_loop3A_306, %parallel_loop3A_237] : memref<320x128xf32, #tpu.memory_space<vmem>>[vector<16xi32>, vector<16xi32>], vector<16xf32>,
        %parallel_loop3A_308 = arith.constant 80 : i32
        %parallel_loop3A_309 = vector.broadcast %parallel_loop3A_308 : i32 to vector<16xi32>
        %parallel_loop3A_310 = arith.addi %parallel_loop3A_309, %parallel_loop3A_231 : vector<16xi32>
        %parallel_loop3A_311 = tpu.vector_load_idx %arg8[%parallel_loop3A_310, %parallel_loop3A_243] : memref<320x128xf32, #tpu.memory_space<vmem>>[vector<16xi32>, vector<16xi32>], vector<16xf32>,
        %parallel_loop3A_312 = arith.constant 96 : i32
        %parallel_loop3A_313 = arith.addi %parallel_loop3A_312, %parallel_loop3A_213 : i32
        %parallel_loop3A_314 = arith.index_cast %parallel_loop3A_313 : i32 to index
        %parallel_loop3A_315 = arith.constant 0 : index
        %parallel_loop3A_316 = tpu.vector_load %arg8[%parallel_loop3A_314, %parallel_loop3A_315] {strides = array<i32>} : memref<320x128xf32, #tpu.memory_space<vmem>>, vector<16xf32>,
        %parallel_loop3A_317 = arith.mulf %parallel_loop3A_307, %parallel_loop3A_311 : vector<16xf32>
        %parallel_loop3A_318 = arith.mulf %parallel_loop3A_317, %parallel_loop3A_316 : vector<16xf32>
        %parallel_loop3A_319 = arith.addf %parallel_loop3A_258, %parallel_loop3A_318 : vector<16xf32>
        %parallel_loop3A_320 = arith.constant 80 : i32
        %parallel_loop3A_321 = vector.broadcast %parallel_loop3A_320 : i32 to vector<16xi32>
        %parallel_loop3A_322 = arith.addi %parallel_loop3A_321, %parallel_loop3A_225 : vector<16xi32>
        %parallel_loop3A_323 = tpu.vector_load_idx %arg8[%parallel_loop3A_322, %parallel_loop3A_237] : memref<320x128xf32, #tpu.memory_space<vmem>>[vector<16xi32>, vector<16xi32>], vector<16xf32>,
        %parallel_loop3A_324 = arith.constant 96 : i32
        %parallel_loop3A_325 = vector.broadcast %parallel_loop3A_324 : i32 to vector<16xi32>
        %parallel_loop3A_326 = arith.addi %parallel_loop3A_325, %parallel_loop3A_231 : vector<16xi32>
        %parallel_loop3A_327 = tpu.vector_load_idx %arg8[%parallel_loop3A_326, %parallel_loop3A_243] : memref<320x128xf32, #tpu.memory_space<vmem>>[vector<16xi32>, vector<16xi32>], vector<16xf32>,
        %parallel_loop3A_328 = arith.constant 112 : i32
        %parallel_loop3A_329 = arith.addi %parallel_loop3A_328, %parallel_loop3A_213 : i32
        %parallel_loop3A_330 = arith.index_cast %parallel_loop3A_329 : i32 to index
        %parallel_loop3A_331 = arith.constant 0 : index
        %parallel_loop3A_332 = tpu.vector_load %arg8[%parallel_loop3A_330, %parallel_loop3A_331] {strides = array<i32>} : memref<320x128xf32, #tpu.memory_space<vmem>>, vector<16xf32>,
        %parallel_loop3A_333 = arith.mulf %parallel_loop3A_323, %parallel_loop3A_327 : vector<16xf32>
        %parallel_loop3A_334 = arith.mulf %parallel_loop3A_333, %parallel_loop3A_332 : vector<16xf32>
        %parallel_loop3A_335 = arith.addf %parallel_loop3A_273, %parallel_loop3A_334 : vector<16xf32>
        %parallel_loop3A_336 = arith.constant 96 : i32
        %parallel_loop3A_337 = vector.broadcast %parallel_loop3A_336 : i32 to vector<16xi32>
        %parallel_loop3A_338 = arith.addi %parallel_loop3A_337, %parallel_loop3A_225 : vector<16xi32>
        %parallel_loop3A_339 = tpu.vector_load_idx %arg8[%parallel_loop3A_338, %parallel_loop3A_237] : memref<320x128xf32, #tpu.memory_space<vmem>>[vector<16xi32>, vector<16xi32>], vector<16xf32>,
        %parallel_loop3A_340 = arith.constant 112 : i32
        %parallel_loop3A_341 = vector.broadcast %parallel_loop3A_340 : i32 to vector<16xi32>
        %parallel_loop3A_342 = arith.addi %parallel_loop3A_341, %parallel_loop3A_231 : vector<16xi32>
        %parallel_loop3A_343 = tpu.vector_load_idx %arg8[%parallel_loop3A_342, %parallel_loop3A_243] : memref<320x128xf32, #tpu.memory_space<vmem>>[vector<16xi32>, vector<16xi32>], vector<16xf32>,
        %parallel_loop3A_344 = arith.constant 128 : i32
        %parallel_loop3A_345 = arith.addi %parallel_loop3A_344, %parallel_loop3A_213 : i32
        %parallel_loop3A_346 = arith.index_cast %parallel_loop3A_345 : i32 to index
        %parallel_loop3A_347 = arith.constant 0 : index
        %parallel_loop3A_348 = tpu.vector_load %arg8[%parallel_loop3A_346, %parallel_loop3A_347] {strides = array<i32>} : memref<320x128xf32, #tpu.memory_space<vmem>>, vector<16xf32>,
        %parallel_loop3A_349 = arith.mulf %parallel_loop3A_339, %parallel_loop3A_343 : vector<16xf32>
        %parallel_loop3A_350 = arith.mulf %parallel_loop3A_349, %parallel_loop3A_348 : vector<16xf32>
        %parallel_loop3A_351 = arith.addf %parallel_loop3A_288, %parallel_loop3A_350 : vector<16xf32>
        %parallel_loop3A_352 = arith.constant 112 : i32
        %parallel_loop3A_353 = vector.broadcast %parallel_loop3A_352 : i32 to vector<16xi32>
        %parallel_loop3A_354 = arith.addi %parallel_loop3A_353, %parallel_loop3A_225 : vector<16xi32>
        %parallel_loop3A_355 = tpu.vector_load_idx %arg8[%parallel_loop3A_354, %parallel_loop3A_237] : memref<320x128xf32, #tpu.memory_space<vmem>>[vector<16xi32>, vector<16xi32>], vector<16xf32>,
        %parallel_loop3A_356 = arith.constant 128 : i32
        %parallel_loop3A_357 = vector.broadcast %parallel_loop3A_356 : i32 to vector<16xi32>
        %parallel_loop3A_358 = arith.addi %parallel_loop3A_357, %parallel_loop3A_231 : vector<16xi32>
        %parallel_loop3A_359 = tpu.vector_load_idx %arg8[%parallel_loop3A_358, %parallel_loop3A_243] : memref<320x128xf32, #tpu.memory_space<vmem>>[vector<16xi32>, vector<16xi32>], vector<16xf32>,
        %parallel_loop3A_360 = arith.constant 144 : i32
        %parallel_loop3A_361 = arith.addi %parallel_loop3A_360, %parallel_loop3A_213 : i32
        %parallel_loop3A_362 = arith.index_cast %parallel_loop3A_361 : i32 to index
        %parallel_loop3A_363 = arith.constant 0 : index
        %parallel_loop3A_364 = tpu.vector_load %arg8[%parallel_loop3A_362, %parallel_loop3A_363] {strides = array<i32>} : memref<320x128xf32, #tpu.memory_space<vmem>>, vector<16xf32>,
        %parallel_loop3A_365 = arith.mulf %parallel_loop3A_355, %parallel_loop3A_359 : vector<16xf32>
        %parallel_loop3A_366 = arith.mulf %parallel_loop3A_365, %parallel_loop3A_364 : vector<16xf32>
        %parallel_loop3A_367 = arith.addf %parallel_loop3A_303, %parallel_loop3A_366 : vector<16xf32>
        %parallel_loop3A_368 = arith.constant 128 : i32
        %parallel_loop3A_369 = vector.broadcast %parallel_loop3A_368 : i32 to vector<16xi32>
        %parallel_loop3A_370 = arith.addi %parallel_loop3A_369, %parallel_loop3A_225 : vector<16xi32>
        %parallel_loop3A_371 = tpu.vector_load_idx %arg8[%parallel_loop3A_370, %parallel_loop3A_237] : memref<320x128xf32, #tpu.memory_space<vmem>>[vector<16xi32>, vector<16xi32>], vector<16xf32>,
        %parallel_loop3A_372 = arith.constant 144 : i32
        %parallel_loop3A_373 = vector.broadcast %parallel_loop3A_372 : i32 to vector<16xi32>
        %parallel_loop3A_374 = arith.addi %parallel_loop3A_373, %parallel_loop3A_231 : vector<16xi32>
        %parallel_loop3A_375 = tpu.vector_load_idx %arg8[%parallel_loop3A_374, %parallel_loop3A_243] : memref<320x128xf32, #tpu.memory_space<vmem>>[vector<16xi32>, vector<16xi32>], vector<16xf32>,
        %parallel_loop3A_376 = arith.constant 160 : i32
        %parallel_loop3A_377 = arith.addi %parallel_loop3A_376, %parallel_loop3A_213 : i32
        %parallel_loop3A_378 = arith.index_cast %parallel_loop3A_377 : i32 to index
        %parallel_loop3A_379 = arith.constant 0 : index
        %parallel_loop3A_380 = tpu.vector_load %arg8[%parallel_loop3A_378, %parallel_loop3A_379] {strides = array<i32>} : memref<320x128xf32, #tpu.memory_space<vmem>>, vector<16xf32>,
        %parallel_loop3A_381 = arith.mulf %parallel_loop3A_371, %parallel_loop3A_375 : vector<16xf32>
        %parallel_loop3A_382 = arith.mulf %parallel_loop3A_381, %parallel_loop3A_380 : vector<16xf32>
        %parallel_loop3A_383 = arith.addf %parallel_loop3A_319, %parallel_loop3A_382 : vector<16xf32>
        %parallel_loop3A_384 = arith.constant 144 : i32
        %parallel_loop3A_385 = vector.broadcast %parallel_loop3A_384 : i32 to vector<16xi32>
        %parallel_loop3A_386 = arith.addi %parallel_loop3A_385, %parallel_loop3A_225 : vector<16xi32>
        %parallel_loop3A_387 = tpu.vector_load_idx %arg8[%parallel_loop3A_386, %parallel_loop3A_237] : memref<320x128xf32, #tpu.memory_space<vmem>>[vector<16xi32>, vector<16xi32>], vector<16xf32>,
        %parallel_loop3A_388 = arith.constant 160 : i32
        %parallel_loop3A_389 = vector.broadcast %parallel_loop3A_388 : i32 to vector<16xi32>
        %parallel_loop3A_390 = arith.addi %parallel_loop3A_389, %parallel_loop3A_231 : vector<16xi32>
        %parallel_loop3A_391 = tpu.vector_load_idx %arg8[%parallel_loop3A_390, %parallel_loop3A_243] : memref<320x128xf32, #tpu.memory_space<vmem>>[vector<16xi32>, vector<16xi32>], vector<16xf32>,
        %parallel_loop3A_392 = arith.constant 176 : i32
        %parallel_loop3A_393 = arith.addi %parallel_loop3A_392, %parallel_loop3A_213 : i32
        %parallel_loop3A_394 = arith.index_cast %parallel_loop3A_393 : i32 to index
        %parallel_loop3A_395 = arith.constant 0 : index
        %parallel_loop3A_396 = tpu.vector_load %arg8[%parallel_loop3A_394, %parallel_loop3A_395] {strides = array<i32>} : memref<320x128xf32, #tpu.memory_space<vmem>>, vector<16xf32>,
        %parallel_loop3A_397 = arith.mulf %parallel_loop3A_387, %parallel_loop3A_391 : vector<16xf32>
        %parallel_loop3A_398 = arith.mulf %parallel_loop3A_397, %parallel_loop3A_396 : vector<16xf32>
        %parallel_loop3A_399 = arith.addf %parallel_loop3A_335, %parallel_loop3A_398 : vector<16xf32>
        %parallel_loop3A_400 = arith.constant 160 : i32
        %parallel_loop3A_401 = vector.broadcast %parallel_loop3A_400 : i32 to vector<16xi32>
        %parallel_loop3A_402 = arith.addi %parallel_loop3A_401, %parallel_loop3A_225 : vector<16xi32>
        %parallel_loop3A_403 = tpu.vector_load_idx %arg8[%parallel_loop3A_402, %parallel_loop3A_237] : memref<320x128xf32, #tpu.memory_space<vmem>>[vector<16xi32>, vector<16xi32>], vector<16xf32>,
        %parallel_loop3A_404 = arith.constant 176 : i32
        %parallel_loop3A_405 = vector.broadcast %parallel_loop3A_404 : i32 to vector<16xi32>
        %parallel_loop3A_406 = arith.addi %parallel_loop3A_405, %parallel_loop3A_231 : vector<16xi32>
        %parallel_loop3A_407 = tpu.vector_load_idx %arg8[%parallel_loop3A_406, %parallel_loop3A_243] : memref<320x128xf32, #tpu.memory_space<vmem>>[vector<16xi32>, vector<16xi32>], vector<16xf32>,
        %parallel_loop3A_408 = arith.constant 192 : i32
        %parallel_loop3A_409 = arith.addi %parallel_loop3A_408, %parallel_loop3A_213 : i32
        %parallel_loop3A_410 = arith.index_cast %parallel_loop3A_409 : i32 to index
        %parallel_loop3A_411 = arith.constant 0 : index
        %parallel_loop3A_412 = tpu.vector_load %arg8[%parallel_loop3A_410, %parallel_loop3A_411] {strides = array<i32>} : memref<320x128xf32, #tpu.memory_space<vmem>>, vector<16xf32>,
        %parallel_loop3A_413 = arith.mulf %parallel_loop3A_403, %parallel_loop3A_407 : vector<16xf32>
        %parallel_loop3A_414 = arith.mulf %parallel_loop3A_413, %parallel_loop3A_412 : vector<16xf32>
        %parallel_loop3A_415 = arith.addf %parallel_loop3A_351, %parallel_loop3A_414 : vector<16xf32>
        %parallel_loop3A_416 = arith.constant 176 : i32
        %parallel_loop3A_417 = vector.broadcast %parallel_loop3A_416 : i32 to vector<16xi32>
        %parallel_loop3A_418 = arith.addi %parallel_loop3A_417, %parallel_loop3A_225 : vector<16xi32>
        %parallel_loop3A_419 = tpu.vector_load_idx %arg8[%parallel_loop3A_418, %parallel_loop3A_237] : memref<320x128xf32, #tpu.memory_space<vmem>>[vector<16xi32>, vector<16xi32>], vector<16xf32>,
        %parallel_loop3A_420 = arith.constant 192 : i32
        %parallel_loop3A_421 = vector.broadcast %parallel_loop3A_420 : i32 to vector<16xi32>
        %parallel_loop3A_422 = arith.addi %parallel_loop3A_421, %parallel_loop3A_231 : vector<16xi32>
        %parallel_loop3A_423 = tpu.vector_load_idx %arg8[%parallel_loop3A_422, %parallel_loop3A_243] : memref<320x128xf32, #tpu.memory_space<vmem>>[vector<16xi32>, vector<16xi32>], vector<16xf32>,
        %parallel_loop3A_424 = arith.constant 208 : i32
        %parallel_loop3A_425 = arith.addi %parallel_loop3A_424, %parallel_loop3A_213 : i32
        %parallel_loop3A_426 = arith.index_cast %parallel_loop3A_425 : i32 to index
        %parallel_loop3A_427 = arith.constant 0 : index
        %parallel_loop3A_428 = tpu.vector_load %arg8[%parallel_loop3A_426, %parallel_loop3A_427] {strides = array<i32>} : memref<320x128xf32, #tpu.memory_space<vmem>>, vector<16xf32>,
        %parallel_loop3A_429 = arith.mulf %parallel_loop3A_419, %parallel_loop3A_423 : vector<16xf32>
        %parallel_loop3A_430 = arith.mulf %parallel_loop3A_429, %parallel_loop3A_428 : vector<16xf32>
        %parallel_loop3A_431 = arith.addf %parallel_loop3A_367, %parallel_loop3A_430 : vector<16xf32>
        %parallel_loop3A_432 = arith.constant 192 : i32
        %parallel_loop3A_433 = vector.broadcast %parallel_loop3A_432 : i32 to vector<16xi32>
        %parallel_loop3A_434 = arith.addi %parallel_loop3A_433, %parallel_loop3A_225 : vector<16xi32>
        %parallel_loop3A_435 = tpu.vector_load_idx %arg8[%parallel_loop3A_434, %parallel_loop3A_237] : memref<320x128xf32, #tpu.memory_space<vmem>>[vector<16xi32>, vector<16xi32>], vector<16xf32>,
        %parallel_loop3A_436 = arith.constant 208 : i32
        %parallel_loop3A_437 = vector.broadcast %parallel_loop3A_436 : i32 to vector<16xi32>
        %parallel_loop3A_438 = arith.addi %parallel_loop3A_437, %parallel_loop3A_231 : vector<16xi32>
        %parallel_loop3A_439 = tpu.vector_load_idx %arg8[%parallel_loop3A_438, %parallel_loop3A_243] : memref<320x128xf32, #tpu.memory_space<vmem>>[vector<16xi32>, vector<16xi32>], vector<16xf32>,
        %parallel_loop3A_440 = arith.constant 224 : i32
        %parallel_loop3A_441 = arith.addi %parallel_loop3A_440, %parallel_loop3A_213 : i32
        %parallel_loop3A_442 = arith.index_cast %parallel_loop3A_441 : i32 to index
        %parallel_loop3A_443 = arith.constant 0 : index
        %parallel_loop3A_444 = tpu.vector_load %arg8[%parallel_loop3A_442, %parallel_loop3A_443] {strides = array<i32>} : memref<320x128xf32, #tpu.memory_space<vmem>>, vector<16xf32>,
        %parallel_loop3A_445 = arith.mulf %parallel_loop3A_435, %parallel_loop3A_439 : vector<16xf32>
        %parallel_loop3A_446 = arith.mulf %parallel_loop3A_445, %parallel_loop3A_444 : vector<16xf32>
        %parallel_loop3A_447 = arith.addf %parallel_loop3A_383, %parallel_loop3A_446 : vector<16xf32>
        %parallel_loop3A_448 = arith.constant 208 : i32
        %parallel_loop3A_449 = vector.broadcast %parallel_loop3A_448 : i32 to vector<16xi32>
        %parallel_loop3A_450 = arith.addi %parallel_loop3A_449, %parallel_loop3A_225 : vector<16xi32>
        %parallel_loop3A_451 = tpu.vector_load_idx %arg8[%parallel_loop3A_450, %parallel_loop3A_237] : memref<320x128xf32, #tpu.memory_space<vmem>>[vector<16xi32>, vector<16xi32>], vector<16xf32>,
        %parallel_loop3A_452 = arith.constant 224 : i32
        %parallel_loop3A_453 = vector.broadcast %parallel_loop3A_452 : i32 to vector<16xi32>
        %parallel_loop3A_454 = arith.addi %parallel_loop3A_453, %parallel_loop3A_231 : vector<16xi32>
        %parallel_loop3A_455 = tpu.vector_load_idx %arg8[%parallel_loop3A_454, %parallel_loop3A_243] : memref<320x128xf32, #tpu.memory_space<vmem>>[vector<16xi32>, vector<16xi32>], vector<16xf32>,
        %parallel_loop3A_456 = arith.constant 240 : i32
        %parallel_loop3A_457 = arith.addi %parallel_loop3A_456, %parallel_loop3A_213 : i32
        %parallel_loop3A_458 = arith.index_cast %parallel_loop3A_457 : i32 to index
        %parallel_loop3A_459 = arith.constant 0 : index
        %parallel_loop3A_460 = tpu.vector_load %arg8[%parallel_loop3A_458, %parallel_loop3A_459] {strides = array<i32>} : memref<320x128xf32, #tpu.memory_space<vmem>>, vector<16xf32>,
        %parallel_loop3A_461 = arith.mulf %parallel_loop3A_451, %parallel_loop3A_455 : vector<16xf32>
        %parallel_loop3A_462 = arith.mulf %parallel_loop3A_461, %parallel_loop3A_460 : vector<16xf32>
        %parallel_loop3A_463 = arith.addf %parallel_loop3A_399, %parallel_loop3A_462 : vector<16xf32>
        %parallel_loop3A_464 = arith.constant 224 : i32
        %parallel_loop3A_465 = vector.broadcast %parallel_loop3A_464 : i32 to vector<16xi32>
        %parallel_loop3A_466 = arith.addi %parallel_loop3A_465, %parallel_loop3A_225 : vector<16xi32>
        %parallel_loop3A_467 = tpu.vector_load_idx %arg8[%parallel_loop3A_466, %parallel_loop3A_237] : memref<320x128xf32, #tpu.memory_space<vmem>>[vector<16xi32>, vector<16xi32>], vector<16xf32>,
        %parallel_loop3A_468 = arith.constant 240 : i32
        %parallel_loop3A_469 = vector.broadcast %parallel_loop3A_468 : i32 to vector<16xi32>
        %parallel_loop3A_470 = arith.addi %parallel_loop3A_469, %parallel_loop3A_231 : vector<16xi32>
        %parallel_loop3A_471 = tpu.vector_load_idx %arg8[%parallel_loop3A_470, %parallel_loop3A_243] : memref<320x128xf32, #tpu.memory_space<vmem>>[vector<16xi32>, vector<16xi32>], vector<16xf32>,
        %parallel_loop3A_472 = arith.constant 256 : i32
        %parallel_loop3A_473 = arith.addi %parallel_loop3A_472, %parallel_loop3A_213 : i32
        %parallel_loop3A_474 = arith.index_cast %parallel_loop3A_473 : i32 to index
        %parallel_loop3A_475 = arith.constant 0 : index
        %parallel_loop3A_476 = tpu.vector_load %arg8[%parallel_loop3A_474, %parallel_loop3A_475] {strides = array<i32>} : memref<320x128xf32, #tpu.memory_space<vmem>>, vector<16xf32>,
        %parallel_loop3A_477 = arith.mulf %parallel_loop3A_467, %parallel_loop3A_471 : vector<16xf32>
        %parallel_loop3A_478 = arith.mulf %parallel_loop3A_477, %parallel_loop3A_476 : vector<16xf32>
        %parallel_loop3A_479 = arith.addf %parallel_loop3A_415, %parallel_loop3A_478 : vector<16xf32>
        %parallel_loop3A_480 = arith.constant 240 : i32
        %parallel_loop3A_481 = vector.broadcast %parallel_loop3A_480 : i32 to vector<16xi32>
        %parallel_loop3A_482 = arith.addi %parallel_loop3A_481, %parallel_loop3A_225 : vector<16xi32>
        %parallel_loop3A_483 = tpu.vector_load_idx %arg8[%parallel_loop3A_482, %parallel_loop3A_237] : memref<320x128xf32, #tpu.memory_space<vmem>>[vector<16xi32>, vector<16xi32>], vector<16xf32>,
        %parallel_loop3A_484 = arith.constant 256 : i32
        %parallel_loop3A_485 = vector.broadcast %parallel_loop3A_484 : i32 to vector<16xi32>
        %parallel_loop3A_486 = arith.addi %parallel_loop3A_485, %parallel_loop3A_231 : vector<16xi32>
        %parallel_loop3A_487 = tpu.vector_load_idx %arg8[%parallel_loop3A_486, %parallel_loop3A_243] : memref<320x128xf32, #tpu.memory_space<vmem>>[vector<16xi32>, vector<16xi32>], vector<16xf32>,
        %parallel_loop3A_488 = arith.constant 272 : i32
        %parallel_loop3A_489 = arith.addi %parallel_loop3A_488, %parallel_loop3A_213 : i32
        %parallel_loop3A_490 = arith.index_cast %parallel_loop3A_489 : i32 to index
        %parallel_loop3A_491 = arith.constant 0 : index
        %parallel_loop3A_492 = tpu.vector_load %arg8[%parallel_loop3A_490, %parallel_loop3A_491] {strides = array<i32>} : memref<320x128xf32, #tpu.memory_space<vmem>>, vector<16xf32>,
        %parallel_loop3A_493 = arith.mulf %parallel_loop3A_483, %parallel_loop3A_487 : vector<16xf32>
        %parallel_loop3A_494 = arith.mulf %parallel_loop3A_493, %parallel_loop3A_492 : vector<16xf32>
        %parallel_loop3A_495 = arith.addf %parallel_loop3A_431, %parallel_loop3A_494 : vector<16xf32>
        %parallel_loop3A_496 = arith.constant 256 : i32
        %parallel_loop3A_497 = vector.broadcast %parallel_loop3A_496 : i32 to vector<16xi32>
        %parallel_loop3A_498 = arith.addi %parallel_loop3A_497, %parallel_loop3A_225 : vector<16xi32>
        %parallel_loop3A_499 = tpu.vector_load_idx %arg8[%parallel_loop3A_498, %parallel_loop3A_237] : memref<320x128xf32, #tpu.memory_space<vmem>>[vector<16xi32>, vector<16xi32>], vector<16xf32>,
        %parallel_loop3A_500 = arith.constant 272 : i32
        %parallel_loop3A_501 = vector.broadcast %parallel_loop3A_500 : i32 to vector<16xi32>
        %parallel_loop3A_502 = arith.addi %parallel_loop3A_501, %parallel_loop3A_231 : vector<16xi32>
        %parallel_loop3A_503 = tpu.vector_load_idx %arg8[%parallel_loop3A_502, %parallel_loop3A_243] : memref<320x128xf32, #tpu.memory_space<vmem>>[vector<16xi32>, vector<16xi32>], vector<16xf32>,
        %parallel_loop3A_504 = arith.constant 288 : i32
        %parallel_loop3A_505 = arith.addi %parallel_loop3A_504, %parallel_loop3A_213 : i32
        %parallel_loop3A_506 = arith.index_cast %parallel_loop3A_505 : i32 to index
        %parallel_loop3A_507 = arith.constant 0 : index
        %parallel_loop3A_508 = tpu.vector_load %arg8[%parallel_loop3A_506, %parallel_loop3A_507] {strides = array<i32>} : memref<320x128xf32, #tpu.memory_space<vmem>>, vector<16xf32>,
        %parallel_loop3A_509 = arith.mulf %parallel_loop3A_499, %parallel_loop3A_503 : vector<16xf32>
        %parallel_loop3A_510 = arith.mulf %parallel_loop3A_509, %parallel_loop3A_508 : vector<16xf32>
        %parallel_loop3A_511 = arith.addf %parallel_loop3A_447, %parallel_loop3A_510 : vector<16xf32>
        %parallel_loop3A_512 = arith.constant 272 : i32
        %parallel_loop3A_513 = vector.broadcast %parallel_loop3A_512 : i32 to vector<16xi32>
        %parallel_loop3A_514 = arith.addi %parallel_loop3A_513, %parallel_loop3A_225 : vector<16xi32>
        %parallel_loop3A_515 = tpu.vector_load_idx %arg8[%parallel_loop3A_514, %parallel_loop3A_237] : memref<320x128xf32, #tpu.memory_space<vmem>>[vector<16xi32>, vector<16xi32>], vector<16xf32>,
        %parallel_loop3A_516 = arith.constant 288 : i32
        %parallel_loop3A_517 = vector.broadcast %parallel_loop3A_516 : i32 to vector<16xi32>
        %parallel_loop3A_518 = arith.addi %parallel_loop3A_517, %parallel_loop3A_231 : vector<16xi32>
        %parallel_loop3A_519 = tpu.vector_load_idx %arg8[%parallel_loop3A_518, %parallel_loop3A_243] : memref<320x128xf32, #tpu.memory_space<vmem>>[vector<16xi32>, vector<16xi32>], vector<16xf32>,
        %parallel_loop3A_520 = arith.constant 304 : i32
        %parallel_loop3A_521 = arith.addi %parallel_loop3A_520, %parallel_loop3A_213 : i32
        %parallel_loop3A_522 = arith.index_cast %parallel_loop3A_521 : i32 to index
        %parallel_loop3A_523 = arith.constant 0 : index
        %parallel_loop3A_524 = tpu.vector_load %arg8[%parallel_loop3A_522, %parallel_loop3A_523] {strides = array<i32>} : memref<320x128xf32, #tpu.memory_space<vmem>>, vector<16xf32>,
        %parallel_loop3A_525 = arith.mulf %parallel_loop3A_515, %parallel_loop3A_519 : vector<16xf32>
        %parallel_loop3A_526 = arith.mulf %parallel_loop3A_525, %parallel_loop3A_524 : vector<16xf32>
        %parallel_loop3A_527 = arith.addf %parallel_loop3A_463, %parallel_loop3A_526 : vector<16xf32>
        %parallel_loop3A_528 = arith.addf %parallel_loop3A_511, %parallel_loop3A_527 : vector<16xf32>
        %parallel_loop3A_529 = arith.addf %parallel_loop3A_479, %parallel_loop3A_495 : vector<16xf32>
        %parallel_loop3A_530 = arith.addf %parallel_loop3A_528, %parallel_loop3A_529 : vector<16xf32>
        %parallel_loop3A_531 = arith.constant 0.000000e+00 : f32
        %parallel_loop3A_532 = vector.broadcast %parallel_loop3A_531 : f32 to vector<16xf32>
        %parallel_loop3A_533 = arith.cmpf ogt, %parallel_loop3A_530, %parallel_loop3A_532 : vector<16xf32>
        %parallel_loop3A_534 = arith.constant 0.000000e+00 : f32
        %parallel_loop3A_535 = vector.broadcast %parallel_loop3A_534 : f32 to vector<16xf32>
        %parallel_loop3A_536 = arith.subf %parallel_loop3A_535, %broadcast_in_dim3A_3 : vector<16xf32>
        %parallel_loop3A_537 = arith.select %parallel_loop3A_533, %broadcast_in_dim3A_3, %parallel_loop3A_536 : vector<16xi1>, vector<16xf32>
        %parallel_loop3A_538 = arith.index_cast %parallel_loop3A_213 : i32 to index
        %parallel_loop3A_539 = arith.constant 0 : index
        %parallel_loop3A_540 = tpu.vector_load %arg10[%parallel_loop3A_538, %parallel_loop3A_539] {strides = array<i32>} : memref<16x128xf32, #tpu.memory_space<vmem>>, vector<16xf32>,
        tpu.vector_store %arg10[%parallel_loop3A_538, %parallel_loop3A_539], %parallel_loop3A_537 {strides = array<i32>} : memref<16x128xf32, #tpu.memory_space<vmem>>, vector<16xf32>,
        %parallel_loop3A_541 = arith.constant 1 : i32
        %parallel_loop3A_542 = arith.constant 8 : i32
        %parallel_loop3A_543 = arith.constant 1 : i32
        scf.for %parallel_loop3A_544 = %parallel_loop3A_541 to %parallel_loop3A_542 step %parallel_loop3A_543  : i32 {
          %parallel_loop3A_545 = arith.constant 16 : i32
          %parallel_loop3A_546 = arith.muli %parallel_loop3A_544, %parallel_loop3A_545 : i32
          %parallel_loop3A_547 = arith.constant 0 : i32
          %parallel_loop3A_548 = arith.addi %parallel_loop3A_547, %parallel_loop3A_213 : i32
          %parallel_loop3A_549 = arith.constant 2 : i32
          %parallel_loop3A_550 = arith.subi %parallel_loop3A_546, %parallel_loop3A_549 : i32
          %parallel_loop3A_551 = arith.index_cast %parallel_loop3A_548 : i32 to index
          %parallel_loop3A_552 = arith.index_cast %parallel_loop3A_550 : i32 to index
          %parallel_loop3A_553 = tpu.vector_load %arg8[%parallel_loop3A_551, %parallel_loop3A_552] {strides = array<i32>} : memref<320x128xf32, #tpu.memory_space<vmem>>, vector<16xf32>,
          %parallel_loop3A_554 = arith.constant 16 : i32
          %parallel_loop3A_555 = arith.addi %parallel_loop3A_554, %parallel_loop3A_213 : i32
          %parallel_loop3A_556 = arith.constant 1 : i32
          %parallel_loop3A_557 = arith.subi %parallel_loop3A_546, %parallel_loop3A_556 : i32
          %parallel_loop3A_558 = arith.index_cast %parallel_loop3A_555 : i32 to index
          %parallel_loop3A_559 = arith.index_cast %parallel_loop3A_557 : i32 to index
          %parallel_loop3A_560 = tpu.vector_load %arg8[%parallel_loop3A_558, %parallel_loop3A_559] {strides = array<i32>} : memref<320x128xf32, #tpu.memory_space<vmem>>, vector<16xf32>,
          %parallel_loop3A_561 = arith.constant 32 : i32
          %parallel_loop3A_562 = arith.addi %parallel_loop3A_561, %parallel_loop3A_213 : i32
          %parallel_loop3A_563 = arith.index_cast %parallel_loop3A_562 : i32 to index
          %parallel_loop3A_564 = arith.index_cast %parallel_loop3A_546 : i32 to index
          %parallel_loop3A_565 = tpu.vector_load %arg8[%parallel_loop3A_563, %parallel_loop3A_564] {strides = array<i32>} : memref<320x128xf32, #tpu.memory_space<vmem>>, vector<16xf32>,
          %parallel_loop3A_566 = arith.mulf %parallel_loop3A_553, %parallel_loop3A_560 : vector<16xf32>
          %parallel_loop3A_567 = arith.mulf %parallel_loop3A_566, %parallel_loop3A_565 : vector<16xf32>
          %parallel_loop3A_568 = arith.constant 16 : i32
          %parallel_loop3A_569 = arith.addi %parallel_loop3A_568, %parallel_loop3A_213 : i32
          %parallel_loop3A_570 = arith.constant 2 : i32
          %parallel_loop3A_571 = arith.subi %parallel_loop3A_546, %parallel_loop3A_570 : i32
          %parallel_loop3A_572 = arith.index_cast %parallel_loop3A_569 : i32 to index
          %parallel_loop3A_573 = arith.index_cast %parallel_loop3A_571 : i32 to index
          %parallel_loop3A_574 = tpu.vector_load %arg8[%parallel_loop3A_572, %parallel_loop3A_573] {strides = array<i32>} : memref<320x128xf32, #tpu.memory_space<vmem>>, vector<16xf32>,
          %parallel_loop3A_575 = arith.constant 32 : i32
          %parallel_loop3A_576 = arith.addi %parallel_loop3A_575, %parallel_loop3A_213 : i32
          %parallel_loop3A_577 = arith.constant 1 : i32
          %parallel_loop3A_578 = arith.subi %parallel_loop3A_546, %parallel_loop3A_577 : i32
          %parallel_loop3A_579 = arith.index_cast %parallel_loop3A_576 : i32 to index
          %parallel_loop3A_580 = arith.index_cast %parallel_loop3A_578 : i32 to index
          %parallel_loop3A_581 = tpu.vector_load %arg8[%parallel_loop3A_579, %parallel_loop3A_580] {strides = array<i32>} : memref<320x128xf32, #tpu.memory_space<vmem>>, vector<16xf32>,
          %parallel_loop3A_582 = arith.constant 48 : i32
          %parallel_loop3A_583 = arith.addi %parallel_loop3A_582, %parallel_loop3A_213 : i32
          %parallel_loop3A_584 = arith.index_cast %parallel_loop3A_583 : i32 to index
          %parallel_loop3A_585 = arith.index_cast %parallel_loop3A_546 : i32 to index
          %parallel_loop3A_586 = tpu.vector_load %arg8[%parallel_loop3A_584, %parallel_loop3A_585] {strides = array<i32>} : memref<320x128xf32, #tpu.memory_space<vmem>>, vector<16xf32>,
          %parallel_loop3A_587 = arith.mulf %parallel_loop3A_574, %parallel_loop3A_581 : vector<16xf32>
          %parallel_loop3A_588 = arith.mulf %parallel_loop3A_587, %parallel_loop3A_586 : vector<16xf32>
          %parallel_loop3A_589 = arith.constant 32 : i32
          %parallel_loop3A_590 = arith.addi %parallel_loop3A_589, %parallel_loop3A_213 : i32
          %parallel_loop3A_591 = arith.constant 2 : i32
          %parallel_loop3A_592 = arith.subi %parallel_loop3A_546, %parallel_loop3A_591 : i32
          %parallel_loop3A_593 = arith.index_cast %parallel_loop3A_590 : i32 to index
          %parallel_loop3A_594 = arith.index_cast %parallel_loop3A_592 : i32 to index
          %parallel_loop3A_595 = tpu.vector_load %arg8[%parallel_loop3A_593, %parallel_loop3A_594] {strides = array<i32>} : memref<320x128xf32, #tpu.memory_space<vmem>>, vector<16xf32>,
          %parallel_loop3A_596 = arith.constant 48 : i32
          %parallel_loop3A_597 = arith.addi %parallel_loop3A_596, %parallel_loop3A_213 : i32
          %parallel_loop3A_598 = arith.constant 1 : i32
          %parallel_loop3A_599 = arith.subi %parallel_loop3A_546, %parallel_loop3A_598 : i32
          %parallel_loop3A_600 = arith.index_cast %parallel_loop3A_597 : i32 to index
          %parallel_loop3A_601 = arith.index_cast %parallel_loop3A_599 : i32 to index
          %parallel_loop3A_602 = tpu.vector_load %arg8[%parallel_loop3A_600, %parallel_loop3A_601] {strides = array<i32>} : memref<320x128xf32, #tpu.memory_space<vmem>>, vector<16xf32>,
          %parallel_loop3A_603 = arith.constant 64 : i32
          %parallel_loop3A_604 = arith.addi %parallel_loop3A_603, %parallel_loop3A_213 : i32
          %parallel_loop3A_605 = arith.index_cast %parallel_loop3A_604 : i32 to index
          %parallel_loop3A_606 = arith.index_cast %parallel_loop3A_546 : i32 to index
          %parallel_loop3A_607 = tpu.vector_load %arg8[%parallel_loop3A_605, %parallel_loop3A_606] {strides = array<i32>} : memref<320x128xf32, #tpu.memory_space<vmem>>, vector<16xf32>,
          %parallel_loop3A_608 = arith.mulf %parallel_loop3A_595, %parallel_loop3A_602 : vector<16xf32>
          %parallel_loop3A_609 = arith.mulf %parallel_loop3A_608, %parallel_loop3A_607 : vector<16xf32>
          %parallel_loop3A_610 = arith.constant 48 : i32
          %parallel_loop3A_611 = arith.addi %parallel_loop3A_610, %parallel_loop3A_213 : i32
          %parallel_loop3A_612 = arith.constant 2 : i32
          %parallel_loop3A_613 = arith.subi %parallel_loop3A_546, %parallel_loop3A_612 : i32
          %parallel_loop3A_614 = arith.index_cast %parallel_loop3A_611 : i32 to index
          %parallel_loop3A_615 = arith.index_cast %parallel_loop3A_613 : i32 to index
          %parallel_loop3A_616 = tpu.vector_load %arg8[%parallel_loop3A_614, %parallel_loop3A_615] {strides = array<i32>} : memref<320x128xf32, #tpu.memory_space<vmem>>, vector<16xf32>,
          %parallel_loop3A_617 = arith.constant 64 : i32
          %parallel_loop3A_618 = arith.addi %parallel_loop3A_617, %parallel_loop3A_213 : i32
          %parallel_loop3A_619 = arith.constant 1 : i32
          %parallel_loop3A_620 = arith.subi %parallel_loop3A_546, %parallel_loop3A_619 : i32
          %parallel_loop3A_621 = arith.index_cast %parallel_loop3A_618 : i32 to index
          %parallel_loop3A_622 = arith.index_cast %parallel_loop3A_620 : i32 to index
          %parallel_loop3A_623 = tpu.vector_load %arg8[%parallel_loop3A_621, %parallel_loop3A_622] {strides = array<i32>} : memref<320x128xf32, #tpu.memory_space<vmem>>, vector<16xf32>,
          %parallel_loop3A_624 = arith.constant 80 : i32
          %parallel_loop3A_625 = arith.addi %parallel_loop3A_624, %parallel_loop3A_213 : i32
          %parallel_loop3A_626 = arith.index_cast %parallel_loop3A_625 : i32 to index
          %parallel_loop3A_627 = arith.index_cast %parallel_loop3A_546 : i32 to index
          %parallel_loop3A_628 = tpu.vector_load %arg8[%parallel_loop3A_626, %parallel_loop3A_627] {strides = array<i32>} : memref<320x128xf32, #tpu.memory_space<vmem>>, vector<16xf32>,
          %parallel_loop3A_629 = arith.mulf %parallel_loop3A_616, %parallel_loop3A_623 : vector<16xf32>
          %parallel_loop3A_630 = arith.mulf %parallel_loop3A_629, %parallel_loop3A_628 : vector<16xf32>
          %parallel_loop3A_631 = arith.constant 64 : i32
          %parallel_loop3A_632 = arith.addi %parallel_loop3A_631, %parallel_loop3A_213 : i32
          %parallel_loop3A_633 = arith.constant 2 : i32
          %parallel_loop3A_634 = arith.subi %parallel_loop3A_546, %parallel_loop3A_633 : i32
          %parallel_loop3A_635 = arith.index_cast %parallel_loop3A_632 : i32 to index
          %parallel_loop3A_636 = arith.index_cast %parallel_loop3A_634 : i32 to index
          %parallel_loop3A_637 = tpu.vector_load %arg8[%parallel_loop3A_635, %parallel_loop3A_636] {strides = array<i32>} : memref<320x128xf32, #tpu.memory_space<vmem>>, vector<16xf32>,
          %parallel_loop3A_638 = arith.constant 80 : i32
          %parallel_loop3A_639 = arith.addi %parallel_loop3A_638, %parallel_loop3A_213 : i32
          %parallel_loop3A_640 = arith.constant 1 : i32
          %parallel_loop3A_641 = arith.subi %parallel_loop3A_546, %parallel_loop3A_640 : i32
          %parallel_loop3A_642 = arith.index_cast %parallel_loop3A_639 : i32 to index
          %parallel_loop3A_643 = arith.index_cast %parallel_loop3A_641 : i32 to index
          %parallel_loop3A_644 = tpu.vector_load %arg8[%parallel_loop3A_642, %parallel_loop3A_643] {strides = array<i32>} : memref<320x128xf32, #tpu.memory_space<vmem>>, vector<16xf32>,
          %parallel_loop3A_645 = arith.constant 96 : i32
          %parallel_loop3A_646 = arith.addi %parallel_loop3A_645, %parallel_loop3A_213 : i32
          %parallel_loop3A_647 = arith.index_cast %parallel_loop3A_646 : i32 to index
          %parallel_loop3A_648 = arith.index_cast %parallel_loop3A_546 : i32 to index
          %parallel_loop3A_649 = tpu.vector_load %arg8[%parallel_loop3A_647, %parallel_loop3A_648] {strides = array<i32>} : memref<320x128xf32, #tpu.memory_space<vmem>>, vector<16xf32>,
          %parallel_loop3A_650 = arith.mulf %parallel_loop3A_637, %parallel_loop3A_644 : vector<16xf32>
          %parallel_loop3A_651 = arith.mulf %parallel_loop3A_650, %parallel_loop3A_649 : vector<16xf32>
          %parallel_loop3A_652 = arith.addf %parallel_loop3A_567, %parallel_loop3A_651 : vector<16xf32>
          %parallel_loop3A_653 = arith.constant 80 : i32
          %parallel_loop3A_654 = arith.addi %parallel_loop3A_653, %parallel_loop3A_213 : i32
          %parallel_loop3A_655 = arith.constant 2 : i32
          %parallel_loop3A_656 = arith.subi %parallel_loop3A_546, %parallel_loop3A_655 : i32
          %parallel_loop3A_657 = arith.index_cast %parallel_loop3A_654 : i32 to index
          %parallel_loop3A_658 = arith.index_cast %parallel_loop3A_656 : i32 to index
          %parallel_loop3A_659 = tpu.vector_load %arg8[%parallel_loop3A_657, %parallel_loop3A_658] {strides = array<i32>} : memref<320x128xf32, #tpu.memory_space<vmem>>, vector<16xf32>,
          %parallel_loop3A_660 = arith.constant 96 : i32
          %parallel_loop3A_661 = arith.addi %parallel_loop3A_660, %parallel_loop3A_213 : i32
          %parallel_loop3A_662 = arith.constant 1 : i32
          %parallel_loop3A_663 = arith.subi %parallel_loop3A_546, %parallel_loop3A_662 : i32
          %parallel_loop3A_664 = arith.index_cast %parallel_loop3A_661 : i32 to index
          %parallel_loop3A_665 = arith.index_cast %parallel_loop3A_663 : i32 to index
          %parallel_loop3A_666 = tpu.vector_load %arg8[%parallel_loop3A_664, %parallel_loop3A_665] {strides = array<i32>} : memref<320x128xf32, #tpu.memory_space<vmem>>, vector<16xf32>,
          %parallel_loop3A_667 = arith.constant 112 : i32
          %parallel_loop3A_668 = arith.addi %parallel_loop3A_667, %parallel_loop3A_213 : i32
          %parallel_loop3A_669 = arith.index_cast %parallel_loop3A_668 : i32 to index
          %parallel_loop3A_670 = arith.index_cast %parallel_loop3A_546 : i32 to index
          %parallel_loop3A_671 = tpu.vector_load %arg8[%parallel_loop3A_669, %parallel_loop3A_670] {strides = array<i32>} : memref<320x128xf32, #tpu.memory_space<vmem>>, vector<16xf32>,
          %parallel_loop3A_672 = arith.mulf %parallel_loop3A_659, %parallel_loop3A_666 : vector<16xf32>
          %parallel_loop3A_673 = arith.mulf %parallel_loop3A_672, %parallel_loop3A_671 : vector<16xf32>
          %parallel_loop3A_674 = arith.addf %parallel_loop3A_588, %parallel_loop3A_673 : vector<16xf32>
          %parallel_loop3A_675 = arith.constant 96 : i32
          %parallel_loop3A_676 = arith.addi %parallel_loop3A_675, %parallel_loop3A_213 : i32
          %parallel_loop3A_677 = arith.constant 2 : i32
          %parallel_loop3A_678 = arith.subi %parallel_loop3A_546, %parallel_loop3A_677 : i32
          %parallel_loop3A_679 = arith.index_cast %parallel_loop3A_676 : i32 to index
          %parallel_loop3A_680 = arith.index_cast %parallel_loop3A_678 : i32 to index
          %parallel_loop3A_681 = tpu.vector_load %arg8[%parallel_loop3A_679, %parallel_loop3A_680] {strides = array<i32>} : memref<320x128xf32, #tpu.memory_space<vmem>>, vector<16xf32>,
          %parallel_loop3A_682 = arith.constant 112 : i32
          %parallel_loop3A_683 = arith.addi %parallel_loop3A_682, %parallel_loop3A_213 : i32
          %parallel_loop3A_684 = arith.constant 1 : i32
          %parallel_loop3A_685 = arith.subi %parallel_loop3A_546, %parallel_loop3A_684 : i32
          %parallel_loop3A_686 = arith.index_cast %parallel_loop3A_683 : i32 to index
          %parallel_loop3A_687 = arith.index_cast %parallel_loop3A_685 : i32 to index
          %parallel_loop3A_688 = tpu.vector_load %arg8[%parallel_loop3A_686, %parallel_loop3A_687] {strides = array<i32>} : memref<320x128xf32, #tpu.memory_space<vmem>>, vector<16xf32>,
          %parallel_loop3A_689 = arith.constant 128 : i32
          %parallel_loop3A_690 = arith.addi %parallel_loop3A_689, %parallel_loop3A_213 : i32
          %parallel_loop3A_691 = arith.index_cast %parallel_loop3A_690 : i32 to index
          %parallel_loop3A_692 = arith.index_cast %parallel_loop3A_546 : i32 to index
          %parallel_loop3A_693 = tpu.vector_load %arg8[%parallel_loop3A_691, %parallel_loop3A_692] {strides = array<i32>} : memref<320x128xf32, #tpu.memory_space<vmem>>, vector<16xf32>,
          %parallel_loop3A_694 = arith.mulf %parallel_loop3A_681, %parallel_loop3A_688 : vector<16xf32>
          %parallel_loop3A_695 = arith.mulf %parallel_loop3A_694, %parallel_loop3A_693 : vector<16xf32>
          %parallel_loop3A_696 = arith.addf %parallel_loop3A_609, %parallel_loop3A_695 : vector<16xf32>
          %parallel_loop3A_697 = arith.constant 112 : i32
          %parallel_loop3A_698 = arith.addi %parallel_loop3A_697, %parallel_loop3A_213 : i32
          %parallel_loop3A_699 = arith.constant 2 : i32
          %parallel_loop3A_700 = arith.subi %parallel_loop3A_546, %parallel_loop3A_699 : i32
          %parallel_loop3A_701 = arith.index_cast %parallel_loop3A_698 : i32 to index
          %parallel_loop3A_702 = arith.index_cast %parallel_loop3A_700 : i32 to index
          %parallel_loop3A_703 = tpu.vector_load %arg8[%parallel_loop3A_701, %parallel_loop3A_702] {strides = array<i32>} : memref<320x128xf32, #tpu.memory_space<vmem>>, vector<16xf32>,
          %parallel_loop3A_704 = arith.constant 128 : i32
          %parallel_loop3A_705 = arith.addi %parallel_loop3A_704, %parallel_loop3A_213 : i32
          %parallel_loop3A_706 = arith.constant 1 : i32
          %parallel_loop3A_707 = arith.subi %parallel_loop3A_546, %parallel_loop3A_706 : i32
          %parallel_loop3A_708 = arith.index_cast %parallel_loop3A_705 : i32 to index
          %parallel_loop3A_709 = arith.index_cast %parallel_loop3A_707 : i32 to index
          %parallel_loop3A_710 = tpu.vector_load %arg8[%parallel_loop3A_708, %parallel_loop3A_709] {strides = array<i32>} : memref<320x128xf32, #tpu.memory_space<vmem>>, vector<16xf32>,
          %parallel_loop3A_711 = arith.constant 144 : i32
          %parallel_loop3A_712 = arith.addi %parallel_loop3A_711, %parallel_loop3A_213 : i32
          %parallel_loop3A_713 = arith.index_cast %parallel_loop3A_712 : i32 to index
          %parallel_loop3A_714 = arith.index_cast %parallel_loop3A_546 : i32 to index
          %parallel_loop3A_715 = tpu.vector_load %arg8[%parallel_loop3A_713, %parallel_loop3A_714] {strides = array<i32>} : memref<320x128xf32, #tpu.memory_space<vmem>>, vector<16xf32>,
          %parallel_loop3A_716 = arith.mulf %parallel_loop3A_703, %parallel_loop3A_710 : vector<16xf32>
          %parallel_loop3A_717 = arith.mulf %parallel_loop3A_716, %parallel_loop3A_715 : vector<16xf32>
          %parallel_loop3A_718 = arith.addf %parallel_loop3A_630, %parallel_loop3A_717 : vector<16xf32>
          %parallel_loop3A_719 = arith.constant 128 : i32
          %parallel_loop3A_720 = arith.addi %parallel_loop3A_719, %parallel_loop3A_213 : i32
          %parallel_loop3A_721 = arith.constant 2 : i32
          %parallel_loop3A_722 = arith.subi %parallel_loop3A_546, %parallel_loop3A_721 : i32
          %parallel_loop3A_723 = arith.index_cast %parallel_loop3A_720 : i32 to index
          %parallel_loop3A_724 = arith.index_cast %parallel_loop3A_722 : i32 to index
          %parallel_loop3A_725 = tpu.vector_load %arg8[%parallel_loop3A_723, %parallel_loop3A_724] {strides = array<i32>} : memref<320x128xf32, #tpu.memory_space<vmem>>, vector<16xf32>,
          %parallel_loop3A_726 = arith.constant 144 : i32
          %parallel_loop3A_727 = arith.addi %parallel_loop3A_726, %parallel_loop3A_213 : i32
          %parallel_loop3A_728 = arith.constant 1 : i32
          %parallel_loop3A_729 = arith.subi %parallel_loop3A_546, %parallel_loop3A_728 : i32
          %parallel_loop3A_730 = arith.index_cast %parallel_loop3A_727 : i32 to index
          %parallel_loop3A_731 = arith.index_cast %parallel_loop3A_729 : i32 to index
          %parallel_loop3A_732 = tpu.vector_load %arg8[%parallel_loop3A_730, %parallel_loop3A_731] {strides = array<i32>} : memref<320x128xf32, #tpu.memory_space<vmem>>, vector<16xf32>,
          %parallel_loop3A_733 = arith.constant 160 : i32
          %parallel_loop3A_734 = arith.addi %parallel_loop3A_733, %parallel_loop3A_213 : i32
          %parallel_loop3A_735 = arith.index_cast %parallel_loop3A_734 : i32 to index
          %parallel_loop3A_736 = arith.index_cast %parallel_loop3A_546 : i32 to index
          %parallel_loop3A_737 = tpu.vector_load %arg8[%parallel_loop3A_735, %parallel_loop3A_736] {strides = array<i32>} : memref<320x128xf32, #tpu.memory_space<vmem>>, vector<16xf32>,
          %parallel_loop3A_738 = arith.mulf %parallel_loop3A_725, %parallel_loop3A_732 : vector<16xf32>
          %parallel_loop3A_739 = arith.mulf %parallel_loop3A_738, %parallel_loop3A_737 : vector<16xf32>
          %parallel_loop3A_740 = arith.addf %parallel_loop3A_652, %parallel_loop3A_739 : vector<16xf32>
          %parallel_loop3A_741 = arith.constant 144 : i32
          %parallel_loop3A_742 = arith.addi %parallel_loop3A_741, %parallel_loop3A_213 : i32
          %parallel_loop3A_743 = arith.constant 2 : i32
          %parallel_loop3A_744 = arith.subi %parallel_loop3A_546, %parallel_loop3A_743 : i32
          %parallel_loop3A_745 = arith.index_cast %parallel_loop3A_742 : i32 to index
          %parallel_loop3A_746 = arith.index_cast %parallel_loop3A_744 : i32 to index
          %parallel_loop3A_747 = tpu.vector_load %arg8[%parallel_loop3A_745, %parallel_loop3A_746] {strides = array<i32>} : memref<320x128xf32, #tpu.memory_space<vmem>>, vector<16xf32>,
          %parallel_loop3A_748 = arith.constant 160 : i32
          %parallel_loop3A_749 = arith.addi %parallel_loop3A_748, %parallel_loop3A_213 : i32
          %parallel_loop3A_750 = arith.constant 1 : i32
          %parallel_loop3A_751 = arith.subi %parallel_loop3A_546, %parallel_loop3A_750 : i32
          %parallel_loop3A_752 = arith.index_cast %parallel_loop3A_749 : i32 to index
          %parallel_loop3A_753 = arith.index_cast %parallel_loop3A_751 : i32 to index
          %parallel_loop3A_754 = tpu.vector_load %arg8[%parallel_loop3A_752, %parallel_loop3A_753] {strides = array<i32>} : memref<320x128xf32, #tpu.memory_space<vmem>>, vector<16xf32>,
          %parallel_loop3A_755 = arith.constant 176 : i32
          %parallel_loop3A_756 = arith.addi %parallel_loop3A_755, %parallel_loop3A_213 : i32
          %parallel_loop3A_757 = arith.index_cast %parallel_loop3A_756 : i32 to index
          %parallel_loop3A_758 = arith.index_cast %parallel_loop3A_546 : i32 to index
          %parallel_loop3A_759 = tpu.vector_load %arg8[%parallel_loop3A_757, %parallel_loop3A_758] {strides = array<i32>} : memref<320x128xf32, #tpu.memory_space<vmem>>, vector<16xf32>,
          %parallel_loop3A_760 = arith.mulf %parallel_loop3A_747, %parallel_loop3A_754 : vector<16xf32>
          %parallel_loop3A_761 = arith.mulf %parallel_loop3A_760, %parallel_loop3A_759 : vector<16xf32>
          %parallel_loop3A_762 = arith.addf %parallel_loop3A_674, %parallel_loop3A_761 : vector<16xf32>
          %parallel_loop3A_763 = arith.constant 160 : i32
          %parallel_loop3A_764 = arith.addi %parallel_loop3A_763, %parallel_loop3A_213 : i32
          %parallel_loop3A_765 = arith.constant 2 : i32
          %parallel_loop3A_766 = arith.subi %parallel_loop3A_546, %parallel_loop3A_765 : i32
          %parallel_loop3A_767 = arith.index_cast %parallel_loop3A_764 : i32 to index
          %parallel_loop3A_768 = arith.index_cast %parallel_loop3A_766 : i32 to index
          %parallel_loop3A_769 = tpu.vector_load %arg8[%parallel_loop3A_767, %parallel_loop3A_768] {strides = array<i32>} : memref<320x128xf32, #tpu.memory_space<vmem>>, vector<16xf32>,
          %parallel_loop3A_770 = arith.constant 176 : i32
          %parallel_loop3A_771 = arith.addi %parallel_loop3A_770, %parallel_loop3A_213 : i32
          %parallel_loop3A_772 = arith.constant 1 : i32
          %parallel_loop3A_773 = arith.subi %parallel_loop3A_546, %parallel_loop3A_772 : i32
          %parallel_loop3A_774 = arith.index_cast %parallel_loop3A_771 : i32 to index
          %parallel_loop3A_775 = arith.index_cast %parallel_loop3A_773 : i32 to index
          %parallel_loop3A_776 = tpu.vector_load %arg8[%parallel_loop3A_774, %parallel_loop3A_775] {strides = array<i32>} : memref<320x128xf32, #tpu.memory_space<vmem>>, vector<16xf32>,
          %parallel_loop3A_777 = arith.constant 192 : i32
          %parallel_loop3A_778 = arith.addi %parallel_loop3A_777, %parallel_loop3A_213 : i32
          %parallel_loop3A_779 = arith.index_cast %parallel_loop3A_778 : i32 to index
          %parallel_loop3A_780 = arith.index_cast %parallel_loop3A_546 : i32 to index
          %parallel_loop3A_781 = tpu.vector_load %arg8[%parallel_loop3A_779, %parallel_loop3A_780] {strides = array<i32>} : memref<320x128xf32, #tpu.memory_space<vmem>>, vector<16xf32>,
          %parallel_loop3A_782 = arith.mulf %parallel_loop3A_769, %parallel_loop3A_776 : vector<16xf32>
          %parallel_loop3A_783 = arith.mulf %parallel_loop3A_782, %parallel_loop3A_781 : vector<16xf32>
          %parallel_loop3A_784 = arith.addf %parallel_loop3A_696, %parallel_loop3A_783 : vector<16xf32>
          %parallel_loop3A_785 = arith.constant 176 : i32
          %parallel_loop3A_786 = arith.addi %parallel_loop3A_785, %parallel_loop3A_213 : i32
          %parallel_loop3A_787 = arith.constant 2 : i32
          %parallel_loop3A_788 = arith.subi %parallel_loop3A_546, %parallel_loop3A_787 : i32
          %parallel_loop3A_789 = arith.index_cast %parallel_loop3A_786 : i32 to index
          %parallel_loop3A_790 = arith.index_cast %parallel_loop3A_788 : i32 to index
          %parallel_loop3A_791 = tpu.vector_load %arg8[%parallel_loop3A_789, %parallel_loop3A_790] {strides = array<i32>} : memref<320x128xf32, #tpu.memory_space<vmem>>, vector<16xf32>,
          %parallel_loop3A_792 = arith.constant 192 : i32
          %parallel_loop3A_793 = arith.addi %parallel_loop3A_792, %parallel_loop3A_213 : i32
          %parallel_loop3A_794 = arith.constant 1 : i32
          %parallel_loop3A_795 = arith.subi %parallel_loop3A_546, %parallel_loop3A_794 : i32
          %parallel_loop3A_796 = arith.index_cast %parallel_loop3A_793 : i32 to index
          %parallel_loop3A_797 = arith.index_cast %parallel_loop3A_795 : i32 to index
          %parallel_loop3A_798 = tpu.vector_load %arg8[%parallel_loop3A_796, %parallel_loop3A_797] {strides = array<i32>} : memref<320x128xf32, #tpu.memory_space<vmem>>, vector<16xf32>,
          %parallel_loop3A_799 = arith.constant 208 : i32
          %parallel_loop3A_800 = arith.addi %parallel_loop3A_799, %parallel_loop3A_213 : i32
          %parallel_loop3A_801 = arith.index_cast %parallel_loop3A_800 : i32 to index
          %parallel_loop3A_802 = arith.index_cast %parallel_loop3A_546 : i32 to index
          %parallel_loop3A_803 = tpu.vector_load %arg8[%parallel_loop3A_801, %parallel_loop3A_802] {strides = array<i32>} : memref<320x128xf32, #tpu.memory_space<vmem>>, vector<16xf32>,
          %parallel_loop3A_804 = arith.mulf %parallel_loop3A_791, %parallel_loop3A_798 : vector<16xf32>
          %parallel_loop3A_805 = arith.mulf %parallel_loop3A_804, %parallel_loop3A_803 : vector<16xf32>
          %parallel_loop3A_806 = arith.addf %parallel_loop3A_718, %parallel_loop3A_805 : vector<16xf32>
          %parallel_loop3A_807 = arith.constant 192 : i32
          %parallel_loop3A_808 = arith.addi %parallel_loop3A_807, %parallel_loop3A_213 : i32
          %parallel_loop3A_809 = arith.constant 2 : i32
          %parallel_loop3A_810 = arith.subi %parallel_loop3A_546, %parallel_loop3A_809 : i32
          %parallel_loop3A_811 = arith.index_cast %parallel_loop3A_808 : i32 to index
          %parallel_loop3A_812 = arith.index_cast %parallel_loop3A_810 : i32 to index
          %parallel_loop3A_813 = tpu.vector_load %arg8[%parallel_loop3A_811, %parallel_loop3A_812] {strides = array<i32>} : memref<320x128xf32, #tpu.memory_space<vmem>>, vector<16xf32>,
          %parallel_loop3A_814 = arith.constant 208 : i32
          %parallel_loop3A_815 = arith.addi %parallel_loop3A_814, %parallel_loop3A_213 : i32
          %parallel_loop3A_816 = arith.constant 1 : i32
          %parallel_loop3A_817 = arith.subi %parallel_loop3A_546, %parallel_loop3A_816 : i32
          %parallel_loop3A_818 = arith.index_cast %parallel_loop3A_815 : i32 to index
          %parallel_loop3A_819 = arith.index_cast %parallel_loop3A_817 : i32 to index
          %parallel_loop3A_820 = tpu.vector_load %arg8[%parallel_loop3A_818, %parallel_loop3A_819] {strides = array<i32>} : memref<320x128xf32, #tpu.memory_space<vmem>>, vector<16xf32>,
          %parallel_loop3A_821 = arith.constant 224 : i32
          %parallel_loop3A_822 = arith.addi %parallel_loop3A_821, %parallel_loop3A_213 : i32
          %parallel_loop3A_823 = arith.index_cast %parallel_loop3A_822 : i32 to index
          %parallel_loop3A_824 = arith.index_cast %parallel_loop3A_546 : i32 to index
          %parallel_loop3A_825 = tpu.vector_load %arg8[%parallel_loop3A_823, %parallel_loop3A_824] {strides = array<i32>} : memref<320x128xf32, #tpu.memory_space<vmem>>, vector<16xf32>,
          %parallel_loop3A_826 = arith.mulf %parallel_loop3A_813, %parallel_loop3A_820 : vector<16xf32>
          %parallel_loop3A_827 = arith.mulf %parallel_loop3A_826, %parallel_loop3A_825 : vector<16xf32>
          %parallel_loop3A_828 = arith.addf %parallel_loop3A_740, %parallel_loop3A_827 : vector<16xf32>
          %parallel_loop3A_829 = arith.constant 208 : i32
          %parallel_loop3A_830 = arith.addi %parallel_loop3A_829, %parallel_loop3A_213 : i32
          %parallel_loop3A_831 = arith.constant 2 : i32
          %parallel_loop3A_832 = arith.subi %parallel_loop3A_546, %parallel_loop3A_831 : i32
          %parallel_loop3A_833 = arith.index_cast %parallel_loop3A_830 : i32 to index
          %parallel_loop3A_834 = arith.index_cast %parallel_loop3A_832 : i32 to index
          %parallel_loop3A_835 = tpu.vector_load %arg8[%parallel_loop3A_833, %parallel_loop3A_834] {strides = array<i32>} : memref<320x128xf32, #tpu.memory_space<vmem>>, vector<16xf32>,
          %parallel_loop3A_836 = arith.constant 224 : i32
          %parallel_loop3A_837 = arith.addi %parallel_loop3A_836, %parallel_loop3A_213 : i32
          %parallel_loop3A_838 = arith.constant 1 : i32
          %parallel_loop3A_839 = arith.subi %parallel_loop3A_546, %parallel_loop3A_838 : i32
          %parallel_loop3A_840 = arith.index_cast %parallel_loop3A_837 : i32 to index
          %parallel_loop3A_841 = arith.index_cast %parallel_loop3A_839 : i32 to index
          %parallel_loop3A_842 = tpu.vector_load %arg8[%parallel_loop3A_840, %parallel_loop3A_841] {strides = array<i32>} : memref<320x128xf32, #tpu.memory_space<vmem>>, vector<16xf32>,
          %parallel_loop3A_843 = arith.constant 240 : i32
          %parallel_loop3A_844 = arith.addi %parallel_loop3A_843, %parallel_loop3A_213 : i32
          %parallel_loop3A_845 = arith.index_cast %parallel_loop3A_844 : i32 to index
          %parallel_loop3A_846 = arith.index_cast %parallel_loop3A_546 : i32 to index
          %parallel_loop3A_847 = tpu.vector_load %arg8[%parallel_loop3A_845, %parallel_loop3A_846] {strides = array<i32>} : memref<320x128xf32, #tpu.memory_space<vmem>>, vector<16xf32>,
          %parallel_loop3A_848 = arith.mulf %parallel_loop3A_835, %parallel_loop3A_842 : vector<16xf32>
          %parallel_loop3A_849 = arith.mulf %parallel_loop3A_848, %parallel_loop3A_847 : vector<16xf32>
          %parallel_loop3A_850 = arith.addf %parallel_loop3A_762, %parallel_loop3A_849 : vector<16xf32>
          %parallel_loop3A_851 = arith.constant 224 : i32
          %parallel_loop3A_852 = arith.addi %parallel_loop3A_851, %parallel_loop3A_213 : i32
          %parallel_loop3A_853 = arith.constant 2 : i32
          %parallel_loop3A_854 = arith.subi %parallel_loop3A_546, %parallel_loop3A_853 : i32
          %parallel_loop3A_855 = arith.index_cast %parallel_loop3A_852 : i32 to index
          %parallel_loop3A_856 = arith.index_cast %parallel_loop3A_854 : i32 to index
          %parallel_loop3A_857 = tpu.vector_load %arg8[%parallel_loop3A_855, %parallel_loop3A_856] {strides = array<i32>} : memref<320x128xf32, #tpu.memory_space<vmem>>, vector<16xf32>,
          %parallel_loop3A_858 = arith.constant 240 : i32
          %parallel_loop3A_859 = arith.addi %parallel_loop3A_858, %parallel_loop3A_213 : i32
          %parallel_loop3A_860 = arith.constant 1 : i32
          %parallel_loop3A_861 = arith.subi %parallel_loop3A_546, %parallel_loop3A_860 : i32
          %parallel_loop3A_862 = arith.index_cast %parallel_loop3A_859 : i32 to index
          %parallel_loop3A_863 = arith.index_cast %parallel_loop3A_861 : i32 to index
          %parallel_loop3A_864 = tpu.vector_load %arg8[%parallel_loop3A_862, %parallel_loop3A_863] {strides = array<i32>} : memref<320x128xf32, #tpu.memory_space<vmem>>, vector<16xf32>,
          %parallel_loop3A_865 = arith.constant 256 : i32
          %parallel_loop3A_866 = arith.addi %parallel_loop3A_865, %parallel_loop3A_213 : i32
          %parallel_loop3A_867 = arith.index_cast %parallel_loop3A_866 : i32 to index
          %parallel_loop3A_868 = arith.index_cast %parallel_loop3A_546 : i32 to index
          %parallel_loop3A_869 = tpu.vector_load %arg8[%parallel_loop3A_867, %parallel_loop3A_868] {strides = array<i32>} : memref<320x128xf32, #tpu.memory_space<vmem>>, vector<16xf32>,
          %parallel_loop3A_870 = arith.mulf %parallel_loop3A_857, %parallel_loop3A_864 : vector<16xf32>
          %parallel_loop3A_871 = arith.mulf %parallel_loop3A_870, %parallel_loop3A_869 : vector<16xf32>
          %parallel_loop3A_872 = arith.addf %parallel_loop3A_784, %parallel_loop3A_871 : vector<16xf32>
          %parallel_loop3A_873 = arith.constant 240 : i32
          %parallel_loop3A_874 = arith.addi %parallel_loop3A_873, %parallel_loop3A_213 : i32
          %parallel_loop3A_875 = arith.constant 2 : i32
          %parallel_loop3A_876 = arith.subi %parallel_loop3A_546, %parallel_loop3A_875 : i32
          %parallel_loop3A_877 = arith.index_cast %parallel_loop3A_874 : i32 to index
          %parallel_loop3A_878 = arith.index_cast %parallel_loop3A_876 : i32 to index
          %parallel_loop3A_879 = tpu.vector_load %arg8[%parallel_loop3A_877, %parallel_loop3A_878] {strides = array<i32>} : memref<320x128xf32, #tpu.memory_space<vmem>>, vector<16xf32>,
          %parallel_loop3A_880 = arith.constant 256 : i32
          %parallel_loop3A_881 = arith.addi %parallel_loop3A_880, %parallel_loop3A_213 : i32
          %parallel_loop3A_882 = arith.constant 1 : i32
          %parallel_loop3A_883 = arith.subi %parallel_loop3A_546, %parallel_loop3A_882 : i32
          %parallel_loop3A_884 = arith.index_cast %parallel_loop3A_881 : i32 to index
          %parallel_loop3A_885 = arith.index_cast %parallel_loop3A_883 : i32 to index
          %parallel_loop3A_886 = tpu.vector_load %arg8[%parallel_loop3A_884, %parallel_loop3A_885] {strides = array<i32>} : memref<320x128xf32, #tpu.memory_space<vmem>>, vector<16xf32>,
          %parallel_loop3A_887 = arith.constant 272 : i32
          %parallel_loop3A_888 = arith.addi %parallel_loop3A_887, %parallel_loop3A_213 : i32
          %parallel_loop3A_889 = arith.index_cast %parallel_loop3A_888 : i32 to index
          %parallel_loop3A_890 = arith.index_cast %parallel_loop3A_546 : i32 to index
          %parallel_loop3A_891 = tpu.vector_load %arg8[%parallel_loop3A_889, %parallel_loop3A_890] {strides = array<i32>} : memref<320x128xf32, #tpu.memory_space<vmem>>, vector<16xf32>,
          %parallel_loop3A_892 = arith.mulf %parallel_loop3A_879, %parallel_loop3A_886 : vector<16xf32>
          %parallel_loop3A_893 = arith.mulf %parallel_loop3A_892, %parallel_loop3A_891 : vector<16xf32>
          %parallel_loop3A_894 = arith.addf %parallel_loop3A_806, %parallel_loop3A_893 : vector<16xf32>
          %parallel_loop3A_895 = arith.constant 256 : i32
          %parallel_loop3A_896 = arith.addi %parallel_loop3A_895, %parallel_loop3A_213 : i32
          %parallel_loop3A_897 = arith.constant 2 : i32
          %parallel_loop3A_898 = arith.subi %parallel_loop3A_546, %parallel_loop3A_897 : i32
          %parallel_loop3A_899 = arith.index_cast %parallel_loop3A_896 : i32 to index
          %parallel_loop3A_900 = arith.index_cast %parallel_loop3A_898 : i32 to index
          %parallel_loop3A_901 = tpu.vector_load %arg8[%parallel_loop3A_899, %parallel_loop3A_900] {strides = array<i32>} : memref<320x128xf32, #tpu.memory_space<vmem>>, vector<16xf32>,
          %parallel_loop3A_902 = arith.constant 272 : i32
          %parallel_loop3A_903 = arith.addi %parallel_loop3A_902, %parallel_loop3A_213 : i32
          %parallel_loop3A_904 = arith.constant 1 : i32
          %parallel_loop3A_905 = arith.subi %parallel_loop3A_546, %parallel_loop3A_904 : i32
          %parallel_loop3A_906 = arith.index_cast %parallel_loop3A_903 : i32 to index
          %parallel_loop3A_907 = arith.index_cast %parallel_loop3A_905 : i32 to index
          %parallel_loop3A_908 = tpu.vector_load %arg8[%parallel_loop3A_906, %parallel_loop3A_907] {strides = array<i32>} : memref<320x128xf32, #tpu.memory_space<vmem>>, vector<16xf32>,
          %parallel_loop3A_909 = arith.constant 288 : i32
          %parallel_loop3A_910 = arith.addi %parallel_loop3A_909, %parallel_loop3A_213 : i32
          %parallel_loop3A_911 = arith.index_cast %parallel_loop3A_910 : i32 to index
          %parallel_loop3A_912 = arith.index_cast %parallel_loop3A_546 : i32 to index
          %parallel_loop3A_913 = tpu.vector_load %arg8[%parallel_loop3A_911, %parallel_loop3A_912] {strides = array<i32>} : memref<320x128xf32, #tpu.memory_space<vmem>>, vector<16xf32>,
          %parallel_loop3A_914 = arith.mulf %parallel_loop3A_901, %parallel_loop3A_908 : vector<16xf32>
          %parallel_loop3A_915 = arith.mulf %parallel_loop3A_914, %parallel_loop3A_913 : vector<16xf32>
          %parallel_loop3A_916 = arith.addf %parallel_loop3A_828, %parallel_loop3A_915 : vector<16xf32>
          %parallel_loop3A_917 = arith.constant 272 : i32
          %parallel_loop3A_918 = arith.addi %parallel_loop3A_917, %parallel_loop3A_213 : i32
          %parallel_loop3A_919 = arith.constant 2 : i32
          %parallel_loop3A_920 = arith.subi %parallel_loop3A_546, %parallel_loop3A_919 : i32
          %parallel_loop3A_921 = arith.index_cast %parallel_loop3A_918 : i32 to index
          %parallel_loop3A_922 = arith.index_cast %parallel_loop3A_920 : i32 to index
          %parallel_loop3A_923 = tpu.vector_load %arg8[%parallel_loop3A_921, %parallel_loop3A_922] {strides = array<i32>} : memref<320x128xf32, #tpu.memory_space<vmem>>, vector<16xf32>,
          %parallel_loop3A_924 = arith.constant 288 : i32
          %parallel_loop3A_925 = arith.addi %parallel_loop3A_924, %parallel_loop3A_213 : i32
          %parallel_loop3A_926 = arith.constant 1 : i32
          %parallel_loop3A_927 = arith.subi %parallel_loop3A_546, %parallel_loop3A_926 : i32
          %parallel_loop3A_928 = arith.index_cast %parallel_loop3A_925 : i32 to index
          %parallel_loop3A_929 = arith.index_cast %parallel_loop3A_927 : i32 to index
          %parallel_loop3A_930 = tpu.vector_load %arg8[%parallel_loop3A_928, %parallel_loop3A_929] {strides = array<i32>} : memref<320x128xf32, #tpu.memory_space<vmem>>, vector<16xf32>,
          %parallel_loop3A_931 = arith.constant 304 : i32
          %parallel_loop3A_932 = arith.addi %parallel_loop3A_931, %parallel_loop3A_213 : i32
          %parallel_loop3A_933 = arith.index_cast %parallel_loop3A_932 : i32 to index
          %parallel_loop3A_934 = arith.index_cast %parallel_loop3A_546 : i32 to index
          %parallel_loop3A_935 = tpu.vector_load %arg8[%parallel_loop3A_933, %parallel_loop3A_934] {strides = array<i32>} : memref<320x128xf32, #tpu.memory_space<vmem>>, vector<16xf32>,
          %parallel_loop3A_936 = arith.mulf %parallel_loop3A_923, %parallel_loop3A_930 : vector<16xf32>
          %parallel_loop3A_937 = arith.mulf %parallel_loop3A_936, %parallel_loop3A_935 : vector<16xf32>
          %parallel_loop3A_938 = arith.addf %parallel_loop3A_850, %parallel_loop3A_937 : vector<16xf32>
          %parallel_loop3A_939 = arith.addf %parallel_loop3A_916, %parallel_loop3A_938 : vector<16xf32>
          %parallel_loop3A_940 = arith.addf %parallel_loop3A_872, %parallel_loop3A_894 : vector<16xf32>
          %parallel_loop3A_941 = arith.addf %parallel_loop3A_939, %parallel_loop3A_940 : vector<16xf32>
          %parallel_loop3A_942 = arith.constant 0.000000e+00 : f32
          %parallel_loop3A_943 = vector.broadcast %parallel_loop3A_942 : f32 to vector<16xf32>
          %parallel_loop3A_944 = arith.cmpf ogt, %parallel_loop3A_941, %parallel_loop3A_943 : vector<16xf32>
          %parallel_loop3A_945 = arith.constant 0.000000e+00 : f32
          %parallel_loop3A_946 = vector.broadcast %parallel_loop3A_945 : f32 to vector<16xf32>
          %parallel_loop3A_947 = arith.subf %parallel_loop3A_946, %broadcast_in_dim3A_3 : vector<16xf32>
          %parallel_loop3A_948 = arith.select %parallel_loop3A_944, %broadcast_in_dim3A_3, %parallel_loop3A_947 : vector<16xi1>, vector<16xf32>
          %parallel_loop3A_949 = arith.index_cast %parallel_loop3A_213 : i32 to index
          %parallel_loop3A_950 = arith.index_cast %parallel_loop3A_546 : i32 to index
          %parallel_loop3A_951 = tpu.vector_load %arg10[%parallel_loop3A_949, %parallel_loop3A_950] {strides = array<i32>} : memref<16x128xf32, #tpu.memory_space<vmem>>, vector<16xf32>,
          tpu.vector_store %arg10[%parallel_loop3A_949, %parallel_loop3A_950], %parallel_loop3A_948 {strides = array<i32>} : memref<16x128xf32, #tpu.memory_space<vmem>>, vector<16xf32>,
        } {sc.loop_unroll_factor = 2 : i64, sc.parallel_access}
      } {sc.loop_unroll_factor = 1 : i64, sc.parallel_access}
      %add3A_193 = arith.constant 1 : i32
      %add3A_194 = arith.addi %mul3A_53, %add3A_193 : i32
      %add3A_195 = arith.addi %mul3A_2, %add3A_194 : i32
      %shift_right_arithmetic3A_196 = arith.constant 3 : i32
      %shift_right_arithmetic3A_197 = arith.shrsi %add3A_195, %shift_right_arithmetic3A_196 : i32
      %shift_left3A_198 = arith.constant 7 : i32
      %shift_left3A_199 = arith.shli %shift_right_arithmetic3A_197, %shift_left3A_198 : i32
      %and3A_200 = arith.constant 7 : i32
      %and3A_201 = arith.andi %add3A_195, %and3A_200 : i32
      %or3A_202 = arith.ori %shift_left3A_199, %and3A_201 : i32
      %broadcast_in_dim3A_203 = vector.broadcast %or3A_202 : i32 to vector<16xi32>
      %mul3A_204 = arith.constant 8 : i32
      %mul3A_205 = vector.broadcast %mul3A_204 : i32 to vector<16xi32>
      %mul3A_206 = arith.muli %mul3A_205, %iota3A : vector<16xi32>
      %add3A_207 = arith.addi %broadcast_in_dim3A_203, %mul3A_206 : vector<16xi32>
      %swap3A_208 = arith.constant 0 : index
      %swap3A_209 = tpu.vector_load %arg12[%swap3A_208] {strides = array<i32>} : memref<16xi32, #tpu.memory_space<vmem>>, vector<16xi32>,
      tpu.vector_store %arg12[%swap3A_208], %add3A_207 {strides = array<i32>} : memref<16xi32, #tpu.memory_space<vmem>>, vector<16xi32>,
      %dma_start3A_210 = arith.constant 0 : i32
      %dma_start3A_211 = arith.constant 0 : i32
      %dma_start3A_212 = tpu.memref_slice %arg4[%dma_start3A_210, %dma_start3A_211] : memref<16384x128xf32, #tpu.memory_space<hbm>> -> memref<16384x128xf32, #tpu.memory_space<hbm>>
      tpu.enqueue_indirect_dma source(%arg10 : memref<16x128xf32, #tpu.memory_space<vmem>>) target(%dma_start3A_212 : memref<16384x128xf32, #tpu.memory_space<hbm>>) offsets(%arg12 : memref<16xi32, #tpu.memory_space<vmem>>) semaphore(%arg16 : memref<!tpu.dma_semaphore, #tpu.memory_space<semaphore_mem>>)
    }
    %scan3A_45 = arith.constant 16 : i32
    %dma_wait3A = arith.constant 0 : i32
    %dma_wait3A_46 = arith.constant 0 : i32
    %dma_wait3A_47 = tpu.memref_slice %arg4[%dma_wait3A, %dma_wait3A_46] : memref<16384x128xf32, #tpu.memory_space<hbm>> -> memref<16384x128xf32, #tpu.memory_space<hbm>>
    tpu.wait_indirect_dma semaphore(%arg15 : memref<!tpu.dma_semaphore, #tpu.memory_space<semaphore_mem>>) src(%arg9 : memref<16x128xf32, #tpu.memory_space<vmem>>) dst(%dma_wait3A_47 : memref<16384x128xf32, #tpu.memory_space<hbm>>)
    %dma_wait3A_48 = arith.constant 0 : i32
    %dma_wait3A_49 = arith.constant 0 : i32
    %dma_wait3A_50 = tpu.memref_slice %arg4[%dma_wait3A_48, %dma_wait3A_49] : memref<16384x128xf32, #tpu.memory_space<hbm>> -> memref<16384x128xf32, #tpu.memory_space<hbm>>
    tpu.wait_indirect_dma semaphore(%arg16 : memref<!tpu.dma_semaphore, #tpu.memory_space<semaphore_mem>>) src(%arg10 : memref<16x128xf32, #tpu.memory_space<vmem>>) dst(%dma_wait3A_50 : memref<16384x128xf32, #tpu.memory_space<hbm>>)
    return
  }
}

</mosaic_0001>

<sc_bundles>
// kernel: kernel.3.cloned.1.call-start
scs
__scs_entry_jumppad:
0x0: {  	(pc) =	sbr.rel $0x88, $3  }
0x1: {  	(tag) =	ssettag $0x0;
	lr =	simm.s32 $0x1  }
0x2: {  	[smem:$0x3F9F] =	sst lr;
	_ =	strace $0xD0000000  }
0x3: {  	_ = 	snop  }
0x4: {  	_ = 	snop  }
0x5: {  	_ = 	snop  }
0x6: {  	_ = 	snop  }
0x7: {  	_ = 	snop  }
__scs_overlays_trampoline_lowered:
0x8: {  	[smem:$0x3FAE] =	sst s0  }
0x9: {  	[smem:$0x3FAF] =	sst s1  }
0xa: {  	[smem:$0x3FB0] =	sst s2  }
0xb: {  	[smem:$0x3FB1] =	sst s3  }
0xc: {  	[smem:$0x3FB2] =	sst s4  }
0xd: {  	[smem:$0x3FB3] =	sst s5  }
0xe: {  	[smem:$0x3FB4] =	sst s6  }
0xf: {  	[smem:$0x3FB5] =	sst s7  }
0x10: {  	[smem:$0x3FB6] =	sst s8  }
0x11: {  	[smem:$0x3FB7] =	sst s9;
	s0 =	simm.s32 @!p0 $0x0  }
0x12: {  	s1 =	sld [smem:$0x3F9D];
	s0 =	simm.s32 @p0 $0x1  }
0x13: {  	[smem:$0x3FB8] =	sst s0;
	s0 =	simm.s32 @!p1 $0x0  }
0x14: {  	s2 =	sld [smem:$0x3F9C];
	s0 =	simm.s32 @p1 $0x1  }
0x15: {  	[smem:$0x3FB9] =	sst s0;
	s0 =	simm.s32 @!p2 $0x0  }
0x16: {  	s3 =	sld [smem:$0x3FDB];
	s0 =	simm.s32 @p2 $0x1  }
0x17: {  	s4 =	simm.s32 $0x1BF5;
	[smem:$0x3FBB] =	sst s0  }
0x18: {  	s0 =	sld [smem:$0x3F9E];
	_ =	swait.ge [sflag:s4], $0x0  }
0x19: {  	s7 =	sld [smem:$0x3F9F]  }
0x1a: {  	s8 =	sadd.s32 $0xFFFFE003, lr  }
0x1b: {  	s9 =	sadd.s32 $0xFFFFFEF7, lr;
	s5 =	simm.s32 $0xFFFFFFFF;
	p2 =	slt.u32 s8, $0xFFFFF086  }
0x1c: {  	p1 =	slt.u32 s9, $0xF7A;
	s5 =	simm.s32 @!p2 $0x0  }
0x1d: {  	s5 =	simm.s32 @p1 $0x1;
	p0 =	seq.s32 s7, s2  }
0x1e: {  	s7 =	smul.u32 @!p0 $0xF7A, s2;
	p2 =	seq.s32 @!p0 s5, $0x0  }
0x1f: {  	s9 =	smul.u32 $0xF7A, s1;
	s8 =	simm.s32 @!p0 $0x1BF5;
	p2 =	por !p2, p0  }
0x20: {  	[sflag:s8] =	ssyncset.s32 @!p0 $0xFFFFF086;
	s6 =	sadd.s32 @!p0 s3, s7;
	s7 =	simm.s32 @!p0 $0x108  }
0x21: {  	s3 =	sadd.s32 s3, s9;
	s6 =	sadd.s32 @!p0 $0x88, s6;
	s7 =	simm.s32 @p2 $0x1082  }
0x22: {  	[simem:s7], [sflag:s8] =	dma.local @!p0 [hbm:s6], $0xF7A  }
0x23: {  	s9 =	sor.u32 $0xD0000000, s2;
	s6 =	simm.s32 $0x108;
	_ =	swait.ge @!p0 [sflag:s8], $0x0  }
0x24: {  	s3 =	sadd.s32 $0x88, s3;
	s6 =	simm.s32 @!p1 $0x1082;
	[sflag:s4] =	ssyncset.s32 $0xFFFFF086  }
0x25: {  	[simem:s6], [sflag:s4] =	dma.local [hbm:s3], $0xF7A  }
0x26: {  	[smem:$0x3F9F] =	sst s1;
	(tag) =	ssettag s2;
	_ =	strace s9  }
0x27: {  	s1 =	sld [smem:$0x3FAF]  }
0x28: {  	s2 =	sld [smem:$0x3FB0]  }
0x29: {  	s4 =	sld [smem:$0x3FB2]  }
0x2a: {  	p0 =	seq.s32 s5, $0x0;
	s5 =	sld [smem:$0x3FB3]  }
0x2b: {  	s6 =	sld [smem:$0x3FB4]  }
0x2c: {  	s7 =	sld [smem:$0x3FB5]  }
0x2d: {  	s3 =	simm.s32 $0x108;
	s8 =	sld [smem:$0x3FB6]  }
0x2e: {  	s3 =	simm.s32 @!p0 $0x1082;
	s9 =	sld [smem:$0x3FB7]  }
0x2f: {  	lr =	sadd.s32 s0, s3;
	s0 =	sld [smem:$0x3FAE]  }
0x30: {  	s3 =	sld [smem:$0x3FB1]  }
0x31: {  	[smem:$0x3FBA] =	sst s10  }
0x32: {  	s10 =	sld [smem:$0x3FB8];
	_ =	sdelay $0x3  }
0x33: {  	p0 =	seq.s32 s10, $0x1;
	s10 =	sld [smem:$0x3FBA];
	_ =	sdelay $0x3  }
0x34: {  	[smem:$0x3FBA] =	sst s10  }
0x35: {  	s10 =	sld [smem:$0x3FB9];
	_ =	sdelay $0x3  }
0x36: {  	p1 =	seq.s32 s10, $0x1;
	s10 =	sld [smem:$0x3FBA];
	_ =	sdelay $0x3  }
0x37: {  	[smem:$0x3FBA] =	sst s10  }
0x38: {  	s10 =	sld [smem:$0x3FBB]  }
0x39: {  	_ = 	snop;
	(pc) =	sbr.ind lr, $3  }
0x3a: {  	_ = 	snop  }
0x3b: {  	_ = 	snop  }
0x3c: {  	p2 =	seq.s32 s10, $0x1;
	s10 =	sld [smem:$0x3FBA]  }
0x3d: {  	_ =	shalt  }
0x3e: {  	_ =	shalt  }
0x3f: {  	_ =	shalt  }
0x40: {  	_ =	shalt  }
0x41: {  	_ =	shalt  }
0x42: {  	_ =	shalt  }
0x43: {  	_ =	shalt  }
0x44: {  	_ =	shalt  }
0x45: {  	_ =	shalt  }
0x46: {  	_ =	shalt  }
0x47: {  	_ =	shalt  }
0x48: {  	_ =	shalt  }
0x49: {  	_ =	shalt  }
0x4a: {  	_ =	shalt  }
0x4b: {  	_ =	shalt  }
0x4c: {  	_ =	shalt  }
0x4d: {  	_ =	shalt  }
0x4e: {  	_ =	shalt  }
0x4f: {  	_ =	shalt  }
0x50: {  	_ =	shalt  }
0x51: {  	_ =	shalt  }
0x52: {  	_ =	shalt  }
0x53: {  	_ =	shalt  }
0x54: {  	_ =	shalt  }
0x55: {  	_ =	shalt  }
0x56: {  	_ =	shalt  }
0x57: {  	_ =	shalt  }
0x58: {  	_ =	shalt  }
0x59: {  	_ =	shalt  }
0x5a: {  	_ =	shalt  }
0x5b: {  	_ =	shalt  }
0x5c: {  	_ =	shalt  }
0x5d: {  	_ =	shalt  }
0x5e: {  	_ =	shalt  }
0x5f: {  	_ =	shalt  }
0x60: {  	_ =	shalt  }
0x61: {  	_ =	shalt  }
0x62: {  	_ =	shalt  }
0x63: {  	_ =	shalt  }
0x64: {  	_ =	shalt  }
0x65: {  	_ =	shalt  }
0x66: {  	_ =	shalt  }
0x67: {  	_ =	shalt  }
0x68: {  	_ =	shalt  }
0x69: {  	_ =	shalt  }
0x6a: {  	_ =	shalt  }
0x6b: {  	_ =	shalt  }
0x6c: {  	_ =	shalt  }
0x6d: {  	_ =	shalt  }
0x6e: {  	_ =	shalt  }
0x6f: {  	_ =	shalt  }
0x70: {  	_ =	shalt  }
0x71: {  	_ =	shalt  }
0x72: {  	_ =	shalt  }
0x73: {  	_ =	shalt  }
0x74: {  	_ =	shalt  }
0x75: {  	_ =	shalt  }
0x76: {  	_ =	shalt  }
0x77: {  	_ =	shalt  }
0x78: {  	_ =	shalt  }
0x79: {  	_ =	shalt  }
0x7a: {  	_ =	shalt  }
0x7b: {  	_ =	shalt  }
0x7c: {  	_ =	shalt  }
0x7d: {  	_ =	shalt  }
0x7e: {  	_ =	shalt  }
0x7f: {  	_ =	shalt  }
0x80: {  	_ =	shalt  }
0x81: {  	_ =	shalt  }
0x82: {  	_ =	shalt  }
0x83: {  	_ =	shalt  }
0x84: {  	_ =	shalt  }
0x85: {  	_ =	shalt  }
0x86: {  	_ =	shalt  }
0x87: {  	_ =	shalt  }
.Lfunc_end0:
.L_simem_size_0:
called_computation_lowered:
.L_overlay_start_0:
0x88: {  	s2 =	sld [smem:$0x3FD9]  }
0x89: {  	s3 =	sld [smem:$0x3FFE];
	_ =	sdelay $0x1  }
0x8a: {  	s1 =	srdreg.scid  }
0x8b: {  	s0 =	sand.u32 $0x1, s1  }
0x8c: {  	s17 =	sshll.u32 s0, $0xA;
	s2 =	sadd.s32 s3, s2  }
0x8d: {  	s2 =	sadd.s32 s2, s17  }
0x8e: {  	[smem:$0x3FC6] =	sst s2  }
0x8f: {  	_ = 	snop  }
0x90: {  	s2 =	sld [smem:$0x3FC8]  }
0x91: {  	s18 =	sld [smem:$0x3FD0];
	(tm) =	ssettm $0x1  }
0x92: {  	s4 =	sld [smem:$0x3FFB];
	_ =	sdelay $0x3  }
0x93: {  	_ =	strace s4  }
0x94: {  	s4 =	sld [smem:$0x3FFC];
	_ =	sdelay $0x3  }
0x95: {  	_ =	strace s4  }
0x96: {  	s4 =	sld [smem:$0x3FFD];
	_ =	sdelay $0x3  }
0x97: {  	_ =	strace s4  }
0x98: {  	_ =	strace $0x8FFFFFFF  }
0x99: {  	s19 =	sld [smem:$0x3FDB];
	_ =	sdelay $0x1  }
0x9a: {  	s5 =	simm.s32 $_scs_section_size  }
0x9b: {  	s6 =	simm.s32 $_size__tile_overlayer_lowered;
	s7 =	simm.s32 $_tile_overlayer_lowered  }
0x9c: {  	s22 =	simm.s32 $0x1BFF;
	s21 =	sshll.u32 s7, $0x1;
	s4 =	sadd.s32 s5, s19  }
0x9d: {  	s8 =	simm.s32 $0x0;
	s20 =	sshll.u32 s6, $0x1;
	s6 =	sadd.s32 s21, s4  }
0x9e: {  	[timem:s8], [sflag:s22] =	dma.local [hbm:s6], s20  }
0x9f: {  	_ =	swait.ge [sflag:s22], s20  }
0xa0: {  	s5 =	ssub.s32 $0x0, s20;
	[sflag:s22] =	ssyncset.done $0x0  }
0xa1: {  	[sflag:s22] =	ssyncadd.s32 s5;
	_ =	sdelay $0x1  }
0xa2: {  	s23 =	simm.s32 $0x1B8B  }
0xa3: {  	_ =	swait.ge [sflag:s23], $0x1  }
0xa4: {  	[sflag:s23] =	ssyncset.done $0x0  }
0xa5: {  	s25 =	simm.s32 $0x1B8E;
	s24 =	sld [smem:$0x3FFE];
	[sflag:s23] =	ssyncadd.s32 $0xFFFFFFFF  }
0xa6: {  	s26 =	simm.s32 $execute0_lowered;
	[smem:$0x3FD2] =	sst s25  }
0xa7: {  	s6 =	sshll.u32 s26, $0x1;
	_ =	strace $0x80000046;
	[dreg:$0x1] =	wrdreg $0xFFFFFFFF  }
0xa8: {  	s28 =	simm.s32 $_size_execute0_lowered;
	s4 =	sadd.s32 s4, s6;
	[dreg:$0x0] =	wrdreg $0x0  }
0xa9: {  	s6 =	sshll.u32 s28, $0x1;
	[dreg:$0x2] =	wrdreg s4  }
0xaa: {  	[dreg:$0x3] =	wrdreg s6  }
0xab: {  	[dreg:$0x4] =	wrdreg $0xC0  }
0xac: {  	_ =	task [dreg:s8], $0x5FFFF  }
0xad: {  	[dreg:$0x1] =	wrdreg $0xFFFFFFFF  }
0xae: {  	[dreg:$0x0] =	wrdreg $0x60  }
0xaf: {  	[dreg:$0x2] =	wrdreg s24  }
0xb0: {  	[dreg:$0x3] =	wrdreg s2  }
0xb1: {  	[dreg:$0x4] =	wrdreg s18  }
0xb2: {  	[dreg:$0x5] =	wrdreg $0x9  }
0xb3: {  	_ =	task.clear_ibuf [dreg:s8], $0x6FFFF;
	_ =	strace $0x90000046  }
0xb4: {  	s29 =	simm.s32 $0x9;
	_ =	strace $0x80000048  }
0xb5: {  	_ =	swait.ge [sflag:s29], $0x1  }
0xb6: {  	[sflag:s29] =	ssyncadd.s32 $0xFFFFFFFF  }
0xb7: {  	_ =	strace $0x90000048  }
0xb8: {  	_ =	sfence  }
0xb9: {  	s30 =	sld [smem:$0x0];
	_ =	sdelay $0x2  }
0xba: {  	s31 =	sshll.u32 s1, $0xD;
	s1 =	sshrl.u32 s1, $0x2  }
0xbb: {  	s3 =	sand.u32 $0x4000, s31;
	s1 =	sadd.s32 s1, s30  }
0xbc: {  	s0 =	sor.u32 s3, s0;
	s1 =	sshll.u32 s1, $0x11  }
0xbd: {  	s0 =	sor.u32 s1, s0  }
0xbe: {  	s0 =	sadd.s32 $0x8F2B, s0  }
0xbf: {  	[sflag:s0] =	ssyncadd.remote.s32 $0x1  }
0xc0: {  	_ =	sfence.sel $0xFFFF  }
0xc1: {  	[dreg:$0x0] =	wrdreg $0xFFFFFFFF;
	(pc) =	sbr.abs _section_cstart, $3  }
0xc2: {  	[dreg:$0x1] =	wrdreg $0xFFFFFFFF  }
0xc3: {  	_ =	task.clear_ibuf [dreg:s8], $0x2FFFF;
	_ =	strace $0x9FFFFFFF  }
0xc4: {  	(tm) =	ssettm $0x7FFFFFFF  }
0xc5: {  	_ =	shalt  }
tec
execute0_lowered:
.L_overlay_start_1:
0x0: {  	(tag) =	ssettag $0x1  }
0x1: {  	v1 =	vimm.s32 $0x54329876  }
0x2: {  	v1 =	vunpack.c.l.s4.s8 v1;
	_ =	sdelay $0x1  }
0x3: {  	v2 =	vimm.s32 $0x1007F7E;
	v1 =	vunpack.c.0.s8.s32 v1  }
0x4: {  	v3 =	vimm.s32 $0xD0C0B0A;
	v2 =	vunpack.c.0.s8.s32 v2  }
0x5: {  	vm0 =	vcmask $0x2F10;
	v3 =	vunpack.c.0.s8.s32 v3;
	v1 =	vand.u32 $0xF, v1  }
0x6: {  	v1 =	vsel vm0, v1, v2;
	vm0 =	vcmask $0x3F30  }
0x7: {  	v1 =	vsel vm0, v3, v1  }
0x8: {  	vm15 =	vcmask $0x300;
	[tilespmem:$0x1FBC0] =	vst v1;
	v1 =	vimm.s32 $0x80E  }
0x9: {  	vm14 =	vcmask $0x704;
	v2 =	vimm.s32 $0x80D;
	v1 =	vsel vm15, $0x87F, v1  }
0xa: {  	vm13 =	vcmask $0xB08;
	v2 =	vsel vm15, $0x87E, v2;
	v1 =	vsel vm14, $0x800, v1  }
0xb: {  	vm12 =	vcmask $0xF0C;
	v2 =	vsel vm14, $0x87F, v2;
	v1 =	vsel vm13, $0x801, v1  }
0xc: {  	vm11 =	vcmask $0x1310;
	v2 =	vsel vm13, $0x800, v2;
	v1 =	vsel vm12, $0x802, v1  }
0xd: {  	vm10 =	vcmask $0x1714;
	v2 =	vsel vm12, $0x801, v2;
	v1 =	vsel vm11, $0x803, v1  }
0xe: {  	vm9 =	vcmask $0x1B18;
	v2 =	vsel vm11, $0x802, v2;
	v1 =	vsel vm10, $0x804, v1  }
0xf: {  	vm8 =	vcmask $0x1F1C;
	v2 =	vsel vm10, $0x803, v2;
	v1 =	vsel vm9, $0x805, v1  }
0x10: {  	vm7 =	vcmask $0x2320;
	v2 =	vsel vm9, $0x804, v2;
	v1 =	vsel vm8, $0x806, v1  }
0x11: {  	vm6 =	vcmask $0x2724;
	v2 =	vsel vm8, $0x805, v2;
	v1 =	vsel vm7, $0x807, v1  }
0x12: {  	vm5 =	vcmask $0x2B28;
	v2 =	vsel vm7, $0x806, v2;
	v1 =	vsel vm6, $0x808, v1  }
0x13: {  	vm4 =	vcmask $0x2F2C;
	v2 =	vsel vm6, $0x807, v2;
	v1 =	vsel vm5, $0x809, v1  }
0x14: {  	vm3 =	vcmask $0x3330;
	v2 =	vsel vm5, $0x808, v2;
	v1 =	vsel vm4, $0x80A, v1  }
0x15: {  	vm1 =	vcmask $0x3734;
	v2 =	vsel vm4, $0x809, v2;
	v1 =	vsel vm3, $0x80B, v1  }
0x16: {  	vm2 =	vcmask $0x3B38;
	v2 =	vsel vm3, $0x80A, v2;
	v1 =	vsel vm1, $0x80C, v1  }
0x17: {  	v2 =	vsel vm1, $0x80B, v2;
	v1 =	vsel vm2, $0x80D, v1  }
0x18: {  	[tilespmem:$0x1FBD0] =	vst v1;
	v1 =	vsel vm2, $0x80C, v2  }
0x19: {  	[tilespmem:$0x1FBE0] =	vst v1;
	v1 =	vimm.s32 $0x100E  }
0x1a: {  	v2 =	vimm.s32 $0x100D;
	v1 =	vsel vm15, $0x107F, v1  }
0x1b: {  	v3 =	vimm.s32 $0x180E;
	v2 =	vsel vm15, $0x107E, v2;
	v1 =	vsel vm14, $0x1000, v1  }
0x1c: {  	v3 =	vsel vm15, $0x187F, v3;
	v2 =	vsel vm14, $0x107F, v2;
	v1 =	vsel vm13, $0x1001, v1  }
0x1d: {  	v3 =	vsel vm14, $0x1800, v3;
	v2 =	vsel vm13, $0x1000, v2;
	v1 =	vsel vm12, $0x1002, v1  }
0x1e: {  	v3 =	vsel vm13, $0x1801, v3;
	v2 =	vsel vm12, $0x1001, v2;
	v1 =	vsel vm11, $0x1003, v1  }
0x1f: {  	v3 =	vsel vm12, $0x1802, v3;
	v2 =	vsel vm11, $0x1002, v2;
	v1 =	vsel vm10, $0x1004, v1  }
0x20: {  	v3 =	vsel vm11, $0x1803, v3;
	v2 =	vsel vm10, $0x1003, v2;
	v1 =	vsel vm9, $0x1005, v1  }
0x21: {  	v3 =	vsel vm10, $0x1804, v3;
	v2 =	vsel vm9, $0x1004, v2;
	v1 =	vsel vm8, $0x1006, v1  }
0x22: {  	v3 =	vsel vm9, $0x1805, v3;
	v2 =	vsel vm8, $0x1005, v2;
	v1 =	vsel vm7, $0x1007, v1  }
0x23: {  	v3 =	vsel vm8, $0x1806, v3;
	v2 =	vsel vm7, $0x1006, v2;
	v1 =	vsel vm6, $0x1008, v1  }
0x24: {  	v3 =	vsel vm7, $0x1807, v3;
	v2 =	vsel vm6, $0x1007, v2;
	v1 =	vsel vm5, $0x1009, v1  }
0x25: {  	v3 =	vsel vm6, $0x1808, v3;
	v2 =	vsel vm5, $0x1008, v2;
	v1 =	vsel vm4, $0x100A, v1  }
0x26: {  	v3 =	vsel vm5, $0x1809, v3;
	v2 =	vsel vm4, $0x1009, v2;
	v1 =	vsel vm3, $0x100B, v1  }
0x27: {  	v3 =	vsel vm4, $0x180A, v3;
	v2 =	vsel vm3, $0x100A, v2;
	v1 =	vsel vm1, $0x100C, v1  }
0x28: {  	v3 =	vsel vm3, $0x180B, v3;
	v2 =	vsel vm1, $0x100B, v2;
	v1 =	vsel vm2, $0x100D, v1  }
0x29: {  	v3 =	vsel vm1, $0x180C, v3;
	[tilespmem:$0x1FBF0] =	vst v1;
	v1 =	vsel vm2, $0x100C, v2  }
0x2a: {  	[tilespmem:$0x1FC00] =	vst v1;
	v1 =	vsel vm2, $0x180D, v3  }
0x2b: {  	[tilespmem:$0x1FC10] =	vst v1;
	v1 =	vimm.s32 $0x180D  }
0x2c: {  	v2 =	vimm.s32 $0x200E;
	v1 =	vsel vm15, $0x187E, v1  }
0x2d: {  	v3 =	vimm.s32 $0x200D;
	v2 =	vsel vm15, $0x207F, v2;
	v1 =	vsel vm14, $0x187F, v1  }
0x2e: {  	v3 =	vsel vm15, $0x207E, v3;
	v2 =	vsel vm14, $0x2000, v2;
	v1 =	vsel vm13, $0x1800, v1  }
0x2f: {  	v3 =	vsel vm14, $0x207F, v3;
	v2 =	vsel vm13, $0x2001, v2;
	v1 =	vsel vm12, $0x1801, v1  }
0x30: {  	v3 =	vsel vm13, $0x2000, v3;
	v2 =	vsel vm12, $0x2002, v2;
	v1 =	vsel vm11, $0x1802, v1  }
0x31: {  	v3 =	vsel vm12, $0x2001, v3;
	v2 =	vsel vm11, $0x2003, v2;
	v1 =	vsel vm10, $0x1803, v1  }
0x32: {  	v3 =	vsel vm11, $0x2002, v3;
	v2 =	vsel vm10, $0x2004, v2;
	v1 =	vsel vm9, $0x1804, v1  }
0x33: {  	v3 =	vsel vm10, $0x2003, v3;
	v2 =	vsel vm9, $0x2005, v2;
	v1 =	vsel vm8, $0x1805, v1  }
0x34: {  	v3 =	vsel vm9, $0x2004, v3;
	v2 =	vsel vm8, $0x2006, v2;
	v1 =	vsel vm7, $0x1806, v1  }
0x35: {  	v3 =	vsel vm8, $0x2005, v3;
	v2 =	vsel vm7, $0x2007, v2;
	v1 =	vsel vm6, $0x1807, v1  }
0x36: {  	v3 =	vsel vm7, $0x2006, v3;
	v2 =	vsel vm6, $0x2008, v2;
	v1 =	vsel vm5, $0x1808, v1  }
0x37: {  	v3 =	vsel vm6, $0x2007, v3;
	v2 =	vsel vm5, $0x2009, v2;
	v1 =	vsel vm4, $0x1809, v1  }
0x38: {  	v3 =	vsel vm5, $0x2008, v3;
	v2 =	vsel vm4, $0x200A, v2;
	v1 =	vsel vm3, $0x180A, v1  }
0x39: {  	v3 =	vsel vm4, $0x2009, v3;
	v2 =	vsel vm3, $0x200B, v2;
	v1 =	vsel vm1, $0x180B, v1  }
0x3a: {  	v3 =	vsel vm3, $0x200A, v3;
	v2 =	vsel vm1, $0x200C, v2;
	v1 =	vsel vm2, $0x180C, v1  }
0x3b: {  	v3 =	vsel vm1, $0x200B, v3;
	[tilespmem:$0x1FC20] =	vst v1;
	v1 =	vsel vm2, $0x200D, v2  }
0x3c: {  	[tilespmem:$0x1FC30] =	vst v1;
	v1 =	vsel vm2, $0x200C, v3  }
0x3d: {  	[tilespmem:$0x1FC40] =	vst v1;
	v1 =	vimm.s32 $0x280E  }
0x3e: {  	v2 =	vimm.s32 $0x280D;
	v1 =	vsel vm15, $0x287F, v1  }
0x3f: {  	v3 =	vimm.s32 $0x300E;
	v2 =	vsel vm15, $0x287E, v2;
	v1 =	vsel vm14, $0x2800, v1  }
0x40: {  	v3 =	vsel vm15, $0x307F, v3;
	v2 =	vsel vm14, $0x287F, v2;
	v1 =	vsel vm13, $0x2801, v1  }
0x41: {  	v3 =	vsel vm14, $0x3000, v3;
	v2 =	vsel vm13, $0x2800, v2;
	v1 =	vsel vm12, $0x2802, v1  }
0x42: {  	v3 =	vsel vm13, $0x3001, v3;
	v2 =	vsel vm12, $0x2801, v2;
	v1 =	vsel vm11, $0x2803, v1  }
0x43: {  	v3 =	vsel vm12, $0x3002, v3;
	v2 =	vsel vm11, $0x2802, v2;
	v1 =	vsel vm10, $0x2804, v1  }
0x44: {  	v3 =	vsel vm11, $0x3003, v3;
	v2 =	vsel vm10, $0x2803, v2;
	v1 =	vsel vm9, $0x2805, v1  }
0x45: {  	v3 =	vsel vm10, $0x3004, v3;
	v2 =	vsel vm9, $0x2804, v2;
	v1 =	vsel vm8, $0x2806, v1  }
0x46: {  	v3 =	vsel vm9, $0x3005, v3;
	v2 =	vsel vm8, $0x2805, v2;
	v1 =	vsel vm7, $0x2807, v1  }
0x47: {  	v3 =	vsel vm8, $0x3006, v3;
	v2 =	vsel vm7, $0x2806, v2;
	v1 =	vsel vm6, $0x2808, v1  }
0x48: {  	v3 =	vsel vm7, $0x3007, v3;
	v2 =	vsel vm6, $0x2807, v2;
	v1 =	vsel vm5, $0x2809, v1  }
0x49: {  	v3 =	vsel vm6, $0x3008, v3;
	v2 =	vsel vm5, $0x2808, v2;
	v1 =	vsel vm4, $0x280A, v1  }
0x4a: {  	v3 =	vsel vm5, $0x3009, v3;
	v2 =	vsel vm4, $0x2809, v2;
	v1 =	vsel vm3, $0x280B, v1  }
0x4b: {  	v3 =	vsel vm4, $0x300A, v3;
	v2 =	vsel vm3, $0x280A, v2;
	v1 =	vsel vm1, $0x280C, v1  }
0x4c: {  	v3 =	vsel vm3, $0x300B, v3;
	v2 =	vsel vm1, $0x280B, v2;
	v1 =	vsel vm2, $0x280D, v1  }
0x4d: {  	v3 =	vsel vm1, $0x300C, v3;
	[tilespmem:$0x1FC50] =	vst v1;
	v1 =	vsel vm2, $0x280C, v2  }
0x4e: {  	[tilespmem:$0x1FC60] =	vst v1;
	v1 =	vsel vm2, $0x300D, v3  }
0x4f: {  	[tilespmem:$0x1FC70] =	vst v1;
	v1 =	vimm.s32 $0x300D  }
0x50: {  	v2 =	vimm.s32 $0x380E;
	v1 =	vsel vm15, $0x307E, v1  }
0x51: {  	v3 =	vimm.s32 $0x380D;
	v2 =	vsel vm15, $0x387F, v2;
	v1 =	vsel vm14, $0x307F, v1  }
0x52: {  	v3 =	vsel vm15, $0x387E, v3;
	v2 =	vsel vm14, $0x3800, v2;
	v1 =	vsel vm13, $0x3000, v1  }
0x53: {  	v3 =	vsel vm14, $0x387F, v3;
	v2 =	vsel vm13, $0x3801, v2;
	v1 =	vsel vm12, $0x3001, v1  }
0x54: {  	v3 =	vsel vm13, $0x3800, v3;
	v2 =	vsel vm12, $0x3802, v2;
	v1 =	vsel vm11, $0x3002, v1  }
0x55: {  	v3 =	vsel vm12, $0x3801, v3;
	v2 =	vsel vm11, $0x3803, v2;
	v1 =	vsel vm10, $0x3003, v1  }
0x56: {  	v3 =	vsel vm11, $0x3802, v3;
	v2 =	vsel vm10, $0x3804, v2;
	v1 =	vsel vm9, $0x3004, v1  }
0x57: {  	v3 =	vsel vm10, $0x3803, v3;
	v2 =	vsel vm9, $0x3805, v2;
	v1 =	vsel vm8, $0x3005, v1  }
0x58: {  	v3 =	vsel vm9, $0x3804, v3;
	v2 =	vsel vm8, $0x3806, v2;
	v1 =	vsel vm7, $0x3006, v1  }
0x59: {  	v3 =	vsel vm8, $0x3805, v3;
	v2 =	vsel vm7, $0x3807, v2;
	v1 =	vsel vm6, $0x3007, v1  }
0x5a: {  	v3 =	vsel vm7, $0x3806, v3;
	v2 =	vsel vm6, $0x3808, v2;
	v1 =	vsel vm5, $0x3008, v1  }
0x5b: {  	v3 =	vsel vm6, $0x3807, v3;
	v2 =	vsel vm5, $0x3809, v2;
	v1 =	vsel vm4, $0x3009, v1  }
0x5c: {  	v3 =	vsel vm5, $0x3808, v3;
	v2 =	vsel vm4, $0x380A, v2;
	v1 =	vsel vm3, $0x300A, v1  }
0x5d: {  	v3 =	vsel vm4, $0x3809, v3;
	v2 =	vsel vm3, $0x380B, v2;
	v1 =	vsel vm1, $0x300B, v1  }
0x5e: {  	v3 =	vsel vm3, $0x380A, v3;
	v2 =	vsel vm1, $0x380C, v2;
	v1 =	vsel vm2, $0x300C, v1  }
0x5f: {  	v3 =	vsel vm1, $0x380B, v3;
	[tilespmem:$0x1FC80] =	vst v1;
	v1 =	vsel vm2, $0x380D, v2  }
0x60: {  	[tilespmem:$0x1FC90] =	vst v1;
	v1 =	vsel vm2, $0x380C, v3  }
0x61: {  	[tilespmem:$0x1FCA0] =	vst v1;
	v1 =	vimm.s32 $0x400E  }
0x62: {  	v2 =	vimm.s32 $0x400D;
	v1 =	vsel vm15, $0x407F, v1  }
0x63: {  	v3 =	vimm.s32 $0x480E;
	v2 =	vsel vm15, $0x407E, v2;
	v1 =	vsel vm14, $0x4000, v1  }
0x64: {  	v3 =	vsel vm15, $0x487F, v3;
	v2 =	vsel vm14, $0x407F, v2;
	v1 =	vsel vm13, $0x4001, v1  }
0x65: {  	v3 =	vsel vm14, $0x4800, v3;
	v2 =	vsel vm13, $0x4000, v2;
	v1 =	vsel vm12, $0x4002, v1  }
0x66: {  	v3 =	vsel vm13, $0x4801, v3;
	v2 =	vsel vm12, $0x4001, v2;
	v1 =	vsel vm11, $0x4003, v1  }
0x67: {  	v3 =	vsel vm12, $0x4802, v3;
	v2 =	vsel vm11, $0x4002, v2;
	v1 =	vsel vm10, $0x4004, v1  }
0x68: {  	v3 =	vsel vm11, $0x4803, v3;
	v2 =	vsel vm10, $0x4003, v2;
	v1 =	vsel vm9, $0x4005, v1  }
0x69: {  	v3 =	vsel vm10, $0x4804, v3;
	v2 =	vsel vm9, $0x4004, v2;
	v1 =	vsel vm8, $0x4006, v1  }
0x6a: {  	v3 =	vsel vm9, $0x4805, v3;
	v2 =	vsel vm8, $0x4005, v2;
	v1 =	vsel vm7, $0x4007, v1  }
0x6b: {  	v3 =	vsel vm8, $0x4806, v3;
	v2 =	vsel vm7, $0x4006, v2;
	v1 =	vsel vm6, $0x4008, v1  }
0x6c: {  	v3 =	vsel vm7, $0x4807, v3;
	v2 =	vsel vm6, $0x4007, v2;
	v1 =	vsel vm5, $0x4009, v1  }
0x6d: {  	v3 =	vsel vm6, $0x4808, v3;
	v2 =	vsel vm5, $0x4008, v2;
	v1 =	vsel vm4, $0x400A, v1  }
0x6e: {  	v3 =	vsel vm5, $0x4809, v3;
	v2 =	vsel vm4, $0x4009, v2;
	v1 =	vsel vm3, $0x400B, v1  }
0x6f: {  	v3 =	vsel vm4, $0x480A, v3;
	v2 =	vsel vm3, $0x400A, v2;
	v1 =	vsel vm1, $0x400C, v1  }
0x70: {  	v3 =	vsel vm3, $0x480B, v3;
	v2 =	vsel vm1, $0x400B, v2;
	v1 =	vsel vm2, $0x400D, v1  }
0x71: {  	v3 =	vsel vm1, $0x480C, v3;
	[tilespmem:$0x1FCB0] =	vst v1;
	v1 =	vsel vm2, $0x400C, v2  }
0x72: {  	[tilespmem:$0x1FCC0] =	vst v1;
	v1 =	vsel vm2, $0x480D, v3  }
0x73: {  	[tilespmem:$0x1FCD0] =	vst v1;
	v1 =	vimm.s32 $0x480D  }
0x74: {  	v2 =	vimm.s32 $0x500E;
	v1 =	vsel vm15, $0x487E, v1  }
0x75: {  	v3 =	vimm.s32 $0x500D;
	v2 =	vsel vm15, $0x507F, v2;
	v1 =	vsel vm14, $0x487F, v1  }
0x76: {  	v3 =	vsel vm15, $0x507E, v3;
	v2 =	vsel vm14, $0x5000, v2;
	v1 =	vsel vm13, $0x4800, v1  }
0x77: {  	v3 =	vsel vm14, $0x507F, v3;
	v2 =	vsel vm13, $0x5001, v2;
	v1 =	vsel vm12, $0x4801, v1  }
0x78: {  	v3 =	vsel vm13, $0x5000, v3;
	v2 =	vsel vm12, $0x5002, v2;
	v1 =	vsel vm11, $0x4802, v1  }
0x79: {  	v3 =	vsel vm12, $0x5001, v3;
	v2 =	vsel vm11, $0x5003, v2;
	v1 =	vsel vm10, $0x4803, v1  }
0x7a: {  	v3 =	vsel vm11, $0x5002, v3;
	v2 =	vsel vm10, $0x5004, v2;
	v1 =	vsel vm9, $0x4804, v1  }
0x7b: {  	v3 =	vsel vm10, $0x5003, v3;
	v2 =	vsel vm9, $0x5005, v2;
	v1 =	vsel vm8, $0x4805, v1  }
0x7c: {  	v3 =	vsel vm9, $0x5004, v3;
	v2 =	vsel vm8, $0x5006, v2;
	v1 =	vsel vm7, $0x4806, v1  }
0x7d: {  	v3 =	vsel vm8, $0x5005, v3;
	v2 =	vsel vm7, $0x5007, v2;
	v1 =	vsel vm6, $0x4807, v1  }
0x7e: {  	v3 =	vsel vm7, $0x5006, v3;
	v2 =	vsel vm6, $0x5008, v2;
	v1 =	vsel vm5, $0x4808, v1  }
0x7f: {  	v3 =	vsel vm6, $0x5007, v3;
	v2 =	vsel vm5, $0x5009, v2;
	v1 =	vsel vm4, $0x4809, v1  }
0x80: {  	v3 =	vsel vm5, $0x5008, v3;
	v2 =	vsel vm4, $0x500A, v2;
	v1 =	vsel vm3, $0x480A, v1  }
0x81: {  	v3 =	vsel vm4, $0x5009, v3;
	v2 =	vsel vm3, $0x500B, v2;
	v1 =	vsel vm1, $0x480B, v1  }
0x82: {  	v3 =	vsel vm3, $0x500A, v3;
	v2 =	vsel vm1, $0x500C, v2;
	v1 =	vsel vm2, $0x480C, v1  }
0x83: {  	v3 =	vsel vm1, $0x500B, v3;
	[tilespmem:$0x1FCE0] =	vst v1;
	v1 =	vsel vm2, $0x500D, v2  }
0x84: {  	[tilespmem:$0x1FCF0] =	vst v1;
	v1 =	vsel vm2, $0x500C, v3  }
0x85: {  	[tilespmem:$0x1FD00] =	vst v1;
	v1 =	vimm.s32 $0x580E  }
0x86: {  	v2 =	vimm.s32 $0x580D;
	v1 =	vsel vm15, $0x587F, v1  }
0x87: {  	v3 =	vimm.s32 $0x600E;
	v2 =	vsel vm15, $0x587E, v2;
	v1 =	vsel vm14, $0x5800, v1  }
0x88: {  	v3 =	vsel vm15, $0x607F, v3;
	v2 =	vsel vm14, $0x587F, v2;
	v1 =	vsel vm13, $0x5801, v1  }
0x89: {  	v3 =	vsel vm14, $0x6000, v3;
	v2 =	vsel vm13, $0x5800, v2;
	v1 =	vsel vm12, $0x5802, v1  }
0x8a: {  	v3 =	vsel vm13, $0x6001, v3;
	v2 =	vsel vm12, $0x5801, v2;
	v1 =	vsel vm11, $0x5803, v1  }
0x8b: {  	v3 =	vsel vm12, $0x6002, v3;
	v2 =	vsel vm11, $0x5802, v2;
	v1 =	vsel vm10, $0x5804, v1  }
0x8c: {  	v3 =	vsel vm11, $0x6003, v3;
	v2 =	vsel vm10, $0x5803, v2;
	v1 =	vsel vm9, $0x5805, v1  }
0x8d: {  	v3 =	vsel vm10, $0x6004, v3;
	v2 =	vsel vm9, $0x5804, v2;
	v1 =	vsel vm8, $0x5806, v1  }
0x8e: {  	v3 =	vsel vm9, $0x6005, v3;
	v2 =	vsel vm8, $0x5805, v2;
	v1 =	vsel vm7, $0x5807, v1  }
0x8f: {  	v3 =	vsel vm8, $0x6006, v3;
	v2 =	vsel vm7, $0x5806, v2;
	v1 =	vsel vm6, $0x5808, v1  }
0x90: {  	v3 =	vsel vm7, $0x6007, v3;
	v2 =	vsel vm6, $0x5807, v2;
	v1 =	vsel vm5, $0x5809, v1  }
0x91: {  	v3 =	vsel vm6, $0x6008, v3;
	v2 =	vsel vm5, $0x5808, v2;
	v1 =	vsel vm4, $0x580A, v1  }
0x92: {  	v3 =	vsel vm5, $0x6009, v3;
	v2 =	vsel vm4, $0x5809, v2;
	v1 =	vsel vm3, $0x580B, v1  }
0x93: {  	v3 =	vsel vm4, $0x600A, v3;
	v2 =	vsel vm3, $0x580A, v2;
	v1 =	vsel vm1, $0x580C, v1  }
0x94: {  	v3 =	vsel vm3, $0x600B, v3;
	v2 =	vsel vm1, $0x580B, v2;
	v1 =	vsel vm2, $0x580D, v1  }
0x95: {  	v3 =	vsel vm1, $0x600C, v3;
	[tilespmem:$0x1FD10] =	vst v1;
	v1 =	vsel vm2, $0x580C, v2  }
0x96: {  	[tilespmem:$0x1FD20] =	vst v1;
	v1 =	vsel vm2, $0x600D, v3  }
0x97: {  	[tilespmem:$0x1FD30] =	vst v1;
	v1 =	vimm.s32 $0x600D  }
0x98: {  	v2 =	vimm.s32 $0x680E;
	v1 =	vsel vm15, $0x607E, v1  }
0x99: {  	v3 =	vimm.s32 $0x680D;
	v2 =	vsel vm15, $0x687F, v2;
	v1 =	vsel vm14, $0x607F, v1  }
0x9a: {  	v3 =	vsel vm15, $0x687E, v3;
	v2 =	vsel vm14, $0x6800, v2;
	v1 =	vsel vm13, $0x6000, v1  }
0x9b: {  	v3 =	vsel vm14, $0x687F, v3;
	v2 =	vsel vm13, $0x6801, v2;
	v1 =	vsel vm12, $0x6001, v1  }
0x9c: {  	v3 =	vsel vm13, $0x6800, v3;
	v2 =	vsel vm12, $0x6802, v2;
	v1 =	vsel vm11, $0x6002, v1  }
0x9d: {  	v3 =	vsel vm12, $0x6801, v3;
	v2 =	vsel vm11, $0x6803, v2;
	v1 =	vsel vm10, $0x6003, v1  }
0x9e: {  	v3 =	vsel vm11, $0x6802, v3;
	v2 =	vsel vm10, $0x6804, v2;
	v1 =	vsel vm9, $0x6004, v1  }
0x9f: {  	v3 =	vsel vm10, $0x6803, v3;
	v2 =	vsel vm9, $0x6805, v2;
	v1 =	vsel vm8, $0x6005, v1  }
0xa0: {  	v3 =	vsel vm9, $0x6804, v3;
	v2 =	vsel vm8, $0x6806, v2;
	v1 =	vsel vm7, $0x6006, v1  }
0xa1: {  	v3 =	vsel vm8, $0x6805, v3;
	v2 =	vsel vm7, $0x6807, v2;
	v1 =	vsel vm6, $0x6007, v1  }
0xa2: {  	v3 =	vsel vm7, $0x6806, v3;
	v2 =	vsel vm6, $0x6808, v2;
	v1 =	vsel vm5, $0x6008, v1  }
0xa3: {  	v3 =	vsel vm6, $0x6807, v3;
	v2 =	vsel vm5, $0x6809, v2;
	v1 =	vsel vm4, $0x6009, v1  }
0xa4: {  	v3 =	vsel vm5, $0x6808, v3;
	v2 =	vsel vm4, $0x680A, v2;
	v1 =	vsel vm3, $0x600A, v1  }
0xa5: {  	v3 =	vsel vm4, $0x6809, v3;
	v2 =	vsel vm3, $0x680B, v2;
	v1 =	vsel vm1, $0x600B, v1  }
0xa6: {  	v3 =	vsel vm3, $0x680A, v3;
	v2 =	vsel vm1, $0x680C, v2;
	v1 =	vsel vm2, $0x600C, v1  }
0xa7: {  	v3 =	vsel vm1, $0x680B, v3;
	[tilespmem:$0x1FD40] =	vst v1;
	v1 =	vsel vm2, $0x680D, v2  }
0xa8: {  	[tilespmem:$0x1FD50] =	vst v1;
	v1 =	vsel vm2, $0x680C, v3  }
0xa9: {  	[tilespmem:$0x1FD60] =	vst v1;
	v1 =	vimm.s32 $0x700E  }
0xaa: {  	v2 =	vimm.s32 $0x700D;
	v1 =	vsel vm15, $0x707F, v1  }
0xab: {  	v3 =	vimm.s32 $0x780E;
	v2 =	vsel vm15, $0x707E, v2;
	v1 =	vsel vm14, $0x7000, v1  }
0xac: {  	v3 =	vsel vm15, $0x787F, v3;
	v2 =	vsel vm14, $0x707F, v2;
	v1 =	vsel vm13, $0x7001, v1  }
0xad: {  	v3 =	vsel vm14, $0x7800, v3;
	v2 =	vsel vm13, $0x7000, v2;
	v1 =	vsel vm12, $0x7002, v1  }
0xae: {  	v3 =	vsel vm13, $0x7801, v3;
	v2 =	vsel vm12, $0x7001, v2;
	v1 =	vsel vm11, $0x7003, v1  }
0xaf: {  	v3 =	vsel vm12, $0x7802, v3;
	v2 =	vsel vm11, $0x7002, v2;
	v1 =	vsel vm10, $0x7004, v1  }
0xb0: {  	v3 =	vsel vm11, $0x7803, v3;
	v2 =	vsel vm10, $0x7003, v2;
	v1 =	vsel vm9, $0x7005, v1  }
0xb1: {  	v3 =	vsel vm10, $0x7804, v3;
	v2 =	vsel vm9, $0x7004, v2;
	v1 =	vsel vm8, $0x7006, v1  }
0xb2: {  	v3 =	vsel vm9, $0x7805, v3;
	v2 =	vsel vm8, $0x7005, v2;
	v1 =	vsel vm7, $0x7007, v1  }
0xb3: {  	v3 =	vsel vm8, $0x7806, v3;
	v2 =	vsel vm7, $0x7006, v2;
	v1 =	vsel vm6, $0x7008, v1  }
0xb4: {  	v3 =	vsel vm7, $0x7807, v3;
	v2 =	vsel vm6, $0x7007, v2;
	v1 =	vsel vm5, $0x7009, v1  }
0xb5: {  	v3 =	vsel vm6, $0x7808, v3;
	v2 =	vsel vm5, $0x7008, v2;
	v1 =	vsel vm4, $0x700A, v1  }
0xb6: {  	v3 =	vsel vm5, $0x7809, v3;
	v2 =	vsel vm4, $0x7009, v2;
	v1 =	vsel vm3, $0x700B, v1  }
0xb7: {  	v3 =	vsel vm4, $0x780A, v3;
	v2 =	vsel vm3, $0x700A, v2;
	v1 =	vsel vm1, $0x700C, v1  }
0xb8: {  	v3 =	vsel vm3, $0x780B, v3;
	v2 =	vsel vm1, $0x700B, v2;
	v1 =	vsel vm2, $0x700D, v1  }
0xb9: {  	v3 =	vsel vm1, $0x780C, v3;
	[tilespmem:$0x1FD70] =	vst v1;
	v1 =	vsel vm2, $0x700C, v2  }
0xba: {  	[tilespmem:$0x1FD80] =	vst v1;
	v1 =	vsel vm2, $0x780D, v3  }
0xbb: {  	[tilespmem:$0x1FD90] =	vst v1;
	v1 =	vimm.s32 $0x780D  }
0xbc: {  	v2 =	vimm.s32 $0x800E;
	v1 =	vsel vm15, $0x787E, v1  }
0xbd: {  	v3 =	vimm.s32 $0x800D;
	v2 =	vsel vm15, $0x807F, v2;
	v1 =	vsel vm14, $0x787F, v1  }
0xbe: {  	v3 =	vsel vm15, $0x807E, v3;
	v2 =	vsel vm14, $0x8000, v2;
	v1 =	vsel vm13, $0x7800, v1  }
0xbf: {  	v3 =	vsel vm14, $0x807F, v3;
	v2 =	vsel vm13, $0x8001, v2;
	v1 =	vsel vm12, $0x7801, v1  }
0xc0: {  	v3 =	vsel vm13, $0x8000, v3;
	v2 =	vsel vm12, $0x8002, v2;
	v1 =	vsel vm11, $0x7802, v1  }
0xc1: {  	v3 =	vsel vm12, $0x8001, v3;
	v2 =	vsel vm11, $0x8003, v2;
	v1 =	vsel vm10, $0x7803, v1  }
0xc2: {  	v3 =	vsel vm11, $0x8002, v3;
	v2 =	vsel vm10, $0x8004, v2;
	v1 =	vsel vm9, $0x7804, v1  }
0xc3: {  	v3 =	vsel vm10, $0x8003, v3;
	v2 =	vsel vm9, $0x8005, v2;
	v1 =	vsel vm8, $0x7805, v1  }
0xc4: {  	v3 =	vsel vm9, $0x8004, v3;
	v2 =	vsel vm8, $0x8006, v2;
	v1 =	vsel vm7, $0x7806, v1  }
0xc5: {  	v3 =	vsel vm8, $0x8005, v3;
	v2 =	vsel vm7, $0x8007, v2;
	v1 =	vsel vm6, $0x7807, v1  }
0xc6: {  	v3 =	vsel vm7, $0x8006, v3;
	v2 =	vsel vm6, $0x8008, v2;
	v1 =	vsel vm5, $0x7808, v1  }
0xc7: {  	v3 =	vsel vm6, $0x8007, v3;
	v2 =	vsel vm5, $0x8009, v2;
	v1 =	vsel vm4, $0x7809, v1  }
0xc8: {  	v3 =	vsel vm5, $0x8008, v3;
	v2 =	vsel vm4, $0x800A, v2;
	v1 =	vsel vm3, $0x780A, v1  }
0xc9: {  	v3 =	vsel vm4, $0x8009, v3;
	v2 =	vsel vm3, $0x800B, v2;
	v1 =	vsel vm1, $0x780B, v1  }
0xca: {  	s0 =	srdreg.scid;
	v3 =	vsel vm3, $0x800A, v3;
	v2 =	vsel vm1, $0x800C, v2;
	v1 =	vsel vm2, $0x780C, v1  }
0xcb: {  	v0 =	vlaneseq.u32;
	s1 =	stileid.u32;
	s3 =	rddreg [dreg:$0x0];
	s5 =	simm.s32 $0x0;
	v3 =	vsel vm1, $0x800B, v3;
	[tilespmem:$0x1FDA0] =	vst v1;
	v1 =	vsel vm2, $0x800D, v2  }
0xcc: {  	v0 =	vmul.u32 $0x10, v0;
	s0 =	sand.u32 $0x1, s0;
	s2 =	sshll.u32 s1, $0x6;
	s1 =	rddreg [dreg:$0x1];
	[tilespmem:$0x1FDB0] =	vst v1;
	v1 =	vsel vm2, $0x800C, v3  }
0xcd: {  	[smem:$0x7FF] =	sst s5;
	s4 =	sshll.u32 s0, $0x5;
	[tilespmem:$0x1FDC0] =	vst v1  }
0xce: {  	v4 =	vor.u32 $0x1, v0;
	s2 =	sor.u32 s4, s2;
	s4 =	rddreg [dreg:$0x2];
	_ =	strace $0x80000047;
	[tilespmem:$0x1FE00] =	vst v0  }
0xcf: {  	v5 =	vor.u32 $0x2, v0;
	[tilespmem:$0x1FE10] =	vst v4  }
0xd0: {  	v14 =	vor.u32 $0x3, v0;
	[tilespmem:$0x1FE20] =	vst v5  }
0xd1: {  	v15 =	vor.u32 $0x4, v0;
	[tilespmem:$0x1FE30] =	vst v14  }
0xd2: {  	v16 =	vor.u32 $0x5, v0;
	[tilespmem:$0x1FE40] =	vst v15  }
0xd3: {  	v17 =	vor.u32 $0x6, v0;
	[tilespmem:$0x1FE50] =	vst v16  }
0xd4: {  	v18 =	vor.u32 $0x7, v0;
	[tilespmem:$0x1FE60] =	vst v17  }
0xd5: {  	v19 =	vor.u32 $0x8, v0;
	v20 =	vor.u32 $0x9, v0;
	[tilespmem:$0x1FE70] =	vst v18  }
0xd6: {  	v21 =	vor.u32 $0xA, v0;
	v22 =	vor.u32 $0xB, v0;
	v23 =	vor.u32 $0xC, v0;
	[tilespmem:$0x1FE80] =	vst v19  }
0xd7: {  	v24 =	vor.u32 $0xD, v0;
	v25 =	vor.u32 $0xE, v0;
	v26 =	vor.u32 $0xF, v0;
	[tilespmem:$0x1FE90] =	vst v20  }
0xd8: {  	v27 =	vadd.s32 $0x40, v0;
	v28 =	vadd.s32 $0x41, v0;
	v29 =	vadd.s32 $0x42, v0;
	[tilespmem:$0x1FEA0] =	vst v21  }
0xd9: {  	v30 =	vadd.s32 $0x43, v0;
	v31 =	vadd.s32 $0x44, v0;
	v32 =	vadd.s32 $0x45, v0;
	[tilespmem:$0x1FEB0] =	vst v22  }
0xda: {  	v33 =	vadd.s32 $0x46, v0;
	v34 =	vadd.s32 $0x47, v0;
	v35 =	vadd.s32 $0x48, v0;
	[tilespmem:$0x1FEC0] =	vst v23  }
0xdb: {  	v36 =	vadd.s32 $0x49, v0;
	v37 =	vadd.s32 $0x4A, v0;
	v1 =	vimm.s32 $0x880E;
	[tilespmem:$0x1FED0] =	vst v24  }
0xdc: {  	v38 =	vadd.s32 $0x4E, v0;
	v2 =	vimm.s32 $0x880D;
	v1 =	vsel vm15, $0x887F, v1;
	[tilespmem:$0x1FEE0] =	vst v25  }
0xdd: {  	v39 =	vadd.s32 $0x4F, v0;
	v2 =	vsel vm15, $0x887E, v2;
	[tilespmem:$0x1FEF0] =	vst v26;
	v1 =	vsel vm14, $0x8800, v1  }
0xde: {  	v3 =	vimm.s32 $0x900E;
	v2 =	vsel vm14, $0x887F, v2;
	[tilespmem:$0x1FF00] =	vst v27;
	v1 =	vsel vm13, $0x8801, v1  }
0xdf: {  	v3 =	vsel vm15, $0x907F, v3;
	v2 =	vsel vm13, $0x8800, v2;
	[tilespmem:$0x1FF10] =	vst v28;
	v1 =	vsel vm12, $0x8802, v1  }
0xe0: {  	v3 =	vsel vm14, $0x9000, v3;
	[tilespmem:$0x1FF20] =	vst v29;
	v2 =	vsel vm12, $0x8801, v2;
	v1 =	vsel vm11, $0x8803, v1  }
0xe1: {  	[tilespmem:$0x1FF30] =	vst v30;
	v3 =	vsel vm13, $0x9001, v3;
	v2 =	vsel vm11, $0x8802, v2;
	v1 =	vsel vm10, $0x8804, v1  }
0xe2: {  	[tilespmem:$0x1FF40] =	vst v31;
	v3 =	vsel vm12, $0x9002, v3;
	v2 =	vsel vm10, $0x8803, v2;
	v1 =	vsel vm9, $0x8805, v1  }
0xe3: {  	[tilespmem:$0x1FF50] =	vst v32;
	v3 =	vsel vm11, $0x9003, v3;
	v2 =	vsel vm9, $0x8804, v2;
	v1 =	vsel vm8, $0x8806, v1  }
0xe4: {  	[tilespmem:$0x1FF60] =	vst v33;
	v3 =	vsel vm10, $0x9004, v3;
	v2 =	vsel vm8, $0x8805, v2;
	v1 =	vsel vm7, $0x8807, v1  }
0xe5: {  	[tilespmem:$0x1FF70] =	vst v34;
	v3 =	vsel vm9, $0x9005, v3;
	v2 =	vsel vm7, $0x8806, v2;
	v1 =	vsel vm6, $0x8808, v1  }
0xe6: {  	[tilespmem:$0x1FF80] =	vst v35;
	v3 =	vsel vm8, $0x9006, v3;
	v2 =	vsel vm6, $0x8807, v2;
	v1 =	vsel vm5, $0x8809, v1  }
0xe7: {  	s9 =	simm.s32 $0x300;
	[tilespmem:$0x1FF90] =	vst v36;
	v3 =	vsel vm7, $0x9007, v3;
	v2 =	vsel vm5, $0x8808, v2;
	v1 =	vsel vm4, $0x880A, v1  }
0xe8: {  	s10 =	simm.s32 $0x50;
	s11 =	simm.s32 $0x2B00;
	[tilespmem:$0x1FFA0] =	vst v37;
	v3 =	vsel vm6, $0x9008, v3;
	v2 =	vsel vm4, $0x8809, v2;
	v1 =	vsel vm3, $0x880B, v1  }
0xe9: {  	s18 =	simm.s32 $0xCB00;
	s19 =	simm.s32 $0xF300;
	[tilespmem:$0x1FFE0] =	vst v38;
	v3 =	vsel vm5, $0x9009, v3;
	v2 =	vsel vm3, $0x880A, v2;
	v1 =	vsel vm1, $0x880C, v1  }
0xea: {  	s20 =	simm.s32 $0x11B00;
	s21 =	simm.s32 $0x14300;
	s22 =	simm.s32 $0x1;
	[tilespmem:$0x1FFF0] =	vst v39;
	v3 =	vsel vm4, $0x900A, v3;
	v2 =	vsel vm1, $0x880B, v2;
	v1 =	vsel vm2, $0x880D, v1  }
0xeb: {  	s23 =	simm.s32 $0x10;
	s24 =	simm.s32 $0x17B00;
	s6 =	smul.u32 $0x3, s2;
	v3 =	vsel vm3, $0x900B, v3;
	[tilespmem:$0x1FDD0] =	vst v1;
	v1 =	vsel vm2, $0x880C, v2  }
0xec: {  	s25 =	simm.s32 $0x16B00;
	s26 =	simm.s32 $0x2;
	s0 =	ssub.s32 $0x2, s0;
	v3 =	vsel vm1, $0x900C, v3;
	v2 =	vadd.s32 $0x4C, v0;
	[tilespmem:$0x1FDE0] =	vst v1  }
0xed: {  	s28 =	simm.s32 $0x17B10;
	s7 =	sshrl.u32 s0, $0x1;
	s3 =	sadd.s32 s6, s3;
	v1 =	vsel vm2, $0x900D, v3;
	[tilespmem:$0x1FFC0] =	vst v2  }
0xee: {  	s29 =	simm.s32 $0x17300;
	s0 =	ssub.s32 s0, s7;
	s3 =	sadd.s32 $0x400, s3;
	v3 =	vadd.s32 $0x4D, v0;
	[tilespmem:$0x1FDF0] =	vst v1  }
0xef: {  	s30 =	simm.s32 $0x3;
	s0 =	smax.u32 s0, $0x1;
	[dreg:$0x4] =	wrdreg s3;
	v1 =	vadd.s32 $0x4B, v0;
	[tilespmem:$0x1FFD0] =	vst v3  }
0xf0: {  	v6 =	vimm.f32 $-1.000000000e+00;
	s31 =	simm.s32 $0x4;
	vm0 =	vcmask $0x3F08;
	[dreg:$0x5] =	wrdreg s0;
	s3 =	simm.s32 $0x0;
	[tilespmem:$0x1FFB0] =	vst v1  }
.LBB2_1:
0xf1: {  	s0 =	rddreg [dreg:$0x4];
	s17 =	simm.s32 $0x5  }
0xf2: {  	[tilespmem:s5], [sflag:$0x5] =	stream.linear.gather [hbm4b:s0+s5], $0x300, $0x38;
	[tilespmem:$0x17B20] =	vst v63  }
0xf3: {  	_ =	swait.ge [sflag:s17], $0x300  }
0xf4: {  	[sflag:s17] =	ssyncset.done $0x0  }
0xf5: {  	[sflag:s17] =	ssyncadd.s32 $0xFFFFFD00  }
0xf6: {  	v7 =	vld [tilespmem:s31+$0xFFFFFFFC];
	_ =	sdelay $0x2  }
0xf7: {  	v8 =	vadd.s32 s5, v0  }
0xf8: {  	v9 =	vadd.s32 s5, v4  }
0xf9: {  	v11 =	vadd.s32 s5, v5;
	v10 =	vshll.u32 v7, $0x4  }
0xfa: {  	v12 =	vadd.s32 s5, v14;
	v7 =	vand.u32 $0x7, v7;
	v10 =	vand.u32 $0xFFFFFF80, v10  }
0xfb: {  	v7 =	vor.u32 v7, v10;
	v10 =	vadd.s32 s5, v15  }
0xfc: {  	v13 =	vadd.s32 s5, v16;
	[tilespmem:v8+s9+$0x0] =	vst.idx.msk $0xffff, v7;
	v8 =	vor.u32 $0x8, v7  }
0xfd: {  	[tilespmem:v9+s9+$0x0] =	vst.idx.msk $0xffff, v8;
	v8 =	vor.u32 $0x10, v7;
	v9 =	vadd.s32 s5, v17  }
0xfe: {  	[tilespmem:v11+s9+$0x0] =	vst.idx.msk $0xffff, v8;
	v8 =	vor.u32 $0x18, v7;
	v11 =	vadd.s32 s5, v18  }
0xff: {  	[tilespmem:v12+s9+$0x0] =	vst.idx.msk $0xffff, v8;
	v8 =	vor.u32 $0x20, v7;
	v12 =	vadd.s32 s5, v19  }
0x100: {  	[tilespmem:v10+s9+$0x0] =	vst.idx.msk $0xffff, v8;
	v8 =	vor.u32 $0x28, v7;
	v10 =	vadd.s32 s5, v20  }
0x101: {  	[tilespmem:v13+s9+$0x0] =	vst.idx.msk $0xffff, v8;
	v8 =	vor.u32 $0x30, v7;
	v13 =	vadd.s32 s5, v21  }
0x102: {  	[tilespmem:v9+s9+$0x0] =	vst.idx.msk $0xffff, v8;
	v8 =	vor.u32 $0x38, v7;
	v9 =	vadd.s32 s5, v22  }
0x103: {  	[tilespmem:v11+s9+$0x0] =	vst.idx.msk $0xffff, v8;
	v8 =	vor.u32 $0x40, v7;
	v11 =	vadd.s32 s5, v23  }
0x104: {  	[tilespmem:v12+s9+$0x0] =	vst.idx.msk $0xffff, v8;
	v8 =	vor.u32 $0x48, v7;
	v12 =	vadd.s32 s5, v24  }
0x105: {  	[tilespmem:v10+s9+$0x0] =	vst.idx.msk $0xffff, v8;
	v8 =	vor.u32 $0x50, v7;
	v10 =	vadd.s32 s5, v25  }
0x106: {  	[tilespmem:v13+s9+$0x0] =	vst.idx.msk $0xffff, v8;
	v8 =	vor.u32 $0x58, v7;
	v13 =	vadd.s32 s5, v26  }
0x107: {  	[tilespmem:v9+s9+$0x0] =	vst.idx.msk $0xffff, v8;
	v8 =	vor.u32 $0x60, v7  }
0x108: {  	[tilespmem:v11+s9+$0x0] =	vst.idx.msk $0xffff, v8;
	v8 =	vor.u32 $0x68, v7  }
0x109: {  	[tilespmem:v12+s9+$0x0] =	vst.idx.msk $0xffff, v8;
	v8 =	vor.u32 $0x70, v7  }
0x10a: {  	v7 =	vor.u32 $0x78, v7;
	[tilespmem:v10+s9+$0x0] =	vst.idx.msk $0xffff, v8  }
0x10b: {  	[tilespmem:v13+s9+$0x0] =	vst.idx.msk $0xffff, v7  }
0x10c: {  	v7 =	vld [tilespmem:s31+$0x0];
	_ =	sdelay $0x2  }
0x10d: {  	v8 =	vadd.s32 s5, v27  }
0x10e: {  	v9 =	vadd.s32 s5, v28  }
0x10f: {  	v11 =	vadd.s32 s5, v29;
	v10 =	vshll.u32 v7, $0x4  }
0x110: {  	v12 =	vadd.s32 s5, v30;
	v7 =	vand.u32 $0x7, v7;
	v10 =	vand.u32 $0xFFFFFF80, v10  }
0x111: {  	v10 =	vor.u32 v7, v10;
	v7 =	vadd.s32 s5, v31  }
0x112: {  	v13 =	vadd.s32 s5, v32;
	[tilespmem:v8+s9+$0x0] =	vst.idx.msk $0xffff, v10;
	v8 =	vor.u32 $0x8, v10  }
0x113: {  	[tilespmem:v9+s9+$0x0] =	vst.idx.msk $0xffff, v8;
	v8 =	vor.u32 $0x10, v10;
	v9 =	vadd.s32 s5, v33  }
0x114: {  	[tilespmem:v11+s9+$0x0] =	vst.idx.msk $0xffff, v8;
	v8 =	vor.u32 $0x18, v10;
	v11 =	vadd.s32 s5, v34  }
0x115: {  	[tilespmem:v12+s9+$0x0] =	vst.idx.msk $0xffff, v8;
	v8 =	vor.u32 $0x20, v10;
	v12 =	vadd.s32 s5, v35  }
0x116: {  	[tilespmem:v7+s9+$0x0] =	vst.idx.msk $0xffff, v8;
	v7 =	vor.u32 $0x28, v10;
	v8 =	vadd.s32 s5, v36  }
0x117: {  	[tilespmem:v13+s9+$0x0] =	vst.idx.msk $0xffff, v7;
	v7 =	vor.u32 $0x30, v10;
	v13 =	vadd.s32 s5, v37  }
0x118: {  	[tilespmem:v9+s9+$0x0] =	vst.idx.msk $0xffff, v7;
	v7 =	vor.u32 $0x38, v10;
	v9 =	vadd.s32 s5, v1  }
0x119: {  	[tilespmem:v11+s9+$0x0] =	vst.idx.msk $0xffff, v7;
	v7 =	vor.u32 $0x40, v10;
	v11 =	vadd.s32 s5, v2  }
0x11a: {  	[tilespmem:v12+s9+$0x0] =	vst.idx.msk $0xffff, v7;
	v7 =	vor.u32 $0x48, v10;
	v12 =	vadd.s32 s5, v3  }
0x11b: {  	[tilespmem:v8+s9+$0x0] =	vst.idx.msk $0xffff, v7;
	v7 =	vor.u32 $0x50, v10  }
0x11c: {  	[tilespmem:v13+s9+$0x0] =	vst.idx.msk $0xffff, v7;
	v7 =	vor.u32 $0x58, v10  }
0x11d: {  	v8 =	vadd.s32 s5, v38;
	[tilespmem:v9+s9+$0x0] =	vst.idx.msk $0xffff, v7;
	v7 =	vor.u32 $0x60, v10  }
0x11e: {  	[tilespmem:v11+s9+$0x0] =	vst.idx.msk $0xffff, v7;
	v7 =	vor.u32 $0x68, v10  }
0x11f: {  	[tilespmem:v12+s9+$0x0] =	vst.idx.msk $0xffff, v7;
	v7 =	vadd.s32 s5, v39;
	_ =	sdelay $0x1  }
0x120: {  	v9 =	vor.u32 $0x70, v10  }
0x121: {  	s6 =	simm.s32 $0x4;
	s0 =	simm.s32 $0x140;
	[tilespmem:v8+s9+$0x0] =	vst.idx.msk $0xffff, v9;
	v8 =	vor.u32 $0x78, v10  }
.LBB2_2:
0x122: {  	p0 =	sne.s32 s0, $0x26C0  }
0x123: {  	[tilespmem:v7+s9+$0x0] =	vst.idx.msk $0xffff, v8;
	s6 =	sadd.s32 $0x18, s6;
	s7 =	smov.u32 s0;
	s0 =	sadd.s32 $0x140, s0  }
0x124: {  	v7 =	vld [tilespmem:s6+$0xFFFFFFFC];
	_ =	sdelay $0x2  }
0x125: {  	v8 =	vadd.s32 s7, v0  }
0x126: {  	v9 =	vadd.s32 s7, v4  }
0x127: {  	v11 =	vadd.s32 s7, v5;
	v10 =	vshll.u32 v7, $0x4  }
0x128: {  	v12 =	vadd.s32 s7, v14;
	v7 =	vand.u32 $0x7, v7;
	v10 =	vand.u32 $0xFFFFFF80, v10  }
0x129: {  	v7 =	vor.u32 v7, v10;
	v10 =	vadd.s32 s7, v15  }
0x12a: {  	v13 =	vadd.s32 s7, v16;
	[tilespmem:v8+s9+$0x0] =	vst.idx.msk $0xffff, v7;
	v8 =	vor.u32 $0x8, v7  }
0x12b: {  	[tilespmem:v9+s9+$0x0] =	vst.idx.msk $0xffff, v8;
	v8 =	vor.u32 $0x10, v7;
	v9 =	vadd.s32 s7, v17  }
0x12c: {  	[tilespmem:v11+s9+$0x0] =	vst.idx.msk $0xffff, v8;
	v8 =	vor.u32 $0x18, v7;
	v11 =	vadd.s32 s7, v18  }
0x12d: {  	[tilespmem:v12+s9+$0x0] =	vst.idx.msk $0xffff, v8;
	v8 =	vor.u32 $0x20, v7;
	v12 =	vadd.s32 s7, v19  }
0x12e: {  	[tilespmem:v10+s9+$0x0] =	vst.idx.msk $0xffff, v8;
	v8 =	vor.u32 $0x28, v7;
	v10 =	vadd.s32 s7, v20  }
0x12f: {  	[tilespmem:v13+s9+$0x0] =	vst.idx.msk $0xffff, v8;
	v8 =	vor.u32 $0x30, v7;
	v13 =	vadd.s32 s7, v21  }
0x130: {  	[tilespmem:v9+s9+$0x0] =	vst.idx.msk $0xffff, v8;
	v8 =	vor.u32 $0x38, v7;
	v9 =	vadd.s32 s7, v22  }
0x131: {  	[tilespmem:v11+s9+$0x0] =	vst.idx.msk $0xffff, v8;
	v8 =	vor.u32 $0x40, v7;
	v11 =	vadd.s32 s7, v23  }
0x132: {  	[tilespmem:v12+s9+$0x0] =	vst.idx.msk $0xffff, v8;
	v8 =	vor.u32 $0x48, v7;
	v12 =	vadd.s32 s7, v24  }
0x133: {  	[tilespmem:v10+s9+$0x0] =	vst.idx.msk $0xffff, v8;
	v8 =	vor.u32 $0x50, v7;
	v10 =	vadd.s32 s7, v25  }
0x134: {  	[tilespmem:v13+s9+$0x0] =	vst.idx.msk $0xffff, v8;
	v8 =	vor.u32 $0x58, v7;
	v13 =	vadd.s32 s7, v26  }
0x135: {  	[tilespmem:v9+s9+$0x0] =	vst.idx.msk $0xffff, v8;
	v8 =	vor.u32 $0x60, v7  }
0x136: {  	[tilespmem:v11+s9+$0x0] =	vst.idx.msk $0xffff, v8;
	v8 =	vor.u32 $0x68, v7  }
0x137: {  	[tilespmem:v12+s9+$0x0] =	vst.idx.msk $0xffff, v8;
	v8 =	vor.u32 $0x70, v7  }
0x138: {  	v7 =	vor.u32 $0x78, v7;
	[tilespmem:v10+s9+$0x0] =	vst.idx.msk $0xffff, v8  }
0x139: {  	[tilespmem:v13+s9+$0x0] =	vst.idx.msk $0xffff, v7  }
0x13a: {  	v7 =	vld [tilespmem:s6+$0x0];
	_ =	sdelay $0x2  }
0x13b: {  	v8 =	vadd.s32 s7, v27  }
0x13c: {  	v9 =	vadd.s32 s7, v28  }
0x13d: {  	v11 =	vadd.s32 s7, v29;
	v10 =	vshll.u32 v7, $0x4  }
0x13e: {  	v12 =	vadd.s32 s7, v30;
	v7 =	vand.u32 $0x7, v7;
	v10 =	vand.u32 $0xFFFFFF80, v10  }
0x13f: {  	v10 =	vor.u32 v7, v10;
	v7 =	vadd.s32 s7, v31  }
0x140: {  	v13 =	vadd.s32 s7, v32;
	[tilespmem:v8+s9+$0x0] =	vst.idx.msk $0xffff, v10;
	v8 =	vor.u32 $0x8, v10  }
0x141: {  	[tilespmem:v9+s9+$0x0] =	vst.idx.msk $0xffff, v8;
	v8 =	vor.u32 $0x10, v10;
	v9 =	vadd.s32 s7, v33  }
0x142: {  	[tilespmem:v11+s9+$0x0] =	vst.idx.msk $0xffff, v8;
	v8 =	vor.u32 $0x18, v10;
	v11 =	vadd.s32 s7, v34  }
0x143: {  	[tilespmem:v12+s9+$0x0] =	vst.idx.msk $0xffff, v8;
	v8 =	vor.u32 $0x20, v10;
	v12 =	vadd.s32 s7, v35  }
0x144: {  	[tilespmem:v7+s9+$0x0] =	vst.idx.msk $0xffff, v8;
	v7 =	vor.u32 $0x28, v10;
	v8 =	vadd.s32 s7, v36  }
0x145: {  	[tilespmem:v13+s9+$0x0] =	vst.idx.msk $0xffff, v7;
	v7 =	vor.u32 $0x30, v10;
	v13 =	vadd.s32 s7, v37  }
0x146: {  	[tilespmem:v9+s9+$0x0] =	vst.idx.msk $0xffff, v7;
	v7 =	vor.u32 $0x38, v10;
	v9 =	vadd.s32 s7, v1  }
0x147: {  	[tilespmem:v11+s9+$0x0] =	vst.idx.msk $0xffff, v7;
	v7 =	vor.u32 $0x40, v10;
	v11 =	vadd.s32 s7, v2  }
0x148: {  	[tilespmem:v12+s9+$0x0] =	vst.idx.msk $0xffff, v7;
	v7 =	vor.u32 $0x48, v10;
	v12 =	vadd.s32 s7, v3  }
0x149: {  	[tilespmem:v8+s9+$0x0] =	vst.idx.msk $0xffff, v7;
	v7 =	vor.u32 $0x50, v10;
	v8 =	vadd.s32 s7, v38  }
.Ltmp0:
0x14a: {  	[tilespmem:v13+s9+$0x0] =	vst.idx.msk $0xffff, v7;
	v13 =	vor.u32 $0x58, v10;
	v7 =	vadd.s32 s7, v39;
	(pc) =	sbr.rel @p0 .LBB2_2-.Ltmp0, $4  }
0x14b: {  	[tilespmem:v9+s9+$0x0] =	vst.idx.msk $0xffff, v13;
	v9 =	vor.u32 $0x60, v10  }
0x14c: {  	[tilespmem:v11+s9+$0x0] =	vst.idx.msk $0xffff, v9;
	v9 =	vor.u32 $0x68, v10  }
0x14d: {  	[tilespmem:v12+s9+$0x0] =	vst.idx.msk $0xffff, v9;
	v9 =	vor.u32 $0x70, v10  }
0x14e: {  	[tilespmem:v8+s9+$0x0] =	vst.idx.msk $0xffff, v9;
	v8 =	vor.u32 $0x78, v10  }
0x14f: {  	_ =	sdelay $0x3  }
0x150: {  	[tilespmem:v7+s9+$0x0] =	vst.idx.msk $0xffff, v8  }
0x151: {  	[tilespmem:s11], [sflag:$0x1] =	stream.indirect.gather [hbm4b:s1+s10], $0x80, s9, s10, $0xb8;
	[tilespmem:$0x17B20] =	vst v63  }
0x152: {  	s0 =	simm.s32 $0x350;
	s6 =	simm.s32 $0x5300  }
0x153: {  	[tilespmem:s6], [sflag:$0x1] =	stream.indirect.gather [hbm4b:s1+s10], $0x80, s0, s10, $0xb8;
	[tilespmem:$0x17B20] =	vst v63  }
0x154: {  	s14 =	simm.s32 $0x3A0;
	s15 =	simm.s32 $0x7B00  }
0x155: {  	[tilespmem:s15], [sflag:$0x1] =	stream.indirect.gather [hbm4b:s1+s10], $0x80, s14, s10, $0xb8;
	[tilespmem:$0x17B20] =	vst v63  }
0x156: {  	s16 =	simm.s32 $0x3F0;
	s17 =	simm.s32 $0xA300;
	s0 =	simm.s32 $0x0  }
0x157: {  	[tilespmem:s17], [sflag:$0x1] =	stream.indirect.gather [hbm4b:s1+s10], $0x80, s16, s10, $0xb8;
	[tilespmem:$0x17B20] =	vst v63  }
.LBB2_4:
0x158: {  	s12 =	sshllo.u32 s0, $0x1  }
0x159: {  	s6 =	smul.u32 $0x500, s12;
	_ =	sdelay $0x1  }
0x15a: {  	s6 =	sshra.s32 s6, $0x2  }
0x15b: {  	s7 =	sadd.s32 $0x300, s6  }
0x15c: {  	[tilespmem:s18], [sflag:$0x2] =	stream.indirect.gather [hbm4b:s1+s10], $0x80, s7, s10, $0xb8;
	[tilespmem:$0x17B20] =	vst v63  }
0x15d: {  	s16 =	sadd.s32 $0x350, s6  }
0x15e: {  	[tilespmem:s19], [sflag:$0x2] =	stream.indirect.gather [hbm4b:s1+s10], $0x80, s16, s10, $0xb8;
	[tilespmem:$0x17B20] =	vst v63  }
0x15f: {  	s17 =	sadd.s32 $0x3A0, s6  }
0x160: {  	[tilespmem:s20], [sflag:$0x2] =	stream.indirect.gather [hbm4b:s1+s10], $0x80, s17, s10, $0xb8;
	[tilespmem:$0x17B20] =	vst v63  }
0x161: {  	s6 =	sadd.s32 $0x3F0, s6  }
0x162: {  	[tilespmem:s21], [sflag:$0x2] =	stream.indirect.gather [hbm4b:s1+s10], $0x80, s6, s10, $0xb8;
	[tilespmem:$0x17B20] =	vst v63  }
0x163: {  	_ =	swait.ge [sflag:s22], $0x2800  }
0x164: {  	[sflag:s22] =	ssyncset.done $0x0  }
0x165: {  	[sflag:s22] =	ssyncadd.s32 $0xFFFFD800  }
0x166: {  	_ =	swait.ge [sflag:s22], $0x2800  }
0x167: {  	[sflag:s22] =	ssyncset.done $0x0  }
0x168: {  	[sflag:s22] =	ssyncadd.s32 $0xFFFFD800  }
0x169: {  	_ =	swait.ge [sflag:s22], $0x2800  }
0x16a: {  	[sflag:s22] =	ssyncset.done $0x0  }
0x16b: {  	[sflag:s22] =	ssyncadd.s32 $0xFFFFD800  }
0x16c: {  	_ =	swait.ge [sflag:s22], $0x2800  }
0x16d: {  	p0 =	seq.s32 s0, $0x0;
	[sflag:s22] =	ssyncset.done $0x0  }
0x16e: {  	s6 =	simm.s32 @!p0 $0x3;
	[sflag:s22] =	ssyncadd.s32 $0xFFFFD800  }
0x16f: {  	_ =	swait.ge @!p0 [sflag:s6], $0x800  }
0x170: {  	s14 =	sshll.u32 s0, $0x1;
	[sflag:s6] =	ssyncset.done @!p0 $0x0  }
0x171: {  	s13 =	simm.s32 $0x0;
	s15 =	simm.s32 $0x0;
	[sflag:s6] =	ssyncadd.s32 @!p0 $0xFFFFF800  }
.LBB2_5:
0x172: {  	v46 =	vld [tilespmem:$0x1FBC0]  }
0x173: {  	v47 =	vld [tilespmem:$0x1FBD0]  }
0x174: {  	v48 =	vld [tilespmem:$0x1FBE0]  }
0x175: {  	v49 =	vld [tilespmem:$0x1FBF0]  }
0x176: {  	v50 =	vld [tilespmem:$0x1FC00]  }
0x177: {  	v51 =	vld [tilespmem:$0x1FC10]  }
0x178: {  	v52 =	vld [tilespmem:$0x1FC20]  }
0x179: {  	v53 =	vld [tilespmem:$0x1FC30]  }
0x17a: {  	v54 =	vld [tilespmem:$0x1FC40]  }
0x17b: {  	v55 =	vld [tilespmem:$0x1FC50]  }
0x17c: {  	v56 =	vld [tilespmem:$0x1FC60]  }
0x17d: {  	v57 =	vld [tilespmem:$0x1FC70]  }
0x17e: {  	v58 =	vld [tilespmem:$0x1FC80]  }
0x17f: {  	v59 =	vld [tilespmem:$0x1FC90]  }
0x180: {  	v60 =	vld [tilespmem:$0x1FCA0]  }
0x181: {  	v1 =	vld [tilespmem:$0x1FCB0]  }
0x182: {  	v61 =	vld [tilespmem:$0x1FCC0]  }
0x183: {  	v5 =	vld [tilespmem:$0x1FCD0]  }
0x184: {  	v28 =	vld [tilespmem:$0x1FCE0]  }
0x185: {  	v30 =	vld [tilespmem:$0x1FCF0]  }
0x186: {  	v31 =	vld [tilespmem:$0x1FD00]  }
0x187: {  	v33 =	vld [tilespmem:$0x1FD10]  }
0x188: {  	v34 =	vld [tilespmem:$0x1FD20]  }
0x189: {  	v36 =	vld [tilespmem:$0x1FD30]  }
0x18a: {  	v37 =	vld [tilespmem:$0x1FD40]  }
0x18b: {  	v39 =	vld [tilespmem:$0x1FD50]  }
0x18c: {  	v40 =	vld [tilespmem:$0x1FD60]  }
0x18d: {  	v42 =	vld [tilespmem:$0x1FD70]  }
0x18e: {  	v43 =	vld [tilespmem:$0x1FD80]  }
0x18f: {  	s16 =	sshll.u32 s15, $0x7;
	v45 =	vld [tilespmem:$0x1FD90]  }
0x190: {  	v14 =	vld [tilespmem:s16+$0x3B00]  }
0x191: {  	v17 =	vld [tilespmem:s16+$0x4300]  }
0x192: {  	v20 =	vld [tilespmem:s16+$0x4B00]  }
0x193: {  	v23 =	vld [tilespmem:s16+$0x5300]  }
0x194: {  	v26 =	vld [tilespmem:s16+$0x5B00]  }
0x195: {  	v2 =	vld [tilespmem:s16+$0x6300]  }
0x196: {  	s6 =	sadd.s32 $0xFFFFFFFF, s15;
	v4 =	vld [tilespmem:s16+$0x6B00]  }
0x197: {  	s6 =	sand.u32 $0xF, s6;
	v29 =	vld [tilespmem:s16+$0x7300]  }
0x198: {  	v0 =	vlaneseq.u32;
	v32 =	vld [tilespmem:s16+$0x7B00];
	v7 =	vmov s6  }
0x199: {  	v8 =	vmov s15;
	vm1 =	veq.s32 v0, $0x0;
	v35 =	vld [tilespmem:s16+$0x8300];
	v7 =	vsel vm0, s15, v7  }
0x19a: {  	v38 =	vld [tilespmem:s16+$0x8B00];
	v8 =	vsel vm1, s6, v8;
	v7 =	vshll.u32 v7, $0x7  }
0x19b: {  	v41 =	vld [tilespmem:s16+$0x9300];
	v8 =	vshll.u32 v8, $0x7;
	v9 =	vor.u32 v46, v7  }
0x19c: {  	v44 =	vld [tilespmem:s16+$0x9B00];
	v10 =	vor.u32 v47, v8  }
0x19d: {  	v62 =	vld [tilespmem:s16+$0xA300];
	v11 =	vor.u32 v48, v7  }
0x19e: {  	v63 =	vld [tilespmem:s16+$0xAB00];
	v12 =	vor.u32 v49, v8  }
0x19f: {  	v13 =	vor.u32 v50, v7;
	v46 =	vld [tilespmem:$0x1FDB0]  }
0x1a0: {  	v15 =	vor.u32 v51, v8;
	v9 =	vld.idx.msk [tilespmem:v9+s11+$0x0], $0xffff  }
0x1a1: {  	v16 =	vor.u32 v52, v7;
	v10 =	vld.idx.msk [tilespmem:v10+s11+$0x0], $0xffff  }
0x1a2: {  	v18 =	vor.u32 v53, v8;
	v11 =	vld.idx.msk [tilespmem:v11+s11+$0x0], $0xffff  }
0x1a3: {  	v19 =	vor.u32 v54, v7;
	v12 =	vld.idx.msk [tilespmem:v12+s11+$0x0], $0xffff  }
0x1a4: {  	v21 =	vor.u32 v55, v8;
	v13 =	vld.idx.msk [tilespmem:v13+s11+$0x0], $0xffff  }
0x1a5: {  	v22 =	vor.u32 v56, v7;
	v15 =	vld.idx.msk [tilespmem:v15+s11+$0x0], $0xffff  }
0x1a6: {  	v24 =	vor.u32 v57, v8;
	v16 =	vld.idx.msk [tilespmem:v16+s11+$0x0], $0xffff  }
0x1a7: {  	v25 =	vor.u32 v58, v7;
	v18 =	vld.idx.msk [tilespmem:v18+s11+$0x0], $0xffff  }
0x1a8: {  	v27 =	vor.u32 v59, v8;
	v19 =	vld.idx.msk [tilespmem:v19+s11+$0x0], $0xffff  }
0x1a9: {  	v0 =	vor.u32 v60, v7;
	v21 =	vld.idx.msk [tilespmem:v21+s11+$0x0], $0xffff  }
0x1aa: {  	v3 =	vor.u32 v1, v8;
	v22 =	vld.idx.msk [tilespmem:v22+s11+$0x0], $0xffff  }
0x1ab: {  	v1 =	vor.u32 v61, v7;
	v24 =	vld.idx.msk [tilespmem:v24+s11+$0x0], $0xffff  }
0x1ac: {  	v5 =	vor.u32 v5, v8;
	v25 =	vld.idx.msk [tilespmem:v25+s11+$0x0], $0xffff  }
0x1ad: {  	v28 =	vor.u32 v28, v7;
	v27 =	vld.idx.msk [tilespmem:v27+s11+$0x0], $0xffff  }
0x1ae: {  	v30 =	vor.u32 v30, v8;
	v0 =	vld.idx.msk [tilespmem:v0+s11+$0x0], $0xffff  }
0x1af: {  	v31 =	vor.u32 v31, v7;
	v3 =	vld.idx.msk [tilespmem:v3+s11+$0x0], $0xffff  }
0x1b0: {  	v33 =	vor.u32 v33, v8;
	v1 =	vld.idx.msk [tilespmem:v1+s11+$0x0], $0xffff  }
0x1b1: {  	v34 =	vor.u32 v34, v7;
	v5 =	vld.idx.msk [tilespmem:v5+s11+$0x0], $0xffff  }
0x1b2: {  	v36 =	vor.u32 v36, v8;
	v28 =	vld.idx.msk [tilespmem:v28+s11+$0x0], $0xffff  }
0x1b3: {  	v30 =	vld.idx.msk [tilespmem:v30+s11+$0x0], $0xffff  }
0x1b4: {  	v31 =	vld.idx.msk [tilespmem:v31+s11+$0x0], $0xffff  }
0x1b5: {  	v33 =	vld.idx.msk [tilespmem:v33+s11+$0x0], $0xffff  }
0x1b6: {  	v34 =	vld.idx.msk [tilespmem:v34+s11+$0x0], $0xffff  }
0x1b7: {  	v37 =	vor.u32 v37, v7;
	v36 =	vld.idx.msk [tilespmem:v36+s11+$0x0], $0xffff;
	v9 =	vmul.f32 v10, v9;
	v10 =	vmul.f32 v12, v11  }
0x1b8: {  	v39 =	vor.u32 v39, v8;
	v12 =	vld [tilespmem:$0x1FDA0];
	v13 =	vmul.f32 v15, v13  }
0x1b9: {  	v40 =	vor.u32 v40, v7;
	v10 =	vmul.f32 v17, v10;
	v17 =	vld [tilespmem:$0x1FDC0]  }
0x1ba: {  	v15 =	vmul.f32 v18, v16;
	v13 =	vmul.f32 v20, v13;
	v20 =	vld [tilespmem:$0x1FDE0]  }
0x1bb: {  	v42 =	vor.u32 v42, v8;
	v18 =	vmul.f32 v21, v19;
	v19 =	vmul.f32 v24, v22;
	v24 =	vld [tilespmem:$0x1FDD0]  }
0x1bc: {  	v45 =	vor.u32 v45, v8;
	v37 =	vld.idx.msk [tilespmem:v37+s11+$0x0], $0xffff  }
0x1bd: {  	v43 =	vor.u32 v43, v7;
	v39 =	vld.idx.msk [tilespmem:v39+s11+$0x0], $0xffff  }
0x1be: {  	v40 =	vld.idx.msk [tilespmem:v40+s11+$0x0], $0xffff;
	v46 =	vor.u32 v46, v8  }
0x1bf: {  	v12 =	vor.u32 v12, v7;
	v17 =	vor.u32 v17, v7;
	v7 =	vor.u32 v20, v7;
	v20 =	vld [tilespmem:$0x1FDF0]  }
0x1c0: {  	v11 =	vld.idx.msk [tilespmem:v42+s11+$0x0], $0xffff;
	v22 =	vor.u32 v24, v8  }
0x1c1: {  	v16 =	vld.idx.msk [tilespmem:v45+s11+$0x0], $0xffff  }
0x1c2: {  	v9 =	vmul.f32 v14, v9;
	v14 =	vld.idx.msk [tilespmem:v43+s11+$0x0], $0xffff  }
0x1c3: {  	v18 =	vmul.f32 v26, v18;
	v2 =	vmul.f32 v2, v19;
	v19 =	vld.idx.msk [tilespmem:v46+s11+$0x0], $0xffff  }
0x1c4: {  	v0 =	vmul.f32 v3, v0;
	v12 =	vld.idx.msk [tilespmem:v12+s11+$0x0], $0xffff;
	v8 =	vor.u32 v20, v8  }
0x1c5: {  	v1 =	vmul.f32 v5, v1;
	v9 =	vadd.f32 v18, v9;
	v18 =	vld.idx.msk [tilespmem:v22+s11+$0x0], $0xffff;
	v20 =	vmul.f32 v27, v25  }
0x1c6: {  	v5 =	vmul.f32 v30, v28;
	v15 =	vmul.f32 v23, v15;
	v27 =	vld [tilespmem:s16+$0xB300]  }
0x1c7: {  	v0 =	vmul.f32 v29, v0;
	v17 =	vld.idx.msk [tilespmem:v17+s11+$0x0], $0xffff;
	v4 =	vmul.f32 v4, v20  }
0x1c8: {  	v1 =	vmul.f32 v32, v1;
	v5 =	vmul.f32 v35, v5;
	v2 =	vadd.f32 v2, v10;
	v7 =	vld.idx.msk [tilespmem:v7+s11+$0x0], $0xffff  }
0x1c9: {  	v10 =	vmul.f32 v33, v31;
	v4 =	vadd.f32 v4, v13;
	v13 =	vmul.f32 v36, v34;
	v8 =	vld.idx.msk [tilespmem:v8+s11+$0x0], $0xffff  }
0x1ca: {  	v0 =	vadd.f32 v0, v15;
	v15 =	vmul.f32 v39, v37;
	v11 =	vmul.f32 v11, v40;
	v20 =	vld [tilespmem:s16+$0xBB00]  }
0x1cb: {  	v1 =	vadd.f32 v1, v9;
	v9 =	vmul.f32 v38, v10;
	v10 =	vmul.f32 v41, v13;
	v13 =	vld [tilespmem:s16+$0xC300]  }
0x1cc: {  	v2 =	vadd.f32 v5, v2;
	v5 =	vmul.f32 v44, v15;
	v11 =	vmul.f32 v62, v11  }
0x1cd: {  	v12 =	vmul.f32 v19, v12;
	v4 =	vadd.f32 v9, v4;
	v9 =	vmul.f32 v16, v14  }
0x1ce: {  	v0 =	vadd.f32 v10, v0;
	v10 =	vmul.f32 v18, v17;
	v7 =	vmul.f32 v8, v7  }
0x1cf: {  	v1 =	vadd.f32 v5, v1;
	v3 =	vmul.f32 v27, v12;
	v5 =	vmul.f32 v63, v9  }
0x1d0: {  	v2 =	vadd.f32 v11, v2;
	v8 =	vmul.f32 v20, v10;
	v7 =	vmul.f32 v13, v7  }
0x1d1: {  	v4 =	vadd.f32 v5, v4;
	v0 =	vadd.f32 v3, v0  }
0x1d2: {  	v1 =	vadd.f32 v8, v1;
	v2 =	vadd.f32 v7, v2;
	_ =	sdelay $0x1  }
0x1d3: {  	v0 =	vadd.f32 v0, v4;
	v1 =	vadd.f32 v2, v1;
	_ =	sdelay $0x1  }
0x1d4: {  	v0 =	vadd.f32 v1, v0;
	_ =	sdelay $0x1  }
0x1d5: {  	vm1 =	vgt.f32 v0, $0.0e+00  }
0x1d6: {  	v0 =	vsel vm1, $0x3F800000, v6  }
0x1d7: {  	s17 =	sshra.s32 s13, $0x2;
	[tilespmem:s16+$0x16B00] =	vst v0  }
0x1d8: {  	v0 =	vld [tilespmem:s17+$0xAB20];
	_ =	sdelay $0x4  }
0x1d9: {  	[tilespmem:$0x1FB60] =	vst v0  }
0x1da: {  	v0 =	vld [tilespmem:s17+$0xB320];
	_ =	sdelay $0x4  }
0x1db: {  	[tilespmem:$0x1FB80] =	vst v0  }
0x1dc: {  	v0 =	vld [tilespmem:s17+$0x8B20];
	_ =	sdelay $0x4  }
0x1dd: {  	[tilespmem:$0x1FB70] =	vst v0  }
0x1de: {  	v0 =	vld [tilespmem:s17+$0x9320];
	_ =	sdelay $0x4  }
0x1df: {  	[tilespmem:$0x1FB90] =	vst v0  }
0x1e0: {  	v4 =	vld [tilespmem:s17+$0x9B1E]  }
0x1e1: {  	v5 =	vld [tilespmem:s17+$0xA31F]  }
0x1e2: {  	v7 =	vld [tilespmem:s17+$0xA31E]  }
0x1e3: {  	v8 =	vld [tilespmem:s17+$0xAB1F]  }
0x1e4: {  	v0 =	vld [tilespmem:s17+$0x5320]  }
0x1e5: {  	v9 =	vld [tilespmem:s17+$0xAB1E]  }
0x1e6: {  	v10 =	vld [tilespmem:s17+$0xB31F]  }
0x1e7: {  	v11 =	vld [tilespmem:s17+$0xB31E]  }
0x1e8: {  	v12 =	vld [tilespmem:s17+$0xBB1F]  }
0x1e9: {  	v15 =	vld [tilespmem:s17+$0x4B20];
	[tilespmem:$0x1FBA0] =	vst v0  }
0x1ea: {  	v0 =	vld [tilespmem:s17+$0x6B20];
	_ =	sdelay $0x4  }
0x1eb: {  	[tilespmem:$0x1FBB0] =	vst v0  }
0x1ec: {  	v16 =	vld [tilespmem:s17+$0x7B1E]  }
0x1ed: {  	v17 =	vld [tilespmem:s17+$0x831F]  }
0x1ee: {  	v18 =	vld [tilespmem:s17+$0x831E]  }
0x1ef: {  	v19 =	vld [tilespmem:s17+$0x8B1F]  }
0x1f0: {  	v20 =	vld [tilespmem:s17+$0x8B1E]  }
0x1f1: {  	v21 =	vld [tilespmem:s17+$0x931F]  }
0x1f2: {  	v22 =	vld [tilespmem:s17+$0x931E]  }
0x1f3: {  	v23 =	vld [tilespmem:s17+$0x9B1F]  }
0x1f4: {  	v24 =	vld [tilespmem:s17+$0x3B1E]  }
0x1f5: {  	v25 =	vld [tilespmem:s17+$0x431F]  }
0x1f6: {  	v26 =	vld [tilespmem:s17+$0x431E]  }
0x1f7: {  	v27 =	vld [tilespmem:s17+$0x4B1F]  }
0x1f8: {  	v28 =	vld [tilespmem:s17+$0x5B1E]  }
0x1f9: {  	v29 =	vld [tilespmem:s17+$0x631F]  }
0x1fa: {  	v30 =	vld [tilespmem:s17+$0x631E]  }
0x1fb: {  	v31 =	vld [tilespmem:s17+$0x6B1F]  }
0x1fc: {  	v32 =	vld [tilespmem:s17+$0x6B1E]  }
0x1fd: {  	v33 =	vld [tilespmem:s17+$0x731F]  }
0x1fe: {  	v34 =	vld [tilespmem:s17+$0x731E]  }
0x1ff: {  	v35 =	vld [tilespmem:s17+$0x7B1F]  }
0x200: {  	v36 =	vld [tilespmem:s17+$0x2B1E]  }
0x201: {  	v37 =	vld [tilespmem:s17+$0x331F]  }
0x202: {  	v38 =	vld [tilespmem:s17+$0x331E]  }
0x203: {  	v39 =	vld [tilespmem:s17+$0x3B1F]  }
0x204: {  	v40 =	vld [tilespmem:s17+$0x4B1E]  }
0x205: {  	v41 =	vld [tilespmem:s17+$0x531F]  }
0x206: {  	v42 =	vld [tilespmem:s17+$0x531E]  }
0x207: {  	v43 =	vld [tilespmem:s17+$0x5B1F]  }
0x208: {  	v44 =	vld [tilespmem:s17+$0x7320]  }
0x209: {  	v45 =	vld [tilespmem:s17+$0x3B20]  }
0x20a: {  	v46 =	vld [tilespmem:s17+$0x4320]  }
0x20b: {  	v47 =	vld [tilespmem:s17+$0x5B20]  }
0x20c: {  	v48 =	vld [tilespmem:s17+$0x6320]  }
0x20d: {  	v49 =	vld [tilespmem:s17+$0x7B20]  }
0x20e: {  	v50 =	vld [tilespmem:s17+$0x8320]  }
0x20f: {  	v51 =	vld [tilespmem:s17+$0x9B20]  }
0x210: {  	v52 =	vld [tilespmem:s17+$0xA320]  }
0x211: {  	v53 =	vld [tilespmem:s17+$0xBB20]  }
0x212: {  	v54 =	vld [tilespmem:s17+$0xC320]  }
0x213: {  	v55 =	vld [tilespmem:s17+$0x2B0E]  }
0x214: {  	v56 =	vld [tilespmem:s17+$0x330F]  }
0x215: {  	v57 =	vld [tilespmem:s17+$0x330E]  }
0x216: {  	v58 =	vld [tilespmem:s17+$0x3B0F]  }
0x217: {  	v59 =	vld [tilespmem:s17+$0x4B0E]  }
0x218: {  	v60 =	vld [tilespmem:s17+$0x530F]  }
0x219: {  	v61 =	vld [tilespmem:s17+$0x530E]  }
0x21a: {  	v62 =	vld [tilespmem:s17+$0x5B0F]  }
0x21b: {  	v63 =	vld [tilespmem:s17+$0x3B10]  }
0x21c: {  	v0 =	vld [tilespmem:s17+$0x4310]  }
0x21d: {  	v13 =	vld [tilespmem:s17+$0x3B0E]  }
0x21e: {  	v3 =	vld [tilespmem:s17+$0x430F]  }
0x21f: {  	v2 =	vld [tilespmem:s17+$0x430E]  }
0x220: {  	v1 =	vld [tilespmem:s17+$0x4B0F]  }
0x221: {  	v14 =	vld [tilespmem:s17+$0x5B10]  }
0x222: {  	v4 =	vmul.f32 v5, v4;
	v5 =	vld [tilespmem:s17+$0x6310]  }
0x223: {  	v7 =	vmul.f32 v8, v7;
	v8 =	vmul.f32 v10, v9;
	v9 =	vld [tilespmem:s17+$0x5B0E]  }
0x224: {  	v11 =	vmul.f32 v12, v11;
	v12 =	vld [tilespmem:s17+$0x630F]  }
0x225: {  	v10 =	vmul.f32 v17, v16;
	v16 =	vmul.f32 v19, v18;
	v18 =	vld [tilespmem:s17+$0x630E]  }
0x226: {  	v17 =	vmul.f32 v21, v20;
	v21 =	vld [tilespmem:s17+$0x6B0F]  }
0x227: {  	v19 =	vmul.f32 v25, v24;
	v24 =	vld [tilespmem:s17+$0x6B0E]  }
0x228: {  	v20 =	vmul.f32 v23, v22;
	v22 =	vmul.f32 v27, v26;
	v27 =	vld [tilespmem:s17+$0x730F]  }
0x229: {  	v25 =	vmul.f32 v31, v30;
	v30 =	vld [tilespmem:s17+$0x730E]  }
0x22a: {  	v23 =	vmul.f32 v29, v28;
	v26 =	vmul.f32 v33, v32;
	v33 =	vld [tilespmem:s17+$0x7B0F]  }
0x22b: {  	v29 =	vmul.f32 v35, v34;
	v34 =	vmul.f32 v43, v42;
	v42 =	vld [tilespmem:$0x1FB60]  }
0x22c: {  	v35 =	vld [tilespmem:s17+$0x4B10]  }
0x22d: {  	v43 =	vld [tilespmem:$0x1FB70]  }
0x22e: {  	v32 =	vmul.f32 v41, v40;
	v40 =	vld [tilespmem:$0x1FB80]  }
0x22f: {  	v28 =	vmul.f32 v37, v36;
	v36 =	vld [tilespmem:s17+$0x5310]  }
0x230: {  	v31 =	vmul.f32 v39, v38;
	v41 =	vld [tilespmem:$0x1FBA0]  }
0x231: {  	v8 =	vmul.f32 v53, v8;
	v53 =	vld [tilespmem:s17+$0x8B0E];
	v11 =	vmul.f32 v54, v11  }
0x232: {  	v54 =	vmul.f32 v56, v55;
	v55 =	vld [tilespmem:s17+$0x930E];
	v56 =	vmul.f32 v62, v61  }
0x233: {  	v3 =	vmul.f32 v3, v13;
	v9 =	vmul.f32 v12, v9;
	v13 =	vld [tilespmem:s17+$0xA310]  }
0x234: {  	v61 =	vld [tilespmem:s17+$0xB30F];
	v15 =	vmul.f32 v15, v19;
	v28 =	vmul.f32 v45, v28  }
0x235: {  	v32 =	vmul.f32 v47, v32;
	v4 =	vmul.f32 v42, v4;
	v42 =	vld [tilespmem:$0x1FBB0]  }
0x236: {  	v19 =	vld [tilespmem:$0x1FB90];
	v31 =	vmul.f32 v46, v31;
	v34 =	vmul.f32 v48, v34  }
0x237: {  	v45 =	vld [tilespmem:s17+$0x7B10];
	v25 =	vmul.f32 v44, v25;
	v26 =	vmul.f32 v49, v26  }
0x238: {  	v46 =	vld [tilespmem:s17+$0x8310];
	v29 =	vmul.f32 v50, v29;
	v17 =	vmul.f32 v51, v17;
	v28 =	vadd.f32 v32, v28  }
0x239: {  	v47 =	vld [tilespmem:s17+$0x7B0E];
	v20 =	vmul.f32 v52, v20;
	v31 =	vadd.f32 v34, v31;
	v22 =	vmul.f32 v41, v22  }
0x23a: {  	v48 =	vld [tilespmem:s17+$0x830F];
	v10 =	vmul.f32 v43, v10;
	v49 =	vadd.f32 v26, v28;
	v23 =	vmul.f32 v42, v23  }
0x23b: {  	v50 =	vld [tilespmem:s17+$0x830E];
	v51 =	vadd.f32 v29, v31;
	v16 =	vmul.f32 v19, v16;
	v22 =	vadd.f32 v25, v22  }
0x23c: {  	v7 =	vmul.f32 v40, v7;
	v43 =	vld [tilespmem:s17+$0x7310];
	v17 =	vadd.f32 v17, v49;
	v15 =	vadd.f32 v23, v15  }
0x23d: {  	v12 =	vmul.f32 v21, v18;
	v18 =	vld [tilespmem:s17+$0x9B0E];
	v20 =	vadd.f32 v20, v51;
	v16 =	vadd.f32 v16, v22  }
0x23e: {  	v19 =	vld [tilespmem:s17+$0x6B10];
	v8 =	vadd.f32 v8, v17;
	v17 =	vmul.f32 v58, v57;
	v10 =	vadd.f32 v10, v15  }
0x23f: {  	v1 =	vmul.f32 v1, v2;
	v5 =	vmul.f32 v5, v56;
	v11 =	vadd.f32 v11, v20;
	v57 =	vld [tilespmem:s17+$0x9B0F]  }
0x240: {  	v7 =	vadd.f32 v7, v16;
	v0 =	vmul.f32 v0, v17;
	v17 =	vld [tilespmem:s17+$0x8B10];
	v4 =	vadd.f32 v4, v10  }
0x241: {  	v3 =	vmul.f32 v35, v3;
	v1 =	vmul.f32 v36, v1;
	v58 =	vld [tilespmem:s17+$0x9310]  }
0x242: {  	v20 =	vmul.f32 v60, v59;
	v8 =	vadd.f32 v11, v8;
	v15 =	vld [tilespmem:s17+$0x8B0F];
	v4 =	vadd.f32 v7, v4  }
0x243: {  	v59 =	vld [tilespmem:s17+$0xAB0F];
	v16 =	vmul.f32 v63, v54;
	v0 =	vadd.f32 v5, v0;
	v5 =	vmul.f32 v48, v47  }
0x244: {  	v10 =	vld [tilespmem:s17+$0x930F];
	v7 =	vmul.f32 v14, v20;
	v14 =	vmul.f32 v33, v30;
	v4 =	vadd.f32 v8, v4  }
0x245: {  	v5 =	vmul.f32 v17, v5;
	v20 =	vld [tilespmem:s17+$0xA30F];
	v8 =	vmul.f32 v27, v24  }
0x246: {  	v11 =	vld [tilespmem:s17+$0x9B10];
	v14 =	vmul.f32 v46, v14;
	vm1 =	vgt.f32 v4, $0.0e+00;
	v4 =	vmul.f32 v19, v9  }
0x247: {  	v60 =	vld [tilespmem:s17+$0xAB0E];
	v9 =	vmul.f32 v43, v12;
	v12 =	vadd.f32 v7, v16;
	v7 =	vmul.f32 v15, v50  }
0x248: {  	v19 =	vld [tilespmem:s17+$0xA30E];
	v8 =	vmul.f32 v45, v8;
	v15 =	vmul.f32 v57, v55;
	v0 =	vadd.f32 v14, v0  }
0x249: {  	v3 =	vadd.f32 v4, v3;
	v4 =	vmul.f32 v10, v53;
	v2 =	vmul.f32 v58, v7;
	v7 =	vld [tilespmem:s17+$0xB30E]  }
0x24a: {  	v63 =	vsel vm1, $0x3F800000, v6;
	v14 =	vmul.f32 v20, v18;
	v1 =	vadd.f32 v9, v1;
	v9 =	vld [tilespmem:s17+$0xBB0F]  }
0x24b: {  	v8 =	vadd.f32 v8, v12;
	v62 =	vmul.f32 v13, v15;
	v15 =	vld [tilespmem:s17+$0xAB10];
	v4 =	vmul.f32 v11, v4  }
0x24c: {  	v16 =	vld [tilespmem:s17+$0xB310];
	v18 =	vmul.f32 v61, v60;
	v10 =	vadd.f32 v5, v3;
	v11 =	vadd.f32 v2, v1  }
0x24d: {  	s7 =	sadd.s32 $0x80, s13;
	s6 =	simm.s32 $0x1;
	[tilespmem:s17+$0x16B20] =	vst v63;
	v13 =	vadd.f32 v62, v0;
	v17 =	vmul.f32 v59, v19;
	v19 =	vld [tilespmem:s17+$0xBB10];
	v12 =	vadd.f32 v4, v8  }
.LBB2_6:
0x24e: {  	s8 =	sshra.s32 s7, $0x2;
	v0 =	vld [tilespmem:s17+$0xC310]  }
0x24f: {  	v8 =	vld [tilespmem:s8+$0xAB20];
	v1 =	vmul.f32 v9, v7  }
0x250: {  	v7 =	vld [tilespmem:s8+$0xB320];
	v2 =	vmul.f32 v15, v14  }
0x251: {  	v3 =	vld [tilespmem:s8+$0x8B20];
	v4 =	vmul.f32 v16, v17  }
0x252: {  	v9 =	vld [tilespmem:s8+$0x9320];
	v2 =	vadd.f32 v2, v10;
	v5 =	vmul.f32 v19, v18  }
0x253: {  	v10 =	vld [tilespmem:s8+$0x9B1E];
	v4 =	vadd.f32 v4, v11;
	v0 =	vmul.f32 v0, v1  }
0x254: {  	v1 =	vld [tilespmem:s8+$0xA31F];
	v5 =	vadd.f32 v5, v12  }
0x255: {  	v11 =	vld [tilespmem:s8+$0xA31E];
	v0 =	vadd.f32 v0, v13;
	v2 =	vadd.f32 v4, v2  }
0x256: {  	v4 =	vld [tilespmem:s8+$0xAB1F]  }
0x257: {  	v12 =	vld [tilespmem:s8+$0xAB1E];
	v0 =	vadd.f32 v0, v5  }
0x258: {  	v5 =	vld [tilespmem:s8+$0xB31F]  }
0x259: {  	v13 =	vld [tilespmem:s8+$0xB31E];
	v0 =	vadd.f32 v0, v2  }
0x25a: {  	v2 =	vld [tilespmem:s8+$0xBB1F]  }
0x25b: {  	v14 =	vld [tilespmem:s8+$0x4B20];
	vm1 =	vgt.f32 v0, $0.0e+00  }
0x25c: {  	v0 =	vld [tilespmem:s8+$0x5320];
	v15 =	vsel vm1, $0x3F800000, v6  }
0x25d: {  	v16 =	vld [tilespmem:s8+$0x6B20];
	[tilespmem:s17+$0x16B10] =	vst v15;
	s17 =	smov.u32 s8  }
0x25e: {  	v15 =	vld [tilespmem:s17+$0x7B1E]  }
0x25f: {  	v17 =	vld [tilespmem:s17+$0x831F]  }
0x260: {  	v18 =	vld [tilespmem:s17+$0x831E]  }
0x261: {  	v19 =	vld [tilespmem:s17+$0x8B1F]  }
0x262: {  	v20 =	vld [tilespmem:s17+$0x8B1E]  }
0x263: {  	v21 =	vld [tilespmem:s17+$0x931F]  }
0x264: {  	v22 =	vld [tilespmem:s17+$0x931E]  }
0x265: {  	v23 =	vld [tilespmem:s17+$0x9B1F]  }
0x266: {  	v24 =	vld [tilespmem:s17+$0x3B1E]  }
0x267: {  	v25 =	vld [tilespmem:s17+$0x431F]  }
0x268: {  	v26 =	vld [tilespmem:s17+$0x431E]  }
0x269: {  	v27 =	vld [tilespmem:s17+$0x4B1F]  }
0x26a: {  	v28 =	vld [tilespmem:s17+$0x5B1E]  }
0x26b: {  	v29 =	vld [tilespmem:s17+$0x631F]  }
0x26c: {  	v30 =	vld [tilespmem:s17+$0x631E]  }
0x26d: {  	v31 =	vld [tilespmem:s17+$0x6B1F]  }
0x26e: {  	v32 =	vld [tilespmem:s17+$0x6B1E]  }
0x26f: {  	v33 =	vld [tilespmem:s17+$0x731F]  }
0x270: {  	v34 =	vld [tilespmem:s17+$0x731E]  }
0x271: {  	v35 =	vld [tilespmem:s17+$0x7B1F]  }
0x272: {  	v36 =	vld [tilespmem:s17+$0x2B1E]  }
0x273: {  	v37 =	vld [tilespmem:s17+$0x331F]  }
0x274: {  	v38 =	vld [tilespmem:s17+$0x331E]  }
0x275: {  	v1 =	vmul.f32 v1, v10;
	v39 =	vld [tilespmem:s17+$0x3B1F]  }
0x276: {  	v4 =	vmul.f32 v4, v11;
	v5 =	vmul.f32 v5, v12;
	v10 =	vld [tilespmem:s17+$0x4B1E]  }
0x277: {  	v2 =	vmul.f32 v2, v13;
	v12 =	vmul.f32 v17, v15;
	v11 =	vld [tilespmem:s17+$0x531F]  }
0x278: {  	v15 =	vmul.f32 v19, v18;
	v17 =	vmul.f32 v21, v20;
	v13 =	vld [tilespmem:s17+$0x531E]  }
0x279: {  	v20 =	vmul.f32 v23, v22;
	v18 =	vmul.f32 v25, v24;
	v19 =	vld [tilespmem:s17+$0x5B1F]  }
0x27a: {  	v21 =	vmul.f32 v27, v26;
	v22 =	vmul.f32 v29, v28;
	v23 =	vld [tilespmem:s17+$0x7320]  }
0x27b: {  	s6 =	sadd.s32 $0x2, s6;
	v25 =	vmul.f32 v31, v30;
	v26 =	vmul.f32 v33, v32;
	v24 =	vld [tilespmem:s17+$0x3B20]  }
0x27c: {  	p1 =	slt.u32 s6, $0x5;
	v29 =	vmul.f32 v35, v34;
	v27 =	vmul.f32 v37, v36;
	v28 =	vld [tilespmem:s17+$0x4320]  }
0x27d: {  	v30 =	vmul.f32 v39, v38;
	v10 =	vmul.f32 v11, v10;
	v31 =	vld [tilespmem:s17+$0x5B20]  }
0x27e: {  	v1 =	vmul.f32 v8, v1;
	v11 =	vld [tilespmem:s17+$0x6320];
	v13 =	vmul.f32 v19, v13  }
0x27f: {  	v4 =	vmul.f32 v7, v4;
	v3 =	vmul.f32 v3, v12;
	v8 =	vld [tilespmem:s17+$0x7B20]  }
0x280: {  	v9 =	vmul.f32 v9, v15;
	v7 =	vmul.f32 v14, v18;
	v12 =	vld [tilespmem:s17+$0x8320]  }
0x281: {  	v0 =	vmul.f32 v0, v21;
	v14 =	vmul.f32 v16, v22;
	v15 =	vld [tilespmem:s17+$0x9B20]  }
0x282: {  	v16 =	vmul.f32 v24, v27;
	v18 =	vmul.f32 v28, v30;
	v19 =	vld [tilespmem:s17+$0xA320]  }
0x283: {  	v10 =	vmul.f32 v31, v10;
	v11 =	vmul.f32 v11, v13;
	v13 =	vld [tilespmem:s17+$0xBB20]  }
0x284: {  	v21 =	vmul.f32 v23, v25;
	v8 =	vmul.f32 v8, v26;
	v22 =	vld [tilespmem:s17+$0xC320]  }
0x285: {  	v10 =	vadd.f32 v10, v16;
	v23 =	vld [tilespmem:s17+$0x2B0E];
	v11 =	vadd.f32 v11, v18;
	v12 =	vmul.f32 v12, v29  }
0x286: {  	v7 =	vadd.f32 v14, v7;
	v0 =	vadd.f32 v21, v0;
	v16 =	vld [tilespmem:s17+$0x330F];
	v14 =	vmul.f32 v15, v17  }
0x287: {  	v8 =	vadd.f32 v8, v10;
	v15 =	vld [tilespmem:s17+$0x330E];
	v10 =	vadd.f32 v12, v11;
	v11 =	vmul.f32 v19, v20  }
0x288: {  	v3 =	vadd.f32 v3, v7;
	v0 =	vadd.f32 v9, v0;
	v12 =	vld [tilespmem:s17+$0x3B0F];
	v5 =	vmul.f32 v13, v5  }
0x289: {  	v8 =	vadd.f32 v14, v8;
	v7 =	vld [tilespmem:s17+$0x4B0E];
	v9 =	vadd.f32 v11, v10;
	v2 =	vmul.f32 v22, v2  }
0x28a: {  	v1 =	vadd.f32 v1, v3;
	v0 =	vadd.f32 v4, v0;
	v10 =	vld [tilespmem:s17+$0x530F]  }
0x28b: {  	v5 =	vadd.f32 v5, v8;
	v3 =	vmul.f32 v16, v23;
	v4 =	vld [tilespmem:s17+$0x530E];
	v2 =	vadd.f32 v2, v9  }
0x28c: {  	v8 =	vld [tilespmem:s17+$0x5B0F]  }
0x28d: {  	v0 =	vadd.f32 v0, v1;
	v9 =	vld [tilespmem:s17+$0x3B10];
	v11 =	vmul.f32 v12, v15;
	v2 =	vadd.f32 v2, v5  }
0x28e: {  	v1 =	vld [tilespmem:s17+$0x4310]  }
0x28f: {  	v5 =	vld [tilespmem:s17+$0x3B0E];
	v7 =	vmul.f32 v10, v7;
	v0 =	vadd.f32 v2, v0  }
0x290: {  	v2 =	vld [tilespmem:s17+$0x430F]  }
0x291: {  	v10 =	vld [tilespmem:s17+$0x430E];
	v4 =	vmul.f32 v8, v4;
	vm1 =	vgt.f32 v0, $0.0e+00  }
0x292: {  	v0 =	vmul.f32 v9, v3;
	v3 =	vld [tilespmem:s17+$0x4B0F];
	v8 =	vsel vm1, $0x3F800000, v6  }
0x293: {  	v1 =	vmul.f32 v1, v11;
	v9 =	vld [tilespmem:s17+$0x5B10];
	[tilespmem:s17+$0x16B20] =	vst v8  }
0x294: {  	v8 =	vld [tilespmem:s17+$0x6310]  }
0x295: {  	v2 =	vmul.f32 v2, v5;
	v5 =	vld [tilespmem:s17+$0x5B0E]  }
0x296: {  	v11 =	vld [tilespmem:s17+$0x630F]  }
0x297: {  	v3 =	vmul.f32 v3, v10;
	v10 =	vld [tilespmem:s17+$0x630E]  }
0x298: {  	v7 =	vmul.f32 v9, v7;
	v9 =	vld [tilespmem:s17+$0x6B0F]  }
0x299: {  	v4 =	vmul.f32 v8, v4;
	v8 =	vld [tilespmem:s17+$0x6B0E]  }
0x29a: {  	v0 =	vadd.f32 v7, v0;
	v7 =	vld [tilespmem:s17+$0x730F]  }
0x29b: {  	v1 =	vadd.f32 v4, v1;
	v4 =	vmul.f32 v11, v5;
	v5 =	vld [tilespmem:s17+$0x730E]  }
0x29c: {  	v11 =	vld [tilespmem:s17+$0x7B0F]  }
0x29d: {  	v12 =	vld [tilespmem:s17+$0x4B10];
	v9 =	vmul.f32 v9, v10  }
0x29e: {  	v10 =	vld [tilespmem:s17+$0x5310]  }
0x29f: {  	v13 =	vld [tilespmem:s17+$0x6B10];
	v7 =	vmul.f32 v7, v8  }
0x2a0: {  	v8 =	vld [tilespmem:s17+$0x7310]  }
0x2a1: {  	v14 =	vld [tilespmem:s17+$0x7B10];
	v5 =	vmul.f32 v11, v5  }
0x2a2: {  	v2 =	vmul.f32 v12, v2;
	v11 =	vld [tilespmem:s17+$0x8310]  }
0x2a3: {  	v3 =	vmul.f32 v10, v3;
	v10 =	vld [tilespmem:s17+$0x7B0E]  }
0x2a4: {  	v4 =	vmul.f32 v13, v4;
	v12 =	vld [tilespmem:s17+$0x830F]  }
0x2a5: {  	v8 =	vmul.f32 v8, v9;
	v9 =	vld [tilespmem:s17+$0x830E]  }
0x2a6: {  	v2 =	vadd.f32 v4, v2;
	v4 =	vmul.f32 v14, v7;
	v7 =	vld [tilespmem:s17+$0x8B0F]  }
0x2a7: {  	v3 =	vadd.f32 v8, v3;
	v5 =	vmul.f32 v11, v5;
	v8 =	vld [tilespmem:s17+$0x8B0E]  }
0x2a8: {  	v0 =	vadd.f32 v4, v0;
	v4 =	vld [tilespmem:s17+$0x930F]  }
0x2a9: {  	v1 =	vadd.f32 v5, v1;
	v5 =	vmul.f32 v12, v10;
	v10 =	vld [tilespmem:s17+$0x930E]  }
0x2aa: {  	v11 =	vld [tilespmem:s17+$0x9B0F]  }
0x2ab: {  	v12 =	vld [tilespmem:s17+$0x8B10];
	v7 =	vmul.f32 v7, v9  }
0x2ac: {  	v9 =	vld [tilespmem:s17+$0x9310]  }
0x2ad: {  	v13 =	vld [tilespmem:s17+$0x9B10];
	v4 =	vmul.f32 v4, v8  }
0x2ae: {  	v8 =	vld [tilespmem:s17+$0xA310]  }
0x2af: {  	v14 =	vmul.f32 v11, v10;
	v15 =	vld [tilespmem:s17+$0x9B0E]  }
0x2b0: {  	v5 =	vmul.f32 v12, v5;
	v16 =	vld [tilespmem:s17+$0xA30F]  }
0x2b1: {  	v7 =	vmul.f32 v9, v7;
	v17 =	vld [tilespmem:s17+$0xA30E]  }
0x2b2: {  	v10 =	vadd.f32 v5, v2;
	v2 =	vmul.f32 v13, v4;
	v4 =	vld [tilespmem:s17+$0xAB0F]  }
0x2b3: {  	v11 =	vadd.f32 v7, v3;
	v3 =	vmul.f32 v8, v14;
	v5 =	vld [tilespmem:s17+$0xAB0E]  }
0x2b4: {  	v12 =	vadd.f32 v2, v0;
	v0 =	vld [tilespmem:s17+$0xB30F]  }
.Ltmp1:
0x2b5: {  	v13 =	vadd.f32 v3, v1;
	v14 =	vmul.f32 v16, v15;
	v7 =	vld [tilespmem:s17+$0xB30E];
	(pc) =	sbr.rel @p1 .LBB2_6-.Ltmp1, $4  }
0x2b6: {  	v9 =	vld [tilespmem:s17+$0xBB0F]  }
0x2b7: {  	v15 =	vld [tilespmem:s17+$0xAB10];
	v17 =	vmul.f32 v4, v17  }
0x2b8: {  	v16 =	vld [tilespmem:s17+$0xB310]  }
0x2b9: {  	s7 =	sadd.s32 $0x80, s7;
	v19 =	vld [tilespmem:s17+$0xBB10];
	v18 =	vmul.f32 v0, v5  }
0x2ba: {  	v0 =	vld [tilespmem:s17+$0xC310];
	_ =	sdelay $0x2  }
0x2bb: {  	v1 =	vmul.f32 v9, v7  }
0x2bc: {  	v2 =	vmul.f32 v15, v14;
	v3 =	vmul.f32 v16, v17  }
0x2bd: {  	v4 =	vmul.f32 v19, v18;
	v0 =	vmul.f32 v0, v1  }
0x2be: {  	v41 =	vadd.f32 v2, v10;
	v42 =	vadd.f32 v3, v11  }
0x2bf: {  	v43 =	vadd.f32 v4, v12;
	v0 =	vadd.f32 v0, v13;
	_ =	sdelay $0x1  }
0x2c0: {  	v1 =	vadd.f32 v42, v41;
	v0 =	vadd.f32 v0, v43;
	_ =	sdelay $0x1  }
0x2c1: {  	v0 =	vadd.f32 v0, v1;
	_ =	sdelay $0x1  }
0x2c2: {  	vm1 =	vgt.f32 v0, $0.0e+00  }
0x2c3: {  	v0 =	vsel vm1, $0x3F800000, v6  }
0x2c4: {  	[tilespmem:s17+$0x16B10] =	vst v0  }
0x2c5: {  	v0 =	vld [tilespmem:s16+$0x2B6E]  }
0x2c6: {  	v44 =	vld [tilespmem:s16+$0x336F]  }
0x2c7: {  	v45 =	vld [tilespmem:s16+$0x3B70]  }
0x2c8: {  	v46 =	vld [tilespmem:s16+$0x336E]  }
0x2c9: {  	v4 =	vld [tilespmem:s16+$0x3B6F]  }
0x2ca: {  	v5 =	vld [tilespmem:s16+$0x4370]  }
0x2cb: {  	v7 =	vld [tilespmem:s16+$0x3B6E]  }
0x2cc: {  	v8 =	vld [tilespmem:s16+$0x436F]  }
0x2cd: {  	v47 =	vld [tilespmem:s16+$0x4B70]  }
0x2ce: {  	v48 =	vld [tilespmem:s16+$0x436E]  }
0x2cf: {  	v49 =	vld [tilespmem:s16+$0x4B6F]  }
0x2d0: {  	v50 =	vld [tilespmem:s16+$0x5370]  }
0x2d1: {  	v51 =	vld [tilespmem:s16+$0x4B6E]  }
0x2d2: {  	v52 =	vld [tilespmem:s16+$0x536F]  }
0x2d3: {  	v53 =	vld [tilespmem:s16+$0x5B70]  }
0x2d4: {  	v54 =	vld [tilespmem:s16+$0x536E]  }
0x2d5: {  	v55 =	vld [tilespmem:s16+$0x5B6F]  }
0x2d6: {  	v56 =	vld [tilespmem:s16+$0x6370]  }
0x2d7: {  	v57 =	vld [tilespmem:s16+$0x5B6E]  }
0x2d8: {  	v20 =	vld [tilespmem:s16+$0x636F]  }
0x2d9: {  	v21 =	vld [tilespmem:s16+$0x6B70]  }
0x2da: {  	v22 =	vld [tilespmem:s16+$0x636E]  }
0x2db: {  	v23 =	vld [tilespmem:s16+$0x6B6F]  }
0x2dc: {  	v24 =	vld [tilespmem:s16+$0x7370]  }
0x2dd: {  	v25 =	vld [tilespmem:s16+$0x6B6E]  }
0x2de: {  	v26 =	vld [tilespmem:s16+$0x736F]  }
0x2df: {  	v27 =	vld [tilespmem:s16+$0x7B70]  }
0x2e0: {  	v28 =	vld [tilespmem:s16+$0x736E]  }
0x2e1: {  	v29 =	vld [tilespmem:s16+$0x7B6F]  }
0x2e2: {  	v30 =	vld [tilespmem:s16+$0x8370]  }
0x2e3: {  	v31 =	vld [tilespmem:s16+$0x7B6E]  }
0x2e4: {  	v32 =	vld [tilespmem:s16+$0x836F]  }
0x2e5: {  	v33 =	vld [tilespmem:s16+$0x8B70]  }
0x2e6: {  	v34 =	vld [tilespmem:s16+$0x836E]  }
0x2e7: {  	v35 =	vld [tilespmem:s16+$0x8B6F]  }
0x2e8: {  	v36 =	vld [tilespmem:s16+$0x9370]  }
0x2e9: {  	v37 =	vld [tilespmem:s16+$0x8B6E]  }
0x2ea: {  	v38 =	vld [tilespmem:s16+$0x936F]  }
0x2eb: {  	v40 =	vld [tilespmem:s16+$0x936E]  }
0x2ec: {  	v59 =	vld [tilespmem:s16+$0x9B6F];
	v0 =	vmul.f32 v44, v0  }
0x2ed: {  	v39 =	vld [tilespmem:s16+$0x9B70];
	v58 =	vmul.f32 v4, v46;
	v60 =	vmul.f32 v52, v51  }
0x2ee: {  	v2 =	vld [tilespmem:s16+$0x9B6E];
	v61 =	vmul.f32 v55, v54;
	v42 =	vmul.f32 v20, v57  }
0x2ef: {  	v62 =	vld [tilespmem:s16+$0xAB70];
	v43 =	vmul.f32 v23, v22;
	v46 =	vmul.f32 v29, v28  }
0x2f0: {  	v63 =	vld [tilespmem:s16+$0xA36E];
	v54 =	vmul.f32 v32, v31;
	v55 =	vmul.f32 v35, v34  }
0x2f1: {  	v41 =	vld [tilespmem:s16+$0xAB6F];
	v57 =	vmul.f32 v38, v37;
	v3 =	vmul.f32 v59, v40  }
0x2f2: {  	v4 =	vld [tilespmem:s16+$0xA370];
	v0 =	vmul.f32 v45, v0;
	v1 =	vmul.f32 v5, v58  }
0x2f3: {  	v44 =	vld [tilespmem:s16+$0xB370];
	v5 =	vmul.f32 v8, v7;
	v7 =	vmul.f32 v49, v48  }
0x2f4: {  	v8 =	vld [tilespmem:s16+$0xA36F];
	v10 =	vmul.f32 v53, v60;
	v11 =	vmul.f32 v56, v61  }
0x2f5: {  	v45 =	vmul.f32 v26, v25;
	v48 =	vmul.f32 v21, v42;
	v53 =	vld [tilespmem:s16+$0xB36E]  }
0x2f6: {  	v49 =	vmul.f32 v24, v43;
	v52 =	vmul.f32 v30, v46;
	v56 =	vld [tilespmem:s16+$0xBB6F]  }
0x2f7: {  	v59 =	vmul.f32 v36, v55;
	v5 =	vmul.f32 v47, v5;
	v47 =	vld [tilespmem:s16+$0xAB6E]  }
0x2f8: {  	v14 =	vmul.f32 v39, v57;
	v7 =	vmul.f32 v50, v7;
	v50 =	vld [tilespmem:s16+$0xB36F]  }
0x2f9: {  	v58 =	vld [tilespmem:s16+$0xBB70];
	v0 =	vadd.f32 v10, v0;
	v1 =	vadd.f32 v11, v1;
	v51 =	vmul.f32 v27, v45  }
0x2fa: {  	v60 =	vld [tilespmem:s16+$0xC370];
	v10 =	vmul.f32 v33, v54;
	v5 =	vadd.f32 v48, v5;
	v7 =	vadd.f32 v49, v7  }
0x2fb: {  	v3 =	vmul.f32 v4, v3;
	v0 =	vadd.f32 v51, v0;
	v1 =	vadd.f32 v52, v1  }
0x2fc: {  	v2 =	vmul.f32 v8, v2;
	v4 =	vadd.f32 v10, v5;
	v5 =	vmul.f32 v41, v63  }
0x2fd: {  	v61 =	vmul.f32 v56, v53;
	v7 =	vadd.f32 v59, v7;
	v8 =	vmul.f32 v50, v47  }
0x2fe: {  	v0 =	vadd.f32 v14, v0;
	v2 =	vmul.f32 v62, v2;
	v5 =	vmul.f32 v44, v5  }
0x2ff: {  	v1 =	vadd.f32 v3, v1;
	v62 =	vmul.f32 v58, v8;
	v8 =	vmul.f32 v60, v61  }
0x300: {  	v2 =	vadd.f32 v2, v4;
	v4 =	vadd.f32 v5, v7  }
0x301: {  	v0 =	vadd.f32 v62, v0;
	v1 =	vadd.f32 v8, v1;
	_ =	sdelay $0x1  }
0x302: {  	s15 =	sadd.s32 $0x1, s15;
	v63 =	vadd.f32 v4, v2;
	v0 =	vadd.f32 v1, v0  }
0x303: {  	p1 =	sne.s32 s15, $0x10  }
.Ltmp2:
0x304: {  	v0 =	vadd.f32 v0, v63;
	(pc) =	sbr.rel @p1 .LBB2_5-.Ltmp2, $4  }
0x305: {  	_ = 	snop  }
0x306: {  	vm1 =	vgt.f32 v0, $0.0e+00  }
0x307: {  	v0 =	vsel vm1, $0x3F800000, v6  }
0x308: {  	s13 =	sadd.s32 $0x200, s13;
	[tilespmem:s16+$0x16B70] =	vst v0  }
0x309: {  	s6 =	sadd.s32 s2, s14  }
0x30a: {  	v0 =	vlaneseq.u32;
	s6 =	sshll.u32 s6, $0x4  }
0x30b: {  	s17 =	sand.u32 $0x6, s14;
	v0 =	vmul.u32 $0x8, v0;
	s13 =	sand.u32 $0x3F80, s6  }
0x30c: {  	s6 =	sor.u32 s17, s13  }
0x30d: {  	p1 =	seq.s32 s0, $0xF;
	[tilespmem:$0x1FB50] =	vst v0;
	v0 =	vor.u32 s6, v0  }
0x30e: {  	s6 =	smul.u32 @!p1 $0xA00, s0;
	[tilespmem:$0x17B00] =	vst v0  }
0x30f: {  	[hbm4b:s4+s23] =	stream.indirect.scatter [tilespmem:s25], [sflag:$0x3], $0x80, s24, s23, $0xb8;
	[tilespmem:$0x17B20] =	vst v63  }
0x310: {  	s6 =	sshra.s32 @!p1 s6, $0x2  }
0x311: {  	s8 =	simm.s32 @!p1 $0x50;
	s14 =	simm.s32 @!p1 $0x2B00;
	s7 =	sadd.s32 @!p1 $0x580, s6  }
0x312: {  	[tilespmem:s14], [sflag:$0x1] =	stream.indirect.gather @!p1 [hbm4b:s1+s8], $0x80, s7, s8, $0xb8;
	[tilespmem:$0x17B20] =	vst v63  }
0x313: {  	s7 =	sadd.s32 @!p1 $0x5D0, s6;
	s14 =	simm.s32 @!p1 $0x5300  }
0x314: {  	[tilespmem:s14], [sflag:$0x1] =	stream.indirect.gather @!p1 [hbm4b:s1+s8], $0x80, s7, s8, $0xb8;
	[tilespmem:$0x17B20] =	vst v63  }
0x315: {  	s7 =	sadd.s32 @!p1 $0x620, s6;
	s14 =	simm.s32 @!p1 $0x7B00  }
0x316: {  	[tilespmem:s14], [sflag:$0x1] =	stream.indirect.gather @!p1 [hbm4b:s1+s8], $0x80, s7, s8, $0xb8;
	[tilespmem:$0x17B20] =	vst v63  }
0x317: {  	s6 =	sadd.s32 @!p1 $0x670, s6;
	s7 =	simm.s32 @!p1 $0xA300  }
0x318: {  	[tilespmem:s7], [sflag:$0x1] =	stream.indirect.gather @!p1 [hbm4b:s1+s8], $0x80, s6, s8, $0xb8;
	[tilespmem:$0x17B20] =	vst v63  }
0x319: {  	_ =	swait.ge [sflag:s26], $0x2800  }
0x31a: {  	[sflag:s26] =	ssyncset.done $0x0  }
0x31b: {  	[sflag:s26] =	ssyncadd.s32 $0xFFFFD800  }
0x31c: {  	_ =	swait.ge [sflag:s26], $0x2800  }
0x31d: {  	[sflag:s26] =	ssyncset.done $0x0  }
0x31e: {  	[sflag:s26] =	ssyncadd.s32 $0xFFFFD800  }
0x31f: {  	_ =	swait.ge [sflag:s26], $0x2800  }
0x320: {  	[sflag:s26] =	ssyncset.done $0x0  }
0x321: {  	[sflag:s26] =	ssyncadd.s32 $0xFFFFD800  }
0x322: {  	_ =	swait.ge [sflag:s26], $0x2800  }
0x323: {  	[sflag:s26] =	ssyncset.done $0x0  }
0x324: {  	s6 =	simm.s32 @!p0 $0x4;
	[sflag:s26] =	ssyncadd.s32 $0xFFFFD800  }
0x325: {  	_ =	swait.ge @!p0 [sflag:s6], $0x800  }
0x326: {  	[sflag:s6] =	ssyncset.done @!p0 $0x0  }
0x327: {  	s15 =	simm.s32 $0x0;
	s14 =	simm.s32 $0x0;
	[sflag:s6] =	ssyncadd.s32 @!p0 $0xFFFFF800  }
.LBB2_9:
0x328: {  	v61 =	vld [tilespmem:$0x1FBC0]  }
0x329: {  	v3 =	vld [tilespmem:$0x1FBD0]  }
0x32a: {  	v4 =	vld [tilespmem:$0x1FBE0]  }
0x32b: {  	v5 =	vld [tilespmem:$0x1FBF0]  }
0x32c: {  	v7 =	vld [tilespmem:$0x1FC00]  }
0x32d: {  	v9 =	vld [tilespmem:$0x1FC10]  }
0x32e: {  	v10 =	vld [tilespmem:$0x1FC20]  }
0x32f: {  	v12 =	vld [tilespmem:$0x1FC30]  }
0x330: {  	v13 =	vld [tilespmem:$0x1FC40]  }
0x331: {  	v15 =	vld [tilespmem:$0x1FC50]  }
0x332: {  	v16 =	vld [tilespmem:$0x1FC60]  }
0x333: {  	v18 =	vld [tilespmem:$0x1FC70]  }
0x334: {  	v19 =	vld [tilespmem:$0x1FC80]  }
0x335: {  	v21 =	vld [tilespmem:$0x1FC90]  }
0x336: {  	v22 =	vld [tilespmem:$0x1FCA0]  }
0x337: {  	v24 =	vld [tilespmem:$0x1FCB0]  }
0x338: {  	v25 =	vld [tilespmem:$0x1FCC0]  }
0x339: {  	v27 =	vld [tilespmem:$0x1FCD0]  }
0x33a: {  	v28 =	vld [tilespmem:$0x1FCE0]  }
0x33b: {  	v30 =	vld [tilespmem:$0x1FCF0]  }
0x33c: {  	v31 =	vld [tilespmem:$0x1FD00]  }
0x33d: {  	v33 =	vld [tilespmem:$0x1FD10]  }
0x33e: {  	v34 =	vld [tilespmem:$0x1FD20]  }
0x33f: {  	v36 =	vld [tilespmem:$0x1FD30]  }
0x340: {  	v37 =	vld [tilespmem:$0x1FD40]  }
0x341: {  	v39 =	vld [tilespmem:$0x1FD50]  }
0x342: {  	v40 =	vld [tilespmem:$0x1FD60]  }
0x343: {  	v42 =	vld [tilespmem:$0x1FD70]  }
0x344: {  	v43 =	vld [tilespmem:$0x1FD80]  }
0x345: {  	v45 =	vld [tilespmem:$0x1FD90]  }
0x346: {  	s16 =	sshll.u32 s15, $0x7;
	v46 =	vld [tilespmem:$0x1FDB0]  }
0x347: {  	v8 =	vld [tilespmem:s16+$0xDB00]  }
0x348: {  	v11 =	vld [tilespmem:s16+$0xE300]  }
0x349: {  	v14 =	vld [tilespmem:s16+$0xEB00]  }
0x34a: {  	v17 =	vld [tilespmem:s16+$0xF300]  }
0x34b: {  	s6 =	sadd.s32 $0xFFFFFFFF, s15;
	v20 =	vld [tilespmem:s16+$0xFB00]  }
0x34c: {  	s6 =	sand.u32 $0xF, s6;
	v23 =	vld [tilespmem:s16+$0x10300]  }
0x34d: {  	v2 =	vlaneseq.u32;
	v26 =	vld [tilespmem:s16+$0x10B00];
	v0 =	vmov s6  }
0x34e: {  	v1 =	vmov s15;
	vm1 =	veq.s32 v2, $0x0;
	v29 =	vld [tilespmem:s16+$0x11300];
	v0 =	vsel vm0, s15, v0  }
0x34f: {  	v32 =	vld [tilespmem:s16+$0x11B00];
	v1 =	vsel vm1, s6, v1;
	v0 =	vshll.u32 v0, $0x7  }
0x350: {  	v35 =	vld [tilespmem:s16+$0x12300];
	v1 =	vshll.u32 v1, $0x7;
	v2 =	vor.u32 v61, v0  }
0x351: {  	v38 =	vld [tilespmem:s16+$0x12B00];
	v3 =	vor.u32 v3, v1  }
0x352: {  	v41 =	vld [tilespmem:s16+$0x13300];
	v4 =	vor.u32 v4, v0  }
0x353: {  	v44 =	vld [tilespmem:s16+$0x13B00];
	v5 =	vor.u32 v5, v1  }
0x354: {  	v63 =	vld [tilespmem:s16+$0x14300];
	v7 =	vor.u32 v7, v0  }
0x355: {  	v9 =	vor.u32 v9, v1;
	v2 =	vld.idx.msk [tilespmem:v2+s18+$0x0], $0xffff  }
0x356: {  	v10 =	vor.u32 v10, v0;
	v3 =	vld.idx.msk [tilespmem:v3+s18+$0x0], $0xffff  }
0x357: {  	v12 =	vor.u32 v12, v1;
	v4 =	vld.idx.msk [tilespmem:v4+s18+$0x0], $0xffff  }
0x358: {  	v13 =	vor.u32 v13, v0;
	v5 =	vld.idx.msk [tilespmem:v5+s18+$0x0], $0xffff  }
0x359: {  	v15 =	vor.u32 v15, v1;
	v7 =	vld.idx.msk [tilespmem:v7+s18+$0x0], $0xffff  }
0x35a: {  	v16 =	vor.u32 v16, v0;
	v9 =	vld.idx.msk [tilespmem:v9+s18+$0x0], $0xffff  }
0x35b: {  	v18 =	vor.u32 v18, v1;
	v10 =	vld.idx.msk [tilespmem:v10+s18+$0x0], $0xffff  }
0x35c: {  	v19 =	vor.u32 v19, v0;
	v12 =	vld.idx.msk [tilespmem:v12+s18+$0x0], $0xffff  }
0x35d: {  	v21 =	vor.u32 v21, v1;
	v13 =	vld.idx.msk [tilespmem:v13+s18+$0x0], $0xffff  }
0x35e: {  	v22 =	vor.u32 v22, v0;
	v15 =	vld.idx.msk [tilespmem:v15+s18+$0x0], $0xffff  }
0x35f: {  	v24 =	vor.u32 v24, v1;
	v16 =	vld.idx.msk [tilespmem:v16+s18+$0x0], $0xffff  }
0x360: {  	v25 =	vor.u32 v25, v0;
	v18 =	vld.idx.msk [tilespmem:v18+s18+$0x0], $0xffff  }
0x361: {  	v27 =	vor.u32 v27, v1;
	v19 =	vld.idx.msk [tilespmem:v19+s18+$0x0], $0xffff  }
0x362: {  	v28 =	vor.u32 v28, v0;
	v21 =	vld.idx.msk [tilespmem:v21+s18+$0x0], $0xffff  }
0x363: {  	v30 =	vor.u32 v30, v1;
	v22 =	vld.idx.msk [tilespmem:v22+s18+$0x0], $0xffff  }
0x364: {  	v31 =	vor.u32 v31, v0;
	v24 =	vld.idx.msk [tilespmem:v24+s18+$0x0], $0xffff  }
0x365: {  	v33 =	vor.u32 v33, v1;
	v25 =	vld.idx.msk [tilespmem:v25+s18+$0x0], $0xffff  }
0x366: {  	v34 =	vor.u32 v34, v0;
	v27 =	vld.idx.msk [tilespmem:v27+s18+$0x0], $0xffff  }
0x367: {  	v36 =	vor.u32 v36, v1;
	v28 =	vld.idx.msk [tilespmem:v28+s18+$0x0], $0xffff  }
0x368: {  	v37 =	vor.u32 v37, v0;
	v30 =	vld.idx.msk [tilespmem:v30+s18+$0x0], $0xffff  }
0x369: {  	v39 =	vor.u32 v39, v1;
	v31 =	vld.idx.msk [tilespmem:v31+s18+$0x0], $0xffff  }
0x36a: {  	v40 =	vor.u32 v40, v0;
	v33 =	vld.idx.msk [tilespmem:v33+s18+$0x0], $0xffff  }
0x36b: {  	v42 =	vor.u32 v42, v1;
	v34 =	vld.idx.msk [tilespmem:v34+s18+$0x0], $0xffff  }
0x36c: {  	v36 =	vld.idx.msk [tilespmem:v36+s18+$0x0], $0xffff  }
0x36d: {  	v37 =	vld.idx.msk [tilespmem:v37+s18+$0x0], $0xffff  }
0x36e: {  	v39 =	vld.idx.msk [tilespmem:v39+s18+$0x0], $0xffff  }
0x36f: {  	v40 =	vld.idx.msk [tilespmem:v40+s18+$0x0], $0xffff;
	v2 =	vmul.f32 v3, v2  }
0x370: {  	v62 =	vmul.f32 v5, v4;
	v4 =	vld.idx.msk [tilespmem:v42+s18+$0x0], $0xffff;
	v7 =	vmul.f32 v9, v7  }
0x371: {  	v45 =	vor.u32 v45, v1;
	v5 =	vld [tilespmem:$0x1FDA0];
	v9 =	vmul.f32 v12, v10;
	v12 =	vmul.f32 v15, v13  }
0x372: {  	v13 =	vmul.f32 v18, v16;
	v16 =	vld [tilespmem:$0x1FDD0];
	v2 =	vmul.f32 v8, v2  }
0x373: {  	v43 =	vor.u32 v43, v0;
	v3 =	vmul.f32 v11, v62;
	v11 =	vld [tilespmem:$0x1FDC0];
	v7 =	vmul.f32 v14, v7  }
0x374: {  	v14 =	vld [tilespmem:$0x1FDE0];
	v12 =	vmul.f32 v20, v12;
	v13 =	vmul.f32 v23, v13  }
0x375: {  	v46 =	vor.u32 v46, v1;
	v9 =	vmul.f32 v17, v9;
	v17 =	vld [tilespmem:$0x1FDF0];
	v20 =	vmul.f32 v27, v25  }
0x376: {  	v10 =	vld.idx.msk [tilespmem:v45+s18+$0x0], $0xffff;
	v2 =	vadd.f32 v12, v2;
	v3 =	vadd.f32 v13, v3;
	v5 =	vor.u32 v5, v0  }
0x377: {  	v15 =	vld [tilespmem:s16+$0x14B00];
	v13 =	vmul.f32 v32, v20;
	v20 =	vmul.f32 v36, v34;
	v16 =	vor.u32 v16, v1  }
0x378: {  	v8 =	vld.idx.msk [tilespmem:v43+s18+$0x0], $0xffff;
	v11 =	vor.u32 v11, v0  }
0x379: {  	v2 =	vadd.f32 v13, v2;
	v13 =	vmul.f32 v41, v20;
	v20 =	vld [tilespmem:s16+$0x16300];
	v0 =	vor.u32 v14, v0  }
0x37a: {  	v14 =	vld.idx.msk [tilespmem:v46+s18+$0x0], $0xffff;
	v1 =	vor.u32 v17, v1  }
0x37b: {  	v5 =	vld.idx.msk [tilespmem:v5+s18+$0x0], $0xffff  }
0x37c: {  	v17 =	vmul.f32 v21, v19;
	v16 =	vld.idx.msk [tilespmem:v16+s18+$0x0], $0xffff  }
0x37d: {  	v18 =	vmul.f32 v24, v22;
	v4 =	vmul.f32 v4, v40;
	v11 =	vld.idx.msk [tilespmem:v11+s18+$0x0], $0xffff  }
0x37e: {  	v30 =	vmul.f32 v30, v28;
	v12 =	vmul.f32 v26, v17;
	v0 =	vld.idx.msk [tilespmem:v0+s18+$0x0], $0xffff  }
0x37f: {  	v4 =	vmul.f32 v63, v4;
	v17 =	vmul.f32 v29, v18;
	v1 =	vld.idx.msk [tilespmem:v1+s18+$0x0], $0xffff  }
0x380: {  	v19 =	vld [tilespmem:s16+$0x15300];
	v8 =	vmul.f32 v10, v8;
	v7 =	vadd.f32 v12, v7;
	v12 =	vmul.f32 v33, v31  }
0x381: {  	v18 =	vmul.f32 v35, v30;
	v9 =	vadd.f32 v17, v9;
	v17 =	vmul.f32 v39, v37;
	v37 =	vld [tilespmem:s16+$0x15B00]  }
0x382: {  	v40 =	vmul.f32 v15, v8;
	v12 =	vmul.f32 v38, v12  }
0x383: {  	v3 =	vadd.f32 v18, v3;
	v17 =	vmul.f32 v44, v17;
	v5 =	vmul.f32 v14, v5  }
0x384: {  	v9 =	vadd.f32 v13, v9;
	v10 =	vmul.f32 v16, v11;
	v0 =	vmul.f32 v1, v0  }
0x385: {  	v3 =	vadd.f32 v4, v3;
	v7 =	vadd.f32 v12, v7;
	v5 =	vmul.f32 v19, v5  }
0x386: {  	v39 =	vadd.f32 v17, v2;
	v4 =	vmul.f32 v37, v10;
	v0 =	vmul.f32 v20, v0  }
0x387: {  	v2 =	vadd.f32 v40, v7;
	v5 =	vadd.f32 v5, v9  }
0x388: {  	v1 =	vadd.f32 v4, v39;
	v0 =	vadd.f32 v0, v3;
	_ =	sdelay $0x1  }
0x389: {  	v41 =	vadd.f32 v5, v2;
	v0 =	vadd.f32 v0, v1;
	_ =	sdelay $0x1  }
0x38a: {  	v0 =	vadd.f32 v0, v41;
	_ =	sdelay $0x1  }
0x38b: {  	vm1 =	vgt.f32 v0, $0.0e+00  }
0x38c: {  	v0 =	vsel vm1, $0x3F800000, v6  }
0x38d: {  	s17 =	sshra.s32 s14, $0x2;
	[tilespmem:s16+$0x17300] =	vst v0  }
0x38e: {  	v0 =	vld [tilespmem:s17+$0x14B20];
	_ =	sdelay $0x4  }
0x38f: {  	[tilespmem:$0x1FAF0] =	vst v0  }
0x390: {  	v0 =	vld [tilespmem:s17+$0x15320];
	_ =	sdelay $0x4  }
0x391: {  	[tilespmem:$0x1FB10] =	vst v0  }
0x392: {  	v0 =	vld [tilespmem:s17+$0x12B20];
	_ =	sdelay $0x4  }
0x393: {  	[tilespmem:$0x1FB00] =	vst v0  }
0x394: {  	v0 =	vld [tilespmem:s17+$0x13320];
	_ =	sdelay $0x4  }
0x395: {  	[tilespmem:$0x1FB20] =	vst v0  }
0x396: {  	v4 =	vld [tilespmem:s17+$0x13B1E]  }
0x397: {  	v5 =	vld [tilespmem:s17+$0x1431F]  }
0x398: {  	v7 =	vld [tilespmem:s17+$0x1431E]  }
0x399: {  	v8 =	vld [tilespmem:s17+$0x14B1F]  }
0x39a: {  	v0 =	vld [tilespmem:s17+$0xF320]  }
0x39b: {  	v9 =	vld [tilespmem:s17+$0x14B1E]  }
0x39c: {  	v10 =	vld [tilespmem:s17+$0x1531F]  }
0x39d: {  	v11 =	vld [tilespmem:s17+$0x1531E]  }
0x39e: {  	v12 =	vld [tilespmem:s17+$0x15B1F]  }
0x39f: {  	v15 =	vld [tilespmem:s17+$0xEB20];
	[tilespmem:$0x1FB30] =	vst v0  }
0x3a0: {  	v0 =	vld [tilespmem:s17+$0x10B20];
	_ =	sdelay $0x4  }
0x3a1: {  	[tilespmem:$0x1FB40] =	vst v0  }
0x3a2: {  	v16 =	vld [tilespmem:s17+$0x11B1E]  }
0x3a3: {  	v17 =	vld [tilespmem:s17+$0x1231F]  }
0x3a4: {  	v18 =	vld [tilespmem:s17+$0x1231E]  }
0x3a5: {  	v19 =	vld [tilespmem:s17+$0x12B1F]  }
0x3a6: {  	v20 =	vld [tilespmem:s17+$0x12B1E]  }
0x3a7: {  	v21 =	vld [tilespmem:s17+$0x1331F]  }
0x3a8: {  	v22 =	vld [tilespmem:s17+$0x1331E]  }
0x3a9: {  	v23 =	vld [tilespmem:s17+$0x13B1F]  }
0x3aa: {  	v24 =	vld [tilespmem:s17+$0xDB1E]  }
0x3ab: {  	v25 =	vld [tilespmem:s17+$0xE31F]  }
0x3ac: {  	v26 =	vld [tilespmem:s17+$0xE31E]  }
0x3ad: {  	v27 =	vld [tilespmem:s17+$0xEB1F]  }
0x3ae: {  	v28 =	vld [tilespmem:s17+$0xFB1E]  }
0x3af: {  	v29 =	vld [tilespmem:s17+$0x1031F]  }
0x3b0: {  	v30 =	vld [tilespmem:s17+$0x1031E]  }
0x3b1: {  	v31 =	vld [tilespmem:s17+$0x10B1F]  }
0x3b2: {  	v32 =	vld [tilespmem:s17+$0x10B1E]  }
0x3b3: {  	v33 =	vld [tilespmem:s17+$0x1131F]  }
0x3b4: {  	v34 =	vld [tilespmem:s17+$0x1131E]  }
0x3b5: {  	v35 =	vld [tilespmem:s17+$0x11B1F]  }
0x3b6: {  	v36 =	vld [tilespmem:s17+$0xCB1E]  }
0x3b7: {  	v37 =	vld [tilespmem:s17+$0xD31F]  }
0x3b8: {  	v38 =	vld [tilespmem:s17+$0xD31E]  }
0x3b9: {  	v39 =	vld [tilespmem:s17+$0xDB1F]  }
0x3ba: {  	v40 =	vld [tilespmem:s17+$0xEB1E]  }
0x3bb: {  	v41 =	vld [tilespmem:s17+$0xF31F]  }
0x3bc: {  	v42 =	vld [tilespmem:s17+$0xF31E]  }
0x3bd: {  	v43 =	vld [tilespmem:s17+$0xFB1F]  }
0x3be: {  	v44 =	vld [tilespmem:s17+$0x11320]  }
0x3bf: {  	v45 =	vld [tilespmem:s17+$0xDB20]  }
0x3c0: {  	v46 =	vld [tilespmem:s17+$0xE320]  }
0x3c1: {  	v47 =	vld [tilespmem:s17+$0xFB20]  }
0x3c2: {  	v48 =	vld [tilespmem:s17+$0x10320]  }
0x3c3: {  	v49 =	vld [tilespmem:s17+$0x11B20]  }
0x3c4: {  	v50 =	vld [tilespmem:s17+$0x12320]  }
0x3c5: {  	v51 =	vld [tilespmem:s17+$0x13B20]  }
0x3c6: {  	v52 =	vld [tilespmem:s17+$0x14320]  }
0x3c7: {  	v53 =	vld [tilespmem:s17+$0x15B20]  }
0x3c8: {  	v54 =	vld [tilespmem:s17+$0x16320]  }
0x3c9: {  	v55 =	vld [tilespmem:s17+$0xCB0E]  }
0x3ca: {  	v56 =	vld [tilespmem:s17+$0xD30F]  }
0x3cb: {  	v57 =	vld [tilespmem:s17+$0xD30E]  }
0x3cc: {  	v58 =	vld [tilespmem:s17+$0xDB0F]  }
0x3cd: {  	v59 =	vld [tilespmem:s17+$0xEB0E]  }
0x3ce: {  	v60 =	vld [tilespmem:s17+$0xF30F]  }
0x3cf: {  	v61 =	vld [tilespmem:s17+$0xF30E]  }
0x3d0: {  	v62 =	vld [tilespmem:s17+$0xFB0F]  }
0x3d1: {  	v63 =	vld [tilespmem:s17+$0xDB10]  }
0x3d2: {  	v0 =	vld [tilespmem:s17+$0xE310]  }
0x3d3: {  	v13 =	vld [tilespmem:s17+$0xDB0E]  }
0x3d4: {  	v3 =	vld [tilespmem:s17+$0xE30F]  }
0x3d5: {  	v2 =	vld [tilespmem:s17+$0xE30E]  }
0x3d6: {  	v1 =	vld [tilespmem:s17+$0xEB0F]  }
0x3d7: {  	v14 =	vld [tilespmem:s17+$0xFB10]  }
0x3d8: {  	v4 =	vmul.f32 v5, v4;
	v5 =	vld [tilespmem:s17+$0x10310]  }
0x3d9: {  	v7 =	vmul.f32 v8, v7;
	v8 =	vmul.f32 v10, v9;
	v9 =	vld [tilespmem:s17+$0xFB0E]  }
0x3da: {  	v11 =	vmul.f32 v12, v11;
	v12 =	vld [tilespmem:s17+$0x1030F]  }
0x3db: {  	v10 =	vmul.f32 v17, v16;
	v16 =	vmul.f32 v19, v18;
	v18 =	vld [tilespmem:s17+$0x1030E]  }
0x3dc: {  	v17 =	vmul.f32 v21, v20;
	v21 =	vld [tilespmem:s17+$0x10B0F]  }
0x3dd: {  	v19 =	vmul.f32 v25, v24;
	v24 =	vld [tilespmem:s17+$0x10B0E]  }
0x3de: {  	v20 =	vmul.f32 v23, v22;
	v22 =	vmul.f32 v27, v26;
	v27 =	vld [tilespmem:s17+$0x1130F]  }
0x3df: {  	v25 =	vmul.f32 v31, v30;
	v30 =	vld [tilespmem:s17+$0x1130E]  }
0x3e0: {  	v23 =	vmul.f32 v29, v28;
	v26 =	vmul.f32 v33, v32;
	v33 =	vld [tilespmem:s17+$0x11B0F]  }
0x3e1: {  	v29 =	vmul.f32 v35, v34;
	v34 =	vmul.f32 v43, v42;
	v42 =	vld [tilespmem:$0x1FAF0]  }
0x3e2: {  	v35 =	vld [tilespmem:s17+$0xEB10]  }
0x3e3: {  	v43 =	vld [tilespmem:$0x1FB00]  }
0x3e4: {  	v32 =	vmul.f32 v41, v40;
	v40 =	vld [tilespmem:$0x1FB10]  }
0x3e5: {  	v28 =	vmul.f32 v37, v36;
	v36 =	vld [tilespmem:s17+$0xF310]  }
0x3e6: {  	v31 =	vmul.f32 v39, v38;
	v41 =	vld [tilespmem:$0x1FB30]  }
0x3e7: {  	v8 =	vmul.f32 v53, v8;
	v53 =	vld [tilespmem:s17+$0x12B0E];
	v11 =	vmul.f32 v54, v11  }
0x3e8: {  	v54 =	vmul.f32 v56, v55;
	v55 =	vld [tilespmem:s17+$0x1330E];
	v56 =	vmul.f32 v62, v61  }
0x3e9: {  	v3 =	vmul.f32 v3, v13;
	v9 =	vmul.f32 v12, v9;
	v13 =	vld [tilespmem:s17+$0x14310]  }
0x3ea: {  	v61 =	vld [tilespmem:s17+$0x1530F];
	v15 =	vmul.f32 v15, v19;
	v28 =	vmul.f32 v45, v28  }
0x3eb: {  	v32 =	vmul.f32 v47, v32;
	v4 =	vmul.f32 v42, v4;
	v42 =	vld [tilespmem:$0x1FB40]  }
0x3ec: {  	v19 =	vld [tilespmem:$0x1FB20];
	v31 =	vmul.f32 v46, v31;
	v34 =	vmul.f32 v48, v34  }
0x3ed: {  	v45 =	vld [tilespmem:s17+$0x11B10];
	v25 =	vmul.f32 v44, v25;
	v26 =	vmul.f32 v49, v26  }
0x3ee: {  	v46 =	vld [tilespmem:s17+$0x12310];
	v29 =	vmul.f32 v50, v29;
	v17 =	vmul.f32 v51, v17;
	v28 =	vadd.f32 v32, v28  }
0x3ef: {  	v47 =	vld [tilespmem:s17+$0x11B0E];
	v20 =	vmul.f32 v52, v20;
	v31 =	vadd.f32 v34, v31;
	v22 =	vmul.f32 v41, v22  }
0x3f0: {  	v48 =	vld [tilespmem:s17+$0x1230F];
	v10 =	vmul.f32 v43, v10;
	v49 =	vadd.f32 v26, v28;
	v23 =	vmul.f32 v42, v23  }
0x3f1: {  	v50 =	vld [tilespmem:s17+$0x1230E];
	v51 =	vadd.f32 v29, v31;
	v16 =	vmul.f32 v19, v16;
	v22 =	vadd.f32 v25, v22  }
0x3f2: {  	v7 =	vmul.f32 v40, v7;
	v43 =	vld [tilespmem:s17+$0x11310];
	v17 =	vadd.f32 v17, v49;
	v15 =	vadd.f32 v23, v15  }
0x3f3: {  	v12 =	vmul.f32 v21, v18;
	v18 =	vld [tilespmem:s17+$0x13B0E];
	v20 =	vadd.f32 v20, v51;
	v16 =	vadd.f32 v16, v22  }
0x3f4: {  	v19 =	vld [tilespmem:s17+$0x10B10];
	v8 =	vadd.f32 v8, v17;
	v17 =	vmul.f32 v58, v57;
	v10 =	vadd.f32 v10, v15  }
0x3f5: {  	v1 =	vmul.f32 v1, v2;
	v5 =	vmul.f32 v5, v56;
	v11 =	vadd.f32 v11, v20;
	v57 =	vld [tilespmem:s17+$0x13B0F]  }
0x3f6: {  	v7 =	vadd.f32 v7, v16;
	v0 =	vmul.f32 v0, v17;
	v17 =	vld [tilespmem:s17+$0x12B10];
	v4 =	vadd.f32 v4, v10  }
0x3f7: {  	v3 =	vmul.f32 v35, v3;
	v1 =	vmul.f32 v36, v1;
	v58 =	vld [tilespmem:s17+$0x13310]  }
0x3f8: {  	v20 =	vmul.f32 v60, v59;
	v8 =	vadd.f32 v11, v8;
	v15 =	vld [tilespmem:s17+$0x12B0F];
	v4 =	vadd.f32 v7, v4  }
0x3f9: {  	v59 =	vld [tilespmem:s17+$0x14B0F];
	v16 =	vmul.f32 v63, v54;
	v0 =	vadd.f32 v5, v0;
	v5 =	vmul.f32 v48, v47  }
0x3fa: {  	v10 =	vld [tilespmem:s17+$0x1330F];
	v7 =	vmul.f32 v14, v20;
	v14 =	vmul.f32 v33, v30;
	v4 =	vadd.f32 v8, v4  }
0x3fb: {  	v5 =	vmul.f32 v17, v5;
	v20 =	vld [tilespmem:s17+$0x1430F];
	v8 =	vmul.f32 v27, v24  }
0x3fc: {  	v11 =	vld [tilespmem:s17+$0x13B10];
	v14 =	vmul.f32 v46, v14;
	vm1 =	vgt.f32 v4, $0.0e+00;
	v4 =	vmul.f32 v19, v9  }
0x3fd: {  	v60 =	vld [tilespmem:s17+$0x14B0E];
	v9 =	vmul.f32 v43, v12;
	v12 =	vadd.f32 v7, v16;
	v7 =	vmul.f32 v15, v50  }
0x3fe: {  	v19 =	vld [tilespmem:s17+$0x1430E];
	v8 =	vmul.f32 v45, v8;
	v15 =	vmul.f32 v57, v55;
	v0 =	vadd.f32 v14, v0  }
0x3ff: {  	v3 =	vadd.f32 v4, v3;
	v4 =	vmul.f32 v10, v53;
	v2 =	vmul.f32 v58, v7;
	v7 =	vld [tilespmem:s17+$0x1530E]  }
0x400: {  	v63 =	vsel vm1, $0x3F800000, v6;
	v14 =	vmul.f32 v20, v18;
	v1 =	vadd.f32 v9, v1;
	v9 =	vld [tilespmem:s17+$0x15B0F]  }
0x401: {  	v8 =	vadd.f32 v8, v12;
	v62 =	vmul.f32 v13, v15;
	v15 =	vld [tilespmem:s17+$0x14B10];
	v4 =	vmul.f32 v11, v4  }
0x402: {  	v16 =	vld [tilespmem:s17+$0x15310];
	v18 =	vmul.f32 v61, v60;
	v10 =	vadd.f32 v5, v3;
	v11 =	vadd.f32 v2, v1  }
0x403: {  	s7 =	sadd.s32 $0x80, s14;
	s6 =	simm.s32 $0x1;
	[tilespmem:s17+$0x17320] =	vst v63;
	v13 =	vadd.f32 v62, v0;
	v17 =	vmul.f32 v59, v19;
	v19 =	vld [tilespmem:s17+$0x15B10];
	v12 =	vadd.f32 v4, v8  }
.LBB2_10:
0x404: {  	s8 =	sshra.s32 s7, $0x2;
	v0 =	vld [tilespmem:s17+$0x16310]  }
0x405: {  	v8 =	vld [tilespmem:s8+$0x14B20];
	v1 =	vmul.f32 v9, v7  }
0x406: {  	v7 =	vld [tilespmem:s8+$0x15320];
	v2 =	vmul.f32 v15, v14  }
0x407: {  	v3 =	vld [tilespmem:s8+$0x12B20];
	v4 =	vmul.f32 v16, v17  }
0x408: {  	v9 =	vld [tilespmem:s8+$0x13320];
	v2 =	vadd.f32 v2, v10;
	v5 =	vmul.f32 v19, v18  }
0x409: {  	v10 =	vld [tilespmem:s8+$0x13B1E];
	v4 =	vadd.f32 v4, v11;
	v0 =	vmul.f32 v0, v1  }
0x40a: {  	v1 =	vld [tilespmem:s8+$0x1431F];
	v5 =	vadd.f32 v5, v12  }
0x40b: {  	v11 =	vld [tilespmem:s8+$0x1431E];
	v0 =	vadd.f32 v0, v13;
	v2 =	vadd.f32 v4, v2  }
0x40c: {  	v4 =	vld [tilespmem:s8+$0x14B1F]  }
0x40d: {  	v12 =	vld [tilespmem:s8+$0x14B1E];
	v0 =	vadd.f32 v0, v5  }
0x40e: {  	v5 =	vld [tilespmem:s8+$0x1531F]  }
0x40f: {  	v13 =	vld [tilespmem:s8+$0x1531E];
	v0 =	vadd.f32 v0, v2  }
0x410: {  	v2 =	vld [tilespmem:s8+$0x15B1F]  }
0x411: {  	v14 =	vld [tilespmem:s8+$0xEB20];
	vm1 =	vgt.f32 v0, $0.0e+00  }
0x412: {  	v0 =	vld [tilespmem:s8+$0xF320];
	v15 =	vsel vm1, $0x3F800000, v6  }
0x413: {  	v16 =	vld [tilespmem:s8+$0x10B20];
	[tilespmem:s17+$0x17310] =	vst v15;
	s17 =	smov.u32 s8  }
0x414: {  	v15 =	vld [tilespmem:s17+$0x11B1E]  }
0x415: {  	v17 =	vld [tilespmem:s17+$0x1231F]  }
0x416: {  	v18 =	vld [tilespmem:s17+$0x1231E]  }
0x417: {  	v19 =	vld [tilespmem:s17+$0x12B1F]  }
0x418: {  	v20 =	vld [tilespmem:s17+$0x12B1E]  }
0x419: {  	v21 =	vld [tilespmem:s17+$0x1331F]  }
0x41a: {  	v22 =	vld [tilespmem:s17+$0x1331E]  }
0x41b: {  	v23 =	vld [tilespmem:s17+$0x13B1F]  }
0x41c: {  	v24 =	vld [tilespmem:s17+$0xDB1E]  }
0x41d: {  	v25 =	vld [tilespmem:s17+$0xE31F]  }
0x41e: {  	v26 =	vld [tilespmem:s17+$0xE31E]  }
0x41f: {  	v27 =	vld [tilespmem:s17+$0xEB1F]  }
0x420: {  	v28 =	vld [tilespmem:s17+$0xFB1E]  }
0x421: {  	v29 =	vld [tilespmem:s17+$0x1031F]  }
0x422: {  	v30 =	vld [tilespmem:s17+$0x1031E]  }
0x423: {  	v31 =	vld [tilespmem:s17+$0x10B1F]  }
0x424: {  	v32 =	vld [tilespmem:s17+$0x10B1E]  }
0x425: {  	v33 =	vld [tilespmem:s17+$0x1131F]  }
0x426: {  	v34 =	vld [tilespmem:s17+$0x1131E]  }
0x427: {  	v35 =	vld [tilespmem:s17+$0x11B1F]  }
0x428: {  	v36 =	vld [tilespmem:s17+$0xCB1E]  }
0x429: {  	v37 =	vld [tilespmem:s17+$0xD31F]  }
0x42a: {  	v38 =	vld [tilespmem:s17+$0xD31E]  }
0x42b: {  	v1 =	vmul.f32 v1, v10;
	v39 =	vld [tilespmem:s17+$0xDB1F]  }
0x42c: {  	v4 =	vmul.f32 v4, v11;
	v5 =	vmul.f32 v5, v12;
	v10 =	vld [tilespmem:s17+$0xEB1E]  }
0x42d: {  	v2 =	vmul.f32 v2, v13;
	v12 =	vmul.f32 v17, v15;
	v11 =	vld [tilespmem:s17+$0xF31F]  }
0x42e: {  	v15 =	vmul.f32 v19, v18;
	v17 =	vmul.f32 v21, v20;
	v13 =	vld [tilespmem:s17+$0xF31E]  }
0x42f: {  	v20 =	vmul.f32 v23, v22;
	v18 =	vmul.f32 v25, v24;
	v19 =	vld [tilespmem:s17+$0xFB1F]  }
0x430: {  	v21 =	vmul.f32 v27, v26;
	v22 =	vmul.f32 v29, v28;
	v23 =	vld [tilespmem:s17+$0x11320]  }
0x431: {  	s6 =	sadd.s32 $0x2, s6;
	v25 =	vmul.f32 v31, v30;
	v26 =	vmul.f32 v33, v32;
	v24 =	vld [tilespmem:s17+$0xDB20]  }
0x432: {  	p0 =	slt.u32 s6, $0x5;
	v29 =	vmul.f32 v35, v34;
	v27 =	vmul.f32 v37, v36;
	v28 =	vld [tilespmem:s17+$0xE320]  }
0x433: {  	v30 =	vmul.f32 v39, v38;
	v10 =	vmul.f32 v11, v10;
	v31 =	vld [tilespmem:s17+$0xFB20]  }
0x434: {  	v1 =	vmul.f32 v8, v1;
	v11 =	vld [tilespmem:s17+$0x10320];
	v13 =	vmul.f32 v19, v13  }
0x435: {  	v4 =	vmul.f32 v7, v4;
	v3 =	vmul.f32 v3, v12;
	v8 =	vld [tilespmem:s17+$0x11B20]  }
0x436: {  	v9 =	vmul.f32 v9, v15;
	v7 =	vmul.f32 v14, v18;
	v12 =	vld [tilespmem:s17+$0x12320]  }
0x437: {  	v0 =	vmul.f32 v0, v21;
	v14 =	vmul.f32 v16, v22;
	v15 =	vld [tilespmem:s17+$0x13B20]  }
0x438: {  	v16 =	vmul.f32 v24, v27;
	v18 =	vmul.f32 v28, v30;
	v19 =	vld [tilespmem:s17+$0x14320]  }
0x439: {  	v10 =	vmul.f32 v31, v10;
	v11 =	vmul.f32 v11, v13;
	v13 =	vld [tilespmem:s17+$0x15B20]  }
0x43a: {  	v21 =	vmul.f32 v23, v25;
	v8 =	vmul.f32 v8, v26;
	v22 =	vld [tilespmem:s17+$0x16320]  }
0x43b: {  	v10 =	vadd.f32 v10, v16;
	v23 =	vld [tilespmem:s17+$0xCB0E];
	v11 =	vadd.f32 v11, v18;
	v12 =	vmul.f32 v12, v29  }
0x43c: {  	v7 =	vadd.f32 v14, v7;
	v0 =	vadd.f32 v21, v0;
	v16 =	vld [tilespmem:s17+$0xD30F];
	v14 =	vmul.f32 v15, v17  }
0x43d: {  	v8 =	vadd.f32 v8, v10;
	v15 =	vld [tilespmem:s17+$0xD30E];
	v10 =	vadd.f32 v12, v11;
	v11 =	vmul.f32 v19, v20  }
0x43e: {  	v3 =	vadd.f32 v3, v7;
	v0 =	vadd.f32 v9, v0;
	v12 =	vld [tilespmem:s17+$0xDB0F];
	v5 =	vmul.f32 v13, v5  }
0x43f: {  	v8 =	vadd.f32 v14, v8;
	v7 =	vld [tilespmem:s17+$0xEB0E];
	v9 =	vadd.f32 v11, v10;
	v2 =	vmul.f32 v22, v2  }
0x440: {  	v1 =	vadd.f32 v1, v3;
	v0 =	vadd.f32 v4, v0;
	v10 =	vld [tilespmem:s17+$0xF30F]  }
0x441: {  	v5 =	vadd.f32 v5, v8;
	v3 =	vmul.f32 v16, v23;
	v4 =	vld [tilespmem:s17+$0xF30E];
	v2 =	vadd.f32 v2, v9  }
0x442: {  	v8 =	vld [tilespmem:s17+$0xFB0F]  }
0x443: {  	v0 =	vadd.f32 v0, v1;
	v9 =	vld [tilespmem:s17+$0xDB10];
	v11 =	vmul.f32 v12, v15;
	v2 =	vadd.f32 v2, v5  }
0x444: {  	v1 =	vld [tilespmem:s17+$0xE310]  }
0x445: {  	v5 =	vld [tilespmem:s17+$0xDB0E];
	v7 =	vmul.f32 v10, v7;
	v0 =	vadd.f32 v2, v0  }
0x446: {  	v2 =	vld [tilespmem:s17+$0xE30F]  }
0x447: {  	v10 =	vld [tilespmem:s17+$0xE30E];
	v4 =	vmul.f32 v8, v4;
	vm1 =	vgt.f32 v0, $0.0e+00  }
0x448: {  	v0 =	vmul.f32 v9, v3;
	v3 =	vld [tilespmem:s17+$0xEB0F];
	v8 =	vsel vm1, $0x3F800000, v6  }
0x449: {  	v1 =	vmul.f32 v1, v11;
	v9 =	vld [tilespmem:s17+$0xFB10];
	[tilespmem:s17+$0x17320] =	vst v8  }
0x44a: {  	v8 =	vld [tilespmem:s17+$0x10310]  }
0x44b: {  	v2 =	vmul.f32 v2, v5;
	v5 =	vld [tilespmem:s17+$0xFB0E]  }
0x44c: {  	v11 =	vld [tilespmem:s17+$0x1030F]  }
0x44d: {  	v3 =	vmul.f32 v3, v10;
	v10 =	vld [tilespmem:s17+$0x1030E]  }
0x44e: {  	v7 =	vmul.f32 v9, v7;
	v9 =	vld [tilespmem:s17+$0x10B0F]  }
0x44f: {  	v4 =	vmul.f32 v8, v4;
	v8 =	vld [tilespmem:s17+$0x10B0E]  }
0x450: {  	v0 =	vadd.f32 v7, v0;
	v7 =	vld [tilespmem:s17+$0x1130F]  }
0x451: {  	v1 =	vadd.f32 v4, v1;
	v4 =	vmul.f32 v11, v5;
	v5 =	vld [tilespmem:s17+$0x1130E]  }
0x452: {  	v11 =	vld [tilespmem:s17+$0x11B0F]  }
0x453: {  	v12 =	vld [tilespmem:s17+$0xEB10];
	v9 =	vmul.f32 v9, v10  }
0x454: {  	v10 =	vld [tilespmem:s17+$0xF310]  }
0x455: {  	v13 =	vld [tilespmem:s17+$0x10B10];
	v7 =	vmul.f32 v7, v8  }
0x456: {  	v8 =	vld [tilespmem:s17+$0x11310]  }
0x457: {  	v14 =	vld [tilespmem:s17+$0x11B10];
	v5 =	vmul.f32 v11, v5  }
0x458: {  	v2 =	vmul.f32 v12, v2;
	v11 =	vld [tilespmem:s17+$0x12310]  }
0x459: {  	v3 =	vmul.f32 v10, v3;
	v10 =	vld [tilespmem:s17+$0x11B0E]  }
0x45a: {  	v4 =	vmul.f32 v13, v4;
	v12 =	vld [tilespmem:s17+$0x1230F]  }
0x45b: {  	v8 =	vmul.f32 v8, v9;
	v9 =	vld [tilespmem:s17+$0x1230E]  }
0x45c: {  	v2 =	vadd.f32 v4, v2;
	v4 =	vmul.f32 v14, v7;
	v7 =	vld [tilespmem:s17+$0x12B0F]  }
0x45d: {  	v3 =	vadd.f32 v8, v3;
	v5 =	vmul.f32 v11, v5;
	v8 =	vld [tilespmem:s17+$0x12B0E]  }
0x45e: {  	v0 =	vadd.f32 v4, v0;
	v4 =	vld [tilespmem:s17+$0x1330F]  }
0x45f: {  	v1 =	vadd.f32 v5, v1;
	v5 =	vmul.f32 v12, v10;
	v10 =	vld [tilespmem:s17+$0x1330E]  }
0x460: {  	v11 =	vld [tilespmem:s17+$0x13B0F]  }
0x461: {  	v12 =	vld [tilespmem:s17+$0x12B10];
	v7 =	vmul.f32 v7, v9  }
0x462: {  	v9 =	vld [tilespmem:s17+$0x13310]  }
0x463: {  	v13 =	vld [tilespmem:s17+$0x13B10];
	v4 =	vmul.f32 v4, v8  }
0x464: {  	v8 =	vld [tilespmem:s17+$0x14310]  }
0x465: {  	v14 =	vmul.f32 v11, v10;
	v15 =	vld [tilespmem:s17+$0x13B0E]  }
0x466: {  	v5 =	vmul.f32 v12, v5;
	v16 =	vld [tilespmem:s17+$0x1430F]  }
0x467: {  	v7 =	vmul.f32 v9, v7;
	v17 =	vld [tilespmem:s17+$0x1430E]  }
0x468: {  	v10 =	vadd.f32 v5, v2;
	v2 =	vmul.f32 v13, v4;
	v4 =	vld [tilespmem:s17+$0x14B0F]  }
0x469: {  	v11 =	vadd.f32 v7, v3;
	v3 =	vmul.f32 v8, v14;
	v5 =	vld [tilespmem:s17+$0x14B0E]  }
0x46a: {  	v12 =	vadd.f32 v2, v0;
	v0 =	vld [tilespmem:s17+$0x1530F]  }
.Ltmp3:
0x46b: {  	v13 =	vadd.f32 v3, v1;
	v14 =	vmul.f32 v16, v15;
	v7 =	vld [tilespmem:s17+$0x1530E];
	(pc) =	sbr.rel @p0 .LBB2_10-.Ltmp3, $4  }
0x46c: {  	v9 =	vld [tilespmem:s17+$0x15B0F]  }
0x46d: {  	v15 =	vld [tilespmem:s17+$0x14B10];
	v17 =	vmul.f32 v4, v17  }
0x46e: {  	v16 =	vld [tilespmem:s17+$0x15310]  }
0x46f: {  	s7 =	sadd.s32 $0x80, s7;
	v19 =	vld [tilespmem:s17+$0x15B10];
	v18 =	vmul.f32 v0, v5  }
0x470: {  	v0 =	vld [tilespmem:s17+$0x16310];
	_ =	sdelay $0x2  }
0x471: {  	v1 =	vmul.f32 v9, v7  }
0x472: {  	v2 =	vmul.f32 v15, v14;
	v3 =	vmul.f32 v16, v17  }
0x473: {  	v4 =	vmul.f32 v19, v18;
	v0 =	vmul.f32 v0, v1  }
0x474: {  	v41 =	vadd.f32 v2, v10;
	v42 =	vadd.f32 v3, v11  }
0x475: {  	v43 =	vadd.f32 v4, v12;
	v0 =	vadd.f32 v0, v13;
	_ =	sdelay $0x1  }
0x476: {  	v1 =	vadd.f32 v42, v41;
	v0 =	vadd.f32 v0, v43;
	_ =	sdelay $0x1  }
0x477: {  	v0 =	vadd.f32 v0, v1;
	_ =	sdelay $0x1  }
0x478: {  	vm1 =	vgt.f32 v0, $0.0e+00  }
0x479: {  	v0 =	vsel vm1, $0x3F800000, v6  }
0x47a: {  	[tilespmem:s17+$0x17310] =	vst v0  }
0x47b: {  	v0 =	vld [tilespmem:s16+$0xCB6E]  }
0x47c: {  	v44 =	vld [tilespmem:s16+$0xD36F]  }
0x47d: {  	v45 =	vld [tilespmem:s16+$0xDB70]  }
0x47e: {  	v46 =	vld [tilespmem:s16+$0xD36E]  }
0x47f: {  	v4 =	vld [tilespmem:s16+$0xDB6F]  }
0x480: {  	v5 =	vld [tilespmem:s16+$0xE370]  }
0x481: {  	v7 =	vld [tilespmem:s16+$0xDB6E]  }
0x482: {  	v8 =	vld [tilespmem:s16+$0xE36F]  }
0x483: {  	v47 =	vld [tilespmem:s16+$0xEB70]  }
0x484: {  	v48 =	vld [tilespmem:s16+$0xE36E]  }
0x485: {  	v49 =	vld [tilespmem:s16+$0xEB6F]  }
0x486: {  	v50 =	vld [tilespmem:s16+$0xF370]  }
0x487: {  	v51 =	vld [tilespmem:s16+$0xEB6E]  }
0x488: {  	v52 =	vld [tilespmem:s16+$0xF36F]  }
0x489: {  	v53 =	vld [tilespmem:s16+$0xFB70]  }
0x48a: {  	v54 =	vld [tilespmem:s16+$0xF36E]  }
0x48b: {  	v55 =	vld [tilespmem:s16+$0xFB6F]  }
0x48c: {  	v56 =	vld [tilespmem:s16+$0x10370]  }
0x48d: {  	v57 =	vld [tilespmem:s16+$0xFB6E]  }
0x48e: {  	v20 =	vld [tilespmem:s16+$0x1036F]  }
0x48f: {  	v21 =	vld [tilespmem:s16+$0x10B70]  }
0x490: {  	v22 =	vld [tilespmem:s16+$0x1036E]  }
0x491: {  	v23 =	vld [tilespmem:s16+$0x10B6F]  }
0x492: {  	v24 =	vld [tilespmem:s16+$0x11370]  }
0x493: {  	v25 =	vld [tilespmem:s16+$0x10B6E]  }
0x494: {  	v26 =	vld [tilespmem:s16+$0x1136F]  }
0x495: {  	v27 =	vld [tilespmem:s16+$0x11B70]  }
0x496: {  	v28 =	vld [tilespmem:s16+$0x1136E]  }
0x497: {  	v29 =	vld [tilespmem:s16+$0x11B6F]  }
0x498: {  	v30 =	vld [tilespmem:s16+$0x12370]  }
0x499: {  	v31 =	vld [tilespmem:s16+$0x11B6E]  }
0x49a: {  	v32 =	vld [tilespmem:s16+$0x1236F]  }
0x49b: {  	v33 =	vld [tilespmem:s16+$0x12B70]  }
0x49c: {  	v34 =	vld [tilespmem:s16+$0x1236E]  }
0x49d: {  	v35 =	vld [tilespmem:s16+$0x12B6F]  }
0x49e: {  	v36 =	vld [tilespmem:s16+$0x13370]  }
0x49f: {  	v37 =	vld [tilespmem:s16+$0x12B6E]  }
0x4a0: {  	v38 =	vld [tilespmem:s16+$0x1336F]  }
0x4a1: {  	v40 =	vld [tilespmem:s16+$0x1336E]  }
0x4a2: {  	v59 =	vld [tilespmem:s16+$0x13B6F];
	v0 =	vmul.f32 v44, v0  }
0x4a3: {  	v39 =	vld [tilespmem:s16+$0x13B70];
	v58 =	vmul.f32 v4, v46;
	v60 =	vmul.f32 v52, v51  }
0x4a4: {  	v2 =	vld [tilespmem:s16+$0x13B6E];
	v61 =	vmul.f32 v55, v54;
	v42 =	vmul.f32 v20, v57  }
0x4a5: {  	v62 =	vld [tilespmem:s16+$0x14B70];
	v43 =	vmul.f32 v23, v22;
	v46 =	vmul.f32 v29, v28  }
0x4a6: {  	v63 =	vld [tilespmem:s16+$0x1436E];
	v54 =	vmul.f32 v32, v31;
	v55 =	vmul.f32 v35, v34  }
0x4a7: {  	v41 =	vld [tilespmem:s16+$0x14B6F];
	v57 =	vmul.f32 v38, v37;
	v3 =	vmul.f32 v59, v40  }
0x4a8: {  	v4 =	vld [tilespmem:s16+$0x14370];
	v0 =	vmul.f32 v45, v0;
	v1 =	vmul.f32 v5, v58  }
0x4a9: {  	v44 =	vld [tilespmem:s16+$0x15370];
	v5 =	vmul.f32 v8, v7;
	v7 =	vmul.f32 v49, v48  }
0x4aa: {  	v8 =	vld [tilespmem:s16+$0x1436F];
	v10 =	vmul.f32 v53, v60;
	v11 =	vmul.f32 v56, v61  }
0x4ab: {  	v45 =	vmul.f32 v26, v25;
	v48 =	vmul.f32 v21, v42;
	v53 =	vld [tilespmem:s16+$0x1536E]  }
0x4ac: {  	v49 =	vmul.f32 v24, v43;
	v52 =	vmul.f32 v30, v46;
	v56 =	vld [tilespmem:s16+$0x15B6F]  }
0x4ad: {  	v59 =	vmul.f32 v36, v55;
	v5 =	vmul.f32 v47, v5;
	v47 =	vld [tilespmem:s16+$0x14B6E]  }
0x4ae: {  	v14 =	vmul.f32 v39, v57;
	v7 =	vmul.f32 v50, v7;
	v50 =	vld [tilespmem:s16+$0x1536F]  }
0x4af: {  	v58 =	vld [tilespmem:s16+$0x15B70];
	v0 =	vadd.f32 v10, v0;
	v1 =	vadd.f32 v11, v1;
	v51 =	vmul.f32 v27, v45  }
0x4b0: {  	v60 =	vld [tilespmem:s16+$0x16370];
	v10 =	vmul.f32 v33, v54;
	v5 =	vadd.f32 v48, v5;
	v7 =	vadd.f32 v49, v7  }
0x4b1: {  	v3 =	vmul.f32 v4, v3;
	v0 =	vadd.f32 v51, v0;
	v1 =	vadd.f32 v52, v1  }
0x4b2: {  	v2 =	vmul.f32 v8, v2;
	v4 =	vadd.f32 v10, v5;
	v5 =	vmul.f32 v41, v63  }
0x4b3: {  	v61 =	vmul.f32 v56, v53;
	v7 =	vadd.f32 v59, v7;
	v8 =	vmul.f32 v50, v47  }
0x4b4: {  	v0 =	vadd.f32 v14, v0;
	v2 =	vmul.f32 v62, v2;
	v5 =	vmul.f32 v44, v5  }
0x4b5: {  	v1 =	vadd.f32 v3, v1;
	v62 =	vmul.f32 v58, v8;
	v8 =	vmul.f32 v60, v61  }
0x4b6: {  	v2 =	vadd.f32 v2, v4;
	v4 =	vadd.f32 v5, v7  }
0x4b7: {  	v0 =	vadd.f32 v62, v0;
	v1 =	vadd.f32 v8, v1;
	_ =	sdelay $0x1  }
0x4b8: {  	s15 =	sadd.s32 $0x1, s15;
	v63 =	vadd.f32 v4, v2;
	v0 =	vadd.f32 v1, v0  }
0x4b9: {  	p0 =	sne.s32 s15, $0x10  }
.Ltmp4:
0x4ba: {  	v0 =	vadd.f32 v0, v63;
	(pc) =	sbr.rel @p0 .LBB2_9-.Ltmp4, $4  }
0x4bb: {  	_ = 	snop  }
0x4bc: {  	vm1 =	vgt.f32 v0, $0.0e+00  }
0x4bd: {  	v0 =	vsel vm1, $0x3F800000, v6  }
0x4be: {  	s14 =	sadd.s32 $0x200, s14;
	[tilespmem:s16+$0x17370] =	vst v0  }
0x4bf: {  	v0 =	vld [tilespmem:$0x1FB50]  }
0x4c0: {  	s0 =	sadd.s32 $0x1, s0  }
0x4c1: {  	p0 =	sne.s32 s0, $0x10  }
.Ltmp5:
0x4c2: {  	s6 =	sand.u32 $0x7, s12;
	(pc) =	sbr.rel @p0 .LBB2_4-.Ltmp5, $4  }
0x4c3: {  	s6 =	sor.u32 s6, s13  }
0x4c4: {  	v0 =	vor.u32 s6, v0  }
0x4c5: {  	[tilespmem:$0x17B10] =	vst v0  }
0x4c6: {  	[hbm4b:s4+s23] =	stream.indirect.scatter [tilespmem:s29], [sflag:$0x4], $0x80, s28, s23, $0xb8;
	[tilespmem:$0x17B20] =	vst v63  }
0x4c7: {  	_ =	swait.ge [sflag:s30], $0x800  }
0x4c8: {  	[sflag:s30] =	ssyncset.done $0x0  }
0x4c9: {  	[sflag:s30] =	ssyncadd.s32 $0xFFFFF800  }
0x4ca: {  	_ =	swait.ge [sflag:s31], $0x800  }
0x4cb: {  	v0 =	vld [tilespmem:$0x1FE00]  }
0x4cc: {  	v4 =	vld [tilespmem:$0x1FE10]  }
0x4cd: {  	v5 =	vld [tilespmem:$0x1FE20]  }
0x4ce: {  	v14 =	vld [tilespmem:$0x1FE30]  }
0x4cf: {  	v15 =	vld [tilespmem:$0x1FE40]  }
0x4d0: {  	v16 =	vld [tilespmem:$0x1FE50]  }
0x4d1: {  	v17 =	vld [tilespmem:$0x1FE60]  }
0x4d2: {  	v18 =	vld [tilespmem:$0x1FE70]  }
0x4d3: {  	v19 =	vld [tilespmem:$0x1FE80]  }
0x4d4: {  	v20 =	vld [tilespmem:$0x1FE90]  }
0x4d5: {  	v21 =	vld [tilespmem:$0x1FEA0]  }
0x4d6: {  	v22 =	vld [tilespmem:$0x1FEB0]  }
0x4d7: {  	v23 =	vld [tilespmem:$0x1FEC0]  }
0x4d8: {  	v24 =	vld [tilespmem:$0x1FED0]  }
0x4d9: {  	v25 =	vld [tilespmem:$0x1FEE0]  }
0x4da: {  	v26 =	vld [tilespmem:$0x1FEF0]  }
0x4db: {  	v27 =	vld [tilespmem:$0x1FF00]  }
0x4dc: {  	v28 =	vld [tilespmem:$0x1FF10]  }
0x4dd: {  	v29 =	vld [tilespmem:$0x1FF20]  }
0x4de: {  	v30 =	vld [tilespmem:$0x1FF30]  }
0x4df: {  	v31 =	vld [tilespmem:$0x1FF40]  }
0x4e0: {  	v32 =	vld [tilespmem:$0x1FF50]  }
0x4e1: {  	v33 =	vld [tilespmem:$0x1FF60]  }
0x4e2: {  	v34 =	vld [tilespmem:$0x1FF70]  }
0x4e3: {  	v35 =	vld [tilespmem:$0x1FF80]  }
0x4e4: {  	s3 =	sadd.s32 $0x1, s3;
	s0 =	rddreg [dreg:$0x5];
	v36 =	vld [tilespmem:$0x1FF90]  }
0x4e5: {  	v37 =	vld [tilespmem:$0x1FFA0];
	p0 =	sne.s32 s3, s0  }
.Ltmp6:
0x4e6: {  	v1 =	vld [tilespmem:$0x1FFB0];
	(pc) =	sbr.rel @p0 .LBB2_1-.Ltmp6, $4  }
0x4e7: {  	v2 =	vld [tilespmem:$0x1FFC0]  }
0x4e8: {  	v3 =	vld [tilespmem:$0x1FFD0]  }
0x4e9: {  	[sflag:s31] =	ssyncset.done $0x0;
	v38 =	vld [tilespmem:$0x1FFE0]  }
0x4ea: {  	v39 =	vld [tilespmem:$0x1FFF0];
	[sflag:s31] =	ssyncadd.s32 $0xFFFFF800  }
0x4eb: {  	_ =	sfence.sel $0x180000  }
0x4ec: {  	[bflag:$0x0] =	sbarrier.arrive $0xFFFF  }
0x4ed: {  	_ =	strace $0x90000047  }
0x4ee: {  	s0 =	stileid.u32;
	[bflag:$0x2] =	sbarrier.arrive $0xFFFF  }
0x4ef: {  	p0 =	sne.s32 s0, $0x0;
	s0 =	rddreg [dreg:$0x3]  }
0x4f0: {  	s0 =	sadd.s32 @!p0 $0x100000, s0  }
0x4f1: {  	[sflag:s0] =	ssyncadd.tile.s32 @!p0 $0x1;
	_ =	shalt  }
.Lfunc_end2:
_tile_overlayer_lowered:
.L_overlay_start_2:
0x4f2: {  	(tag) =	ssettag $0x2  }
0x4f3: {  	s0 =	rddreg [dreg:$0x0];
	s2 =	stileid.u32  }
0x4f4: {  	s1 =	rddreg [dreg:$0x1];
	p0 =	sne.s32 s2, $0x0  }
0x4f5: {  	s3 =	rddreg [dreg:$0x2];
	[bflag:$0x3] =	sbarrier.arrive $0xFFFF;
	s2 =	simm.s32 @!p0 $0x1C05  }
0x4f6: {  	[timem:s3], [sflag:s2] =	dma.local @!p0 [hbm:s0], s1  }
0x4f7: {  	s0 =	simm.s32 @!p0 $0x5  }
0x4f8: {  	_ =	swait.ge @!p0 [sflag:s0], s1  }
0x4f9: {  	s1 =	ssub.s32 @!p0 $0x0, s1;
	[sflag:s0] =	ssyncset.done @!p0 $0x0  }
0x4fa: {  	[sflag:s0] =	ssyncadd.s32 @!p0 s1  }
0x4fb: {  	[bflag:$0x3] =	sbarrier.arrive $0xFFFF  }
0x4fc: {  	_ =	shalt  }

</sc_bundles>
